<compile_context>
chip_gen: v7x
topology: tpu7x:2x2x1
jax: 0.10.2.dev20260603
libtpu: 0.0.44.dev20260713+nightly
codegen_flags: <defaults>
</compile_context>

<pallas_src>
import functools
import math

import jax
import jax.numpy as jnp
from jax import lax
from jax.experimental import pallas as pl
from jax.experimental.pallas import tpu as pltpu
from jax.experimental.pallas import tpu_sc as plsc

_INT_MIN = -2147483648



def _skey(f):
    i = jax.lax.bitcast_convert_type(f, jnp.int32)
    return jnp.where(i >= 0, i, jnp.int32(_INT_MIN) - i)


def _kth_largest_key(skey, k, count_fn, row_shape):
    K = jnp.full(row_shape, _INT_MIN, dtype=jnp.int32)
    for b in range(31, -1, -1):
        addend = _INT_MIN if b == 31 else (1 << b)
        cand = K + jnp.int32(addend)
        cnt = count_fn(skey >= _bcast_row(cand, skey.shape))
        K = jnp.where(cnt >= k, cand, K)
    return K


def _bcast_row(row_val, full_shape):
    return jnp.broadcast_to(row_val[..., None], full_shape)


def _make_tc_kernel(k1, k2):
    def _kern(x_ref, o_ref):
        x = x_ref[...]
        s1 = _skey(x)

        def count1(ge):
            return jnp.sum(ge.astype(jnp.int32), axis=2)

        K1 = _kth_largest_key(s1, k1, count1, s1.shape[:2])
        keep1 = s1 >= _bcast_row(K1, s1.shape)
        m1 = jnp.where(keep1, x, 0.0)
        s2 = jnp.where(keep1, s1, 0)

        def count2(ge):
            c = jnp.sum(ge.astype(jnp.int32), axis=2)
            return jnp.sum(c, axis=0, keepdims=True)

        K2 = _kth_largest_key(s2, k2, count2, (1, s1.shape[1]))
        K2 = jnp.broadcast_to(K2, s1.shape[:2])
        o_ref[...] = jnp.where(s2 >= _bcast_row(K2, s1.shape), m1, 0.0)

    return _kern


def _tc_topk(xr, k1, k2, c_lo=0):
    B, C, HW = xr.shape
    n = C - c_lo
    cb = next(c for c in (64, 32, 16, 8, 4, 2, 1)
              if n % c == 0 and c_lo % c == 0)
    off = c_lo // cb
    return pl.pallas_call(
        _make_tc_kernel(k1, k2),
        grid=(n // cb,),
        in_specs=[pl.BlockSpec((B, cb, HW), lambda i: (0, i + off, 0))],
        out_specs=pl.BlockSpec((B, cb, HW), lambda i: (0, i + off, 0)),
        out_shape=jax.ShapeDtypeStruct((B, C, HW), jnp.float32),
    )(xr)


def _insert_channels(base, part):
    B, C, HW = base.shape
    csc = part.shape[1]
    cb = next(c for c in (64, 32, 16, 8, 4, 2, 1) if csc % c == 0)

    def _ins(_, p_ref, o_ref):
        o_ref[...] = p_ref[...]

    return pl.pallas_call(
        _ins,
        grid=(csc // cb,),
        in_specs=[pl.BlockSpec(memory_space=pl.ANY),
                  pl.BlockSpec((B, cb, HW), lambda i: (0, i, 0))],
        out_specs=pl.BlockSpec((B, cb, HW), lambda i: (0, i, 0)),
        out_shape=jax.ShapeDtypeStruct((B, C, HW), jnp.float32),
        input_output_aliases={0: 0},
    )(base, part)



_NC, _NS, _L = 2, 16, 16


def _splat_i32(x):
    return jnp.broadcast_to(jnp.asarray(x, jnp.int32), (_L,))


def _foreach16(n16, fn, init):
    unroll = next(u for u in (8, 4, 2, 1) if n16 % u == 0)

    def body(j, carry):
        for u in range(unroll):
            carry = fn(j * unroll + u, carry)
        return carry

    return lax.fori_loop(0, n16 // unroll, body, init)


def _lane_sum(cnt):
    total = cnt[0]
    for i in range(1, _L):
        total = total + cnt[i]
    return total


def _kth_key_sc(read_slice, n16, k):

    def bit_body(bi, K):
        shift = jnp.broadcast_to(31 - bi, (_L,)).astype(jnp.int32)
        cand = K + (_splat_i32(1) << shift)

        def cnt_fn(i, cnt):
            ge = read_slice(i) >= cand
            return cnt + jnp.where(ge, _splat_i32(1), _splat_i32(0))

        cnt = _foreach16(n16, cnt_fn, _splat_i32(0))
        return jnp.where(_lane_sum(cnt) >= k, cand, K)

    return lax.fori_loop(0, 32, bit_body, _splat_i32(_INT_MIN))


def _make_sc_kernel(B, HW, csc, k1, k2):
    n16_map = HW // _L
    n16_ch = (B * HW) // _L
    nw = _NC * _NS
    cpw = csc // nw
    mesh = plsc.VectorSubcoreMesh(
        core_axis_name="c", subcore_axis_name="s",
        num_cores=_NC, num_subcores=_NS)

    @functools.partial(
        pl.kernel,
        mesh=mesh,
        out_type=jax.ShapeDtypeStruct((B, csc, HW), jnp.float32),
        scratch_types=[
            pltpu.VMEM((B * HW,), jnp.float32),
            pltpu.VMEM((B * HW,), jnp.int32),
            pltpu.SemaphoreType.DMA,
        ],
    )
    def sck(x_hbm, o_hbm, xv, sv, sem):
        wid = lax.axis_index("s") * _NC + lax.axis_index("c")

        def chan_body(ci, _):
            ch = wid * cpw + ci
            cps = [
                pltpu.async_copy(x_hbm.at[b, ch], xv.at[pl.ds(b * HW, HW)], sem)
                for b in range(B)
            ]
            for cp in cps:
                cp.wait()

            def key_fn(i, carry):
                idx = pl.ds(i * _L, _L)
                iv = lax.bitcast_convert_type(xv[idx], jnp.int32)
                sv[idx] = jnp.where(iv >= 0, iv, _splat_i32(_INT_MIN) - iv)
                return carry

            _foreach16(n16_ch, key_fn, 0)

            def map_body(m, _):
                base = m * n16_map

                K1 = _kth_key_sc(
                    lambda i: sv[pl.ds((base + i) * _L, _L)], n16_map, k1)

                def mask_fn(i, carry):
                    idx = pl.ds((base + i) * _L, _L)
                    s = sv[idx]
                    keep = s >= K1
                    xv[idx] = jnp.where(keep, xv[idx], 0.0)
                    sv[idx] = jnp.where(keep, s, _splat_i32(0))
                    return carry

                _foreach16(n16_map, mask_fn, 0)
                return 0

            lax.fori_loop(0, B, map_body, 0)

            K2 = _kth_key_sc(lambda i: sv[pl.ds(i * _L, _L)], n16_ch, k2)

            def mask2_fn(i, carry):
                idx = pl.ds(i * _L, _L)
                xv[idx] = jnp.where(sv[idx] >= K2, xv[idx], 0.0)
                return carry

            _foreach16(n16_ch, mask2_fn, 0)

            cps_o = [
                pltpu.async_copy(xv.at[pl.ds(b * HW, HW)], o_hbm.at[b, ch], sem)
                for b in range(B)
            ]
            for cp in cps_o:
                cp.wait()
            return 0

        lax.fori_loop(0, cpw, chan_body, 0)

    return sck



_C_SC = 96


def kernel(x):
    B, C, H, W = x.shape
    HW = H * W
    k1 = math.ceil(0.5 * H * W)
    k2 = math.ceil(0.5 * k1 * B)
    xr = x.reshape(B, C, HW)

    csc = min(_C_SC, C)
    csc -= csc % (_NC * _NS)
    if csc == C:
        out = _make_sc_kernel(B, HW, csc, k1, k2)(xr)
    elif csc == 0:
        out = _tc_topk(xr, k1, k2)
    else:
        sc_out = _make_sc_kernel(B, HW, csc, k1, k2)(xr)
        tc_out = _tc_topk(xr, k1, k2, c_lo=csc)
        out = _insert_channels(tc_out, sc_out)
    return out.reshape(B, C, H, W)

# --- scband reference (transcript-rebuilt; emitter-appended) ---
"""Pipeline reference for scband-sparse-conv-24910810317384 (READ-ONLY COPY).

The authoritative reference and input builder live on the scoring server;
editing this copy changes nothing except your own understanding.
"""

import jax, jax.numpy as jnp
import numpy as np
import math


def batch_topk(inp, k):
    # topk along last dim, build boolean mask at topk positions, multiply
    _, indices = jax.lax.top_k(inp, k)
    rows = jnp.broadcast_to(jnp.arange(inp.shape[0])[:, None], indices.shape)
    mask = jnp.zeros(inp.shape, dtype=bool).at[rows.reshape(-1), indices.reshape(-1)].set(True)
    return inp * mask


def setup_inputs(seed: int = 0) -> dict:
    key = jax.random.key(seed)
    x = jax.random.normal(key, (32, 384, 32, 32), dtype=jnp.float32)
    return {"x": x}


def reference(x):
    k = 0.5
    k_percent = 0.5
    B, C, H, W = x.shape
    # k_per_map computed from H, W (same before/after permute)
    k_per_map = math.ceil(k * H * W)
    xp = jnp.transpose(x, (1, 0, 2, 3))  # [C, B, H, W]
    inp = xp.reshape(C * B, H * W)
    inp = batch_topk(inp, k_per_map)
    inp = inp.reshape(C, B * H * W)
    k_factor = math.ceil(k_percent * k_per_map * B)
    inp = batch_topk(inp, k_factor)
    inp = inp.reshape(C, B, H, W)
    out = jnp.transpose(inp, (1, 0, 2, 3))  # back to [B, C, H, W]
    return out

if __name__ == "__main__":
    import jax
    _d = setup_inputs()
    print(jax.jit(kernel)(*tuple(_d.values())))

</pallas_src>

<mosaic_0001>
#map = affine_map<(d0, d1) -> (0, 0, 0)>
module attributes {stable_mosaic.version = 14 : i64} {
  func.func @sck(%arg0: i32, %arg1: i32, %arg2: memref<32x384x1024xf32, #tpu.memory_space<hbm>>, %arg3: memref<32x96x1024xf32, #tpu.memory_space<hbm>>, %arg4: memref<32768xf32, #tpu.memory_space<vmem>>, %arg5: memref<32768xi32, #tpu.memory_space<vmem>>, %arg6: memref<!tpu.dma_semaphore, #tpu.memory_space<semaphore_mem>>) attributes {dimension_semantics = [#tpu.dimension_semantics<core_parallel>, #tpu.dimension_semantics<subcore_parallel>], iteration_bounds = array<i64: 2, 16>, scalar_prefetch = 0 : i64, scratch_operands = 3 : i64, tpu.core_type = #tpu.core_type<sc_vector_subcore>, window_params = [{transform_indices = #map}, {transform_indices = #map}]} {
    %mul3A = arith.constant 2 : i32
    %mul3A_0 = arith.muli %arg1, %mul3A : i32
    %add3A = arith.addi %mul3A_0, %arg0 : i32
    %scan3A = arith.constant 0 : i32
    %scan3A_1 = arith.constant 0 : i32
    %scan3A_2 = arith.constant 3 : i32
    %scan3A_3 = arith.addi %scan3A_1, %scan3A_2 : i32
    %scan3A_4 = arith.constant 1 : i32
    %scan3A_5 = scf.for %scan3A_7 = %scan3A_1 to %scan3A_3 step %scan3A_4 iter_args(%scan3A_8 = %scan3A) -> (i32)  : i32 {
      %mul3A_9 = arith.constant 3 : i32
      %mul3A_10 = arith.muli %add3A, %mul3A_9 : i32
      %add3A_11 = arith.addi %mul3A_10, %scan3A_7 : i32
      %dma_start3A = arith.constant 0 : i32
      %dma_start3A_12 = arith.constant 0 : i32
      %dma_start3A_13 = tpu.memref_slice %arg4[%dma_start3A_12] : memref<32768xf32, #tpu.memory_space<vmem>> -> memref<1024xf32, #tpu.memory_space<vmem>>
      %dma_start3A_14 = arith.constant 0 : i32
      %dma_start3A_15 = tpu.memref_slice %arg2[%dma_start3A, %add3A_11, %dma_start3A_14] : memref<32x384x1024xf32, #tpu.memory_space<hbm>> -> memref<1x1x1024xf32, #tpu.memory_space<hbm>>
      %dma_start3A_16 = tpu.memref_squeeze %dma_start3A_15 : memref<1x1x1024xf32, #tpu.memory_space<hbm>> -> memref<1024xf32, #tpu.memory_space<hbm>>
      %dma_start3A_17 = arith.constant 0 : i32
      %dma_start3A_18 = tpu.memref_slice %arg4[%dma_start3A_17] : memref<32768xf32, #tpu.memory_space<vmem>> -> memref<1024xf32, #tpu.memory_space<vmem>>
      %dma_start3A_19 = arith.constant 0 : i32
      %dma_start3A_20 = tpu.memref_slice %arg2[%dma_start3A, %add3A_11, %dma_start3A_19] : memref<32x384x1024xf32, #tpu.memory_space<hbm>> -> memref<1x1x1024xf32, #tpu.memory_space<hbm>>
      %dma_start3A_21 = tpu.memref_squeeze %dma_start3A_20 : memref<1x1x1024xf32, #tpu.memory_space<hbm>> -> memref<1024xf32, #tpu.memory_space<hbm>>
      tpu.enqueue_dma source(%dma_start3A_21 : memref<1024xf32, #tpu.memory_space<hbm>>) target(%dma_start3A_18 : memref<1024xf32, #tpu.memory_space<vmem>>) target_semaphore(%arg6 : memref<!tpu.dma_semaphore, #tpu.memory_space<semaphore_mem>>)
      %dma_start3A_22 = arith.constant 1 : i32
      %dma_start3A_23 = arith.constant 1024 : i32
      %dma_start3A_24 = tpu.memref_slice %arg4[%dma_start3A_23] : memref<32768xf32, #tpu.memory_space<vmem>> -> memref<1024xf32, #tpu.memory_space<vmem>>
      %dma_start3A_25 = arith.constant 0 : i32
      %dma_start3A_26 = tpu.memref_slice %arg2[%dma_start3A_22, %add3A_11, %dma_start3A_25] : memref<32x384x1024xf32, #tpu.memory_space<hbm>> -> memref<1x1x1024xf32, #tpu.memory_space<hbm>>
      %dma_start3A_27 = tpu.memref_squeeze %dma_start3A_26 : memref<1x1x1024xf32, #tpu.memory_space<hbm>> -> memref<1024xf32, #tpu.memory_space<hbm>>
      %dma_start3A_28 = arith.constant 1024 : i32
      %dma_start3A_29 = tpu.memref_slice %arg4[%dma_start3A_28] : memref<32768xf32, #tpu.memory_space<vmem>> -> memref<1024xf32, #tpu.memory_space<vmem>>
      %dma_start3A_30 = arith.constant 0 : i32
      %dma_start3A_31 = tpu.memref_slice %arg2[%dma_start3A_22, %add3A_11, %dma_start3A_30] : memref<32x384x1024xf32, #tpu.memory_space<hbm>> -> memref<1x1x1024xf32, #tpu.memory_space<hbm>>
      %dma_start3A_32 = tpu.memref_squeeze %dma_start3A_31 : memref<1x1x1024xf32, #tpu.memory_space<hbm>> -> memref<1024xf32, #tpu.memory_space<hbm>>
      tpu.enqueue_dma source(%dma_start3A_32 : memref<1024xf32, #tpu.memory_space<hbm>>) target(%dma_start3A_29 : memref<1024xf32, #tpu.memory_space<vmem>>) target_semaphore(%arg6 : memref<!tpu.dma_semaphore, #tpu.memory_space<semaphore_mem>>)
      %dma_start3A_33 = arith.constant 2 : i32
      %dma_start3A_34 = arith.constant 2048 : i32
      %dma_start3A_35 = tpu.memref_slice %arg4[%dma_start3A_34] : memref<32768xf32, #tpu.memory_space<vmem>> -> memref<1024xf32, #tpu.memory_space<vmem>>
      %dma_start3A_36 = arith.constant 0 : i32
      %dma_start3A_37 = tpu.memref_slice %arg2[%dma_start3A_33, %add3A_11, %dma_start3A_36] : memref<32x384x1024xf32, #tpu.memory_space<hbm>> -> memref<1x1x1024xf32, #tpu.memory_space<hbm>>
      %dma_start3A_38 = tpu.memref_squeeze %dma_start3A_37 : memref<1x1x1024xf32, #tpu.memory_space<hbm>> -> memref<1024xf32, #tpu.memory_space<hbm>>
      %dma_start3A_39 = arith.constant 2048 : i32
      %dma_start3A_40 = tpu.memref_slice %arg4[%dma_start3A_39] : memref<32768xf32, #tpu.memory_space<vmem>> -> memref<1024xf32, #tpu.memory_space<vmem>>
      %dma_start3A_41 = arith.constant 0 : i32
      %dma_start3A_42 = tpu.memref_slice %arg2[%dma_start3A_33, %add3A_11, %dma_start3A_41] : memref<32x384x1024xf32, #tpu.memory_space<hbm>> -> memref<1x1x1024xf32, #tpu.memory_space<hbm>>
      %dma_start3A_43 = tpu.memref_squeeze %dma_start3A_42 : memref<1x1x1024xf32, #tpu.memory_space<hbm>> -> memref<1024xf32, #tpu.memory_space<hbm>>
      tpu.enqueue_dma source(%dma_start3A_43 : memref<1024xf32, #tpu.memory_space<hbm>>) target(%dma_start3A_40 : memref<1024xf32, #tpu.memory_space<vmem>>) target_semaphore(%arg6 : memref<!tpu.dma_semaphore, #tpu.memory_space<semaphore_mem>>)
      %dma_start3A_44 = arith.constant 3 : i32
      %dma_start3A_45 = arith.constant 3072 : i32
      %dma_start3A_46 = tpu.memref_slice %arg4[%dma_start3A_45] : memref<32768xf32, #tpu.memory_space<vmem>> -> memref<1024xf32, #tpu.memory_space<vmem>>
      %dma_start3A_47 = arith.constant 0 : i32
      %dma_start3A_48 = tpu.memref_slice %arg2[%dma_start3A_44, %add3A_11, %dma_start3A_47] : memref<32x384x1024xf32, #tpu.memory_space<hbm>> -> memref<1x1x1024xf32, #tpu.memory_space<hbm>>
      %dma_start3A_49 = tpu.memref_squeeze %dma_start3A_48 : memref<1x1x1024xf32, #tpu.memory_space<hbm>> -> memref<1024xf32, #tpu.memory_space<hbm>>
      %dma_start3A_50 = arith.constant 3072 : i32
      %dma_start3A_51 = tpu.memref_slice %arg4[%dma_start3A_50] : memref<32768xf32, #tpu.memory_space<vmem>> -> memref<1024xf32, #tpu.memory_space<vmem>>
      %dma_start3A_52 = arith.constant 0 : i32
      %dma_start3A_53 = tpu.memref_slice %arg2[%dma_start3A_44, %add3A_11, %dma_start3A_52] : memref<32x384x1024xf32, #tpu.memory_space<hbm>> -> memref<1x1x1024xf32, #tpu.memory_space<hbm>>
      %dma_start3A_54 = tpu.memref_squeeze %dma_start3A_53 : memref<1x1x1024xf32, #tpu.memory_space<hbm>> -> memref<1024xf32, #tpu.memory_space<hbm>>
      tpu.enqueue_dma source(%dma_start3A_54 : memref<1024xf32, #tpu.memory_space<hbm>>) target(%dma_start3A_51 : memref<1024xf32, #tpu.memory_space<vmem>>) target_semaphore(%arg6 : memref<!tpu.dma_semaphore, #tpu.memory_space<semaphore_mem>>)
      %dma_start3A_55 = arith.constant 4 : i32
      %dma_start3A_56 = arith.constant 4096 : i32
      %dma_start3A_57 = tpu.memref_slice %arg4[%dma_start3A_56] : memref<32768xf32, #tpu.memory_space<vmem>> -> memref<1024xf32, #tpu.memory_space<vmem>>
      %dma_start3A_58 = arith.constant 0 : i32
      %dma_start3A_59 = tpu.memref_slice %arg2[%dma_start3A_55, %add3A_11, %dma_start3A_58] : memref<32x384x1024xf32, #tpu.memory_space<hbm>> -> memref<1x1x1024xf32, #tpu.memory_space<hbm>>
      %dma_start3A_60 = tpu.memref_squeeze %dma_start3A_59 : memref<1x1x1024xf32, #tpu.memory_space<hbm>> -> memref<1024xf32, #tpu.memory_space<hbm>>
      %dma_start3A_61 = arith.constant 4096 : i32
      %dma_start3A_62 = tpu.memref_slice %arg4[%dma_start3A_61] : memref<32768xf32, #tpu.memory_space<vmem>> -> memref<1024xf32, #tpu.memory_space<vmem>>
      %dma_start3A_63 = arith.constant 0 : i32
      %dma_start3A_64 = tpu.memref_slice %arg2[%dma_start3A_55, %add3A_11, %dma_start3A_63] : memref<32x384x1024xf32, #tpu.memory_space<hbm>> -> memref<1x1x1024xf32, #tpu.memory_space<hbm>>
      %dma_start3A_65 = tpu.memref_squeeze %dma_start3A_64 : memref<1x1x1024xf32, #tpu.memory_space<hbm>> -> memref<1024xf32, #tpu.memory_space<hbm>>
      tpu.enqueue_dma source(%dma_start3A_65 : memref<1024xf32, #tpu.memory_space<hbm>>) target(%dma_start3A_62 : memref<1024xf32, #tpu.memory_space<vmem>>) target_semaphore(%arg6 : memref<!tpu.dma_semaphore, #tpu.memory_space<semaphore_mem>>)
      %dma_start3A_66 = arith.constant 5 : i32
      %dma_start3A_67 = arith.constant 5120 : i32
      %dma_start3A_68 = tpu.memref_slice %arg4[%dma_start3A_67] : memref<32768xf32, #tpu.memory_space<vmem>> -> memref<1024xf32, #tpu.memory_space<vmem>>
      %dma_start3A_69 = arith.constant 0 : i32
      %dma_start3A_70 = tpu.memref_slice %arg2[%dma_start3A_66, %add3A_11, %dma_start3A_69] : memref<32x384x1024xf32, #tpu.memory_space<hbm>> -> memref<1x1x1024xf32, #tpu.memory_space<hbm>>
      %dma_start3A_71 = tpu.memref_squeeze %dma_start3A_70 : memref<1x1x1024xf32, #tpu.memory_space<hbm>> -> memref<1024xf32, #tpu.memory_space<hbm>>
      %dma_start3A_72 = arith.constant 5120 : i32
      %dma_start3A_73 = tpu.memref_slice %arg4[%dma_start3A_72] : memref<32768xf32, #tpu.memory_space<vmem>> -> memref<1024xf32, #tpu.memory_space<vmem>>
      %dma_start3A_74 = arith.constant 0 : i32
      %dma_start3A_75 = tpu.memref_slice %arg2[%dma_start3A_66, %add3A_11, %dma_start3A_74] : memref<32x384x1024xf32, #tpu.memory_space<hbm>> -> memref<1x1x1024xf32, #tpu.memory_space<hbm>>
      %dma_start3A_76 = tpu.memref_squeeze %dma_start3A_75 : memref<1x1x1024xf32, #tpu.memory_space<hbm>> -> memref<1024xf32, #tpu.memory_space<hbm>>
      tpu.enqueue_dma source(%dma_start3A_76 : memref<1024xf32, #tpu.memory_space<hbm>>) target(%dma_start3A_73 : memref<1024xf32, #tpu.memory_space<vmem>>) target_semaphore(%arg6 : memref<!tpu.dma_semaphore, #tpu.memory_space<semaphore_mem>>)
      %dma_start3A_77 = arith.constant 6 : i32
      %dma_start3A_78 = arith.constant 6144 : i32
      %dma_start3A_79 = tpu.memref_slice %arg4[%dma_start3A_78] : memref<32768xf32, #tpu.memory_space<vmem>> -> memref<1024xf32, #tpu.memory_space<vmem>>
      %dma_start3A_80 = arith.constant 0 : i32
      %dma_start3A_81 = tpu.memref_slice %arg2[%dma_start3A_77, %add3A_11, %dma_start3A_80] : memref<32x384x1024xf32, #tpu.memory_space<hbm>> -> memref<1x1x1024xf32, #tpu.memory_space<hbm>>
      %dma_start3A_82 = tpu.memref_squeeze %dma_start3A_81 : memref<1x1x1024xf32, #tpu.memory_space<hbm>> -> memref<1024xf32, #tpu.memory_space<hbm>>
      %dma_start3A_83 = arith.constant 6144 : i32
      %dma_start3A_84 = tpu.memref_slice %arg4[%dma_start3A_83] : memref<32768xf32, #tpu.memory_space<vmem>> -> memref<1024xf32, #tpu.memory_space<vmem>>
      %dma_start3A_85 = arith.constant 0 : i32
      %dma_start3A_86 = tpu.memref_slice %arg2[%dma_start3A_77, %add3A_11, %dma_start3A_85] : memref<32x384x1024xf32, #tpu.memory_space<hbm>> -> memref<1x1x1024xf32, #tpu.memory_space<hbm>>
      %dma_start3A_87 = tpu.memref_squeeze %dma_start3A_86 : memref<1x1x1024xf32, #tpu.memory_space<hbm>> -> memref<1024xf32, #tpu.memory_space<hbm>>
      tpu.enqueue_dma source(%dma_start3A_87 : memref<1024xf32, #tpu.memory_space<hbm>>) target(%dma_start3A_84 : memref<1024xf32, #tpu.memory_space<vmem>>) target_semaphore(%arg6 : memref<!tpu.dma_semaphore, #tpu.memory_space<semaphore_mem>>)
      %dma_start3A_88 = arith.constant 7 : i32
      %dma_start3A_89 = arith.constant 7168 : i32
      %dma_start3A_90 = tpu.memref_slice %arg4[%dma_start3A_89] : memref<32768xf32, #tpu.memory_space<vmem>> -> memref<1024xf32, #tpu.memory_space<vmem>>
      %dma_start3A_91 = arith.constant 0 : i32
      %dma_start3A_92 = tpu.memref_slice %arg2[%dma_start3A_88, %add3A_11, %dma_start3A_91] : memref<32x384x1024xf32, #tpu.memory_space<hbm>> -> memref<1x1x1024xf32, #tpu.memory_space<hbm>>
      %dma_start3A_93 = tpu.memref_squeeze %dma_start3A_92 : memref<1x1x1024xf32, #tpu.memory_space<hbm>> -> memref<1024xf32, #tpu.memory_space<hbm>>
      %dma_start3A_94 = arith.constant 7168 : i32
      %dma_start3A_95 = tpu.memref_slice %arg4[%dma_start3A_94] : memref<32768xf32, #tpu.memory_space<vmem>> -> memref<1024xf32, #tpu.memory_space<vmem>>
      %dma_start3A_96 = arith.constant 0 : i32
      %dma_start3A_97 = tpu.memref_slice %arg2[%dma_start3A_88, %add3A_11, %dma_start3A_96] : memref<32x384x1024xf32, #tpu.memory_space<hbm>> -> memref<1x1x1024xf32, #tpu.memory_space<hbm>>
      %dma_start3A_98 = tpu.memref_squeeze %dma_start3A_97 : memref<1x1x1024xf32, #tpu.memory_space<hbm>> -> memref<1024xf32, #tpu.memory_space<hbm>>
      tpu.enqueue_dma source(%dma_start3A_98 : memref<1024xf32, #tpu.memory_space<hbm>>) target(%dma_start3A_95 : memref<1024xf32, #tpu.memory_space<vmem>>) target_semaphore(%arg6 : memref<!tpu.dma_semaphore, #tpu.memory_space<semaphore_mem>>)
      %dma_start3A_99 = arith.constant 8 : i32
      %dma_start3A_100 = arith.constant 8192 : i32
      %dma_start3A_101 = tpu.memref_slice %arg4[%dma_start3A_100] : memref<32768xf32, #tpu.memory_space<vmem>> -> memref<1024xf32, #tpu.memory_space<vmem>>
      %dma_start3A_102 = arith.constant 0 : i32
      %dma_start3A_103 = tpu.memref_slice %arg2[%dma_start3A_99, %add3A_11, %dma_start3A_102] : memref<32x384x1024xf32, #tpu.memory_space<hbm>> -> memref<1x1x1024xf32, #tpu.memory_space<hbm>>
      %dma_start3A_104 = tpu.memref_squeeze %dma_start3A_103 : memref<1x1x1024xf32, #tpu.memory_space<hbm>> -> memref<1024xf32, #tpu.memory_space<hbm>>
      %dma_start3A_105 = arith.constant 8192 : i32
      %dma_start3A_106 = tpu.memref_slice %arg4[%dma_start3A_105] : memref<32768xf32, #tpu.memory_space<vmem>> -> memref<1024xf32, #tpu.memory_space<vmem>>
      %dma_start3A_107 = arith.constant 0 : i32
      %dma_start3A_108 = tpu.memref_slice %arg2[%dma_start3A_99, %add3A_11, %dma_start3A_107] : memref<32x384x1024xf32, #tpu.memory_space<hbm>> -> memref<1x1x1024xf32, #tpu.memory_space<hbm>>
      %dma_start3A_109 = tpu.memref_squeeze %dma_start3A_108 : memref<1x1x1024xf32, #tpu.memory_space<hbm>> -> memref<1024xf32, #tpu.memory_space<hbm>>
      tpu.enqueue_dma source(%dma_start3A_109 : memref<1024xf32, #tpu.memory_space<hbm>>) target(%dma_start3A_106 : memref<1024xf32, #tpu.memory_space<vmem>>) target_semaphore(%arg6 : memref<!tpu.dma_semaphore, #tpu.memory_space<semaphore_mem>>)
      %dma_start3A_110 = arith.constant 9 : i32
      %dma_start3A_111 = arith.constant 9216 : i32
      %dma_start3A_112 = tpu.memref_slice %arg4[%dma_start3A_111] : memref<32768xf32, #tpu.memory_space<vmem>> -> memref<1024xf32, #tpu.memory_space<vmem>>
      %dma_start3A_113 = arith.constant 0 : i32
      %dma_start3A_114 = tpu.memref_slice %arg2[%dma_start3A_110, %add3A_11, %dma_start3A_113] : memref<32x384x1024xf32, #tpu.memory_space<hbm>> -> memref<1x1x1024xf32, #tpu.memory_space<hbm>>
      %dma_start3A_115 = tpu.memref_squeeze %dma_start3A_114 : memref<1x1x1024xf32, #tpu.memory_space<hbm>> -> memref<1024xf32, #tpu.memory_space<hbm>>
      %dma_start3A_116 = arith.constant 9216 : i32
      %dma_start3A_117 = tpu.memref_slice %arg4[%dma_start3A_116] : memref<32768xf32, #tpu.memory_space<vmem>> -> memref<1024xf32, #tpu.memory_space<vmem>>
      %dma_start3A_118 = arith.constant 0 : i32
      %dma_start3A_119 = tpu.memref_slice %arg2[%dma_start3A_110, %add3A_11, %dma_start3A_118] : memref<32x384x1024xf32, #tpu.memory_space<hbm>> -> memref<1x1x1024xf32, #tpu.memory_space<hbm>>
      %dma_start3A_120 = tpu.memref_squeeze %dma_start3A_119 : memref<1x1x1024xf32, #tpu.memory_space<hbm>> -> memref<1024xf32, #tpu.memory_space<hbm>>
      tpu.enqueue_dma source(%dma_start3A_120 : memref<1024xf32, #tpu.memory_space<hbm>>) target(%dma_start3A_117 : memref<1024xf32, #tpu.memory_space<vmem>>) target_semaphore(%arg6 : memref<!tpu.dma_semaphore, #tpu.memory_space<semaphore_mem>>)
      %dma_start3A_121 = arith.constant 10 : i32
      %dma_start3A_122 = arith.constant 10240 : i32
      %dma_start3A_123 = tpu.memref_slice %arg4[%dma_start3A_122] : memref<32768xf32, #tpu.memory_space<vmem>> -> memref<1024xf32, #tpu.memory_space<vmem>>
      %dma_start3A_124 = arith.constant 0 : i32
      %dma_start3A_125 = tpu.memref_slice %arg2[%dma_start3A_121, %add3A_11, %dma_start3A_124] : memref<32x384x1024xf32, #tpu.memory_space<hbm>> -> memref<1x1x1024xf32, #tpu.memory_space<hbm>>
      %dma_start3A_126 = tpu.memref_squeeze %dma_start3A_125 : memref<1x1x1024xf32, #tpu.memory_space<hbm>> -> memref<1024xf32, #tpu.memory_space<hbm>>
      %dma_start3A_127 = arith.constant 10240 : i32
      %dma_start3A_128 = tpu.memref_slice %arg4[%dma_start3A_127] : memref<32768xf32, #tpu.memory_space<vmem>> -> memref<1024xf32, #tpu.memory_space<vmem>>
      %dma_start3A_129 = arith.constant 0 : i32
      %dma_start3A_130 = tpu.memref_slice %arg2[%dma_start3A_121, %add3A_11, %dma_start3A_129] : memref<32x384x1024xf32, #tpu.memory_space<hbm>> -> memref<1x1x1024xf32, #tpu.memory_space<hbm>>
      %dma_start3A_131 = tpu.memref_squeeze %dma_start3A_130 : memref<1x1x1024xf32, #tpu.memory_space<hbm>> -> memref<1024xf32, #tpu.memory_space<hbm>>
      tpu.enqueue_dma source(%dma_start3A_131 : memref<1024xf32, #tpu.memory_space<hbm>>) target(%dma_start3A_128 : memref<1024xf32, #tpu.memory_space<vmem>>) target_semaphore(%arg6 : memref<!tpu.dma_semaphore, #tpu.memory_space<semaphore_mem>>)
      %dma_start3A_132 = arith.constant 11 : i32
      %dma_start3A_133 = arith.constant 11264 : i32
      %dma_start3A_134 = tpu.memref_slice %arg4[%dma_start3A_133] : memref<32768xf32, #tpu.memory_space<vmem>> -> memref<1024xf32, #tpu.memory_space<vmem>>
      %dma_start3A_135 = arith.constant 0 : i32
      %dma_start3A_136 = tpu.memref_slice %arg2[%dma_start3A_132, %add3A_11, %dma_start3A_135] : memref<32x384x1024xf32, #tpu.memory_space<hbm>> -> memref<1x1x1024xf32, #tpu.memory_space<hbm>>
      %dma_start3A_137 = tpu.memref_squeeze %dma_start3A_136 : memref<1x1x1024xf32, #tpu.memory_space<hbm>> -> memref<1024xf32, #tpu.memory_space<hbm>>
      %dma_start3A_138 = arith.constant 11264 : i32
      %dma_start3A_139 = tpu.memref_slice %arg4[%dma_start3A_138] : memref<32768xf32, #tpu.memory_space<vmem>> -> memref<1024xf32, #tpu.memory_space<vmem>>
      %dma_start3A_140 = arith.constant 0 : i32
      %dma_start3A_141 = tpu.memref_slice %arg2[%dma_start3A_132, %add3A_11, %dma_start3A_140] : memref<32x384x1024xf32, #tpu.memory_space<hbm>> -> memref<1x1x1024xf32, #tpu.memory_space<hbm>>
      %dma_start3A_142 = tpu.memref_squeeze %dma_start3A_141 : memref<1x1x1024xf32, #tpu.memory_space<hbm>> -> memref<1024xf32, #tpu.memory_space<hbm>>
      tpu.enqueue_dma source(%dma_start3A_142 : memref<1024xf32, #tpu.memory_space<hbm>>) target(%dma_start3A_139 : memref<1024xf32, #tpu.memory_space<vmem>>) target_semaphore(%arg6 : memref<!tpu.dma_semaphore, #tpu.memory_space<semaphore_mem>>)
      %dma_start3A_143 = arith.constant 12 : i32
      %dma_start3A_144 = arith.constant 12288 : i32
      %dma_start3A_145 = tpu.memref_slice %arg4[%dma_start3A_144] : memref<32768xf32, #tpu.memory_space<vmem>> -> memref<1024xf32, #tpu.memory_space<vmem>>
      %dma_start3A_146 = arith.constant 0 : i32
      %dma_start3A_147 = tpu.memref_slice %arg2[%dma_start3A_143, %add3A_11, %dma_start3A_146] : memref<32x384x1024xf32, #tpu.memory_space<hbm>> -> memref<1x1x1024xf32, #tpu.memory_space<hbm>>
      %dma_start3A_148 = tpu.memref_squeeze %dma_start3A_147 : memref<1x1x1024xf32, #tpu.memory_space<hbm>> -> memref<1024xf32, #tpu.memory_space<hbm>>
      %dma_start3A_149 = arith.constant 12288 : i32
      %dma_start3A_150 = tpu.memref_slice %arg4[%dma_start3A_149] : memref<32768xf32, #tpu.memory_space<vmem>> -> memref<1024xf32, #tpu.memory_space<vmem>>
      %dma_start3A_151 = arith.constant 0 : i32
      %dma_start3A_152 = tpu.memref_slice %arg2[%dma_start3A_143, %add3A_11, %dma_start3A_151] : memref<32x384x1024xf32, #tpu.memory_space<hbm>> -> memref<1x1x1024xf32, #tpu.memory_space<hbm>>
      %dma_start3A_153 = tpu.memref_squeeze %dma_start3A_152 : memref<1x1x1024xf32, #tpu.memory_space<hbm>> -> memref<1024xf32, #tpu.memory_space<hbm>>
      tpu.enqueue_dma source(%dma_start3A_153 : memref<1024xf32, #tpu.memory_space<hbm>>) target(%dma_start3A_150 : memref<1024xf32, #tpu.memory_space<vmem>>) target_semaphore(%arg6 : memref<!tpu.dma_semaphore, #tpu.memory_space<semaphore_mem>>)
      %dma_start3A_154 = arith.constant 13 : i32
      %dma_start3A_155 = arith.constant 13312 : i32
      %dma_start3A_156 = tpu.memref_slice %arg4[%dma_start3A_155] : memref<32768xf32, #tpu.memory_space<vmem>> -> memref<1024xf32, #tpu.memory_space<vmem>>
      %dma_start3A_157 = arith.constant 0 : i32
      %dma_start3A_158 = tpu.memref_slice %arg2[%dma_start3A_154, %add3A_11, %dma_start3A_157] : memref<32x384x1024xf32, #tpu.memory_space<hbm>> -> memref<1x1x1024xf32, #tpu.memory_space<hbm>>
      %dma_start3A_159 = tpu.memref_squeeze %dma_start3A_158 : memref<1x1x1024xf32, #tpu.memory_space<hbm>> -> memref<1024xf32, #tpu.memory_space<hbm>>
      %dma_start3A_160 = arith.constant 13312 : i32
      %dma_start3A_161 = tpu.memref_slice %arg4[%dma_start3A_160] : memref<32768xf32, #tpu.memory_space<vmem>> -> memref<1024xf32, #tpu.memory_space<vmem>>
      %dma_start3A_162 = arith.constant 0 : i32
      %dma_start3A_163 = tpu.memref_slice %arg2[%dma_start3A_154, %add3A_11, %dma_start3A_162] : memref<32x384x1024xf32, #tpu.memory_space<hbm>> -> memref<1x1x1024xf32, #tpu.memory_space<hbm>>
      %dma_start3A_164 = tpu.memref_squeeze %dma_start3A_163 : memref<1x1x1024xf32, #tpu.memory_space<hbm>> -> memref<1024xf32, #tpu.memory_space<hbm>>
      tpu.enqueue_dma source(%dma_start3A_164 : memref<1024xf32, #tpu.memory_space<hbm>>) target(%dma_start3A_161 : memref<1024xf32, #tpu.memory_space<vmem>>) target_semaphore(%arg6 : memref<!tpu.dma_semaphore, #tpu.memory_space<semaphore_mem>>)
      %dma_start3A_165 = arith.constant 14 : i32
      %dma_start3A_166 = arith.constant 14336 : i32
      %dma_start3A_167 = tpu.memref_slice %arg4[%dma_start3A_166] : memref<32768xf32, #tpu.memory_space<vmem>> -> memref<1024xf32, #tpu.memory_space<vmem>>
      %dma_start3A_168 = arith.constant 0 : i32
      %dma_start3A_169 = tpu.memref_slice %arg2[%dma_start3A_165, %add3A_11, %dma_start3A_168] : memref<32x384x1024xf32, #tpu.memory_space<hbm>> -> memref<1x1x1024xf32, #tpu.memory_space<hbm>>
      %dma_start3A_170 = tpu.memref_squeeze %dma_start3A_169 : memref<1x1x1024xf32, #tpu.memory_space<hbm>> -> memref<1024xf32, #tpu.memory_space<hbm>>
      %dma_start3A_171 = arith.constant 14336 : i32
      %dma_start3A_172 = tpu.memref_slice %arg4[%dma_start3A_171] : memref<32768xf32, #tpu.memory_space<vmem>> -> memref<1024xf32, #tpu.memory_space<vmem>>
      %dma_start3A_173 = arith.constant 0 : i32
      %dma_start3A_174 = tpu.memref_slice %arg2[%dma_start3A_165, %add3A_11, %dma_start3A_173] : memref<32x384x1024xf32, #tpu.memory_space<hbm>> -> memref<1x1x1024xf32, #tpu.memory_space<hbm>>
      %dma_start3A_175 = tpu.memref_squeeze %dma_start3A_174 : memref<1x1x1024xf32, #tpu.memory_space<hbm>> -> memref<1024xf32, #tpu.memory_space<hbm>>
      tpu.enqueue_dma source(%dma_start3A_175 : memref<1024xf32, #tpu.memory_space<hbm>>) target(%dma_start3A_172 : memref<1024xf32, #tpu.memory_space<vmem>>) target_semaphore(%arg6 : memref<!tpu.dma_semaphore, #tpu.memory_space<semaphore_mem>>)
      %dma_start3A_176 = arith.constant 15 : i32
      %dma_start3A_177 = arith.constant 15360 : i32
      %dma_start3A_178 = tpu.memref_slice %arg4[%dma_start3A_177] : memref<32768xf32, #tpu.memory_space<vmem>> -> memref<1024xf32, #tpu.memory_space<vmem>>
      %dma_start3A_179 = arith.constant 0 : i32
      %dma_start3A_180 = tpu.memref_slice %arg2[%dma_start3A_176, %add3A_11, %dma_start3A_179] : memref<32x384x1024xf32, #tpu.memory_space<hbm>> -> memref<1x1x1024xf32, #tpu.memory_space<hbm>>
      %dma_start3A_181 = tpu.memref_squeeze %dma_start3A_180 : memref<1x1x1024xf32, #tpu.memory_space<hbm>> -> memref<1024xf32, #tpu.memory_space<hbm>>
      %dma_start3A_182 = arith.constant 15360 : i32
      %dma_start3A_183 = tpu.memref_slice %arg4[%dma_start3A_182] : memref<32768xf32, #tpu.memory_space<vmem>> -> memref<1024xf32, #tpu.memory_space<vmem>>
      %dma_start3A_184 = arith.constant 0 : i32
      %dma_start3A_185 = tpu.memref_slice %arg2[%dma_start3A_176, %add3A_11, %dma_start3A_184] : memref<32x384x1024xf32, #tpu.memory_space<hbm>> -> memref<1x1x1024xf32, #tpu.memory_space<hbm>>
      %dma_start3A_186 = tpu.memref_squeeze %dma_start3A_185 : memref<1x1x1024xf32, #tpu.memory_space<hbm>> -> memref<1024xf32, #tpu.memory_space<hbm>>
      tpu.enqueue_dma source(%dma_start3A_186 : memref<1024xf32, #tpu.memory_space<hbm>>) target(%dma_start3A_183 : memref<1024xf32, #tpu.memory_space<vmem>>) target_semaphore(%arg6 : memref<!tpu.dma_semaphore, #tpu.memory_space<semaphore_mem>>)
      %dma_start3A_187 = arith.constant 16 : i32
      %dma_start3A_188 = arith.constant 16384 : i32
      %dma_start3A_189 = tpu.memref_slice %arg4[%dma_start3A_188] : memref<32768xf32, #tpu.memory_space<vmem>> -> memref<1024xf32, #tpu.memory_space<vmem>>
      %dma_start3A_190 = arith.constant 0 : i32
      %dma_start3A_191 = tpu.memref_slice %arg2[%dma_start3A_187, %add3A_11, %dma_start3A_190] : memref<32x384x1024xf32, #tpu.memory_space<hbm>> -> memref<1x1x1024xf32, #tpu.memory_space<hbm>>
      %dma_start3A_192 = tpu.memref_squeeze %dma_start3A_191 : memref<1x1x1024xf32, #tpu.memory_space<hbm>> -> memref<1024xf32, #tpu.memory_space<hbm>>
      %dma_start3A_193 = arith.constant 16384 : i32
      %dma_start3A_194 = tpu.memref_slice %arg4[%dma_start3A_193] : memref<32768xf32, #tpu.memory_space<vmem>> -> memref<1024xf32, #tpu.memory_space<vmem>>
      %dma_start3A_195 = arith.constant 0 : i32
      %dma_start3A_196 = tpu.memref_slice %arg2[%dma_start3A_187, %add3A_11, %dma_start3A_195] : memref<32x384x1024xf32, #tpu.memory_space<hbm>> -> memref<1x1x1024xf32, #tpu.memory_space<hbm>>
      %dma_start3A_197 = tpu.memref_squeeze %dma_start3A_196 : memref<1x1x1024xf32, #tpu.memory_space<hbm>> -> memref<1024xf32, #tpu.memory_space<hbm>>
      tpu.enqueue_dma source(%dma_start3A_197 : memref<1024xf32, #tpu.memory_space<hbm>>) target(%dma_start3A_194 : memref<1024xf32, #tpu.memory_space<vmem>>) target_semaphore(%arg6 : memref<!tpu.dma_semaphore, #tpu.memory_space<semaphore_mem>>)
      %dma_start3A_198 = arith.constant 17 : i32
      %dma_start3A_199 = arith.constant 17408 : i32
      %dma_start3A_200 = tpu.memref_slice %arg4[%dma_start3A_199] : memref<32768xf32, #tpu.memory_space<vmem>> -> memref<1024xf32, #tpu.memory_space<vmem>>
      %dma_start3A_201 = arith.constant 0 : i32
      %dma_start3A_202 = tpu.memref_slice %arg2[%dma_start3A_198, %add3A_11, %dma_start3A_201] : memref<32x384x1024xf32, #tpu.memory_space<hbm>> -> memref<1x1x1024xf32, #tpu.memory_space<hbm>>
      %dma_start3A_203 = tpu.memref_squeeze %dma_start3A_202 : memref<1x1x1024xf32, #tpu.memory_space<hbm>> -> memref<1024xf32, #tpu.memory_space<hbm>>
      %dma_start3A_204 = arith.constant 17408 : i32
      %dma_start3A_205 = tpu.memref_slice %arg4[%dma_start3A_204] : memref<32768xf32, #tpu.memory_space<vmem>> -> memref<1024xf32, #tpu.memory_space<vmem>>
      %dma_start3A_206 = arith.constant 0 : i32
      %dma_start3A_207 = tpu.memref_slice %arg2[%dma_start3A_198, %add3A_11, %dma_start3A_206] : memref<32x384x1024xf32, #tpu.memory_space<hbm>> -> memref<1x1x1024xf32, #tpu.memory_space<hbm>>
      %dma_start3A_208 = tpu.memref_squeeze %dma_start3A_207 : memref<1x1x1024xf32, #tpu.memory_space<hbm>> -> memref<1024xf32, #tpu.memory_space<hbm>>
      tpu.enqueue_dma source(%dma_start3A_208 : memref<1024xf32, #tpu.memory_space<hbm>>) target(%dma_start3A_205 : memref<1024xf32, #tpu.memory_space<vmem>>) target_semaphore(%arg6 : memref<!tpu.dma_semaphore, #tpu.memory_space<semaphore_mem>>)
      %dma_start3A_209 = arith.constant 18 : i32
      %dma_start3A_210 = arith.constant 18432 : i32
      %dma_start3A_211 = tpu.memref_slice %arg4[%dma_start3A_210] : memref<32768xf32, #tpu.memory_space<vmem>> -> memref<1024xf32, #tpu.memory_space<vmem>>
      %dma_start3A_212 = arith.constant 0 : i32
      %dma_start3A_213 = tpu.memref_slice %arg2[%dma_start3A_209, %add3A_11, %dma_start3A_212] : memref<32x384x1024xf32, #tpu.memory_space<hbm>> -> memref<1x1x1024xf32, #tpu.memory_space<hbm>>
      %dma_start3A_214 = tpu.memref_squeeze %dma_start3A_213 : memref<1x1x1024xf32, #tpu.memory_space<hbm>> -> memref<1024xf32, #tpu.memory_space<hbm>>
      %dma_start3A_215 = arith.constant 18432 : i32
      %dma_start3A_216 = tpu.memref_slice %arg4[%dma_start3A_215] : memref<32768xf32, #tpu.memory_space<vmem>> -> memref<1024xf32, #tpu.memory_space<vmem>>
      %dma_start3A_217 = arith.constant 0 : i32
      %dma_start3A_218 = tpu.memref_slice %arg2[%dma_start3A_209, %add3A_11, %dma_start3A_217] : memref<32x384x1024xf32, #tpu.memory_space<hbm>> -> memref<1x1x1024xf32, #tpu.memory_space<hbm>>
      %dma_start3A_219 = tpu.memref_squeeze %dma_start3A_218 : memref<1x1x1024xf32, #tpu.memory_space<hbm>> -> memref<1024xf32, #tpu.memory_space<hbm>>
      tpu.enqueue_dma source(%dma_start3A_219 : memref<1024xf32, #tpu.memory_space<hbm>>) target(%dma_start3A_216 : memref<1024xf32, #tpu.memory_space<vmem>>) target_semaphore(%arg6 : memref<!tpu.dma_semaphore, #tpu.memory_space<semaphore_mem>>)
      %dma_start3A_220 = arith.constant 19 : i32
      %dma_start3A_221 = arith.constant 19456 : i32
      %dma_start3A_222 = tpu.memref_slice %arg4[%dma_start3A_221] : memref<32768xf32, #tpu.memory_space<vmem>> -> memref<1024xf32, #tpu.memory_space<vmem>>
      %dma_start3A_223 = arith.constant 0 : i32
      %dma_start3A_224 = tpu.memref_slice %arg2[%dma_start3A_220, %add3A_11, %dma_start3A_223] : memref<32x384x1024xf32, #tpu.memory_space<hbm>> -> memref<1x1x1024xf32, #tpu.memory_space<hbm>>
      %dma_start3A_225 = tpu.memref_squeeze %dma_start3A_224 : memref<1x1x1024xf32, #tpu.memory_space<hbm>> -> memref<1024xf32, #tpu.memory_space<hbm>>
      %dma_start3A_226 = arith.constant 19456 : i32
      %dma_start3A_227 = tpu.memref_slice %arg4[%dma_start3A_226] : memref<32768xf32, #tpu.memory_space<vmem>> -> memref<1024xf32, #tpu.memory_space<vmem>>
      %dma_start3A_228 = arith.constant 0 : i32
      %dma_start3A_229 = tpu.memref_slice %arg2[%dma_start3A_220, %add3A_11, %dma_start3A_228] : memref<32x384x1024xf32, #tpu.memory_space<hbm>> -> memref<1x1x1024xf32, #tpu.memory_space<hbm>>
      %dma_start3A_230 = tpu.memref_squeeze %dma_start3A_229 : memref<1x1x1024xf32, #tpu.memory_space<hbm>> -> memref<1024xf32, #tpu.memory_space<hbm>>
      tpu.enqueue_dma source(%dma_start3A_230 : memref<1024xf32, #tpu.memory_space<hbm>>) target(%dma_start3A_227 : memref<1024xf32, #tpu.memory_space<vmem>>) target_semaphore(%arg6 : memref<!tpu.dma_semaphore, #tpu.memory_space<semaphore_mem>>)
      %dma_start3A_231 = arith.constant 20 : i32
      %dma_start3A_232 = arith.constant 20480 : i32
      %dma_start3A_233 = tpu.memref_slice %arg4[%dma_start3A_232] : memref<32768xf32, #tpu.memory_space<vmem>> -> memref<1024xf32, #tpu.memory_space<vmem>>
      %dma_start3A_234 = arith.constant 0 : i32
      %dma_start3A_235 = tpu.memref_slice %arg2[%dma_start3A_231, %add3A_11, %dma_start3A_234] : memref<32x384x1024xf32, #tpu.memory_space<hbm>> -> memref<1x1x1024xf32, #tpu.memory_space<hbm>>
      %dma_start3A_236 = tpu.memref_squeeze %dma_start3A_235 : memref<1x1x1024xf32, #tpu.memory_space<hbm>> -> memref<1024xf32, #tpu.memory_space<hbm>>
      %dma_start3A_237 = arith.constant 20480 : i32
      %dma_start3A_238 = tpu.memref_slice %arg4[%dma_start3A_237] : memref<32768xf32, #tpu.memory_space<vmem>> -> memref<1024xf32, #tpu.memory_space<vmem>>
      %dma_start3A_239 = arith.constant 0 : i32
      %dma_start3A_240 = tpu.memref_slice %arg2[%dma_start3A_231, %add3A_11, %dma_start3A_239] : memref<32x384x1024xf32, #tpu.memory_space<hbm>> -> memref<1x1x1024xf32, #tpu.memory_space<hbm>>
      %dma_start3A_241 = tpu.memref_squeeze %dma_start3A_240 : memref<1x1x1024xf32, #tpu.memory_space<hbm>> -> memref<1024xf32, #tpu.memory_space<hbm>>
      tpu.enqueue_dma source(%dma_start3A_241 : memref<1024xf32, #tpu.memory_space<hbm>>) target(%dma_start3A_238 : memref<1024xf32, #tpu.memory_space<vmem>>) target_semaphore(%arg6 : memref<!tpu.dma_semaphore, #tpu.memory_space<semaphore_mem>>)
      %dma_start3A_242 = arith.constant 21 : i32
      %dma_start3A_243 = arith.constant 21504 : i32
      %dma_start3A_244 = tpu.memref_slice %arg4[%dma_start3A_243] : memref<32768xf32, #tpu.memory_space<vmem>> -> memref<1024xf32, #tpu.memory_space<vmem>>
      %dma_start3A_245 = arith.constant 0 : i32
      %dma_start3A_246 = tpu.memref_slice %arg2[%dma_start3A_242, %add3A_11, %dma_start3A_245] : memref<32x384x1024xf32, #tpu.memory_space<hbm>> -> memref<1x1x1024xf32, #tpu.memory_space<hbm>>
      %dma_start3A_247 = tpu.memref_squeeze %dma_start3A_246 : memref<1x1x1024xf32, #tpu.memory_space<hbm>> -> memref<1024xf32, #tpu.memory_space<hbm>>
      %dma_start3A_248 = arith.constant 21504 : i32
      %dma_start3A_249 = tpu.memref_slice %arg4[%dma_start3A_248] : memref<32768xf32, #tpu.memory_space<vmem>> -> memref<1024xf32, #tpu.memory_space<vmem>>
      %dma_start3A_250 = arith.constant 0 : i32
      %dma_start3A_251 = tpu.memref_slice %arg2[%dma_start3A_242, %add3A_11, %dma_start3A_250] : memref<32x384x1024xf32, #tpu.memory_space<hbm>> -> memref<1x1x1024xf32, #tpu.memory_space<hbm>>
      %dma_start3A_252 = tpu.memref_squeeze %dma_start3A_251 : memref<1x1x1024xf32, #tpu.memory_space<hbm>> -> memref<1024xf32, #tpu.memory_space<hbm>>
      tpu.enqueue_dma source(%dma_start3A_252 : memref<1024xf32, #tpu.memory_space<hbm>>) target(%dma_start3A_249 : memref<1024xf32, #tpu.memory_space<vmem>>) target_semaphore(%arg6 : memref<!tpu.dma_semaphore, #tpu.memory_space<semaphore_mem>>)
      %dma_start3A_253 = arith.constant 22 : i32
      %dma_start3A_254 = arith.constant 22528 : i32
      %dma_start3A_255 = tpu.memref_slice %arg4[%dma_start3A_254] : memref<32768xf32, #tpu.memory_space<vmem>> -> memref<1024xf32, #tpu.memory_space<vmem>>
      %dma_start3A_256 = arith.constant 0 : i32
      %dma_start3A_257 = tpu.memref_slice %arg2[%dma_start3A_253, %add3A_11, %dma_start3A_256] : memref<32x384x1024xf32, #tpu.memory_space<hbm>> -> memref<1x1x1024xf32, #tpu.memory_space<hbm>>
      %dma_start3A_258 = tpu.memref_squeeze %dma_start3A_257 : memref<1x1x1024xf32, #tpu.memory_space<hbm>> -> memref<1024xf32, #tpu.memory_space<hbm>>
      %dma_start3A_259 = arith.constant 22528 : i32
      %dma_start3A_260 = tpu.memref_slice %arg4[%dma_start3A_259] : memref<32768xf32, #tpu.memory_space<vmem>> -> memref<1024xf32, #tpu.memory_space<vmem>>
      %dma_start3A_261 = arith.constant 0 : i32
      %dma_start3A_262 = tpu.memref_slice %arg2[%dma_start3A_253, %add3A_11, %dma_start3A_261] : memref<32x384x1024xf32, #tpu.memory_space<hbm>> -> memref<1x1x1024xf32, #tpu.memory_space<hbm>>
      %dma_start3A_263 = tpu.memref_squeeze %dma_start3A_262 : memref<1x1x1024xf32, #tpu.memory_space<hbm>> -> memref<1024xf32, #tpu.memory_space<hbm>>
      tpu.enqueue_dma source(%dma_start3A_263 : memref<1024xf32, #tpu.memory_space<hbm>>) target(%dma_start3A_260 : memref<1024xf32, #tpu.memory_space<vmem>>) target_semaphore(%arg6 : memref<!tpu.dma_semaphore, #tpu.memory_space<semaphore_mem>>)
      %dma_start3A_264 = arith.constant 23 : i32
      %dma_start3A_265 = arith.constant 23552 : i32
      %dma_start3A_266 = tpu.memref_slice %arg4[%dma_start3A_265] : memref<32768xf32, #tpu.memory_space<vmem>> -> memref<1024xf32, #tpu.memory_space<vmem>>
      %dma_start3A_267 = arith.constant 0 : i32
      %dma_start3A_268 = tpu.memref_slice %arg2[%dma_start3A_264, %add3A_11, %dma_start3A_267] : memref<32x384x1024xf32, #tpu.memory_space<hbm>> -> memref<1x1x1024xf32, #tpu.memory_space<hbm>>
      %dma_start3A_269 = tpu.memref_squeeze %dma_start3A_268 : memref<1x1x1024xf32, #tpu.memory_space<hbm>> -> memref<1024xf32, #tpu.memory_space<hbm>>
      %dma_start3A_270 = arith.constant 23552 : i32
      %dma_start3A_271 = tpu.memref_slice %arg4[%dma_start3A_270] : memref<32768xf32, #tpu.memory_space<vmem>> -> memref<1024xf32, #tpu.memory_space<vmem>>
      %dma_start3A_272 = arith.constant 0 : i32
      %dma_start3A_273 = tpu.memref_slice %arg2[%dma_start3A_264, %add3A_11, %dma_start3A_272] : memref<32x384x1024xf32, #tpu.memory_space<hbm>> -> memref<1x1x1024xf32, #tpu.memory_space<hbm>>
      %dma_start3A_274 = tpu.memref_squeeze %dma_start3A_273 : memref<1x1x1024xf32, #tpu.memory_space<hbm>> -> memref<1024xf32, #tpu.memory_space<hbm>>
      tpu.enqueue_dma source(%dma_start3A_274 : memref<1024xf32, #tpu.memory_space<hbm>>) target(%dma_start3A_271 : memref<1024xf32, #tpu.memory_space<vmem>>) target_semaphore(%arg6 : memref<!tpu.dma_semaphore, #tpu.memory_space<semaphore_mem>>)
      %dma_start3A_275 = arith.constant 24 : i32
      %dma_start3A_276 = arith.constant 24576 : i32
      %dma_start3A_277 = tpu.memref_slice %arg4[%dma_start3A_276] : memref<32768xf32, #tpu.memory_space<vmem>> -> memref<1024xf32, #tpu.memory_space<vmem>>
      %dma_start3A_278 = arith.constant 0 : i32
      %dma_start3A_279 = tpu.memref_slice %arg2[%dma_start3A_275, %add3A_11, %dma_start3A_278] : memref<32x384x1024xf32, #tpu.memory_space<hbm>> -> memref<1x1x1024xf32, #tpu.memory_space<hbm>>
      %dma_start3A_280 = tpu.memref_squeeze %dma_start3A_279 : memref<1x1x1024xf32, #tpu.memory_space<hbm>> -> memref<1024xf32, #tpu.memory_space<hbm>>
      %dma_start3A_281 = arith.constant 24576 : i32
      %dma_start3A_282 = tpu.memref_slice %arg4[%dma_start3A_281] : memref<32768xf32, #tpu.memory_space<vmem>> -> memref<1024xf32, #tpu.memory_space<vmem>>
      %dma_start3A_283 = arith.constant 0 : i32
      %dma_start3A_284 = tpu.memref_slice %arg2[%dma_start3A_275, %add3A_11, %dma_start3A_283] : memref<32x384x1024xf32, #tpu.memory_space<hbm>> -> memref<1x1x1024xf32, #tpu.memory_space<hbm>>
      %dma_start3A_285 = tpu.memref_squeeze %dma_start3A_284 : memref<1x1x1024xf32, #tpu.memory_space<hbm>> -> memref<1024xf32, #tpu.memory_space<hbm>>
      tpu.enqueue_dma source(%dma_start3A_285 : memref<1024xf32, #tpu.memory_space<hbm>>) target(%dma_start3A_282 : memref<1024xf32, #tpu.memory_space<vmem>>) target_semaphore(%arg6 : memref<!tpu.dma_semaphore, #tpu.memory_space<semaphore_mem>>)
      %dma_start3A_286 = arith.constant 25 : i32
      %dma_start3A_287 = arith.constant 25600 : i32
      %dma_start3A_288 = tpu.memref_slice %arg4[%dma_start3A_287] : memref<32768xf32, #tpu.memory_space<vmem>> -> memref<1024xf32, #tpu.memory_space<vmem>>
      %dma_start3A_289 = arith.constant 0 : i32
      %dma_start3A_290 = tpu.memref_slice %arg2[%dma_start3A_286, %add3A_11, %dma_start3A_289] : memref<32x384x1024xf32, #tpu.memory_space<hbm>> -> memref<1x1x1024xf32, #tpu.memory_space<hbm>>
      %dma_start3A_291 = tpu.memref_squeeze %dma_start3A_290 : memref<1x1x1024xf32, #tpu.memory_space<hbm>> -> memref<1024xf32, #tpu.memory_space<hbm>>
      %dma_start3A_292 = arith.constant 25600 : i32
      %dma_start3A_293 = tpu.memref_slice %arg4[%dma_start3A_292] : memref<32768xf32, #tpu.memory_space<vmem>> -> memref<1024xf32, #tpu.memory_space<vmem>>
      %dma_start3A_294 = arith.constant 0 : i32
      %dma_start3A_295 = tpu.memref_slice %arg2[%dma_start3A_286, %add3A_11, %dma_start3A_294] : memref<32x384x1024xf32, #tpu.memory_space<hbm>> -> memref<1x1x1024xf32, #tpu.memory_space<hbm>>
      %dma_start3A_296 = tpu.memref_squeeze %dma_start3A_295 : memref<1x1x1024xf32, #tpu.memory_space<hbm>> -> memref<1024xf32, #tpu.memory_space<hbm>>
      tpu.enqueue_dma source(%dma_start3A_296 : memref<1024xf32, #tpu.memory_space<hbm>>) target(%dma_start3A_293 : memref<1024xf32, #tpu.memory_space<vmem>>) target_semaphore(%arg6 : memref<!tpu.dma_semaphore, #tpu.memory_space<semaphore_mem>>)
      %dma_start3A_297 = arith.constant 26 : i32
      %dma_start3A_298 = arith.constant 26624 : i32
      %dma_start3A_299 = tpu.memref_slice %arg4[%dma_start3A_298] : memref<32768xf32, #tpu.memory_space<vmem>> -> memref<1024xf32, #tpu.memory_space<vmem>>
      %dma_start3A_300 = arith.constant 0 : i32
      %dma_start3A_301 = tpu.memref_slice %arg2[%dma_start3A_297, %add3A_11, %dma_start3A_300] : memref<32x384x1024xf32, #tpu.memory_space<hbm>> -> memref<1x1x1024xf32, #tpu.memory_space<hbm>>
      %dma_start3A_302 = tpu.memref_squeeze %dma_start3A_301 : memref<1x1x1024xf32, #tpu.memory_space<hbm>> -> memref<1024xf32, #tpu.memory_space<hbm>>
      %dma_start3A_303 = arith.constant 26624 : i32
      %dma_start3A_304 = tpu.memref_slice %arg4[%dma_start3A_303] : memref<32768xf32, #tpu.memory_space<vmem>> -> memref<1024xf32, #tpu.memory_space<vmem>>
      %dma_start3A_305 = arith.constant 0 : i32
      %dma_start3A_306 = tpu.memref_slice %arg2[%dma_start3A_297, %add3A_11, %dma_start3A_305] : memref<32x384x1024xf32, #tpu.memory_space<hbm>> -> memref<1x1x1024xf32, #tpu.memory_space<hbm>>
      %dma_start3A_307 = tpu.memref_squeeze %dma_start3A_306 : memref<1x1x1024xf32, #tpu.memory_space<hbm>> -> memref<1024xf32, #tpu.memory_space<hbm>>
      tpu.enqueue_dma source(%dma_start3A_307 : memref<1024xf32, #tpu.memory_space<hbm>>) target(%dma_start3A_304 : memref<1024xf32, #tpu.memory_space<vmem>>) target_semaphore(%arg6 : memref<!tpu.dma_semaphore, #tpu.memory_space<semaphore_mem>>)
      %dma_start3A_308 = arith.constant 27 : i32
      %dma_start3A_309 = arith.constant 27648 : i32
      %dma_start3A_310 = tpu.memref_slice %arg4[%dma_start3A_309] : memref<32768xf32, #tpu.memory_space<vmem>> -> memref<1024xf32, #tpu.memory_space<vmem>>
      %dma_start3A_311 = arith.constant 0 : i32
      %dma_start3A_312 = tpu.memref_slice %arg2[%dma_start3A_308, %add3A_11, %dma_start3A_311] : memref<32x384x1024xf32, #tpu.memory_space<hbm>> -> memref<1x1x1024xf32, #tpu.memory_space<hbm>>
      %dma_start3A_313 = tpu.memref_squeeze %dma_start3A_312 : memref<1x1x1024xf32, #tpu.memory_space<hbm>> -> memref<1024xf32, #tpu.memory_space<hbm>>
      %dma_start3A_314 = arith.constant 27648 : i32
      %dma_start3A_315 = tpu.memref_slice %arg4[%dma_start3A_314] : memref<32768xf32, #tpu.memory_space<vmem>> -> memref<1024xf32, #tpu.memory_space<vmem>>
      %dma_start3A_316 = arith.constant 0 : i32
      %dma_start3A_317 = tpu.memref_slice %arg2[%dma_start3A_308, %add3A_11, %dma_start3A_316] : memref<32x384x1024xf32, #tpu.memory_space<hbm>> -> memref<1x1x1024xf32, #tpu.memory_space<hbm>>
      %dma_start3A_318 = tpu.memref_squeeze %dma_start3A_317 : memref<1x1x1024xf32, #tpu.memory_space<hbm>> -> memref<1024xf32, #tpu.memory_space<hbm>>
      tpu.enqueue_dma source(%dma_start3A_318 : memref<1024xf32, #tpu.memory_space<hbm>>) target(%dma_start3A_315 : memref<1024xf32, #tpu.memory_space<vmem>>) target_semaphore(%arg6 : memref<!tpu.dma_semaphore, #tpu.memory_space<semaphore_mem>>)
      %dma_start3A_319 = arith.constant 28 : i32
      %dma_start3A_320 = arith.constant 28672 : i32
      %dma_start3A_321 = tpu.memref_slice %arg4[%dma_start3A_320] : memref<32768xf32, #tpu.memory_space<vmem>> -> memref<1024xf32, #tpu.memory_space<vmem>>
      %dma_start3A_322 = arith.constant 0 : i32
      %dma_start3A_323 = tpu.memref_slice %arg2[%dma_start3A_319, %add3A_11, %dma_start3A_322] : memref<32x384x1024xf32, #tpu.memory_space<hbm>> -> memref<1x1x1024xf32, #tpu.memory_space<hbm>>
      %dma_start3A_324 = tpu.memref_squeeze %dma_start3A_323 : memref<1x1x1024xf32, #tpu.memory_space<hbm>> -> memref<1024xf32, #tpu.memory_space<hbm>>
      %dma_start3A_325 = arith.constant 28672 : i32
      %dma_start3A_326 = tpu.memref_slice %arg4[%dma_start3A_325] : memref<32768xf32, #tpu.memory_space<vmem>> -> memref<1024xf32, #tpu.memory_space<vmem>>
      %dma_start3A_327 = arith.constant 0 : i32
      %dma_start3A_328 = tpu.memref_slice %arg2[%dma_start3A_319, %add3A_11, %dma_start3A_327] : memref<32x384x1024xf32, #tpu.memory_space<hbm>> -> memref<1x1x1024xf32, #tpu.memory_space<hbm>>
      %dma_start3A_329 = tpu.memref_squeeze %dma_start3A_328 : memref<1x1x1024xf32, #tpu.memory_space<hbm>> -> memref<1024xf32, #tpu.memory_space<hbm>>
      tpu.enqueue_dma source(%dma_start3A_329 : memref<1024xf32, #tpu.memory_space<hbm>>) target(%dma_start3A_326 : memref<1024xf32, #tpu.memory_space<vmem>>) target_semaphore(%arg6 : memref<!tpu.dma_semaphore, #tpu.memory_space<semaphore_mem>>)
      %dma_start3A_330 = arith.constant 29 : i32
      %dma_start3A_331 = arith.constant 29696 : i32
      %dma_start3A_332 = tpu.memref_slice %arg4[%dma_start3A_331] : memref<32768xf32, #tpu.memory_space<vmem>> -> memref<1024xf32, #tpu.memory_space<vmem>>
      %dma_start3A_333 = arith.constant 0 : i32
      %dma_start3A_334 = tpu.memref_slice %arg2[%dma_start3A_330, %add3A_11, %dma_start3A_333] : memref<32x384x1024xf32, #tpu.memory_space<hbm>> -> memref<1x1x1024xf32, #tpu.memory_space<hbm>>
      %dma_start3A_335 = tpu.memref_squeeze %dma_start3A_334 : memref<1x1x1024xf32, #tpu.memory_space<hbm>> -> memref<1024xf32, #tpu.memory_space<hbm>>
      %dma_start3A_336 = arith.constant 29696 : i32
      %dma_start3A_337 = tpu.memref_slice %arg4[%dma_start3A_336] : memref<32768xf32, #tpu.memory_space<vmem>> -> memref<1024xf32, #tpu.memory_space<vmem>>
      %dma_start3A_338 = arith.constant 0 : i32
      %dma_start3A_339 = tpu.memref_slice %arg2[%dma_start3A_330, %add3A_11, %dma_start3A_338] : memref<32x384x1024xf32, #tpu.memory_space<hbm>> -> memref<1x1x1024xf32, #tpu.memory_space<hbm>>
      %dma_start3A_340 = tpu.memref_squeeze %dma_start3A_339 : memref<1x1x1024xf32, #tpu.memory_space<hbm>> -> memref<1024xf32, #tpu.memory_space<hbm>>
      tpu.enqueue_dma source(%dma_start3A_340 : memref<1024xf32, #tpu.memory_space<hbm>>) target(%dma_start3A_337 : memref<1024xf32, #tpu.memory_space<vmem>>) target_semaphore(%arg6 : memref<!tpu.dma_semaphore, #tpu.memory_space<semaphore_mem>>)
      %dma_start3A_341 = arith.constant 30 : i32
      %dma_start3A_342 = arith.constant 30720 : i32
      %dma_start3A_343 = tpu.memref_slice %arg4[%dma_start3A_342] : memref<32768xf32, #tpu.memory_space<vmem>> -> memref<1024xf32, #tpu.memory_space<vmem>>
      %dma_start3A_344 = arith.constant 0 : i32
      %dma_start3A_345 = tpu.memref_slice %arg2[%dma_start3A_341, %add3A_11, %dma_start3A_344] : memref<32x384x1024xf32, #tpu.memory_space<hbm>> -> memref<1x1x1024xf32, #tpu.memory_space<hbm>>
      %dma_start3A_346 = tpu.memref_squeeze %dma_start3A_345 : memref<1x1x1024xf32, #tpu.memory_space<hbm>> -> memref<1024xf32, #tpu.memory_space<hbm>>
      %dma_start3A_347 = arith.constant 30720 : i32
      %dma_start3A_348 = tpu.memref_slice %arg4[%dma_start3A_347] : memref<32768xf32, #tpu.memory_space<vmem>> -> memref<1024xf32, #tpu.memory_space<vmem>>
      %dma_start3A_349 = arith.constant 0 : i32
      %dma_start3A_350 = tpu.memref_slice %arg2[%dma_start3A_341, %add3A_11, %dma_start3A_349] : memref<32x384x1024xf32, #tpu.memory_space<hbm>> -> memref<1x1x1024xf32, #tpu.memory_space<hbm>>
      %dma_start3A_351 = tpu.memref_squeeze %dma_start3A_350 : memref<1x1x1024xf32, #tpu.memory_space<hbm>> -> memref<1024xf32, #tpu.memory_space<hbm>>
      tpu.enqueue_dma source(%dma_start3A_351 : memref<1024xf32, #tpu.memory_space<hbm>>) target(%dma_start3A_348 : memref<1024xf32, #tpu.memory_space<vmem>>) target_semaphore(%arg6 : memref<!tpu.dma_semaphore, #tpu.memory_space<semaphore_mem>>)
      %dma_start3A_352 = arith.constant 31 : i32
      %dma_start3A_353 = arith.constant 31744 : i32
      %dma_start3A_354 = tpu.memref_slice %arg4[%dma_start3A_353] : memref<32768xf32, #tpu.memory_space<vmem>> -> memref<1024xf32, #tpu.memory_space<vmem>>
      %dma_start3A_355 = arith.constant 0 : i32
      %dma_start3A_356 = tpu.memref_slice %arg2[%dma_start3A_352, %add3A_11, %dma_start3A_355] : memref<32x384x1024xf32, #tpu.memory_space<hbm>> -> memref<1x1x1024xf32, #tpu.memory_space<hbm>>
      %dma_start3A_357 = tpu.memref_squeeze %dma_start3A_356 : memref<1x1x1024xf32, #tpu.memory_space<hbm>> -> memref<1024xf32, #tpu.memory_space<hbm>>
      %dma_start3A_358 = arith.constant 31744 : i32
      %dma_start3A_359 = tpu.memref_slice %arg4[%dma_start3A_358] : memref<32768xf32, #tpu.memory_space<vmem>> -> memref<1024xf32, #tpu.memory_space<vmem>>
      %dma_start3A_360 = arith.constant 0 : i32
      %dma_start3A_361 = tpu.memref_slice %arg2[%dma_start3A_352, %add3A_11, %dma_start3A_360] : memref<32x384x1024xf32, #tpu.memory_space<hbm>> -> memref<1x1x1024xf32, #tpu.memory_space<hbm>>
      %dma_start3A_362 = tpu.memref_squeeze %dma_start3A_361 : memref<1x1x1024xf32, #tpu.memory_space<hbm>> -> memref<1024xf32, #tpu.memory_space<hbm>>
      tpu.enqueue_dma source(%dma_start3A_362 : memref<1024xf32, #tpu.memory_space<hbm>>) target(%dma_start3A_359 : memref<1024xf32, #tpu.memory_space<vmem>>) target_semaphore(%arg6 : memref<!tpu.dma_semaphore, #tpu.memory_space<semaphore_mem>>)
      %dma_wait3A = arith.constant 0 : i32
      %dma_wait3A_363 = arith.constant 0 : i32
      %dma_wait3A_364 = tpu.memref_slice %arg4[%dma_wait3A_363] : memref<32768xf32, #tpu.memory_space<vmem>> -> memref<1024xf32, #tpu.memory_space<vmem>>
      %dma_wait3A_365 = arith.constant 0 : i32
      %dma_wait3A_366 = tpu.memref_slice %arg2[%dma_wait3A, %add3A_11, %dma_wait3A_365] : memref<32x384x1024xf32, #tpu.memory_space<hbm>> -> memref<1x1x1024xf32, #tpu.memory_space<hbm>>
      %dma_wait3A_367 = tpu.memref_squeeze %dma_wait3A_366 : memref<1x1x1024xf32, #tpu.memory_space<hbm>> -> memref<1024xf32, #tpu.memory_space<hbm>>
      %dma_wait3A_368 = arith.constant 0 : i32
      %dma_wait3A_369 = tpu.memref_slice %arg4[%dma_wait3A_368] : memref<32768xf32, #tpu.memory_space<vmem>> -> memref<1024xf32, #tpu.memory_space<vmem>>
      %dma_wait3A_370 = arith.constant 0 : i32
      %dma_wait3A_371 = tpu.memref_slice %arg2[%dma_wait3A, %add3A_11, %dma_wait3A_370] : memref<32x384x1024xf32, #tpu.memory_space<hbm>> -> memref<1x1x1024xf32, #tpu.memory_space<hbm>>
      %dma_wait3A_372 = tpu.memref_squeeze %dma_wait3A_371 : memref<1x1x1024xf32, #tpu.memory_space<hbm>> -> memref<1024xf32, #tpu.memory_space<hbm>>
      tpu.wait_dma2 semaphore(%arg6 : memref<!tpu.dma_semaphore, #tpu.memory_space<semaphore_mem>>) src(%dma_wait3A_372 : memref<1024xf32, #tpu.memory_space<hbm>>) dst(%dma_wait3A_369 : memref<1024xf32, #tpu.memory_space<vmem>>)
      %dma_wait3A_373 = arith.constant 1 : i32
      %dma_wait3A_374 = arith.constant 1024 : i32
      %dma_wait3A_375 = tpu.memref_slice %arg4[%dma_wait3A_374] : memref<32768xf32, #tpu.memory_space<vmem>> -> memref<1024xf32, #tpu.memory_space<vmem>>
      %dma_wait3A_376 = arith.constant 0 : i32
      %dma_wait3A_377 = tpu.memref_slice %arg2[%dma_wait3A_373, %add3A_11, %dma_wait3A_376] : memref<32x384x1024xf32, #tpu.memory_space<hbm>> -> memref<1x1x1024xf32, #tpu.memory_space<hbm>>
      %dma_wait3A_378 = tpu.memref_squeeze %dma_wait3A_377 : memref<1x1x1024xf32, #tpu.memory_space<hbm>> -> memref<1024xf32, #tpu.memory_space<hbm>>
      %dma_wait3A_379 = arith.constant 1024 : i32
      %dma_wait3A_380 = tpu.memref_slice %arg4[%dma_wait3A_379] : memref<32768xf32, #tpu.memory_space<vmem>> -> memref<1024xf32, #tpu.memory_space<vmem>>
      %dma_wait3A_381 = arith.constant 0 : i32
      %dma_wait3A_382 = tpu.memref_slice %arg2[%dma_wait3A_373, %add3A_11, %dma_wait3A_381] : memref<32x384x1024xf32, #tpu.memory_space<hbm>> -> memref<1x1x1024xf32, #tpu.memory_space<hbm>>
      %dma_wait3A_383 = tpu.memref_squeeze %dma_wait3A_382 : memref<1x1x1024xf32, #tpu.memory_space<hbm>> -> memref<1024xf32, #tpu.memory_space<hbm>>
      tpu.wait_dma2 semaphore(%arg6 : memref<!tpu.dma_semaphore, #tpu.memory_space<semaphore_mem>>) src(%dma_wait3A_383 : memref<1024xf32, #tpu.memory_space<hbm>>) dst(%dma_wait3A_380 : memref<1024xf32, #tpu.memory_space<vmem>>)
      %dma_wait3A_384 = arith.constant 2 : i32
      %dma_wait3A_385 = arith.constant 2048 : i32
      %dma_wait3A_386 = tpu.memref_slice %arg4[%dma_wait3A_385] : memref<32768xf32, #tpu.memory_space<vmem>> -> memref<1024xf32, #tpu.memory_space<vmem>>
      %dma_wait3A_387 = arith.constant 0 : i32
      %dma_wait3A_388 = tpu.memref_slice %arg2[%dma_wait3A_384, %add3A_11, %dma_wait3A_387] : memref<32x384x1024xf32, #tpu.memory_space<hbm>> -> memref<1x1x1024xf32, #tpu.memory_space<hbm>>
      %dma_wait3A_389 = tpu.memref_squeeze %dma_wait3A_388 : memref<1x1x1024xf32, #tpu.memory_space<hbm>> -> memref<1024xf32, #tpu.memory_space<hbm>>
      %dma_wait3A_390 = arith.constant 2048 : i32
      %dma_wait3A_391 = tpu.memref_slice %arg4[%dma_wait3A_390] : memref<32768xf32, #tpu.memory_space<vmem>> -> memref<1024xf32, #tpu.memory_space<vmem>>
      %dma_wait3A_392 = arith.constant 0 : i32
      %dma_wait3A_393 = tpu.memref_slice %arg2[%dma_wait3A_384, %add3A_11, %dma_wait3A_392] : memref<32x384x1024xf32, #tpu.memory_space<hbm>> -> memref<1x1x1024xf32, #tpu.memory_space<hbm>>
      %dma_wait3A_394 = tpu.memref_squeeze %dma_wait3A_393 : memref<1x1x1024xf32, #tpu.memory_space<hbm>> -> memref<1024xf32, #tpu.memory_space<hbm>>
      tpu.wait_dma2 semaphore(%arg6 : memref<!tpu.dma_semaphore, #tpu.memory_space<semaphore_mem>>) src(%dma_wait3A_394 : memref<1024xf32, #tpu.memory_space<hbm>>) dst(%dma_wait3A_391 : memref<1024xf32, #tpu.memory_space<vmem>>)
      %dma_wait3A_395 = arith.constant 3 : i32
      %dma_wait3A_396 = arith.constant 3072 : i32
      %dma_wait3A_397 = tpu.memref_slice %arg4[%dma_wait3A_396] : memref<32768xf32, #tpu.memory_space<vmem>> -> memref<1024xf32, #tpu.memory_space<vmem>>
      %dma_wait3A_398 = arith.constant 0 : i32
      %dma_wait3A_399 = tpu.memref_slice %arg2[%dma_wait3A_395, %add3A_11, %dma_wait3A_398] : memref<32x384x1024xf32, #tpu.memory_space<hbm>> -> memref<1x1x1024xf32, #tpu.memory_space<hbm>>
      %dma_wait3A_400 = tpu.memref_squeeze %dma_wait3A_399 : memref<1x1x1024xf32, #tpu.memory_space<hbm>> -> memref<1024xf32, #tpu.memory_space<hbm>>
      %dma_wait3A_401 = arith.constant 3072 : i32
      %dma_wait3A_402 = tpu.memref_slice %arg4[%dma_wait3A_401] : memref<32768xf32, #tpu.memory_space<vmem>> -> memref<1024xf32, #tpu.memory_space<vmem>>
      %dma_wait3A_403 = arith.constant 0 : i32
      %dma_wait3A_404 = tpu.memref_slice %arg2[%dma_wait3A_395, %add3A_11, %dma_wait3A_403] : memref<32x384x1024xf32, #tpu.memory_space<hbm>> -> memref<1x1x1024xf32, #tpu.memory_space<hbm>>
      %dma_wait3A_405 = tpu.memref_squeeze %dma_wait3A_404 : memref<1x1x1024xf32, #tpu.memory_space<hbm>> -> memref<1024xf32, #tpu.memory_space<hbm>>
      tpu.wait_dma2 semaphore(%arg6 : memref<!tpu.dma_semaphore, #tpu.memory_space<semaphore_mem>>) src(%dma_wait3A_405 : memref<1024xf32, #tpu.memory_space<hbm>>) dst(%dma_wait3A_402 : memref<1024xf32, #tpu.memory_space<vmem>>)
      %dma_wait3A_406 = arith.constant 4 : i32
      %dma_wait3A_407 = arith.constant 4096 : i32
      %dma_wait3A_408 = tpu.memref_slice %arg4[%dma_wait3A_407] : memref<32768xf32, #tpu.memory_space<vmem>> -> memref<1024xf32, #tpu.memory_space<vmem>>
      %dma_wait3A_409 = arith.constant 0 : i32
      %dma_wait3A_410 = tpu.memref_slice %arg2[%dma_wait3A_406, %add3A_11, %dma_wait3A_409] : memref<32x384x1024xf32, #tpu.memory_space<hbm>> -> memref<1x1x1024xf32, #tpu.memory_space<hbm>>
      %dma_wait3A_411 = tpu.memref_squeeze %dma_wait3A_410 : memref<1x1x1024xf32, #tpu.memory_space<hbm>> -> memref<1024xf32, #tpu.memory_space<hbm>>
      %dma_wait3A_412 = arith.constant 4096 : i32
      %dma_wait3A_413 = tpu.memref_slice %arg4[%dma_wait3A_412] : memref<32768xf32, #tpu.memory_space<vmem>> -> memref<1024xf32, #tpu.memory_space<vmem>>
      %dma_wait3A_414 = arith.constant 0 : i32
      %dma_wait3A_415 = tpu.memref_slice %arg2[%dma_wait3A_406, %add3A_11, %dma_wait3A_414] : memref<32x384x1024xf32, #tpu.memory_space<hbm>> -> memref<1x1x1024xf32, #tpu.memory_space<hbm>>
      %dma_wait3A_416 = tpu.memref_squeeze %dma_wait3A_415 : memref<1x1x1024xf32, #tpu.memory_space<hbm>> -> memref<1024xf32, #tpu.memory_space<hbm>>
      tpu.wait_dma2 semaphore(%arg6 : memref<!tpu.dma_semaphore, #tpu.memory_space<semaphore_mem>>) src(%dma_wait3A_416 : memref<1024xf32, #tpu.memory_space<hbm>>) dst(%dma_wait3A_413 : memref<1024xf32, #tpu.memory_space<vmem>>)
      %dma_wait3A_417 = arith.constant 5 : i32
      %dma_wait3A_418 = arith.constant 5120 : i32
      %dma_wait3A_419 = tpu.memref_slice %arg4[%dma_wait3A_418] : memref<32768xf32, #tpu.memory_space<vmem>> -> memref<1024xf32, #tpu.memory_space<vmem>>
      %dma_wait3A_420 = arith.constant 0 : i32
      %dma_wait3A_421 = tpu.memref_slice %arg2[%dma_wait3A_417, %add3A_11, %dma_wait3A_420] : memref<32x384x1024xf32, #tpu.memory_space<hbm>> -> memref<1x1x1024xf32, #tpu.memory_space<hbm>>
      %dma_wait3A_422 = tpu.memref_squeeze %dma_wait3A_421 : memref<1x1x1024xf32, #tpu.memory_space<hbm>> -> memref<1024xf32, #tpu.memory_space<hbm>>
      %dma_wait3A_423 = arith.constant 5120 : i32
      %dma_wait3A_424 = tpu.memref_slice %arg4[%dma_wait3A_423] : memref<32768xf32, #tpu.memory_space<vmem>> -> memref<1024xf32, #tpu.memory_space<vmem>>
      %dma_wait3A_425 = arith.constant 0 : i32
      %dma_wait3A_426 = tpu.memref_slice %arg2[%dma_wait3A_417, %add3A_11, %dma_wait3A_425] : memref<32x384x1024xf32, #tpu.memory_space<hbm>> -> memref<1x1x1024xf32, #tpu.memory_space<hbm>>
      %dma_wait3A_427 = tpu.memref_squeeze %dma_wait3A_426 : memref<1x1x1024xf32, #tpu.memory_space<hbm>> -> memref<1024xf32, #tpu.memory_space<hbm>>
      tpu.wait_dma2 semaphore(%arg6 : memref<!tpu.dma_semaphore, #tpu.memory_space<semaphore_mem>>) src(%dma_wait3A_427 : memref<1024xf32, #tpu.memory_space<hbm>>) dst(%dma_wait3A_424 : memref<1024xf32, #tpu.memory_space<vmem>>)
      %dma_wait3A_428 = arith.constant 6 : i32
      %dma_wait3A_429 = arith.constant 6144 : i32
      %dma_wait3A_430 = tpu.memref_slice %arg4[%dma_wait3A_429] : memref<32768xf32, #tpu.memory_space<vmem>> -> memref<1024xf32, #tpu.memory_space<vmem>>
      %dma_wait3A_431 = arith.constant 0 : i32
      %dma_wait3A_432 = tpu.memref_slice %arg2[%dma_wait3A_428, %add3A_11, %dma_wait3A_431] : memref<32x384x1024xf32, #tpu.memory_space<hbm>> -> memref<1x1x1024xf32, #tpu.memory_space<hbm>>
      %dma_wait3A_433 = tpu.memref_squeeze %dma_wait3A_432 : memref<1x1x1024xf32, #tpu.memory_space<hbm>> -> memref<1024xf32, #tpu.memory_space<hbm>>
      %dma_wait3A_434 = arith.constant 6144 : i32
      %dma_wait3A_435 = tpu.memref_slice %arg4[%dma_wait3A_434] : memref<32768xf32, #tpu.memory_space<vmem>> -> memref<1024xf32, #tpu.memory_space<vmem>>
      %dma_wait3A_436 = arith.constant 0 : i32
      %dma_wait3A_437 = tpu.memref_slice %arg2[%dma_wait3A_428, %add3A_11, %dma_wait3A_436] : memref<32x384x1024xf32, #tpu.memory_space<hbm>> -> memref<1x1x1024xf32, #tpu.memory_space<hbm>>
      %dma_wait3A_438 = tpu.memref_squeeze %dma_wait3A_437 : memref<1x1x1024xf32, #tpu.memory_space<hbm>> -> memref<1024xf32, #tpu.memory_space<hbm>>
      tpu.wait_dma2 semaphore(%arg6 : memref<!tpu.dma_semaphore, #tpu.memory_space<semaphore_mem>>) src(%dma_wait3A_438 : memref<1024xf32, #tpu.memory_space<hbm>>) dst(%dma_wait3A_435 : memref<1024xf32, #tpu.memory_space<vmem>>)
      %dma_wait3A_439 = arith.constant 7 : i32
      %dma_wait3A_440 = arith.constant 7168 : i32
      %dma_wait3A_441 = tpu.memref_slice %arg4[%dma_wait3A_440] : memref<32768xf32, #tpu.memory_space<vmem>> -> memref<1024xf32, #tpu.memory_space<vmem>>
      %dma_wait3A_442 = arith.constant 0 : i32
      %dma_wait3A_443 = tpu.memref_slice %arg2[%dma_wait3A_439, %add3A_11, %dma_wait3A_442] : memref<32x384x1024xf32, #tpu.memory_space<hbm>> -> memref<1x1x1024xf32, #tpu.memory_space<hbm>>
      %dma_wait3A_444 = tpu.memref_squeeze %dma_wait3A_443 : memref<1x1x1024xf32, #tpu.memory_space<hbm>> -> memref<1024xf32, #tpu.memory_space<hbm>>
      %dma_wait3A_445 = arith.constant 7168 : i32
      %dma_wait3A_446 = tpu.memref_slice %arg4[%dma_wait3A_445] : memref<32768xf32, #tpu.memory_space<vmem>> -> memref<1024xf32, #tpu.memory_space<vmem>>
      %dma_wait3A_447 = arith.constant 0 : i32
      %dma_wait3A_448 = tpu.memref_slice %arg2[%dma_wait3A_439, %add3A_11, %dma_wait3A_447] : memref<32x384x1024xf32, #tpu.memory_space<hbm>> -> memref<1x1x1024xf32, #tpu.memory_space<hbm>>
      %dma_wait3A_449 = tpu.memref_squeeze %dma_wait3A_448 : memref<1x1x1024xf32, #tpu.memory_space<hbm>> -> memref<1024xf32, #tpu.memory_space<hbm>>
      tpu.wait_dma2 semaphore(%arg6 : memref<!tpu.dma_semaphore, #tpu.memory_space<semaphore_mem>>) src(%dma_wait3A_449 : memref<1024xf32, #tpu.memory_space<hbm>>) dst(%dma_wait3A_446 : memref<1024xf32, #tpu.memory_space<vmem>>)
      %dma_wait3A_450 = arith.constant 8 : i32
      %dma_wait3A_451 = arith.constant 8192 : i32
      %dma_wait3A_452 = tpu.memref_slice %arg4[%dma_wait3A_451] : memref<32768xf32, #tpu.memory_space<vmem>> -> memref<1024xf32, #tpu.memory_space<vmem>>
      %dma_wait3A_453 = arith.constant 0 : i32
      %dma_wait3A_454 = tpu.memref_slice %arg2[%dma_wait3A_450, %add3A_11, %dma_wait3A_453] : memref<32x384x1024xf32, #tpu.memory_space<hbm>> -> memref<1x1x1024xf32, #tpu.memory_space<hbm>>
      %dma_wait3A_455 = tpu.memref_squeeze %dma_wait3A_454 : memref<1x1x1024xf32, #tpu.memory_space<hbm>> -> memref<1024xf32, #tpu.memory_space<hbm>>
      %dma_wait3A_456 = arith.constant 8192 : i32
      %dma_wait3A_457 = tpu.memref_slice %arg4[%dma_wait3A_456] : memref<32768xf32, #tpu.memory_space<vmem>> -> memref<1024xf32, #tpu.memory_space<vmem>>
      %dma_wait3A_458 = arith.constant 0 : i32
      %dma_wait3A_459 = tpu.memref_slice %arg2[%dma_wait3A_450, %add3A_11, %dma_wait3A_458] : memref<32x384x1024xf32, #tpu.memory_space<hbm>> -> memref<1x1x1024xf32, #tpu.memory_space<hbm>>
      %dma_wait3A_460 = tpu.memref_squeeze %dma_wait3A_459 : memref<1x1x1024xf32, #tpu.memory_space<hbm>> -> memref<1024xf32, #tpu.memory_space<hbm>>
      tpu.wait_dma2 semaphore(%arg6 : memref<!tpu.dma_semaphore, #tpu.memory_space<semaphore_mem>>) src(%dma_wait3A_460 : memref<1024xf32, #tpu.memory_space<hbm>>) dst(%dma_wait3A_457 : memref<1024xf32, #tpu.memory_space<vmem>>)
      %dma_wait3A_461 = arith.constant 9 : i32
      %dma_wait3A_462 = arith.constant 9216 : i32
      %dma_wait3A_463 = tpu.memref_slice %arg4[%dma_wait3A_462] : memref<32768xf32, #tpu.memory_space<vmem>> -> memref<1024xf32, #tpu.memory_space<vmem>>
      %dma_wait3A_464 = arith.constant 0 : i32
      %dma_wait3A_465 = tpu.memref_slice %arg2[%dma_wait3A_461, %add3A_11, %dma_wait3A_464] : memref<32x384x1024xf32, #tpu.memory_space<hbm>> -> memref<1x1x1024xf32, #tpu.memory_space<hbm>>
      %dma_wait3A_466 = tpu.memref_squeeze %dma_wait3A_465 : memref<1x1x1024xf32, #tpu.memory_space<hbm>> -> memref<1024xf32, #tpu.memory_space<hbm>>
      %dma_wait3A_467 = arith.constant 9216 : i32
      %dma_wait3A_468 = tpu.memref_slice %arg4[%dma_wait3A_467] : memref<32768xf32, #tpu.memory_space<vmem>> -> memref<1024xf32, #tpu.memory_space<vmem>>
      %dma_wait3A_469 = arith.constant 0 : i32
      %dma_wait3A_470 = tpu.memref_slice %arg2[%dma_wait3A_461, %add3A_11, %dma_wait3A_469] : memref<32x384x1024xf32, #tpu.memory_space<hbm>> -> memref<1x1x1024xf32, #tpu.memory_space<hbm>>
      %dma_wait3A_471 = tpu.memref_squeeze %dma_wait3A_470 : memref<1x1x1024xf32, #tpu.memory_space<hbm>> -> memref<1024xf32, #tpu.memory_space<hbm>>
      tpu.wait_dma2 semaphore(%arg6 : memref<!tpu.dma_semaphore, #tpu.memory_space<semaphore_mem>>) src(%dma_wait3A_471 : memref<1024xf32, #tpu.memory_space<hbm>>) dst(%dma_wait3A_468 : memref<1024xf32, #tpu.memory_space<vmem>>)
      %dma_wait3A_472 = arith.constant 10 : i32
      %dma_wait3A_473 = arith.constant 10240 : i32
      %dma_wait3A_474 = tpu.memref_slice %arg4[%dma_wait3A_473] : memref<32768xf32, #tpu.memory_space<vmem>> -> memref<1024xf32, #tpu.memory_space<vmem>>
      %dma_wait3A_475 = arith.constant 0 : i32
      %dma_wait3A_476 = tpu.memref_slice %arg2[%dma_wait3A_472, %add3A_11, %dma_wait3A_475] : memref<32x384x1024xf32, #tpu.memory_space<hbm>> -> memref<1x1x1024xf32, #tpu.memory_space<hbm>>
      %dma_wait3A_477 = tpu.memref_squeeze %dma_wait3A_476 : memref<1x1x1024xf32, #tpu.memory_space<hbm>> -> memref<1024xf32, #tpu.memory_space<hbm>>
      %dma_wait3A_478 = arith.constant 10240 : i32
      %dma_wait3A_479 = tpu.memref_slice %arg4[%dma_wait3A_478] : memref<32768xf32, #tpu.memory_space<vmem>> -> memref<1024xf32, #tpu.memory_space<vmem>>
      %dma_wait3A_480 = arith.constant 0 : i32
      %dma_wait3A_481 = tpu.memref_slice %arg2[%dma_wait3A_472, %add3A_11, %dma_wait3A_480] : memref<32x384x1024xf32, #tpu.memory_space<hbm>> -> memref<1x1x1024xf32, #tpu.memory_space<hbm>>
      %dma_wait3A_482 = tpu.memref_squeeze %dma_wait3A_481 : memref<1x1x1024xf32, #tpu.memory_space<hbm>> -> memref<1024xf32, #tpu.memory_space<hbm>>
      tpu.wait_dma2 semaphore(%arg6 : memref<!tpu.dma_semaphore, #tpu.memory_space<semaphore_mem>>) src(%dma_wait3A_482 : memref<1024xf32, #tpu.memory_space<hbm>>) dst(%dma_wait3A_479 : memref<1024xf32, #tpu.memory_space<vmem>>)
      %dma_wait3A_483 = arith.constant 11 : i32
      %dma_wait3A_484 = arith.constant 11264 : i32
      %dma_wait3A_485 = tpu.memref_slice %arg4[%dma_wait3A_484] : memref<32768xf32, #tpu.memory_space<vmem>> -> memref<1024xf32, #tpu.memory_space<vmem>>
      %dma_wait3A_486 = arith.constant 0 : i32
      %dma_wait3A_487 = tpu.memref_slice %arg2[%dma_wait3A_483, %add3A_11, %dma_wait3A_486] : memref<32x384x1024xf32, #tpu.memory_space<hbm>> -> memref<1x1x1024xf32, #tpu.memory_space<hbm>>
      %dma_wait3A_488 = tpu.memref_squeeze %dma_wait3A_487 : memref<1x1x1024xf32, #tpu.memory_space<hbm>> -> memref<1024xf32, #tpu.memory_space<hbm>>
      %dma_wait3A_489 = arith.constant 11264 : i32
      %dma_wait3A_490 = tpu.memref_slice %arg4[%dma_wait3A_489] : memref<32768xf32, #tpu.memory_space<vmem>> -> memref<1024xf32, #tpu.memory_space<vmem>>
      %dma_wait3A_491 = arith.constant 0 : i32
      %dma_wait3A_492 = tpu.memref_slice %arg2[%dma_wait3A_483, %add3A_11, %dma_wait3A_491] : memref<32x384x1024xf32, #tpu.memory_space<hbm>> -> memref<1x1x1024xf32, #tpu.memory_space<hbm>>
      %dma_wait3A_493 = tpu.memref_squeeze %dma_wait3A_492 : memref<1x1x1024xf32, #tpu.memory_space<hbm>> -> memref<1024xf32, #tpu.memory_space<hbm>>
      tpu.wait_dma2 semaphore(%arg6 : memref<!tpu.dma_semaphore, #tpu.memory_space<semaphore_mem>>) src(%dma_wait3A_493 : memref<1024xf32, #tpu.memory_space<hbm>>) dst(%dma_wait3A_490 : memref<1024xf32, #tpu.memory_space<vmem>>)
      %dma_wait3A_494 = arith.constant 12 : i32
      %dma_wait3A_495 = arith.constant 12288 : i32
      %dma_wait3A_496 = tpu.memref_slice %arg4[%dma_wait3A_495] : memref<32768xf32, #tpu.memory_space<vmem>> -> memref<1024xf32, #tpu.memory_space<vmem>>
      %dma_wait3A_497 = arith.constant 0 : i32
      %dma_wait3A_498 = tpu.memref_slice %arg2[%dma_wait3A_494, %add3A_11, %dma_wait3A_497] : memref<32x384x1024xf32, #tpu.memory_space<hbm>> -> memref<1x1x1024xf32, #tpu.memory_space<hbm>>
      %dma_wait3A_499 = tpu.memref_squeeze %dma_wait3A_498 : memref<1x1x1024xf32, #tpu.memory_space<hbm>> -> memref<1024xf32, #tpu.memory_space<hbm>>
      %dma_wait3A_500 = arith.constant 12288 : i32
      %dma_wait3A_501 = tpu.memref_slice %arg4[%dma_wait3A_500] : memref<32768xf32, #tpu.memory_space<vmem>> -> memref<1024xf32, #tpu.memory_space<vmem>>
      %dma_wait3A_502 = arith.constant 0 : i32
      %dma_wait3A_503 = tpu.memref_slice %arg2[%dma_wait3A_494, %add3A_11, %dma_wait3A_502] : memref<32x384x1024xf32, #tpu.memory_space<hbm>> -> memref<1x1x1024xf32, #tpu.memory_space<hbm>>
      %dma_wait3A_504 = tpu.memref_squeeze %dma_wait3A_503 : memref<1x1x1024xf32, #tpu.memory_space<hbm>> -> memref<1024xf32, #tpu.memory_space<hbm>>
      tpu.wait_dma2 semaphore(%arg6 : memref<!tpu.dma_semaphore, #tpu.memory_space<semaphore_mem>>) src(%dma_wait3A_504 : memref<1024xf32, #tpu.memory_space<hbm>>) dst(%dma_wait3A_501 : memref<1024xf32, #tpu.memory_space<vmem>>)
      %dma_wait3A_505 = arith.constant 13 : i32
      %dma_wait3A_506 = arith.constant 13312 : i32
      %dma_wait3A_507 = tpu.memref_slice %arg4[%dma_wait3A_506] : memref<32768xf32, #tpu.memory_space<vmem>> -> memref<1024xf32, #tpu.memory_space<vmem>>
      %dma_wait3A_508 = arith.constant 0 : i32
      %dma_wait3A_509 = tpu.memref_slice %arg2[%dma_wait3A_505, %add3A_11, %dma_wait3A_508] : memref<32x384x1024xf32, #tpu.memory_space<hbm>> -> memref<1x1x1024xf32, #tpu.memory_space<hbm>>
      %dma_wait3A_510 = tpu.memref_squeeze %dma_wait3A_509 : memref<1x1x1024xf32, #tpu.memory_space<hbm>> -> memref<1024xf32, #tpu.memory_space<hbm>>
      %dma_wait3A_511 = arith.constant 13312 : i32
      %dma_wait3A_512 = tpu.memref_slice %arg4[%dma_wait3A_511] : memref<32768xf32, #tpu.memory_space<vmem>> -> memref<1024xf32, #tpu.memory_space<vmem>>
      %dma_wait3A_513 = arith.constant 0 : i32
      %dma_wait3A_514 = tpu.memref_slice %arg2[%dma_wait3A_505, %add3A_11, %dma_wait3A_513] : memref<32x384x1024xf32, #tpu.memory_space<hbm>> -> memref<1x1x1024xf32, #tpu.memory_space<hbm>>
      %dma_wait3A_515 = tpu.memref_squeeze %dma_wait3A_514 : memref<1x1x1024xf32, #tpu.memory_space<hbm>> -> memref<1024xf32, #tpu.memory_space<hbm>>
      tpu.wait_dma2 semaphore(%arg6 : memref<!tpu.dma_semaphore, #tpu.memory_space<semaphore_mem>>) src(%dma_wait3A_515 : memref<1024xf32, #tpu.memory_space<hbm>>) dst(%dma_wait3A_512 : memref<1024xf32, #tpu.memory_space<vmem>>)
      %dma_wait3A_516 = arith.constant 14 : i32
      %dma_wait3A_517 = arith.constant 14336 : i32
      %dma_wait3A_518 = tpu.memref_slice %arg4[%dma_wait3A_517] : memref<32768xf32, #tpu.memory_space<vmem>> -> memref<1024xf32, #tpu.memory_space<vmem>>
      %dma_wait3A_519 = arith.constant 0 : i32
      %dma_wait3A_520 = tpu.memref_slice %arg2[%dma_wait3A_516, %add3A_11, %dma_wait3A_519] : memref<32x384x1024xf32, #tpu.memory_space<hbm>> -> memref<1x1x1024xf32, #tpu.memory_space<hbm>>
      %dma_wait3A_521 = tpu.memref_squeeze %dma_wait3A_520 : memref<1x1x1024xf32, #tpu.memory_space<hbm>> -> memref<1024xf32, #tpu.memory_space<hbm>>
      %dma_wait3A_522 = arith.constant 14336 : i32
      %dma_wait3A_523 = tpu.memref_slice %arg4[%dma_wait3A_522] : memref<32768xf32, #tpu.memory_space<vmem>> -> memref<1024xf32, #tpu.memory_space<vmem>>
      %dma_wait3A_524 = arith.constant 0 : i32
      %dma_wait3A_525 = tpu.memref_slice %arg2[%dma_wait3A_516, %add3A_11, %dma_wait3A_524] : memref<32x384x1024xf32, #tpu.memory_space<hbm>> -> memref<1x1x1024xf32, #tpu.memory_space<hbm>>
      %dma_wait3A_526 = tpu.memref_squeeze %dma_wait3A_525 : memref<1x1x1024xf32, #tpu.memory_space<hbm>> -> memref<1024xf32, #tpu.memory_space<hbm>>
      tpu.wait_dma2 semaphore(%arg6 : memref<!tpu.dma_semaphore, #tpu.memory_space<semaphore_mem>>) src(%dma_wait3A_526 : memref<1024xf32, #tpu.memory_space<hbm>>) dst(%dma_wait3A_523 : memref<1024xf32, #tpu.memory_space<vmem>>)
      %dma_wait3A_527 = arith.constant 15 : i32
      %dma_wait3A_528 = arith.constant 15360 : i32
      %dma_wait3A_529 = tpu.memref_slice %arg4[%dma_wait3A_528] : memref<32768xf32, #tpu.memory_space<vmem>> -> memref<1024xf32, #tpu.memory_space<vmem>>
      %dma_wait3A_530 = arith.constant 0 : i32
      %dma_wait3A_531 = tpu.memref_slice %arg2[%dma_wait3A_527, %add3A_11, %dma_wait3A_530] : memref<32x384x1024xf32, #tpu.memory_space<hbm>> -> memref<1x1x1024xf32, #tpu.memory_space<hbm>>
      %dma_wait3A_532 = tpu.memref_squeeze %dma_wait3A_531 : memref<1x1x1024xf32, #tpu.memory_space<hbm>> -> memref<1024xf32, #tpu.memory_space<hbm>>
      %dma_wait3A_533 = arith.constant 15360 : i32
      %dma_wait3A_534 = tpu.memref_slice %arg4[%dma_wait3A_533] : memref<32768xf32, #tpu.memory_space<vmem>> -> memref<1024xf32, #tpu.memory_space<vmem>>
      %dma_wait3A_535 = arith.constant 0 : i32
      %dma_wait3A_536 = tpu.memref_slice %arg2[%dma_wait3A_527, %add3A_11, %dma_wait3A_535] : memref<32x384x1024xf32, #tpu.memory_space<hbm>> -> memref<1x1x1024xf32, #tpu.memory_space<hbm>>
      %dma_wait3A_537 = tpu.memref_squeeze %dma_wait3A_536 : memref<1x1x1024xf32, #tpu.memory_space<hbm>> -> memref<1024xf32, #tpu.memory_space<hbm>>
      tpu.wait_dma2 semaphore(%arg6 : memref<!tpu.dma_semaphore, #tpu.memory_space<semaphore_mem>>) src(%dma_wait3A_537 : memref<1024xf32, #tpu.memory_space<hbm>>) dst(%dma_wait3A_534 : memref<1024xf32, #tpu.memory_space<vmem>>)
      %dma_wait3A_538 = arith.constant 16 : i32
      %dma_wait3A_539 = arith.constant 16384 : i32
      %dma_wait3A_540 = tpu.memref_slice %arg4[%dma_wait3A_539] : memref<32768xf32, #tpu.memory_space<vmem>> -> memref<1024xf32, #tpu.memory_space<vmem>>
      %dma_wait3A_541 = arith.constant 0 : i32
      %dma_wait3A_542 = tpu.memref_slice %arg2[%dma_wait3A_538, %add3A_11, %dma_wait3A_541] : memref<32x384x1024xf32, #tpu.memory_space<hbm>> -> memref<1x1x1024xf32, #tpu.memory_space<hbm>>
      %dma_wait3A_543 = tpu.memref_squeeze %dma_wait3A_542 : memref<1x1x1024xf32, #tpu.memory_space<hbm>> -> memref<1024xf32, #tpu.memory_space<hbm>>
      %dma_wait3A_544 = arith.constant 16384 : i32
      %dma_wait3A_545 = tpu.memref_slice %arg4[%dma_wait3A_544] : memref<32768xf32, #tpu.memory_space<vmem>> -> memref<1024xf32, #tpu.memory_space<vmem>>
      %dma_wait3A_546 = arith.constant 0 : i32
      %dma_wait3A_547 = tpu.memref_slice %arg2[%dma_wait3A_538, %add3A_11, %dma_wait3A_546] : memref<32x384x1024xf32, #tpu.memory_space<hbm>> -> memref<1x1x1024xf32, #tpu.memory_space<hbm>>
      %dma_wait3A_548 = tpu.memref_squeeze %dma_wait3A_547 : memref<1x1x1024xf32, #tpu.memory_space<hbm>> -> memref<1024xf32, #tpu.memory_space<hbm>>
      tpu.wait_dma2 semaphore(%arg6 : memref<!tpu.dma_semaphore, #tpu.memory_space<semaphore_mem>>) src(%dma_wait3A_548 : memref<1024xf32, #tpu.memory_space<hbm>>) dst(%dma_wait3A_545 : memref<1024xf32, #tpu.memory_space<vmem>>)
      %dma_wait3A_549 = arith.constant 17 : i32
      %dma_wait3A_550 = arith.constant 17408 : i32
      %dma_wait3A_551 = tpu.memref_slice %arg4[%dma_wait3A_550] : memref<32768xf32, #tpu.memory_space<vmem>> -> memref<1024xf32, #tpu.memory_space<vmem>>
      %dma_wait3A_552 = arith.constant 0 : i32
      %dma_wait3A_553 = tpu.memref_slice %arg2[%dma_wait3A_549, %add3A_11, %dma_wait3A_552] : memref<32x384x1024xf32, #tpu.memory_space<hbm>> -> memref<1x1x1024xf32, #tpu.memory_space<hbm>>
      %dma_wait3A_554 = tpu.memref_squeeze %dma_wait3A_553 : memref<1x1x1024xf32, #tpu.memory_space<hbm>> -> memref<1024xf32, #tpu.memory_space<hbm>>
      %dma_wait3A_555 = arith.constant 17408 : i32
      %dma_wait3A_556 = tpu.memref_slice %arg4[%dma_wait3A_555] : memref<32768xf32, #tpu.memory_space<vmem>> -> memref<1024xf32, #tpu.memory_space<vmem>>
      %dma_wait3A_557 = arith.constant 0 : i32
      %dma_wait3A_558 = tpu.memref_slice %arg2[%dma_wait3A_549, %add3A_11, %dma_wait3A_557] : memref<32x384x1024xf32, #tpu.memory_space<hbm>> -> memref<1x1x1024xf32, #tpu.memory_space<hbm>>
      %dma_wait3A_559 = tpu.memref_squeeze %dma_wait3A_558 : memref<1x1x1024xf32, #tpu.memory_space<hbm>> -> memref<1024xf32, #tpu.memory_space<hbm>>
      tpu.wait_dma2 semaphore(%arg6 : memref<!tpu.dma_semaphore, #tpu.memory_space<semaphore_mem>>) src(%dma_wait3A_559 : memref<1024xf32, #tpu.memory_space<hbm>>) dst(%dma_wait3A_556 : memref<1024xf32, #tpu.memory_space<vmem>>)
      %dma_wait3A_560 = arith.constant 18 : i32
      %dma_wait3A_561 = arith.constant 18432 : i32
      %dma_wait3A_562 = tpu.memref_slice %arg4[%dma_wait3A_561] : memref<32768xf32, #tpu.memory_space<vmem>> -> memref<1024xf32, #tpu.memory_space<vmem>>
      %dma_wait3A_563 = arith.constant 0 : i32
      %dma_wait3A_564 = tpu.memref_slice %arg2[%dma_wait3A_560, %add3A_11, %dma_wait3A_563] : memref<32x384x1024xf32, #tpu.memory_space<hbm>> -> memref<1x1x1024xf32, #tpu.memory_space<hbm>>
      %dma_wait3A_565 = tpu.memref_squeeze %dma_wait3A_564 : memref<1x1x1024xf32, #tpu.memory_space<hbm>> -> memref<1024xf32, #tpu.memory_space<hbm>>
      %dma_wait3A_566 = arith.constant 18432 : i32
      %dma_wait3A_567 = tpu.memref_slice %arg4[%dma_wait3A_566] : memref<32768xf32, #tpu.memory_space<vmem>> -> memref<1024xf32, #tpu.memory_space<vmem>>
      %dma_wait3A_568 = arith.constant 0 : i32
      %dma_wait3A_569 = tpu.memref_slice %arg2[%dma_wait3A_560, %add3A_11, %dma_wait3A_568] : memref<32x384x1024xf32, #tpu.memory_space<hbm>> -> memref<1x1x1024xf32, #tpu.memory_space<hbm>>
      %dma_wait3A_570 = tpu.memref_squeeze %dma_wait3A_569 : memref<1x1x1024xf32, #tpu.memory_space<hbm>> -> memref<1024xf32, #tpu.memory_space<hbm>>
      tpu.wait_dma2 semaphore(%arg6 : memref<!tpu.dma_semaphore, #tpu.memory_space<semaphore_mem>>) src(%dma_wait3A_570 : memref<1024xf32, #tpu.memory_space<hbm>>) dst(%dma_wait3A_567 : memref<1024xf32, #tpu.memory_space<vmem>>)
      %dma_wait3A_571 = arith.constant 19 : i32
      %dma_wait3A_572 = arith.constant 19456 : i32
      %dma_wait3A_573 = tpu.memref_slice %arg4[%dma_wait3A_572] : memref<32768xf32, #tpu.memory_space<vmem>> -> memref<1024xf32, #tpu.memory_space<vmem>>
      %dma_wait3A_574 = arith.constant 0 : i32
      %dma_wait3A_575 = tpu.memref_slice %arg2[%dma_wait3A_571, %add3A_11, %dma_wait3A_574] : memref<32x384x1024xf32, #tpu.memory_space<hbm>> -> memref<1x1x1024xf32, #tpu.memory_space<hbm>>
      %dma_wait3A_576 = tpu.memref_squeeze %dma_wait3A_575 : memref<1x1x1024xf32, #tpu.memory_space<hbm>> -> memref<1024xf32, #tpu.memory_space<hbm>>
      %dma_wait3A_577 = arith.constant 19456 : i32
      %dma_wait3A_578 = tpu.memref_slice %arg4[%dma_wait3A_577] : memref<32768xf32, #tpu.memory_space<vmem>> -> memref<1024xf32, #tpu.memory_space<vmem>>
      %dma_wait3A_579 = arith.constant 0 : i32
      %dma_wait3A_580 = tpu.memref_slice %arg2[%dma_wait3A_571, %add3A_11, %dma_wait3A_579] : memref<32x384x1024xf32, #tpu.memory_space<hbm>> -> memref<1x1x1024xf32, #tpu.memory_space<hbm>>
      %dma_wait3A_581 = tpu.memref_squeeze %dma_wait3A_580 : memref<1x1x1024xf32, #tpu.memory_space<hbm>> -> memref<1024xf32, #tpu.memory_space<hbm>>
      tpu.wait_dma2 semaphore(%arg6 : memref<!tpu.dma_semaphore, #tpu.memory_space<semaphore_mem>>) src(%dma_wait3A_581 : memref<1024xf32, #tpu.memory_space<hbm>>) dst(%dma_wait3A_578 : memref<1024xf32, #tpu.memory_space<vmem>>)
      %dma_wait3A_582 = arith.constant 20 : i32
      %dma_wait3A_583 = arith.constant 20480 : i32
      %dma_wait3A_584 = tpu.memref_slice %arg4[%dma_wait3A_583] : memref<32768xf32, #tpu.memory_space<vmem>> -> memref<1024xf32, #tpu.memory_space<vmem>>
      %dma_wait3A_585 = arith.constant 0 : i32
      %dma_wait3A_586 = tpu.memref_slice %arg2[%dma_wait3A_582, %add3A_11, %dma_wait3A_585] : memref<32x384x1024xf32, #tpu.memory_space<hbm>> -> memref<1x1x1024xf32, #tpu.memory_space<hbm>>
      %dma_wait3A_587 = tpu.memref_squeeze %dma_wait3A_586 : memref<1x1x1024xf32, #tpu.memory_space<hbm>> -> memref<1024xf32, #tpu.memory_space<hbm>>
      %dma_wait3A_588 = arith.constant 20480 : i32
      %dma_wait3A_589 = tpu.memref_slice %arg4[%dma_wait3A_588] : memref<32768xf32, #tpu.memory_space<vmem>> -> memref<1024xf32, #tpu.memory_space<vmem>>
      %dma_wait3A_590 = arith.constant 0 : i32
      %dma_wait3A_591 = tpu.memref_slice %arg2[%dma_wait3A_582, %add3A_11, %dma_wait3A_590] : memref<32x384x1024xf32, #tpu.memory_space<hbm>> -> memref<1x1x1024xf32, #tpu.memory_space<hbm>>
      %dma_wait3A_592 = tpu.memref_squeeze %dma_wait3A_591 : memref<1x1x1024xf32, #tpu.memory_space<hbm>> -> memref<1024xf32, #tpu.memory_space<hbm>>
      tpu.wait_dma2 semaphore(%arg6 : memref<!tpu.dma_semaphore, #tpu.memory_space<semaphore_mem>>) src(%dma_wait3A_592 : memref<1024xf32, #tpu.memory_space<hbm>>) dst(%dma_wait3A_589 : memref<1024xf32, #tpu.memory_space<vmem>>)
      %dma_wait3A_593 = arith.constant 21 : i32
      %dma_wait3A_594 = arith.constant 21504 : i32
      %dma_wait3A_595 = tpu.memref_slice %arg4[%dma_wait3A_594] : memref<32768xf32, #tpu.memory_space<vmem>> -> memref<1024xf32, #tpu.memory_space<vmem>>
      %dma_wait3A_596 = arith.constant 0 : i32
      %dma_wait3A_597 = tpu.memref_slice %arg2[%dma_wait3A_593, %add3A_11, %dma_wait3A_596] : memref<32x384x1024xf32, #tpu.memory_space<hbm>> -> memref<1x1x1024xf32, #tpu.memory_space<hbm>>
      %dma_wait3A_598 = tpu.memref_squeeze %dma_wait3A_597 : memref<1x1x1024xf32, #tpu.memory_space<hbm>> -> memref<1024xf32, #tpu.memory_space<hbm>>
      %dma_wait3A_599 = arith.constant 21504 : i32
      %dma_wait3A_600 = tpu.memref_slice %arg4[%dma_wait3A_599] : memref<32768xf32, #tpu.memory_space<vmem>> -> memref<1024xf32, #tpu.memory_space<vmem>>
      %dma_wait3A_601 = arith.constant 0 : i32
      %dma_wait3A_602 = tpu.memref_slice %arg2[%dma_wait3A_593, %add3A_11, %dma_wait3A_601] : memref<32x384x1024xf32, #tpu.memory_space<hbm>> -> memref<1x1x1024xf32, #tpu.memory_space<hbm>>
      %dma_wait3A_603 = tpu.memref_squeeze %dma_wait3A_602 : memref<1x1x1024xf32, #tpu.memory_space<hbm>> -> memref<1024xf32, #tpu.memory_space<hbm>>
      tpu.wait_dma2 semaphore(%arg6 : memref<!tpu.dma_semaphore, #tpu.memory_space<semaphore_mem>>) src(%dma_wait3A_603 : memref<1024xf32, #tpu.memory_space<hbm>>) dst(%dma_wait3A_600 : memref<1024xf32, #tpu.memory_space<vmem>>)
      %dma_wait3A_604 = arith.constant 22 : i32
      %dma_wait3A_605 = arith.constant 22528 : i32
      %dma_wait3A_606 = tpu.memref_slice %arg4[%dma_wait3A_605] : memref<32768xf32, #tpu.memory_space<vmem>> -> memref<1024xf32, #tpu.memory_space<vmem>>
      %dma_wait3A_607 = arith.constant 0 : i32
      %dma_wait3A_608 = tpu.memref_slice %arg2[%dma_wait3A_604, %add3A_11, %dma_wait3A_607] : memref<32x384x1024xf32, #tpu.memory_space<hbm>> -> memref<1x1x1024xf32, #tpu.memory_space<hbm>>
      %dma_wait3A_609 = tpu.memref_squeeze %dma_wait3A_608 : memref<1x1x1024xf32, #tpu.memory_space<hbm>> -> memref<1024xf32, #tpu.memory_space<hbm>>
      %dma_wait3A_610 = arith.constant 22528 : i32
      %dma_wait3A_611 = tpu.memref_slice %arg4[%dma_wait3A_610] : memref<32768xf32, #tpu.memory_space<vmem>> -> memref<1024xf32, #tpu.memory_space<vmem>>
      %dma_wait3A_612 = arith.constant 0 : i32
      %dma_wait3A_613 = tpu.memref_slice %arg2[%dma_wait3A_604, %add3A_11, %dma_wait3A_612] : memref<32x384x1024xf32, #tpu.memory_space<hbm>> -> memref<1x1x1024xf32, #tpu.memory_space<hbm>>
      %dma_wait3A_614 = tpu.memref_squeeze %dma_wait3A_613 : memref<1x1x1024xf32, #tpu.memory_space<hbm>> -> memref<1024xf32, #tpu.memory_space<hbm>>
      tpu.wait_dma2 semaphore(%arg6 : memref<!tpu.dma_semaphore, #tpu.memory_space<semaphore_mem>>) src(%dma_wait3A_614 : memref<1024xf32, #tpu.memory_space<hbm>>) dst(%dma_wait3A_611 : memref<1024xf32, #tpu.memory_space<vmem>>)
      %dma_wait3A_615 = arith.constant 23 : i32
      %dma_wait3A_616 = arith.constant 23552 : i32
      %dma_wait3A_617 = tpu.memref_slice %arg4[%dma_wait3A_616] : memref<32768xf32, #tpu.memory_space<vmem>> -> memref<1024xf32, #tpu.memory_space<vmem>>
      %dma_wait3A_618 = arith.constant 0 : i32
      %dma_wait3A_619 = tpu.memref_slice %arg2[%dma_wait3A_615, %add3A_11, %dma_wait3A_618] : memref<32x384x1024xf32, #tpu.memory_space<hbm>> -> memref<1x1x1024xf32, #tpu.memory_space<hbm>>
      %dma_wait3A_620 = tpu.memref_squeeze %dma_wait3A_619 : memref<1x1x1024xf32, #tpu.memory_space<hbm>> -> memref<1024xf32, #tpu.memory_space<hbm>>
      %dma_wait3A_621 = arith.constant 23552 : i32
      %dma_wait3A_622 = tpu.memref_slice %arg4[%dma_wait3A_621] : memref<32768xf32, #tpu.memory_space<vmem>> -> memref<1024xf32, #tpu.memory_space<vmem>>
      %dma_wait3A_623 = arith.constant 0 : i32
      %dma_wait3A_624 = tpu.memref_slice %arg2[%dma_wait3A_615, %add3A_11, %dma_wait3A_623] : memref<32x384x1024xf32, #tpu.memory_space<hbm>> -> memref<1x1x1024xf32, #tpu.memory_space<hbm>>
      %dma_wait3A_625 = tpu.memref_squeeze %dma_wait3A_624 : memref<1x1x1024xf32, #tpu.memory_space<hbm>> -> memref<1024xf32, #tpu.memory_space<hbm>>
      tpu.wait_dma2 semaphore(%arg6 : memref<!tpu.dma_semaphore, #tpu.memory_space<semaphore_mem>>) src(%dma_wait3A_625 : memref<1024xf32, #tpu.memory_space<hbm>>) dst(%dma_wait3A_622 : memref<1024xf32, #tpu.memory_space<vmem>>)
      %dma_wait3A_626 = arith.constant 24 : i32
      %dma_wait3A_627 = arith.constant 24576 : i32
      %dma_wait3A_628 = tpu.memref_slice %arg4[%dma_wait3A_627] : memref<32768xf32, #tpu.memory_space<vmem>> -> memref<1024xf32, #tpu.memory_space<vmem>>
      %dma_wait3A_629 = arith.constant 0 : i32
      %dma_wait3A_630 = tpu.memref_slice %arg2[%dma_wait3A_626, %add3A_11, %dma_wait3A_629] : memref<32x384x1024xf32, #tpu.memory_space<hbm>> -> memref<1x1x1024xf32, #tpu.memory_space<hbm>>
      %dma_wait3A_631 = tpu.memref_squeeze %dma_wait3A_630 : memref<1x1x1024xf32, #tpu.memory_space<hbm>> -> memref<1024xf32, #tpu.memory_space<hbm>>
      %dma_wait3A_632 = arith.constant 24576 : i32
      %dma_wait3A_633 = tpu.memref_slice %arg4[%dma_wait3A_632] : memref<32768xf32, #tpu.memory_space<vmem>> -> memref<1024xf32, #tpu.memory_space<vmem>>
      %dma_wait3A_634 = arith.constant 0 : i32
      %dma_wait3A_635 = tpu.memref_slice %arg2[%dma_wait3A_626, %add3A_11, %dma_wait3A_634] : memref<32x384x1024xf32, #tpu.memory_space<hbm>> -> memref<1x1x1024xf32, #tpu.memory_space<hbm>>
      %dma_wait3A_636 = tpu.memref_squeeze %dma_wait3A_635 : memref<1x1x1024xf32, #tpu.memory_space<hbm>> -> memref<1024xf32, #tpu.memory_space<hbm>>
      tpu.wait_dma2 semaphore(%arg6 : memref<!tpu.dma_semaphore, #tpu.memory_space<semaphore_mem>>) src(%dma_wait3A_636 : memref<1024xf32, #tpu.memory_space<hbm>>) dst(%dma_wait3A_633 : memref<1024xf32, #tpu.memory_space<vmem>>)
      %dma_wait3A_637 = arith.constant 25 : i32
      %dma_wait3A_638 = arith.constant 25600 : i32
      %dma_wait3A_639 = tpu.memref_slice %arg4[%dma_wait3A_638] : memref<32768xf32, #tpu.memory_space<vmem>> -> memref<1024xf32, #tpu.memory_space<vmem>>
      %dma_wait3A_640 = arith.constant 0 : i32
      %dma_wait3A_641 = tpu.memref_slice %arg2[%dma_wait3A_637, %add3A_11, %dma_wait3A_640] : memref<32x384x1024xf32, #tpu.memory_space<hbm>> -> memref<1x1x1024xf32, #tpu.memory_space<hbm>>
      %dma_wait3A_642 = tpu.memref_squeeze %dma_wait3A_641 : memref<1x1x1024xf32, #tpu.memory_space<hbm>> -> memref<1024xf32, #tpu.memory_space<hbm>>
      %dma_wait3A_643 = arith.constant 25600 : i32
      %dma_wait3A_644 = tpu.memref_slice %arg4[%dma_wait3A_643] : memref<32768xf32, #tpu.memory_space<vmem>> -> memref<1024xf32, #tpu.memory_space<vmem>>
      %dma_wait3A_645 = arith.constant 0 : i32
      %dma_wait3A_646 = tpu.memref_slice %arg2[%dma_wait3A_637, %add3A_11, %dma_wait3A_645] : memref<32x384x1024xf32, #tpu.memory_space<hbm>> -> memref<1x1x1024xf32, #tpu.memory_space<hbm>>
      %dma_wait3A_647 = tpu.memref_squeeze %dma_wait3A_646 : memref<1x1x1024xf32, #tpu.memory_space<hbm>> -> memref<1024xf32, #tpu.memory_space<hbm>>
      tpu.wait_dma2 semaphore(%arg6 : memref<!tpu.dma_semaphore, #tpu.memory_space<semaphore_mem>>) src(%dma_wait3A_647 : memref<1024xf32, #tpu.memory_space<hbm>>) dst(%dma_wait3A_644 : memref<1024xf32, #tpu.memory_space<vmem>>)
      %dma_wait3A_648 = arith.constant 26 : i32
      %dma_wait3A_649 = arith.constant 26624 : i32
      %dma_wait3A_650 = tpu.memref_slice %arg4[%dma_wait3A_649] : memref<32768xf32, #tpu.memory_space<vmem>> -> memref<1024xf32, #tpu.memory_space<vmem>>
      %dma_wait3A_651 = arith.constant 0 : i32
      %dma_wait3A_652 = tpu.memref_slice %arg2[%dma_wait3A_648, %add3A_11, %dma_wait3A_651] : memref<32x384x1024xf32, #tpu.memory_space<hbm>> -> memref<1x1x1024xf32, #tpu.memory_space<hbm>>
      %dma_wait3A_653 = tpu.memref_squeeze %dma_wait3A_652 : memref<1x1x1024xf32, #tpu.memory_space<hbm>> -> memref<1024xf32, #tpu.memory_space<hbm>>
      %dma_wait3A_654 = arith.constant 26624 : i32
      %dma_wait3A_655 = tpu.memref_slice %arg4[%dma_wait3A_654] : memref<32768xf32, #tpu.memory_space<vmem>> -> memref<1024xf32, #tpu.memory_space<vmem>>
      %dma_wait3A_656 = arith.constant 0 : i32
      %dma_wait3A_657 = tpu.memref_slice %arg2[%dma_wait3A_648, %add3A_11, %dma_wait3A_656] : memref<32x384x1024xf32, #tpu.memory_space<hbm>> -> memref<1x1x1024xf32, #tpu.memory_space<hbm>>
      %dma_wait3A_658 = tpu.memref_squeeze %dma_wait3A_657 : memref<1x1x1024xf32, #tpu.memory_space<hbm>> -> memref<1024xf32, #tpu.memory_space<hbm>>
      tpu.wait_dma2 semaphore(%arg6 : memref<!tpu.dma_semaphore, #tpu.memory_space<semaphore_mem>>) src(%dma_wait3A_658 : memref<1024xf32, #tpu.memory_space<hbm>>) dst(%dma_wait3A_655 : memref<1024xf32, #tpu.memory_space<vmem>>)
      %dma_wait3A_659 = arith.constant 27 : i32
      %dma_wait3A_660 = arith.constant 27648 : i32
      %dma_wait3A_661 = tpu.memref_slice %arg4[%dma_wait3A_660] : memref<32768xf32, #tpu.memory_space<vmem>> -> memref<1024xf32, #tpu.memory_space<vmem>>
      %dma_wait3A_662 = arith.constant 0 : i32
      %dma_wait3A_663 = tpu.memref_slice %arg2[%dma_wait3A_659, %add3A_11, %dma_wait3A_662] : memref<32x384x1024xf32, #tpu.memory_space<hbm>> -> memref<1x1x1024xf32, #tpu.memory_space<hbm>>
      %dma_wait3A_664 = tpu.memref_squeeze %dma_wait3A_663 : memref<1x1x1024xf32, #tpu.memory_space<hbm>> -> memref<1024xf32, #tpu.memory_space<hbm>>
      %dma_wait3A_665 = arith.constant 27648 : i32
      %dma_wait3A_666 = tpu.memref_slice %arg4[%dma_wait3A_665] : memref<32768xf32, #tpu.memory_space<vmem>> -> memref<1024xf32, #tpu.memory_space<vmem>>
      %dma_wait3A_667 = arith.constant 0 : i32
      %dma_wait3A_668 = tpu.memref_slice %arg2[%dma_wait3A_659, %add3A_11, %dma_wait3A_667] : memref<32x384x1024xf32, #tpu.memory_space<hbm>> -> memref<1x1x1024xf32, #tpu.memory_space<hbm>>
      %dma_wait3A_669 = tpu.memref_squeeze %dma_wait3A_668 : memref<1x1x1024xf32, #tpu.memory_space<hbm>> -> memref<1024xf32, #tpu.memory_space<hbm>>
      tpu.wait_dma2 semaphore(%arg6 : memref<!tpu.dma_semaphore, #tpu.memory_space<semaphore_mem>>) src(%dma_wait3A_669 : memref<1024xf32, #tpu.memory_space<hbm>>) dst(%dma_wait3A_666 : memref<1024xf32, #tpu.memory_space<vmem>>)
      %dma_wait3A_670 = arith.constant 28 : i32
      %dma_wait3A_671 = arith.constant 28672 : i32
      %dma_wait3A_672 = tpu.memref_slice %arg4[%dma_wait3A_671] : memref<32768xf32, #tpu.memory_space<vmem>> -> memref<1024xf32, #tpu.memory_space<vmem>>
      %dma_wait3A_673 = arith.constant 0 : i32
      %dma_wait3A_674 = tpu.memref_slice %arg2[%dma_wait3A_670, %add3A_11, %dma_wait3A_673] : memref<32x384x1024xf32, #tpu.memory_space<hbm>> -> memref<1x1x1024xf32, #tpu.memory_space<hbm>>
      %dma_wait3A_675 = tpu.memref_squeeze %dma_wait3A_674 : memref<1x1x1024xf32, #tpu.memory_space<hbm>> -> memref<1024xf32, #tpu.memory_space<hbm>>
      %dma_wait3A_676 = arith.constant 28672 : i32
      %dma_wait3A_677 = tpu.memref_slice %arg4[%dma_wait3A_676] : memref<32768xf32, #tpu.memory_space<vmem>> -> memref<1024xf32, #tpu.memory_space<vmem>>
      %dma_wait3A_678 = arith.constant 0 : i32
      %dma_wait3A_679 = tpu.memref_slice %arg2[%dma_wait3A_670, %add3A_11, %dma_wait3A_678] : memref<32x384x1024xf32, #tpu.memory_space<hbm>> -> memref<1x1x1024xf32, #tpu.memory_space<hbm>>
      %dma_wait3A_680 = tpu.memref_squeeze %dma_wait3A_679 : memref<1x1x1024xf32, #tpu.memory_space<hbm>> -> memref<1024xf32, #tpu.memory_space<hbm>>
      tpu.wait_dma2 semaphore(%arg6 : memref<!tpu.dma_semaphore, #tpu.memory_space<semaphore_mem>>) src(%dma_wait3A_680 : memref<1024xf32, #tpu.memory_space<hbm>>) dst(%dma_wait3A_677 : memref<1024xf32, #tpu.memory_space<vmem>>)
      %dma_wait3A_681 = arith.constant 29 : i32
      %dma_wait3A_682 = arith.constant 29696 : i32
      %dma_wait3A_683 = tpu.memref_slice %arg4[%dma_wait3A_682] : memref<32768xf32, #tpu.memory_space<vmem>> -> memref<1024xf32, #tpu.memory_space<vmem>>
      %dma_wait3A_684 = arith.constant 0 : i32
      %dma_wait3A_685 = tpu.memref_slice %arg2[%dma_wait3A_681, %add3A_11, %dma_wait3A_684] : memref<32x384x1024xf32, #tpu.memory_space<hbm>> -> memref<1x1x1024xf32, #tpu.memory_space<hbm>>
      %dma_wait3A_686 = tpu.memref_squeeze %dma_wait3A_685 : memref<1x1x1024xf32, #tpu.memory_space<hbm>> -> memref<1024xf32, #tpu.memory_space<hbm>>
      %dma_wait3A_687 = arith.constant 29696 : i32
      %dma_wait3A_688 = tpu.memref_slice %arg4[%dma_wait3A_687] : memref<32768xf32, #tpu.memory_space<vmem>> -> memref<1024xf32, #tpu.memory_space<vmem>>
      %dma_wait3A_689 = arith.constant 0 : i32
      %dma_wait3A_690 = tpu.memref_slice %arg2[%dma_wait3A_681, %add3A_11, %dma_wait3A_689] : memref<32x384x1024xf32, #tpu.memory_space<hbm>> -> memref<1x1x1024xf32, #tpu.memory_space<hbm>>
      %dma_wait3A_691 = tpu.memref_squeeze %dma_wait3A_690 : memref<1x1x1024xf32, #tpu.memory_space<hbm>> -> memref<1024xf32, #tpu.memory_space<hbm>>
      tpu.wait_dma2 semaphore(%arg6 : memref<!tpu.dma_semaphore, #tpu.memory_space<semaphore_mem>>) src(%dma_wait3A_691 : memref<1024xf32, #tpu.memory_space<hbm>>) dst(%dma_wait3A_688 : memref<1024xf32, #tpu.memory_space<vmem>>)
      %dma_wait3A_692 = arith.constant 30 : i32
      %dma_wait3A_693 = arith.constant 30720 : i32
      %dma_wait3A_694 = tpu.memref_slice %arg4[%dma_wait3A_693] : memref<32768xf32, #tpu.memory_space<vmem>> -> memref<1024xf32, #tpu.memory_space<vmem>>
      %dma_wait3A_695 = arith.constant 0 : i32
      %dma_wait3A_696 = tpu.memref_slice %arg2[%dma_wait3A_692, %add3A_11, %dma_wait3A_695] : memref<32x384x1024xf32, #tpu.memory_space<hbm>> -> memref<1x1x1024xf32, #tpu.memory_space<hbm>>
      %dma_wait3A_697 = tpu.memref_squeeze %dma_wait3A_696 : memref<1x1x1024xf32, #tpu.memory_space<hbm>> -> memref<1024xf32, #tpu.memory_space<hbm>>
      %dma_wait3A_698 = arith.constant 30720 : i32
      %dma_wait3A_699 = tpu.memref_slice %arg4[%dma_wait3A_698] : memref<32768xf32, #tpu.memory_space<vmem>> -> memref<1024xf32, #tpu.memory_space<vmem>>
      %dma_wait3A_700 = arith.constant 0 : i32
      %dma_wait3A_701 = tpu.memref_slice %arg2[%dma_wait3A_692, %add3A_11, %dma_wait3A_700] : memref<32x384x1024xf32, #tpu.memory_space<hbm>> -> memref<1x1x1024xf32, #tpu.memory_space<hbm>>
      %dma_wait3A_702 = tpu.memref_squeeze %dma_wait3A_701 : memref<1x1x1024xf32, #tpu.memory_space<hbm>> -> memref<1024xf32, #tpu.memory_space<hbm>>
      tpu.wait_dma2 semaphore(%arg6 : memref<!tpu.dma_semaphore, #tpu.memory_space<semaphore_mem>>) src(%dma_wait3A_702 : memref<1024xf32, #tpu.memory_space<hbm>>) dst(%dma_wait3A_699 : memref<1024xf32, #tpu.memory_space<vmem>>)
      %dma_wait3A_703 = arith.constant 31 : i32
      %dma_wait3A_704 = arith.constant 31744 : i32
      %dma_wait3A_705 = tpu.memref_slice %arg4[%dma_wait3A_704] : memref<32768xf32, #tpu.memory_space<vmem>> -> memref<1024xf32, #tpu.memory_space<vmem>>
      %dma_wait3A_706 = arith.constant 0 : i32
      %dma_wait3A_707 = tpu.memref_slice %arg2[%dma_wait3A_703, %add3A_11, %dma_wait3A_706] : memref<32x384x1024xf32, #tpu.memory_space<hbm>> -> memref<1x1x1024xf32, #tpu.memory_space<hbm>>
      %dma_wait3A_708 = tpu.memref_squeeze %dma_wait3A_707 : memref<1x1x1024xf32, #tpu.memory_space<hbm>> -> memref<1024xf32, #tpu.memory_space<hbm>>
      %dma_wait3A_709 = arith.constant 31744 : i32
      %dma_wait3A_710 = tpu.memref_slice %arg4[%dma_wait3A_709] : memref<32768xf32, #tpu.memory_space<vmem>> -> memref<1024xf32, #tpu.memory_space<vmem>>
      %dma_wait3A_711 = arith.constant 0 : i32
      %dma_wait3A_712 = tpu.memref_slice %arg2[%dma_wait3A_703, %add3A_11, %dma_wait3A_711] : memref<32x384x1024xf32, #tpu.memory_space<hbm>> -> memref<1x1x1024xf32, #tpu.memory_space<hbm>>
      %dma_wait3A_713 = tpu.memref_squeeze %dma_wait3A_712 : memref<1x1x1024xf32, #tpu.memory_space<hbm>> -> memref<1024xf32, #tpu.memory_space<hbm>>
      tpu.wait_dma2 semaphore(%arg6 : memref<!tpu.dma_semaphore, #tpu.memory_space<semaphore_mem>>) src(%dma_wait3A_713 : memref<1024xf32, #tpu.memory_space<hbm>>) dst(%dma_wait3A_710 : memref<1024xf32, #tpu.memory_space<vmem>>)
      %scan3A_714 = arith.constant 0 : i32
      %scan3A_715 = arith.constant 0 : i32
      %scan3A_716 = arith.constant 256 : i32
      %scan3A_717 = arith.addi %scan3A_715, %scan3A_716 : i32
      %scan3A_718 = arith.constant 1 : i32
      scf.for %scan3A_1445 = %scan3A_715 to %scan3A_717 step %scan3A_718  : i32 {
        %mul3A_1446 = arith.constant 8 : i32
        %mul3A_1447 = arith.muli %scan3A_1445, %mul3A_1446 : i32
        %add3A_1448 = arith.constant 0 : i32
        %add3A_1449 = arith.addi %mul3A_1447, %add3A_1448 : i32
        %mul3A_1450 = arith.constant 16 : i32
        %mul3A_1451 = arith.muli %add3A_1449, %mul3A_1450 : i32
        %get3A = arith.index_cast %mul3A_1451 : i32 to index
        %get3A_1452 = tpu.vector_load %arg4[%get3A] {strides = array<i32>} : memref<32768xf32, #tpu.memory_space<vmem>>, vector<16xf32>,
        %get3A_1453 = vector.shape_cast %get3A_1452 : vector<16xf32> to vector<16xf32>
        %bitcast_convert_type3A = tpu.bitcast %get3A_1453 : vector<16xf32> -> vector<16xi32>
        %ge3A = arith.constant 0 : i32
        %ge3A_1454 = vector.broadcast %ge3A : i32 to vector<16xi32>
        %ge3A_1455 = arith.cmpi sge, %bitcast_convert_type3A, %ge3A_1454 : vector<16xi32>
        %broadcast_in_dim3A_1456 = arith.constant -2147483648 : i32
        %broadcast_in_dim3A_1457 = vector.broadcast %broadcast_in_dim3A_1456 : i32 to vector<16xi32>
        %sub3A = arith.subi %broadcast_in_dim3A_1457, %bitcast_convert_type3A : vector<16xi32>
        %select_n3A = arith.select %ge3A_1455, %bitcast_convert_type3A, %sub3A : vector<16xi1>, vector<16xi32>
        %swap3A = arith.index_cast %mul3A_1451 : i32 to index
        %swap3A_1458 = tpu.vector_load %arg5[%swap3A] {strides = array<i32>} : memref<32768xi32, #tpu.memory_space<vmem>>, vector<16xi32>,
        %swap3A_1459 = vector.shape_cast %swap3A_1458 : vector<16xi32> to vector<16xi32>
        %swap3A_1460 = vector.shape_cast %select_n3A : vector<16xi32> to vector<16xi32>
        tpu.vector_store %arg5[%swap3A], %swap3A_1460 {strides = array<i32>} : memref<32768xi32, #tpu.memory_space<vmem>>, vector<16xi32>,
        %mul3A_1461 = arith.constant 8 : i32
        %mul3A_1462 = arith.muli %scan3A_1445, %mul3A_1461 : i32
        %add3A_1463 = arith.constant 1 : i32
        %add3A_1464 = arith.addi %mul3A_1462, %add3A_1463 : i32
        %mul3A_1465 = arith.constant 16 : i32
        %mul3A_1466 = arith.muli %add3A_1464, %mul3A_1465 : i32
        %get3A_1467 = arith.index_cast %mul3A_1466 : i32 to index
        %get3A_1468 = tpu.vector_load %arg4[%get3A_1467] {strides = array<i32>} : memref<32768xf32, #tpu.memory_space<vmem>>, vector<16xf32>,
        %get3A_1469 = vector.shape_cast %get3A_1468 : vector<16xf32> to vector<16xf32>
        %bitcast_convert_type3A_1470 = tpu.bitcast %get3A_1469 : vector<16xf32> -> vector<16xi32>
        %ge3A_1471 = arith.constant 0 : i32
        %ge3A_1472 = vector.broadcast %ge3A_1471 : i32 to vector<16xi32>
        %ge3A_1473 = arith.cmpi sge, %bitcast_convert_type3A_1470, %ge3A_1472 : vector<16xi32>
        %broadcast_in_dim3A_1474 = arith.constant -2147483648 : i32
        %broadcast_in_dim3A_1475 = vector.broadcast %broadcast_in_dim3A_1474 : i32 to vector<16xi32>
        %sub3A_1476 = arith.subi %broadcast_in_dim3A_1475, %bitcast_convert_type3A_1470 : vector<16xi32>
        %select_n3A_1477 = arith.select %ge3A_1473, %bitcast_convert_type3A_1470, %sub3A_1476 : vector<16xi1>, vector<16xi32>
        %swap3A_1478 = arith.index_cast %mul3A_1466 : i32 to index
        %swap3A_1479 = tpu.vector_load %arg5[%swap3A_1478] {strides = array<i32>} : memref<32768xi32, #tpu.memory_space<vmem>>, vector<16xi32>,
        %swap3A_1480 = vector.shape_cast %swap3A_1479 : vector<16xi32> to vector<16xi32>
        %swap3A_1481 = vector.shape_cast %select_n3A_1477 : vector<16xi32> to vector<16xi32>
        tpu.vector_store %arg5[%swap3A_1478], %swap3A_1481 {strides = array<i32>} : memref<32768xi32, #tpu.memory_space<vmem>>, vector<16xi32>,
        %mul3A_1482 = arith.constant 8 : i32
        %mul3A_1483 = arith.muli %scan3A_1445, %mul3A_1482 : i32
        %add3A_1484 = arith.constant 2 : i32
        %add3A_1485 = arith.addi %mul3A_1483, %add3A_1484 : i32
        %mul3A_1486 = arith.constant 16 : i32
        %mul3A_1487 = arith.muli %add3A_1485, %mul3A_1486 : i32
        %get3A_1488 = arith.index_cast %mul3A_1487 : i32 to index
        %get3A_1489 = tpu.vector_load %arg4[%get3A_1488] {strides = array<i32>} : memref<32768xf32, #tpu.memory_space<vmem>>, vector<16xf32>,
        %get3A_1490 = vector.shape_cast %get3A_1489 : vector<16xf32> to vector<16xf32>
        %bitcast_convert_type3A_1491 = tpu.bitcast %get3A_1490 : vector<16xf32> -> vector<16xi32>
        %ge3A_1492 = arith.constant 0 : i32
        %ge3A_1493 = vector.broadcast %ge3A_1492 : i32 to vector<16xi32>
        %ge3A_1494 = arith.cmpi sge, %bitcast_convert_type3A_1491, %ge3A_1493 : vector<16xi32>
        %broadcast_in_dim3A_1495 = arith.constant -2147483648 : i32
        %broadcast_in_dim3A_1496 = vector.broadcast %broadcast_in_dim3A_1495 : i32 to vector<16xi32>
        %sub3A_1497 = arith.subi %broadcast_in_dim3A_1496, %bitcast_convert_type3A_1491 : vector<16xi32>
        %select_n3A_1498 = arith.select %ge3A_1494, %bitcast_convert_type3A_1491, %sub3A_1497 : vector<16xi1>, vector<16xi32>
        %swap3A_1499 = arith.index_cast %mul3A_1487 : i32 to index
        %swap3A_1500 = tpu.vector_load %arg5[%swap3A_1499] {strides = array<i32>} : memref<32768xi32, #tpu.memory_space<vmem>>, vector<16xi32>,
        %swap3A_1501 = vector.shape_cast %swap3A_1500 : vector<16xi32> to vector<16xi32>
        %swap3A_1502 = vector.shape_cast %select_n3A_1498 : vector<16xi32> to vector<16xi32>
        tpu.vector_store %arg5[%swap3A_1499], %swap3A_1502 {strides = array<i32>} : memref<32768xi32, #tpu.memory_space<vmem>>, vector<16xi32>,
        %mul3A_1503 = arith.constant 8 : i32
        %mul3A_1504 = arith.muli %scan3A_1445, %mul3A_1503 : i32
        %add3A_1505 = arith.constant 3 : i32
        %add3A_1506 = arith.addi %mul3A_1504, %add3A_1505 : i32
        %mul3A_1507 = arith.constant 16 : i32
        %mul3A_1508 = arith.muli %add3A_1506, %mul3A_1507 : i32
        %get3A_1509 = arith.index_cast %mul3A_1508 : i32 to index
        %get3A_1510 = tpu.vector_load %arg4[%get3A_1509] {strides = array<i32>} : memref<32768xf32, #tpu.memory_space<vmem>>, vector<16xf32>,
        %get3A_1511 = vector.shape_cast %get3A_1510 : vector<16xf32> to vector<16xf32>
        %bitcast_convert_type3A_1512 = tpu.bitcast %get3A_1511 : vector<16xf32> -> vector<16xi32>
        %ge3A_1513 = arith.constant 0 : i32
        %ge3A_1514 = vector.broadcast %ge3A_1513 : i32 to vector<16xi32>
        %ge3A_1515 = arith.cmpi sge, %bitcast_convert_type3A_1512, %ge3A_1514 : vector<16xi32>
        %broadcast_in_dim3A_1516 = arith.constant -2147483648 : i32
        %broadcast_in_dim3A_1517 = vector.broadcast %broadcast_in_dim3A_1516 : i32 to vector<16xi32>
        %sub3A_1518 = arith.subi %broadcast_in_dim3A_1517, %bitcast_convert_type3A_1512 : vector<16xi32>
        %select_n3A_1519 = arith.select %ge3A_1515, %bitcast_convert_type3A_1512, %sub3A_1518 : vector<16xi1>, vector<16xi32>
        %swap3A_1520 = arith.index_cast %mul3A_1508 : i32 to index
        %swap3A_1521 = tpu.vector_load %arg5[%swap3A_1520] {strides = array<i32>} : memref<32768xi32, #tpu.memory_space<vmem>>, vector<16xi32>,
        %swap3A_1522 = vector.shape_cast %swap3A_1521 : vector<16xi32> to vector<16xi32>
        %swap3A_1523 = vector.shape_cast %select_n3A_1519 : vector<16xi32> to vector<16xi32>
        tpu.vector_store %arg5[%swap3A_1520], %swap3A_1523 {strides = array<i32>} : memref<32768xi32, #tpu.memory_space<vmem>>, vector<16xi32>,
        %mul3A_1524 = arith.constant 8 : i32
        %mul3A_1525 = arith.muli %scan3A_1445, %mul3A_1524 : i32
        %add3A_1526 = arith.constant 4 : i32
        %add3A_1527 = arith.addi %mul3A_1525, %add3A_1526 : i32
        %mul3A_1528 = arith.constant 16 : i32
        %mul3A_1529 = arith.muli %add3A_1527, %mul3A_1528 : i32
        %get3A_1530 = arith.index_cast %mul3A_1529 : i32 to index
        %get3A_1531 = tpu.vector_load %arg4[%get3A_1530] {strides = array<i32>} : memref<32768xf32, #tpu.memory_space<vmem>>, vector<16xf32>,
        %get3A_1532 = vector.shape_cast %get3A_1531 : vector<16xf32> to vector<16xf32>
        %bitcast_convert_type3A_1533 = tpu.bitcast %get3A_1532 : vector<16xf32> -> vector<16xi32>
        %ge3A_1534 = arith.constant 0 : i32
        %ge3A_1535 = vector.broadcast %ge3A_1534 : i32 to vector<16xi32>
        %ge3A_1536 = arith.cmpi sge, %bitcast_convert_type3A_1533, %ge3A_1535 : vector<16xi32>
        %broadcast_in_dim3A_1537 = arith.constant -2147483648 : i32
        %broadcast_in_dim3A_1538 = vector.broadcast %broadcast_in_dim3A_1537 : i32 to vector<16xi32>
        %sub3A_1539 = arith.subi %broadcast_in_dim3A_1538, %bitcast_convert_type3A_1533 : vector<16xi32>
        %select_n3A_1540 = arith.select %ge3A_1536, %bitcast_convert_type3A_1533, %sub3A_1539 : vector<16xi1>, vector<16xi32>
        %swap3A_1541 = arith.index_cast %mul3A_1529 : i32 to index
        %swap3A_1542 = tpu.vector_load %arg5[%swap3A_1541] {strides = array<i32>} : memref<32768xi32, #tpu.memory_space<vmem>>, vector<16xi32>,
        %swap3A_1543 = vector.shape_cast %swap3A_1542 : vector<16xi32> to vector<16xi32>
        %swap3A_1544 = vector.shape_cast %select_n3A_1540 : vector<16xi32> to vector<16xi32>
        tpu.vector_store %arg5[%swap3A_1541], %swap3A_1544 {strides = array<i32>} : memref<32768xi32, #tpu.memory_space<vmem>>, vector<16xi32>,
        %mul3A_1545 = arith.constant 8 : i32
        %mul3A_1546 = arith.muli %scan3A_1445, %mul3A_1545 : i32
        %add3A_1547 = arith.constant 5 : i32
        %add3A_1548 = arith.addi %mul3A_1546, %add3A_1547 : i32
        %mul3A_1549 = arith.constant 16 : i32
        %mul3A_1550 = arith.muli %add3A_1548, %mul3A_1549 : i32
        %get3A_1551 = arith.index_cast %mul3A_1550 : i32 to index
        %get3A_1552 = tpu.vector_load %arg4[%get3A_1551] {strides = array<i32>} : memref<32768xf32, #tpu.memory_space<vmem>>, vector<16xf32>,
        %get3A_1553 = vector.shape_cast %get3A_1552 : vector<16xf32> to vector<16xf32>
        %bitcast_convert_type3A_1554 = tpu.bitcast %get3A_1553 : vector<16xf32> -> vector<16xi32>
        %ge3A_1555 = arith.constant 0 : i32
        %ge3A_1556 = vector.broadcast %ge3A_1555 : i32 to vector<16xi32>
        %ge3A_1557 = arith.cmpi sge, %bitcast_convert_type3A_1554, %ge3A_1556 : vector<16xi32>
        %broadcast_in_dim3A_1558 = arith.constant -2147483648 : i32
        %broadcast_in_dim3A_1559 = vector.broadcast %broadcast_in_dim3A_1558 : i32 to vector<16xi32>
        %sub3A_1560 = arith.subi %broadcast_in_dim3A_1559, %bitcast_convert_type3A_1554 : vector<16xi32>
        %select_n3A_1561 = arith.select %ge3A_1557, %bitcast_convert_type3A_1554, %sub3A_1560 : vector<16xi1>, vector<16xi32>
        %swap3A_1562 = arith.index_cast %mul3A_1550 : i32 to index
        %swap3A_1563 = tpu.vector_load %arg5[%swap3A_1562] {strides = array<i32>} : memref<32768xi32, #tpu.memory_space<vmem>>, vector<16xi32>,
        %swap3A_1564 = vector.shape_cast %swap3A_1563 : vector<16xi32> to vector<16xi32>
        %swap3A_1565 = vector.shape_cast %select_n3A_1561 : vector<16xi32> to vector<16xi32>
        tpu.vector_store %arg5[%swap3A_1562], %swap3A_1565 {strides = array<i32>} : memref<32768xi32, #tpu.memory_space<vmem>>, vector<16xi32>,
        %mul3A_1566 = arith.constant 8 : i32
        %mul3A_1567 = arith.muli %scan3A_1445, %mul3A_1566 : i32
        %add3A_1568 = arith.constant 6 : i32
        %add3A_1569 = arith.addi %mul3A_1567, %add3A_1568 : i32
        %mul3A_1570 = arith.constant 16 : i32
        %mul3A_1571 = arith.muli %add3A_1569, %mul3A_1570 : i32
        %get3A_1572 = arith.index_cast %mul3A_1571 : i32 to index
        %get3A_1573 = tpu.vector_load %arg4[%get3A_1572] {strides = array<i32>} : memref<32768xf32, #tpu.memory_space<vmem>>, vector<16xf32>,
        %get3A_1574 = vector.shape_cast %get3A_1573 : vector<16xf32> to vector<16xf32>
        %bitcast_convert_type3A_1575 = tpu.bitcast %get3A_1574 : vector<16xf32> -> vector<16xi32>
        %ge3A_1576 = arith.constant 0 : i32
        %ge3A_1577 = vector.broadcast %ge3A_1576 : i32 to vector<16xi32>
        %ge3A_1578 = arith.cmpi sge, %bitcast_convert_type3A_1575, %ge3A_1577 : vector<16xi32>
        %broadcast_in_dim3A_1579 = arith.constant -2147483648 : i32
        %broadcast_in_dim3A_1580 = vector.broadcast %broadcast_in_dim3A_1579 : i32 to vector<16xi32>
        %sub3A_1581 = arith.subi %broadcast_in_dim3A_1580, %bitcast_convert_type3A_1575 : vector<16xi32>
        %select_n3A_1582 = arith.select %ge3A_1578, %bitcast_convert_type3A_1575, %sub3A_1581 : vector<16xi1>, vector<16xi32>
        %swap3A_1583 = arith.index_cast %mul3A_1571 : i32 to index
        %swap3A_1584 = tpu.vector_load %arg5[%swap3A_1583] {strides = array<i32>} : memref<32768xi32, #tpu.memory_space<vmem>>, vector<16xi32>,
        %swap3A_1585 = vector.shape_cast %swap3A_1584 : vector<16xi32> to vector<16xi32>
        %swap3A_1586 = vector.shape_cast %select_n3A_1582 : vector<16xi32> to vector<16xi32>
        tpu.vector_store %arg5[%swap3A_1583], %swap3A_1586 {strides = array<i32>} : memref<32768xi32, #tpu.memory_space<vmem>>, vector<16xi32>,
        %mul3A_1587 = arith.constant 8 : i32
        %mul3A_1588 = arith.muli %scan3A_1445, %mul3A_1587 : i32
        %add3A_1589 = arith.constant 7 : i32
        %add3A_1590 = arith.addi %mul3A_1588, %add3A_1589 : i32
        %mul3A_1591 = arith.constant 16 : i32
        %mul3A_1592 = arith.muli %add3A_1590, %mul3A_1591 : i32
        %get3A_1593 = arith.index_cast %mul3A_1592 : i32 to index
        %get3A_1594 = tpu.vector_load %arg4[%get3A_1593] {strides = array<i32>} : memref<32768xf32, #tpu.memory_space<vmem>>, vector<16xf32>,
        %get3A_1595 = vector.shape_cast %get3A_1594 : vector<16xf32> to vector<16xf32>
        %bitcast_convert_type3A_1596 = tpu.bitcast %get3A_1595 : vector<16xf32> -> vector<16xi32>
        %ge3A_1597 = arith.constant 0 : i32
        %ge3A_1598 = vector.broadcast %ge3A_1597 : i32 to vector<16xi32>
        %ge3A_1599 = arith.cmpi sge, %bitcast_convert_type3A_1596, %ge3A_1598 : vector<16xi32>
        %broadcast_in_dim3A_1600 = arith.constant -2147483648 : i32
        %broadcast_in_dim3A_1601 = vector.broadcast %broadcast_in_dim3A_1600 : i32 to vector<16xi32>
        %sub3A_1602 = arith.subi %broadcast_in_dim3A_1601, %bitcast_convert_type3A_1596 : vector<16xi32>
        %select_n3A_1603 = arith.select %ge3A_1599, %bitcast_convert_type3A_1596, %sub3A_1602 : vector<16xi1>, vector<16xi32>
        %swap3A_1604 = arith.index_cast %mul3A_1592 : i32 to index
        %swap3A_1605 = tpu.vector_load %arg5[%swap3A_1604] {strides = array<i32>} : memref<32768xi32, #tpu.memory_space<vmem>>, vector<16xi32>,
        %swap3A_1606 = vector.shape_cast %swap3A_1605 : vector<16xi32> to vector<16xi32>
        %swap3A_1607 = vector.shape_cast %select_n3A_1603 : vector<16xi32> to vector<16xi32>
        tpu.vector_store %arg5[%swap3A_1604], %swap3A_1607 {strides = array<i32>} : memref<32768xi32, #tpu.memory_space<vmem>>, vector<16xi32>,
      }
      %scan3A_719 = arith.constant 256 : i32
      %scan3A_720 = arith.constant 0 : i32
      %scan3A_721 = arith.constant 0 : i32
      %scan3A_722 = arith.constant 32 : i32
      %scan3A_723 = arith.addi %scan3A_721, %scan3A_722 : i32
      %scan3A_724 = arith.constant 1 : i32
      %scan3A_725 = scf.for %scan3A_1445 = %scan3A_721 to %scan3A_723 step %scan3A_724 iter_args(%scan3A_1446 = %scan3A_720) -> (i32)  : i32 {
        %mul3A_1447 = arith.constant 64 : i32
        %mul3A_1448 = arith.muli %scan3A_1445, %mul3A_1447 : i32
        %broadcast_in_dim3A_1449 = arith.constant -2147483648 : i32
        %broadcast_in_dim3A_1450 = vector.broadcast %broadcast_in_dim3A_1449 : i32 to vector<16xi32>
        %scan3A_1451 = arith.constant 0 : i32
        %scan3A_1452 = arith.constant 32 : i32
        %scan3A_1453 = arith.addi %scan3A_1451, %scan3A_1452 : i32
        %scan3A_1454 = arith.constant 1 : i32
        %scan3A_1455 = scf.for %scan3A_1464 = %scan3A_1451 to %scan3A_1453 step %scan3A_1454 iter_args(%scan3A_1465 = %broadcast_in_dim3A_1450) -> (vector<16xi32>)  : i32 {
          %sub3A = arith.constant 31 : i32
          %sub3A_1466 = arith.subi %sub3A, %scan3A_1464 : i32
          %broadcast_in_dim3A_1467 = vector.broadcast %sub3A_1466 : i32 to vector<16xi32>
          %broadcast_in_dim3A_1468 = arith.constant 1 : i32
          %broadcast_in_dim3A_1469 = vector.broadcast %broadcast_in_dim3A_1468 : i32 to vector<16xi32>
          %shift_left3A = arith.shli %broadcast_in_dim3A_1469, %broadcast_in_dim3A_1467 : vector<16xi32>
          %add3A_1470 = arith.addi %scan3A_1465, %shift_left3A : vector<16xi32>
          %broadcast_in_dim3A_1471 = arith.constant 0 : i32
          %broadcast_in_dim3A_1472 = vector.broadcast %broadcast_in_dim3A_1471 : i32 to vector<16xi32>
          %scan3A_1473 = arith.constant 0 : i32
          %scan3A_1474 = arith.constant 8 : i32
          %scan3A_1475 = arith.addi %scan3A_1473, %scan3A_1474 : i32
          %scan3A_1476 = arith.constant 1 : i32
          %scan3A_1477 = scf.for %scan3A_1525 = %scan3A_1473 to %scan3A_1475 step %scan3A_1476 iter_args(%scan3A_1526 = %broadcast_in_dim3A_1472) -> (vector<16xi32>)  : i32 {
            %mul3A_1527 = arith.constant 8 : i32
            %mul3A_1528 = arith.muli %scan3A_1525, %mul3A_1527 : i32
            %add3A_1529 = arith.constant 0 : i32
            %add3A_1530 = arith.addi %mul3A_1528, %add3A_1529 : i32
            %add3A_1531 = arith.addi %mul3A_1448, %add3A_1530 : i32
            %mul3A_1532 = arith.constant 16 : i32
            %mul3A_1533 = arith.muli %add3A_1531, %mul3A_1532 : i32
            %get3A = arith.index_cast %mul3A_1533 : i32 to index
            %get3A_1534 = tpu.vector_load %arg5[%get3A] {strides = array<i32>} : memref<32768xi32, #tpu.memory_space<vmem>>, vector<16xi32>,
            %get3A_1535 = vector.shape_cast %get3A_1534 : vector<16xi32> to vector<16xi32>
            %ge3A_1536 = arith.cmpi sge, %get3A_1535, %add3A_1470 : vector<16xi32>
            %broadcast_in_dim3A_1537 = arith.constant 1 : i32
            %broadcast_in_dim3A_1538 = vector.broadcast %broadcast_in_dim3A_1537 : i32 to vector<16xi32>
            %broadcast_in_dim3A_1539 = arith.constant 0 : i32
            %broadcast_in_dim3A_1540 = vector.broadcast %broadcast_in_dim3A_1539 : i32 to vector<16xi32>
            %select_n3A_1541 = arith.select %ge3A_1536, %broadcast_in_dim3A_1538, %broadcast_in_dim3A_1540 : vector<16xi1>, vector<16xi32>
            %add3A_1542 = arith.addi %scan3A_1526, %select_n3A_1541 : vector<16xi32>
            %mul3A_1543 = arith.constant 8 : i32
            %mul3A_1544 = arith.muli %scan3A_1525, %mul3A_1543 : i32
            %add3A_1545 = arith.constant 1 : i32
            %add3A_1546 = arith.addi %mul3A_1544, %add3A_1545 : i32
            %add3A_1547 = arith.addi %mul3A_1448, %add3A_1546 : i32
            %mul3A_1548 = arith.constant 16 : i32
            %mul3A_1549 = arith.muli %add3A_1547, %mul3A_1548 : i32
            %get3A_1550 = arith.index_cast %mul3A_1549 : i32 to index
            %get3A_1551 = tpu.vector_load %arg5[%get3A_1550] {strides = array<i32>} : memref<32768xi32, #tpu.memory_space<vmem>>, vector<16xi32>,
            %get3A_1552 = vector.shape_cast %get3A_1551 : vector<16xi32> to vector<16xi32>
            %ge3A_1553 = arith.cmpi sge, %get3A_1552, %add3A_1470 : vector<16xi32>
            %broadcast_in_dim3A_1554 = arith.constant 1 : i32
            %broadcast_in_dim3A_1555 = vector.broadcast %broadcast_in_dim3A_1554 : i32 to vector<16xi32>
            %broadcast_in_dim3A_1556 = arith.constant 0 : i32
            %broadcast_in_dim3A_1557 = vector.broadcast %broadcast_in_dim3A_1556 : i32 to vector<16xi32>
            %select_n3A_1558 = arith.select %ge3A_1553, %broadcast_in_dim3A_1555, %broadcast_in_dim3A_1557 : vector<16xi1>, vector<16xi32>
            %add3A_1559 = arith.addi %add3A_1542, %select_n3A_1558 : vector<16xi32>
            %mul3A_1560 = arith.constant 8 : i32
            %mul3A_1561 = arith.muli %scan3A_1525, %mul3A_1560 : i32
            %add3A_1562 = arith.constant 2 : i32
            %add3A_1563 = arith.addi %mul3A_1561, %add3A_1562 : i32
            %add3A_1564 = arith.addi %mul3A_1448, %add3A_1563 : i32
            %mul3A_1565 = arith.constant 16 : i32
            %mul3A_1566 = arith.muli %add3A_1564, %mul3A_1565 : i32
            %get3A_1567 = arith.index_cast %mul3A_1566 : i32 to index
            %get3A_1568 = tpu.vector_load %arg5[%get3A_1567] {strides = array<i32>} : memref<32768xi32, #tpu.memory_space<vmem>>, vector<16xi32>,
            %get3A_1569 = vector.shape_cast %get3A_1568 : vector<16xi32> to vector<16xi32>
            %ge3A_1570 = arith.cmpi sge, %get3A_1569, %add3A_1470 : vector<16xi32>
            %broadcast_in_dim3A_1571 = arith.constant 1 : i32
            %broadcast_in_dim3A_1572 = vector.broadcast %broadcast_in_dim3A_1571 : i32 to vector<16xi32>
            %broadcast_in_dim3A_1573 = arith.constant 0 : i32
            %broadcast_in_dim3A_1574 = vector.broadcast %broadcast_in_dim3A_1573 : i32 to vector<16xi32>
            %select_n3A_1575 = arith.select %ge3A_1570, %broadcast_in_dim3A_1572, %broadcast_in_dim3A_1574 : vector<16xi1>, vector<16xi32>
            %add3A_1576 = arith.addi %add3A_1559, %select_n3A_1575 : vector<16xi32>
            %mul3A_1577 = arith.constant 8 : i32
            %mul3A_1578 = arith.muli %scan3A_1525, %mul3A_1577 : i32
            %add3A_1579 = arith.constant 3 : i32
            %add3A_1580 = arith.addi %mul3A_1578, %add3A_1579 : i32
            %add3A_1581 = arith.addi %mul3A_1448, %add3A_1580 : i32
            %mul3A_1582 = arith.constant 16 : i32
            %mul3A_1583 = arith.muli %add3A_1581, %mul3A_1582 : i32
            %get3A_1584 = arith.index_cast %mul3A_1583 : i32 to index
            %get3A_1585 = tpu.vector_load %arg5[%get3A_1584] {strides = array<i32>} : memref<32768xi32, #tpu.memory_space<vmem>>, vector<16xi32>,
            %get3A_1586 = vector.shape_cast %get3A_1585 : vector<16xi32> to vector<16xi32>
            %ge3A_1587 = arith.cmpi sge, %get3A_1586, %add3A_1470 : vector<16xi32>
            %broadcast_in_dim3A_1588 = arith.constant 1 : i32
            %broadcast_in_dim3A_1589 = vector.broadcast %broadcast_in_dim3A_1588 : i32 to vector<16xi32>
            %broadcast_in_dim3A_1590 = arith.constant 0 : i32
            %broadcast_in_dim3A_1591 = vector.broadcast %broadcast_in_dim3A_1590 : i32 to vector<16xi32>
            %select_n3A_1592 = arith.select %ge3A_1587, %broadcast_in_dim3A_1589, %broadcast_in_dim3A_1591 : vector<16xi1>, vector<16xi32>
            %add3A_1593 = arith.addi %add3A_1576, %select_n3A_1592 : vector<16xi32>
            %mul3A_1594 = arith.constant 8 : i32
            %mul3A_1595 = arith.muli %scan3A_1525, %mul3A_1594 : i32
            %add3A_1596 = arith.constant 4 : i32
            %add3A_1597 = arith.addi %mul3A_1595, %add3A_1596 : i32
            %add3A_1598 = arith.addi %mul3A_1448, %add3A_1597 : i32
            %mul3A_1599 = arith.constant 16 : i32
            %mul3A_1600 = arith.muli %add3A_1598, %mul3A_1599 : i32
            %get3A_1601 = arith.index_cast %mul3A_1600 : i32 to index
            %get3A_1602 = tpu.vector_load %arg5[%get3A_1601] {strides = array<i32>} : memref<32768xi32, #tpu.memory_space<vmem>>, vector<16xi32>,
            %get3A_1603 = vector.shape_cast %get3A_1602 : vector<16xi32> to vector<16xi32>
            %ge3A_1604 = arith.cmpi sge, %get3A_1603, %add3A_1470 : vector<16xi32>
            %broadcast_in_dim3A_1605 = arith.constant 1 : i32
            %broadcast_in_dim3A_1606 = vector.broadcast %broadcast_in_dim3A_1605 : i32 to vector<16xi32>
            %broadcast_in_dim3A_1607 = arith.constant 0 : i32
            %broadcast_in_dim3A_1608 = vector.broadcast %broadcast_in_dim3A_1607 : i32 to vector<16xi32>
            %select_n3A_1609 = arith.select %ge3A_1604, %broadcast_in_dim3A_1606, %broadcast_in_dim3A_1608 : vector<16xi1>, vector<16xi32>
            %add3A_1610 = arith.addi %add3A_1593, %select_n3A_1609 : vector<16xi32>
            %mul3A_1611 = arith.constant 8 : i32
            %mul3A_1612 = arith.muli %scan3A_1525, %mul3A_1611 : i32
            %add3A_1613 = arith.constant 5 : i32
            %add3A_1614 = arith.addi %mul3A_1612, %add3A_1613 : i32
            %add3A_1615 = arith.addi %mul3A_1448, %add3A_1614 : i32
            %mul3A_1616 = arith.constant 16 : i32
            %mul3A_1617 = arith.muli %add3A_1615, %mul3A_1616 : i32
            %get3A_1618 = arith.index_cast %mul3A_1617 : i32 to index
            %get3A_1619 = tpu.vector_load %arg5[%get3A_1618] {strides = array<i32>} : memref<32768xi32, #tpu.memory_space<vmem>>, vector<16xi32>,
            %get3A_1620 = vector.shape_cast %get3A_1619 : vector<16xi32> to vector<16xi32>
            %ge3A_1621 = arith.cmpi sge, %get3A_1620, %add3A_1470 : vector<16xi32>
            %broadcast_in_dim3A_1622 = arith.constant 1 : i32
            %broadcast_in_dim3A_1623 = vector.broadcast %broadcast_in_dim3A_1622 : i32 to vector<16xi32>
            %broadcast_in_dim3A_1624 = arith.constant 0 : i32
            %broadcast_in_dim3A_1625 = vector.broadcast %broadcast_in_dim3A_1624 : i32 to vector<16xi32>
            %select_n3A_1626 = arith.select %ge3A_1621, %broadcast_in_dim3A_1623, %broadcast_in_dim3A_1625 : vector<16xi1>, vector<16xi32>
            %add3A_1627 = arith.addi %add3A_1610, %select_n3A_1626 : vector<16xi32>
            %mul3A_1628 = arith.constant 8 : i32
            %mul3A_1629 = arith.muli %scan3A_1525, %mul3A_1628 : i32
            %add3A_1630 = arith.constant 6 : i32
            %add3A_1631 = arith.addi %mul3A_1629, %add3A_1630 : i32
            %add3A_1632 = arith.addi %mul3A_1448, %add3A_1631 : i32
            %mul3A_1633 = arith.constant 16 : i32
            %mul3A_1634 = arith.muli %add3A_1632, %mul3A_1633 : i32
            %get3A_1635 = arith.index_cast %mul3A_1634 : i32 to index
            %get3A_1636 = tpu.vector_load %arg5[%get3A_1635] {strides = array<i32>} : memref<32768xi32, #tpu.memory_space<vmem>>, vector<16xi32>,
            %get3A_1637 = vector.shape_cast %get3A_1636 : vector<16xi32> to vector<16xi32>
            %ge3A_1638 = arith.cmpi sge, %get3A_1637, %add3A_1470 : vector<16xi32>
            %broadcast_in_dim3A_1639 = arith.constant 1 : i32
            %broadcast_in_dim3A_1640 = vector.broadcast %broadcast_in_dim3A_1639 : i32 to vector<16xi32>
            %broadcast_in_dim3A_1641 = arith.constant 0 : i32
            %broadcast_in_dim3A_1642 = vector.broadcast %broadcast_in_dim3A_1641 : i32 to vector<16xi32>
            %select_n3A_1643 = arith.select %ge3A_1638, %broadcast_in_dim3A_1640, %broadcast_in_dim3A_1642 : vector<16xi1>, vector<16xi32>
            %add3A_1644 = arith.addi %add3A_1627, %select_n3A_1643 : vector<16xi32>
            %mul3A_1645 = arith.constant 8 : i32
            %mul3A_1646 = arith.muli %scan3A_1525, %mul3A_1645 : i32
            %add3A_1647 = arith.constant 7 : i32
            %add3A_1648 = arith.addi %mul3A_1646, %add3A_1647 : i32
            %add3A_1649 = arith.addi %mul3A_1448, %add3A_1648 : i32
            %mul3A_1650 = arith.constant 16 : i32
            %mul3A_1651 = arith.muli %add3A_1649, %mul3A_1650 : i32
            %get3A_1652 = arith.index_cast %mul3A_1651 : i32 to index
            %get3A_1653 = tpu.vector_load %arg5[%get3A_1652] {strides = array<i32>} : memref<32768xi32, #tpu.memory_space<vmem>>, vector<16xi32>,
            %get3A_1654 = vector.shape_cast %get3A_1653 : vector<16xi32> to vector<16xi32>
            %ge3A_1655 = arith.cmpi sge, %get3A_1654, %add3A_1470 : vector<16xi32>
            %broadcast_in_dim3A_1656 = arith.constant 1 : i32
            %broadcast_in_dim3A_1657 = vector.broadcast %broadcast_in_dim3A_1656 : i32 to vector<16xi32>
            %broadcast_in_dim3A_1658 = arith.constant 0 : i32
            %broadcast_in_dim3A_1659 = vector.broadcast %broadcast_in_dim3A_1658 : i32 to vector<16xi32>
            %select_n3A_1660 = arith.select %ge3A_1655, %broadcast_in_dim3A_1657, %broadcast_in_dim3A_1659 : vector<16xi1>, vector<16xi32>
            %add3A_1661 = arith.addi %add3A_1644, %select_n3A_1660 : vector<16xi32>
            scf.yield %add3A_1661 : vector<16xi32>
          }
          %scan3A_1478 = arith.constant 8 : i32
          %slice3A = vector.extract_strided_slice %scan3A_1477 {offsets = [0], sizes = [1], strides = [1]} : vector<16xi32> to vector<1xi32>
          %squeeze3A = vector.extract %slice3A[0] : i32 from vector<1xi32>
          %slice3A_1479 = vector.extract_strided_slice %scan3A_1477 {offsets = [1], sizes = [1], strides = [1]} : vector<16xi32> to vector<1xi32>
          %squeeze3A_1480 = vector.extract %slice3A_1479[0] : i32 from vector<1xi32>
          %add3A_1481 = arith.addi %squeeze3A, %squeeze3A_1480 : i32
          %slice3A_1482 = vector.extract_strided_slice %scan3A_1477 {offsets = [2], sizes = [1], strides = [1]} : vector<16xi32> to vector<1xi32>
          %squeeze3A_1483 = vector.extract %slice3A_1482[0] : i32 from vector<1xi32>
          %add3A_1484 = arith.addi %add3A_1481, %squeeze3A_1483 : i32
          %slice3A_1485 = vector.extract_strided_slice %scan3A_1477 {offsets = [3], sizes = [1], strides = [1]} : vector<16xi32> to vector<1xi32>
          %squeeze3A_1486 = vector.extract %slice3A_1485[0] : i32 from vector<1xi32>
          %add3A_1487 = arith.addi %add3A_1484, %squeeze3A_1486 : i32
          %slice3A_1488 = vector.extract_strided_slice %scan3A_1477 {offsets = [4], sizes = [1], strides = [1]} : vector<16xi32> to vector<1xi32>
          %squeeze3A_1489 = vector.extract %slice3A_1488[0] : i32 from vector<1xi32>
          %add3A_1490 = arith.addi %add3A_1487, %squeeze3A_1489 : i32
          %slice3A_1491 = vector.extract_strided_slice %scan3A_1477 {offsets = [5], sizes = [1], strides = [1]} : vector<16xi32> to vector<1xi32>
          %squeeze3A_1492 = vector.extract %slice3A_1491[0] : i32 from vector<1xi32>
          %add3A_1493 = arith.addi %add3A_1490, %squeeze3A_1492 : i32
          %slice3A_1494 = vector.extract_strided_slice %scan3A_1477 {offsets = [6], sizes = [1], strides = [1]} : vector<16xi32> to vector<1xi32>
          %squeeze3A_1495 = vector.extract %slice3A_1494[0] : i32 from vector<1xi32>
          %add3A_1496 = arith.addi %add3A_1493, %squeeze3A_1495 : i32
          %slice3A_1497 = vector.extract_strided_slice %scan3A_1477 {offsets = [7], sizes = [1], strides = [1]} : vector<16xi32> to vector<1xi32>
          %squeeze3A_1498 = vector.extract %slice3A_1497[0] : i32 from vector<1xi32>
          %add3A_1499 = arith.addi %add3A_1496, %squeeze3A_1498 : i32
          %slice3A_1500 = vector.extract_strided_slice %scan3A_1477 {offsets = [8], sizes = [1], strides = [1]} : vector<16xi32> to vector<1xi32>
          %squeeze3A_1501 = vector.extract %slice3A_1500[0] : i32 from vector<1xi32>
          %add3A_1502 = arith.addi %add3A_1499, %squeeze3A_1501 : i32
          %slice3A_1503 = vector.extract_strided_slice %scan3A_1477 {offsets = [9], sizes = [1], strides = [1]} : vector<16xi32> to vector<1xi32>
          %squeeze3A_1504 = vector.extract %slice3A_1503[0] : i32 from vector<1xi32>
          %add3A_1505 = arith.addi %add3A_1502, %squeeze3A_1504 : i32
          %slice3A_1506 = vector.extract_strided_slice %scan3A_1477 {offsets = [10], sizes = [1], strides = [1]} : vector<16xi32> to vector<1xi32>
          %squeeze3A_1507 = vector.extract %slice3A_1506[0] : i32 from vector<1xi32>
          %add3A_1508 = arith.addi %add3A_1505, %squeeze3A_1507 : i32
          %slice3A_1509 = vector.extract_strided_slice %scan3A_1477 {offsets = [11], sizes = [1], strides = [1]} : vector<16xi32> to vector<1xi32>
          %squeeze3A_1510 = vector.extract %slice3A_1509[0] : i32 from vector<1xi32>
          %add3A_1511 = arith.addi %add3A_1508, %squeeze3A_1510 : i32
          %slice3A_1512 = vector.extract_strided_slice %scan3A_1477 {offsets = [12], sizes = [1], strides = [1]} : vector<16xi32> to vector<1xi32>
          %squeeze3A_1513 = vector.extract %slice3A_1512[0] : i32 from vector<1xi32>
          %add3A_1514 = arith.addi %add3A_1511, %squeeze3A_1513 : i32
          %slice3A_1515 = vector.extract_strided_slice %scan3A_1477 {offsets = [13], sizes = [1], strides = [1]} : vector<16xi32> to vector<1xi32>
          %squeeze3A_1516 = vector.extract %slice3A_1515[0] : i32 from vector<1xi32>
          %add3A_1517 = arith.addi %add3A_1514, %squeeze3A_1516 : i32
          %slice3A_1518 = vector.extract_strided_slice %scan3A_1477 {offsets = [14], sizes = [1], strides = [1]} : vector<16xi32> to vector<1xi32>
          %squeeze3A_1519 = vector.extract %slice3A_1518[0] : i32 from vector<1xi32>
          %add3A_1520 = arith.addi %add3A_1517, %squeeze3A_1519 : i32
          %slice3A_1521 = vector.extract_strided_slice %scan3A_1477 {offsets = [15], sizes = [1], strides = [1]} : vector<16xi32> to vector<1xi32>
          %squeeze3A_1522 = vector.extract %slice3A_1521[0] : i32 from vector<1xi32>
          %add3A_1523 = arith.addi %add3A_1520, %squeeze3A_1522 : i32
          %ge3A = arith.constant 512 : i32
          %ge3A_1524 = arith.cmpi sge, %add3A_1523, %ge3A : i32
          %select_n3A = arith.select %ge3A_1524, %add3A_1470, %scan3A_1465 : vector<16xi32>
          scf.yield %select_n3A : vector<16xi32>
        }
        %scan3A_1456 = arith.constant 32 : i32
        %scan3A_1457 = arith.constant 0 : i32
        %scan3A_1458 = arith.constant 0 : i32
        %scan3A_1459 = arith.constant 8 : i32
        %scan3A_1460 = arith.addi %scan3A_1458, %scan3A_1459 : i32
        %scan3A_1461 = arith.constant 1 : i32
        scf.for %scan3A_1464 = %scan3A_1458 to %scan3A_1460 step %scan3A_1461  : i32 {
          %mul3A_1465 = arith.constant 8 : i32
          %mul3A_1466 = arith.muli %scan3A_1464, %mul3A_1465 : i32
          %add3A_1467 = arith.constant 0 : i32
          %add3A_1468 = arith.addi %mul3A_1466, %add3A_1467 : i32
          %add3A_1469 = arith.addi %mul3A_1448, %add3A_1468 : i32
          %mul3A_1470 = arith.constant 16 : i32
          %mul3A_1471 = arith.muli %add3A_1469, %mul3A_1470 : i32
          %get3A = arith.index_cast %mul3A_1471 : i32 to index
          %get3A_1472 = tpu.vector_load %arg5[%get3A] {strides = array<i32>} : memref<32768xi32, #tpu.memory_space<vmem>>, vector<16xi32>,
          %get3A_1473 = vector.shape_cast %get3A_1472 : vector<16xi32> to vector<16xi32>
          %ge3A = arith.cmpi sge, %get3A_1473, %scan3A_1455 : vector<16xi32>
          %get3A_1474 = arith.index_cast %mul3A_1471 : i32 to index
          %get3A_1475 = tpu.vector_load %arg4[%get3A_1474] {strides = array<i32>} : memref<32768xf32, #tpu.memory_space<vmem>>, vector<16xf32>,
          %get3A_1476 = vector.shape_cast %get3A_1475 : vector<16xf32> to vector<16xf32>
          %jit3A = arith.constant 0.000000e+00 : f32
          %broadcast_in_dim3A_1477 = vector.broadcast %jit3A : f32 to vector<16xf32>
          %select_n3A = arith.select %ge3A, %get3A_1476, %broadcast_in_dim3A_1477 : vector<16xi1>, vector<16xf32>
          %swap3A = arith.index_cast %mul3A_1471 : i32 to index
          %swap3A_1478 = tpu.vector_load %arg4[%swap3A] {strides = array<i32>} : memref<32768xf32, #tpu.memory_space<vmem>>, vector<16xf32>,
          %swap3A_1479 = vector.shape_cast %swap3A_1478 : vector<16xf32> to vector<16xf32>
          %swap3A_1480 = vector.shape_cast %select_n3A : vector<16xf32> to vector<16xf32>
          tpu.vector_store %arg4[%swap3A], %swap3A_1480 {strides = array<i32>} : memref<32768xf32, #tpu.memory_space<vmem>>, vector<16xf32>,
          %broadcast_in_dim3A_1481 = arith.constant 0 : i32
          %broadcast_in_dim3A_1482 = vector.broadcast %broadcast_in_dim3A_1481 : i32 to vector<16xi32>
          %select_n3A_1483 = arith.select %ge3A, %get3A_1473, %broadcast_in_dim3A_1482 : vector<16xi1>, vector<16xi32>
          %swap3A_1484 = arith.index_cast %mul3A_1471 : i32 to index
          %swap3A_1485 = tpu.vector_load %arg5[%swap3A_1484] {strides = array<i32>} : memref<32768xi32, #tpu.memory_space<vmem>>, vector<16xi32>,
          %swap3A_1486 = vector.shape_cast %swap3A_1485 : vector<16xi32> to vector<16xi32>
          %swap3A_1487 = vector.shape_cast %select_n3A_1483 : vector<16xi32> to vector<16xi32>
          tpu.vector_store %arg5[%swap3A_1484], %swap3A_1487 {strides = array<i32>} : memref<32768xi32, #tpu.memory_space<vmem>>, vector<16xi32>,
          %mul3A_1488 = arith.constant 8 : i32
          %mul3A_1489 = arith.muli %scan3A_1464, %mul3A_1488 : i32
          %add3A_1490 = arith.constant 1 : i32
          %add3A_1491 = arith.addi %mul3A_1489, %add3A_1490 : i32
          %add3A_1492 = arith.addi %mul3A_1448, %add3A_1491 : i32
          %mul3A_1493 = arith.constant 16 : i32
          %mul3A_1494 = arith.muli %add3A_1492, %mul3A_1493 : i32
          %get3A_1495 = arith.index_cast %mul3A_1494 : i32 to index
          %get3A_1496 = tpu.vector_load %arg5[%get3A_1495] {strides = array<i32>} : memref<32768xi32, #tpu.memory_space<vmem>>, vector<16xi32>,
          %get3A_1497 = vector.shape_cast %get3A_1496 : vector<16xi32> to vector<16xi32>
          %ge3A_1498 = arith.cmpi sge, %get3A_1497, %scan3A_1455 : vector<16xi32>
          %get3A_1499 = arith.index_cast %mul3A_1494 : i32 to index
          %get3A_1500 = tpu.vector_load %arg4[%get3A_1499] {strides = array<i32>} : memref<32768xf32, #tpu.memory_space<vmem>>, vector<16xf32>,
          %get3A_1501 = vector.shape_cast %get3A_1500 : vector<16xf32> to vector<16xf32>
          %jit3A_1502 = arith.constant 0.000000e+00 : f32
          %broadcast_in_dim3A_1503 = vector.broadcast %jit3A_1502 : f32 to vector<16xf32>
          %select_n3A_1504 = arith.select %ge3A_1498, %get3A_1501, %broadcast_in_dim3A_1503 : vector<16xi1>, vector<16xf32>
          %swap3A_1505 = arith.index_cast %mul3A_1494 : i32 to index
          %swap3A_1506 = tpu.vector_load %arg4[%swap3A_1505] {strides = array<i32>} : memref<32768xf32, #tpu.memory_space<vmem>>, vector<16xf32>,
          %swap3A_1507 = vector.shape_cast %swap3A_1506 : vector<16xf32> to vector<16xf32>
          %swap3A_1508 = vector.shape_cast %select_n3A_1504 : vector<16xf32> to vector<16xf32>
          tpu.vector_store %arg4[%swap3A_1505], %swap3A_1508 {strides = array<i32>} : memref<32768xf32, #tpu.memory_space<vmem>>, vector<16xf32>,
          %broadcast_in_dim3A_1509 = arith.constant 0 : i32
          %broadcast_in_dim3A_1510 = vector.broadcast %broadcast_in_dim3A_1509 : i32 to vector<16xi32>
          %select_n3A_1511 = arith.select %ge3A_1498, %get3A_1497, %broadcast_in_dim3A_1510 : vector<16xi1>, vector<16xi32>
          %swap3A_1512 = arith.index_cast %mul3A_1494 : i32 to index
          %swap3A_1513 = tpu.vector_load %arg5[%swap3A_1512] {strides = array<i32>} : memref<32768xi32, #tpu.memory_space<vmem>>, vector<16xi32>,
          %swap3A_1514 = vector.shape_cast %swap3A_1513 : vector<16xi32> to vector<16xi32>
          %swap3A_1515 = vector.shape_cast %select_n3A_1511 : vector<16xi32> to vector<16xi32>
          tpu.vector_store %arg5[%swap3A_1512], %swap3A_1515 {strides = array<i32>} : memref<32768xi32, #tpu.memory_space<vmem>>, vector<16xi32>,
          %mul3A_1516 = arith.constant 8 : i32
          %mul3A_1517 = arith.muli %scan3A_1464, %mul3A_1516 : i32
          %add3A_1518 = arith.constant 2 : i32
          %add3A_1519 = arith.addi %mul3A_1517, %add3A_1518 : i32
          %add3A_1520 = arith.addi %mul3A_1448, %add3A_1519 : i32
          %mul3A_1521 = arith.constant 16 : i32
          %mul3A_1522 = arith.muli %add3A_1520, %mul3A_1521 : i32
          %get3A_1523 = arith.index_cast %mul3A_1522 : i32 to index
          %get3A_1524 = tpu.vector_load %arg5[%get3A_1523] {strides = array<i32>} : memref<32768xi32, #tpu.memory_space<vmem>>, vector<16xi32>,
          %get3A_1525 = vector.shape_cast %get3A_1524 : vector<16xi32> to vector<16xi32>
          %ge3A_1526 = arith.cmpi sge, %get3A_1525, %scan3A_1455 : vector<16xi32>
          %get3A_1527 = arith.index_cast %mul3A_1522 : i32 to index
          %get3A_1528 = tpu.vector_load %arg4[%get3A_1527] {strides = array<i32>} : memref<32768xf32, #tpu.memory_space<vmem>>, vector<16xf32>,
          %get3A_1529 = vector.shape_cast %get3A_1528 : vector<16xf32> to vector<16xf32>
          %jit3A_1530 = arith.constant 0.000000e+00 : f32
          %broadcast_in_dim3A_1531 = vector.broadcast %jit3A_1530 : f32 to vector<16xf32>
          %select_n3A_1532 = arith.select %ge3A_1526, %get3A_1529, %broadcast_in_dim3A_1531 : vector<16xi1>, vector<16xf32>
          %swap3A_1533 = arith.index_cast %mul3A_1522 : i32 to index
          %swap3A_1534 = tpu.vector_load %arg4[%swap3A_1533] {strides = array<i32>} : memref<32768xf32, #tpu.memory_space<vmem>>, vector<16xf32>,
          %swap3A_1535 = vector.shape_cast %swap3A_1534 : vector<16xf32> to vector<16xf32>
          %swap3A_1536 = vector.shape_cast %select_n3A_1532 : vector<16xf32> to vector<16xf32>
          tpu.vector_store %arg4[%swap3A_1533], %swap3A_1536 {strides = array<i32>} : memref<32768xf32, #tpu.memory_space<vmem>>, vector<16xf32>,
          %broadcast_in_dim3A_1537 = arith.constant 0 : i32
          %broadcast_in_dim3A_1538 = vector.broadcast %broadcast_in_dim3A_1537 : i32 to vector<16xi32>
          %select_n3A_1539 = arith.select %ge3A_1526, %get3A_1525, %broadcast_in_dim3A_1538 : vector<16xi1>, vector<16xi32>
          %swap3A_1540 = arith.index_cast %mul3A_1522 : i32 to index
          %swap3A_1541 = tpu.vector_load %arg5[%swap3A_1540] {strides = array<i32>} : memref<32768xi32, #tpu.memory_space<vmem>>, vector<16xi32>,
          %swap3A_1542 = vector.shape_cast %swap3A_1541 : vector<16xi32> to vector<16xi32>
          %swap3A_1543 = vector.shape_cast %select_n3A_1539 : vector<16xi32> to vector<16xi32>
          tpu.vector_store %arg5[%swap3A_1540], %swap3A_1543 {strides = array<i32>} : memref<32768xi32, #tpu.memory_space<vmem>>, vector<16xi32>,
          %mul3A_1544 = arith.constant 8 : i32
          %mul3A_1545 = arith.muli %scan3A_1464, %mul3A_1544 : i32
          %add3A_1546 = arith.constant 3 : i32
          %add3A_1547 = arith.addi %mul3A_1545, %add3A_1546 : i32
          %add3A_1548 = arith.addi %mul3A_1448, %add3A_1547 : i32
          %mul3A_1549 = arith.constant 16 : i32
          %mul3A_1550 = arith.muli %add3A_1548, %mul3A_1549 : i32
          %get3A_1551 = arith.index_cast %mul3A_1550 : i32 to index
          %get3A_1552 = tpu.vector_load %arg5[%get3A_1551] {strides = array<i32>} : memref<32768xi32, #tpu.memory_space<vmem>>, vector<16xi32>,
          %get3A_1553 = vector.shape_cast %get3A_1552 : vector<16xi32> to vector<16xi32>
          %ge3A_1554 = arith.cmpi sge, %get3A_1553, %scan3A_1455 : vector<16xi32>
          %get3A_1555 = arith.index_cast %mul3A_1550 : i32 to index
          %get3A_1556 = tpu.vector_load %arg4[%get3A_1555] {strides = array<i32>} : memref<32768xf32, #tpu.memory_space<vmem>>, vector<16xf32>,
          %get3A_1557 = vector.shape_cast %get3A_1556 : vector<16xf32> to vector<16xf32>
          %jit3A_1558 = arith.constant 0.000000e+00 : f32
          %broadcast_in_dim3A_1559 = vector.broadcast %jit3A_1558 : f32 to vector<16xf32>
          %select_n3A_1560 = arith.select %ge3A_1554, %get3A_1557, %broadcast_in_dim3A_1559 : vector<16xi1>, vector<16xf32>
          %swap3A_1561 = arith.index_cast %mul3A_1550 : i32 to index
          %swap3A_1562 = tpu.vector_load %arg4[%swap3A_1561] {strides = array<i32>} : memref<32768xf32, #tpu.memory_space<vmem>>, vector<16xf32>,
          %swap3A_1563 = vector.shape_cast %swap3A_1562 : vector<16xf32> to vector<16xf32>
          %swap3A_1564 = vector.shape_cast %select_n3A_1560 : vector<16xf32> to vector<16xf32>
          tpu.vector_store %arg4[%swap3A_1561], %swap3A_1564 {strides = array<i32>} : memref<32768xf32, #tpu.memory_space<vmem>>, vector<16xf32>,
          %broadcast_in_dim3A_1565 = arith.constant 0 : i32
          %broadcast_in_dim3A_1566 = vector.broadcast %broadcast_in_dim3A_1565 : i32 to vector<16xi32>
          %select_n3A_1567 = arith.select %ge3A_1554, %get3A_1553, %broadcast_in_dim3A_1566 : vector<16xi1>, vector<16xi32>
          %swap3A_1568 = arith.index_cast %mul3A_1550 : i32 to index
          %swap3A_1569 = tpu.vector_load %arg5[%swap3A_1568] {strides = array<i32>} : memref<32768xi32, #tpu.memory_space<vmem>>, vector<16xi32>,
          %swap3A_1570 = vector.shape_cast %swap3A_1569 : vector<16xi32> to vector<16xi32>
          %swap3A_1571 = vector.shape_cast %select_n3A_1567 : vector<16xi32> to vector<16xi32>
          tpu.vector_store %arg5[%swap3A_1568], %swap3A_1571 {strides = array<i32>} : memref<32768xi32, #tpu.memory_space<vmem>>, vector<16xi32>,
          %mul3A_1572 = arith.constant 8 : i32
          %mul3A_1573 = arith.muli %scan3A_1464, %mul3A_1572 : i32
          %add3A_1574 = arith.constant 4 : i32
          %add3A_1575 = arith.addi %mul3A_1573, %add3A_1574 : i32
          %add3A_1576 = arith.addi %mul3A_1448, %add3A_1575 : i32
          %mul3A_1577 = arith.constant 16 : i32
          %mul3A_1578 = arith.muli %add3A_1576, %mul3A_1577 : i32
          %get3A_1579 = arith.index_cast %mul3A_1578 : i32 to index
          %get3A_1580 = tpu.vector_load %arg5[%get3A_1579] {strides = array<i32>} : memref<32768xi32, #tpu.memory_space<vmem>>, vector<16xi32>,
          %get3A_1581 = vector.shape_cast %get3A_1580 : vector<16xi32> to vector<16xi32>
          %ge3A_1582 = arith.cmpi sge, %get3A_1581, %scan3A_1455 : vector<16xi32>
          %get3A_1583 = arith.index_cast %mul3A_1578 : i32 to index
          %get3A_1584 = tpu.vector_load %arg4[%get3A_1583] {strides = array<i32>} : memref<32768xf32, #tpu.memory_space<vmem>>, vector<16xf32>,
          %get3A_1585 = vector.shape_cast %get3A_1584 : vector<16xf32> to vector<16xf32>
          %jit3A_1586 = arith.constant 0.000000e+00 : f32
          %broadcast_in_dim3A_1587 = vector.broadcast %jit3A_1586 : f32 to vector<16xf32>
          %select_n3A_1588 = arith.select %ge3A_1582, %get3A_1585, %broadcast_in_dim3A_1587 : vector<16xi1>, vector<16xf32>
          %swap3A_1589 = arith.index_cast %mul3A_1578 : i32 to index
          %swap3A_1590 = tpu.vector_load %arg4[%swap3A_1589] {strides = array<i32>} : memref<32768xf32, #tpu.memory_space<vmem>>, vector<16xf32>,
          %swap3A_1591 = vector.shape_cast %swap3A_1590 : vector<16xf32> to vector<16xf32>
          %swap3A_1592 = vector.shape_cast %select_n3A_1588 : vector<16xf32> to vector<16xf32>
          tpu.vector_store %arg4[%swap3A_1589], %swap3A_1592 {strides = array<i32>} : memref<32768xf32, #tpu.memory_space<vmem>>, vector<16xf32>,
          %broadcast_in_dim3A_1593 = arith.constant 0 : i32
          %broadcast_in_dim3A_1594 = vector.broadcast %broadcast_in_dim3A_1593 : i32 to vector<16xi32>
          %select_n3A_1595 = arith.select %ge3A_1582, %get3A_1581, %broadcast_in_dim3A_1594 : vector<16xi1>, vector<16xi32>
          %swap3A_1596 = arith.index_cast %mul3A_1578 : i32 to index
          %swap3A_1597 = tpu.vector_load %arg5[%swap3A_1596] {strides = array<i32>} : memref<32768xi32, #tpu.memory_space<vmem>>, vector<16xi32>,
          %swap3A_1598 = vector.shape_cast %swap3A_1597 : vector<16xi32> to vector<16xi32>
          %swap3A_1599 = vector.shape_cast %select_n3A_1595 : vector<16xi32> to vector<16xi32>
          tpu.vector_store %arg5[%swap3A_1596], %swap3A_1599 {strides = array<i32>} : memref<32768xi32, #tpu.memory_space<vmem>>, vector<16xi32>,
          %mul3A_1600 = arith.constant 8 : i32
          %mul3A_1601 = arith.muli %scan3A_1464, %mul3A_1600 : i32
          %add3A_1602 = arith.constant 5 : i32
          %add3A_1603 = arith.addi %mul3A_1601, %add3A_1602 : i32
          %add3A_1604 = arith.addi %mul3A_1448, %add3A_1603 : i32
          %mul3A_1605 = arith.constant 16 : i32
          %mul3A_1606 = arith.muli %add3A_1604, %mul3A_1605 : i32
          %get3A_1607 = arith.index_cast %mul3A_1606 : i32 to index
          %get3A_1608 = tpu.vector_load %arg5[%get3A_1607] {strides = array<i32>} : memref<32768xi32, #tpu.memory_space<vmem>>, vector<16xi32>,
          %get3A_1609 = vector.shape_cast %get3A_1608 : vector<16xi32> to vector<16xi32>
          %ge3A_1610 = arith.cmpi sge, %get3A_1609, %scan3A_1455 : vector<16xi32>
          %get3A_1611 = arith.index_cast %mul3A_1606 : i32 to index
          %get3A_1612 = tpu.vector_load %arg4[%get3A_1611] {strides = array<i32>} : memref<32768xf32, #tpu.memory_space<vmem>>, vector<16xf32>,
          %get3A_1613 = vector.shape_cast %get3A_1612 : vector<16xf32> to vector<16xf32>
          %jit3A_1614 = arith.constant 0.000000e+00 : f32
          %broadcast_in_dim3A_1615 = vector.broadcast %jit3A_1614 : f32 to vector<16xf32>
          %select_n3A_1616 = arith.select %ge3A_1610, %get3A_1613, %broadcast_in_dim3A_1615 : vector<16xi1>, vector<16xf32>
          %swap3A_1617 = arith.index_cast %mul3A_1606 : i32 to index
          %swap3A_1618 = tpu.vector_load %arg4[%swap3A_1617] {strides = array<i32>} : memref<32768xf32, #tpu.memory_space<vmem>>, vector<16xf32>,
          %swap3A_1619 = vector.shape_cast %swap3A_1618 : vector<16xf32> to vector<16xf32>
          %swap3A_1620 = vector.shape_cast %select_n3A_1616 : vector<16xf32> to vector<16xf32>
          tpu.vector_store %arg4[%swap3A_1617], %swap3A_1620 {strides = array<i32>} : memref<32768xf32, #tpu.memory_space<vmem>>, vector<16xf32>,
          %broadcast_in_dim3A_1621 = arith.constant 0 : i32
          %broadcast_in_dim3A_1622 = vector.broadcast %broadcast_in_dim3A_1621 : i32 to vector<16xi32>
          %select_n3A_1623 = arith.select %ge3A_1610, %get3A_1609, %broadcast_in_dim3A_1622 : vector<16xi1>, vector<16xi32>
          %swap3A_1624 = arith.index_cast %mul3A_1606 : i32 to index
          %swap3A_1625 = tpu.vector_load %arg5[%swap3A_1624] {strides = array<i32>} : memref<32768xi32, #tpu.memory_space<vmem>>, vector<16xi32>,
          %swap3A_1626 = vector.shape_cast %swap3A_1625 : vector<16xi32> to vector<16xi32>
          %swap3A_1627 = vector.shape_cast %select_n3A_1623 : vector<16xi32> to vector<16xi32>
          tpu.vector_store %arg5[%swap3A_1624], %swap3A_1627 {strides = array<i32>} : memref<32768xi32, #tpu.memory_space<vmem>>, vector<16xi32>,
          %mul3A_1628 = arith.constant 8 : i32
          %mul3A_1629 = arith.muli %scan3A_1464, %mul3A_1628 : i32
          %add3A_1630 = arith.constant 6 : i32
          %add3A_1631 = arith.addi %mul3A_1629, %add3A_1630 : i32
          %add3A_1632 = arith.addi %mul3A_1448, %add3A_1631 : i32
          %mul3A_1633 = arith.constant 16 : i32
          %mul3A_1634 = arith.muli %add3A_1632, %mul3A_1633 : i32
          %get3A_1635 = arith.index_cast %mul3A_1634 : i32 to index
          %get3A_1636 = tpu.vector_load %arg5[%get3A_1635] {strides = array<i32>} : memref<32768xi32, #tpu.memory_space<vmem>>, vector<16xi32>,
          %get3A_1637 = vector.shape_cast %get3A_1636 : vector<16xi32> to vector<16xi32>
          %ge3A_1638 = arith.cmpi sge, %get3A_1637, %scan3A_1455 : vector<16xi32>
          %get3A_1639 = arith.index_cast %mul3A_1634 : i32 to index
          %get3A_1640 = tpu.vector_load %arg4[%get3A_1639] {strides = array<i32>} : memref<32768xf32, #tpu.memory_space<vmem>>, vector<16xf32>,
          %get3A_1641 = vector.shape_cast %get3A_1640 : vector<16xf32> to vector<16xf32>
          %jit3A_1642 = arith.constant 0.000000e+00 : f32
          %broadcast_in_dim3A_1643 = vector.broadcast %jit3A_1642 : f32 to vector<16xf32>
          %select_n3A_1644 = arith.select %ge3A_1638, %get3A_1641, %broadcast_in_dim3A_1643 : vector<16xi1>, vector<16xf32>
          %swap3A_1645 = arith.index_cast %mul3A_1634 : i32 to index
          %swap3A_1646 = tpu.vector_load %arg4[%swap3A_1645] {strides = array<i32>} : memref<32768xf32, #tpu.memory_space<vmem>>, vector<16xf32>,
          %swap3A_1647 = vector.shape_cast %swap3A_1646 : vector<16xf32> to vector<16xf32>
          %swap3A_1648 = vector.shape_cast %select_n3A_1644 : vector<16xf32> to vector<16xf32>
          tpu.vector_store %arg4[%swap3A_1645], %swap3A_1648 {strides = array<i32>} : memref<32768xf32, #tpu.memory_space<vmem>>, vector<16xf32>,
          %broadcast_in_dim3A_1649 = arith.constant 0 : i32
          %broadcast_in_dim3A_1650 = vector.broadcast %broadcast_in_dim3A_1649 : i32 to vector<16xi32>
          %select_n3A_1651 = arith.select %ge3A_1638, %get3A_1637, %broadcast_in_dim3A_1650 : vector<16xi1>, vector<16xi32>
          %swap3A_1652 = arith.index_cast %mul3A_1634 : i32 to index
          %swap3A_1653 = tpu.vector_load %arg5[%swap3A_1652] {strides = array<i32>} : memref<32768xi32, #tpu.memory_space<vmem>>, vector<16xi32>,
          %swap3A_1654 = vector.shape_cast %swap3A_1653 : vector<16xi32> to vector<16xi32>
          %swap3A_1655 = vector.shape_cast %select_n3A_1651 : vector<16xi32> to vector<16xi32>
          tpu.vector_store %arg5[%swap3A_1652], %swap3A_1655 {strides = array<i32>} : memref<32768xi32, #tpu.memory_space<vmem>>, vector<16xi32>,
          %mul3A_1656 = arith.constant 8 : i32
          %mul3A_1657 = arith.muli %scan3A_1464, %mul3A_1656 : i32
          %add3A_1658 = arith.constant 7 : i32
          %add3A_1659 = arith.addi %mul3A_1657, %add3A_1658 : i32
          %add3A_1660 = arith.addi %mul3A_1448, %add3A_1659 : i32
          %mul3A_1661 = arith.constant 16 : i32
          %mul3A_1662 = arith.muli %add3A_1660, %mul3A_1661 : i32
          %get3A_1663 = arith.index_cast %mul3A_1662 : i32 to index
          %get3A_1664 = tpu.vector_load %arg5[%get3A_1663] {strides = array<i32>} : memref<32768xi32, #tpu.memory_space<vmem>>, vector<16xi32>,
          %get3A_1665 = vector.shape_cast %get3A_1664 : vector<16xi32> to vector<16xi32>
          %ge3A_1666 = arith.cmpi sge, %get3A_1665, %scan3A_1455 : vector<16xi32>
          %get3A_1667 = arith.index_cast %mul3A_1662 : i32 to index
          %get3A_1668 = tpu.vector_load %arg4[%get3A_1667] {strides = array<i32>} : memref<32768xf32, #tpu.memory_space<vmem>>, vector<16xf32>,
          %get3A_1669 = vector.shape_cast %get3A_1668 : vector<16xf32> to vector<16xf32>
          %jit3A_1670 = arith.constant 0.000000e+00 : f32
          %broadcast_in_dim3A_1671 = vector.broadcast %jit3A_1670 : f32 to vector<16xf32>
          %select_n3A_1672 = arith.select %ge3A_1666, %get3A_1669, %broadcast_in_dim3A_1671 : vector<16xi1>, vector<16xf32>
          %swap3A_1673 = arith.index_cast %mul3A_1662 : i32 to index
          %swap3A_1674 = tpu.vector_load %arg4[%swap3A_1673] {strides = array<i32>} : memref<32768xf32, #tpu.memory_space<vmem>>, vector<16xf32>,
          %swap3A_1675 = vector.shape_cast %swap3A_1674 : vector<16xf32> to vector<16xf32>
          %swap3A_1676 = vector.shape_cast %select_n3A_1672 : vector<16xf32> to vector<16xf32>
          tpu.vector_store %arg4[%swap3A_1673], %swap3A_1676 {strides = array<i32>} : memref<32768xf32, #tpu.memory_space<vmem>>, vector<16xf32>,
          %broadcast_in_dim3A_1677 = arith.constant 0 : i32
          %broadcast_in_dim3A_1678 = vector.broadcast %broadcast_in_dim3A_1677 : i32 to vector<16xi32>
          %select_n3A_1679 = arith.select %ge3A_1666, %get3A_1665, %broadcast_in_dim3A_1678 : vector<16xi1>, vector<16xi32>
          %swap3A_1680 = arith.index_cast %mul3A_1662 : i32 to index
          %swap3A_1681 = tpu.vector_load %arg5[%swap3A_1680] {strides = array<i32>} : memref<32768xi32, #tpu.memory_space<vmem>>, vector<16xi32>,
          %swap3A_1682 = vector.shape_cast %swap3A_1681 : vector<16xi32> to vector<16xi32>
          %swap3A_1683 = vector.shape_cast %select_n3A_1679 : vector<16xi32> to vector<16xi32>
          tpu.vector_store %arg5[%swap3A_1680], %swap3A_1683 {strides = array<i32>} : memref<32768xi32, #tpu.memory_space<vmem>>, vector<16xi32>,
        }
        %scan3A_1462 = arith.constant 8 : i32
        %scan3A_1463 = arith.constant 0 : i32
        scf.yield %scan3A_1463 : i32
      }
      %scan3A_726 = arith.constant 32 : i32
      %broadcast_in_dim3A = arith.constant -2147483648 : i32
      %broadcast_in_dim3A_727 = vector.broadcast %broadcast_in_dim3A : i32 to vector<16xi32>
      %scan3A_728 = arith.constant 0 : i32
      %scan3A_729 = arith.constant 32 : i32
      %scan3A_730 = arith.addi %scan3A_728, %scan3A_729 : i32
      %scan3A_731 = arith.constant 1 : i32
      %scan3A_732 = scf.for %scan3A_1445 = %scan3A_728 to %scan3A_730 step %scan3A_731 iter_args(%scan3A_1446 = %broadcast_in_dim3A_727) -> (vector<16xi32>)  : i32 {
        %sub3A = arith.constant 31 : i32
        %sub3A_1447 = arith.subi %sub3A, %scan3A_1445 : i32
        %broadcast_in_dim3A_1448 = vector.broadcast %sub3A_1447 : i32 to vector<16xi32>
        %broadcast_in_dim3A_1449 = arith.constant 1 : i32
        %broadcast_in_dim3A_1450 = vector.broadcast %broadcast_in_dim3A_1449 : i32 to vector<16xi32>
        %shift_left3A = arith.shli %broadcast_in_dim3A_1450, %broadcast_in_dim3A_1448 : vector<16xi32>
        %add3A_1451 = arith.addi %scan3A_1446, %shift_left3A : vector<16xi32>
        %broadcast_in_dim3A_1452 = arith.constant 0 : i32
        %broadcast_in_dim3A_1453 = vector.broadcast %broadcast_in_dim3A_1452 : i32 to vector<16xi32>
        %scan3A_1454 = arith.constant 0 : i32
        %scan3A_1455 = arith.constant 256 : i32
        %scan3A_1456 = arith.addi %scan3A_1454, %scan3A_1455 : i32
        %scan3A_1457 = arith.constant 1 : i32
        %scan3A_1458 = scf.for %scan3A_1506 = %scan3A_1454 to %scan3A_1456 step %scan3A_1457 iter_args(%scan3A_1507 = %broadcast_in_dim3A_1453) -> (vector<16xi32>)  : i32 {
          %mul3A_1508 = arith.constant 8 : i32
          %mul3A_1509 = arith.muli %scan3A_1506, %mul3A_1508 : i32
          %add3A_1510 = arith.constant 0 : i32
          %add3A_1511 = arith.addi %mul3A_1509, %add3A_1510 : i32
          %mul3A_1512 = arith.constant 16 : i32
          %mul3A_1513 = arith.muli %add3A_1511, %mul3A_1512 : i32
          %get3A = arith.index_cast %mul3A_1513 : i32 to index
          %get3A_1514 = tpu.vector_load %arg5[%get3A] {strides = array<i32>} : memref<32768xi32, #tpu.memory_space<vmem>>, vector<16xi32>,
          %get3A_1515 = vector.shape_cast %get3A_1514 : vector<16xi32> to vector<16xi32>
          %ge3A_1516 = arith.cmpi sge, %get3A_1515, %add3A_1451 : vector<16xi32>
          %broadcast_in_dim3A_1517 = arith.constant 1 : i32
          %broadcast_in_dim3A_1518 = vector.broadcast %broadcast_in_dim3A_1517 : i32 to vector<16xi32>
          %broadcast_in_dim3A_1519 = arith.constant 0 : i32
          %broadcast_in_dim3A_1520 = vector.broadcast %broadcast_in_dim3A_1519 : i32 to vector<16xi32>
          %select_n3A_1521 = arith.select %ge3A_1516, %broadcast_in_dim3A_1518, %broadcast_in_dim3A_1520 : vector<16xi1>, vector<16xi32>
          %add3A_1522 = arith.addi %scan3A_1507, %select_n3A_1521 : vector<16xi32>
          %mul3A_1523 = arith.constant 8 : i32
          %mul3A_1524 = arith.muli %scan3A_1506, %mul3A_1523 : i32
          %add3A_1525 = arith.constant 1 : i32
          %add3A_1526 = arith.addi %mul3A_1524, %add3A_1525 : i32
          %mul3A_1527 = arith.constant 16 : i32
          %mul3A_1528 = arith.muli %add3A_1526, %mul3A_1527 : i32
          %get3A_1529 = arith.index_cast %mul3A_1528 : i32 to index
          %get3A_1530 = tpu.vector_load %arg5[%get3A_1529] {strides = array<i32>} : memref<32768xi32, #tpu.memory_space<vmem>>, vector<16xi32>,
          %get3A_1531 = vector.shape_cast %get3A_1530 : vector<16xi32> to vector<16xi32>
          %ge3A_1532 = arith.cmpi sge, %get3A_1531, %add3A_1451 : vector<16xi32>
          %broadcast_in_dim3A_1533 = arith.constant 1 : i32
          %broadcast_in_dim3A_1534 = vector.broadcast %broadcast_in_dim3A_1533 : i32 to vector<16xi32>
          %broadcast_in_dim3A_1535 = arith.constant 0 : i32
          %broadcast_in_dim3A_1536 = vector.broadcast %broadcast_in_dim3A_1535 : i32 to vector<16xi32>
          %select_n3A_1537 = arith.select %ge3A_1532, %broadcast_in_dim3A_1534, %broadcast_in_dim3A_1536 : vector<16xi1>, vector<16xi32>
          %add3A_1538 = arith.addi %add3A_1522, %select_n3A_1537 : vector<16xi32>
          %mul3A_1539 = arith.constant 8 : i32
          %mul3A_1540 = arith.muli %scan3A_1506, %mul3A_1539 : i32
          %add3A_1541 = arith.constant 2 : i32
          %add3A_1542 = arith.addi %mul3A_1540, %add3A_1541 : i32
          %mul3A_1543 = arith.constant 16 : i32
          %mul3A_1544 = arith.muli %add3A_1542, %mul3A_1543 : i32
          %get3A_1545 = arith.index_cast %mul3A_1544 : i32 to index
          %get3A_1546 = tpu.vector_load %arg5[%get3A_1545] {strides = array<i32>} : memref<32768xi32, #tpu.memory_space<vmem>>, vector<16xi32>,
          %get3A_1547 = vector.shape_cast %get3A_1546 : vector<16xi32> to vector<16xi32>
          %ge3A_1548 = arith.cmpi sge, %get3A_1547, %add3A_1451 : vector<16xi32>
          %broadcast_in_dim3A_1549 = arith.constant 1 : i32
          %broadcast_in_dim3A_1550 = vector.broadcast %broadcast_in_dim3A_1549 : i32 to vector<16xi32>
          %broadcast_in_dim3A_1551 = arith.constant 0 : i32
          %broadcast_in_dim3A_1552 = vector.broadcast %broadcast_in_dim3A_1551 : i32 to vector<16xi32>
          %select_n3A_1553 = arith.select %ge3A_1548, %broadcast_in_dim3A_1550, %broadcast_in_dim3A_1552 : vector<16xi1>, vector<16xi32>
          %add3A_1554 = arith.addi %add3A_1538, %select_n3A_1553 : vector<16xi32>
          %mul3A_1555 = arith.constant 8 : i32
          %mul3A_1556 = arith.muli %scan3A_1506, %mul3A_1555 : i32
          %add3A_1557 = arith.constant 3 : i32
          %add3A_1558 = arith.addi %mul3A_1556, %add3A_1557 : i32
          %mul3A_1559 = arith.constant 16 : i32
          %mul3A_1560 = arith.muli %add3A_1558, %mul3A_1559 : i32
          %get3A_1561 = arith.index_cast %mul3A_1560 : i32 to index
          %get3A_1562 = tpu.vector_load %arg5[%get3A_1561] {strides = array<i32>} : memref<32768xi32, #tpu.memory_space<vmem>>, vector<16xi32>,
          %get3A_1563 = vector.shape_cast %get3A_1562 : vector<16xi32> to vector<16xi32>
          %ge3A_1564 = arith.cmpi sge, %get3A_1563, %add3A_1451 : vector<16xi32>
          %broadcast_in_dim3A_1565 = arith.constant 1 : i32
          %broadcast_in_dim3A_1566 = vector.broadcast %broadcast_in_dim3A_1565 : i32 to vector<16xi32>
          %broadcast_in_dim3A_1567 = arith.constant 0 : i32
          %broadcast_in_dim3A_1568 = vector.broadcast %broadcast_in_dim3A_1567 : i32 to vector<16xi32>
          %select_n3A_1569 = arith.select %ge3A_1564, %broadcast_in_dim3A_1566, %broadcast_in_dim3A_1568 : vector<16xi1>, vector<16xi32>
          %add3A_1570 = arith.addi %add3A_1554, %select_n3A_1569 : vector<16xi32>
          %mul3A_1571 = arith.constant 8 : i32
          %mul3A_1572 = arith.muli %scan3A_1506, %mul3A_1571 : i32
          %add3A_1573 = arith.constant 4 : i32
          %add3A_1574 = arith.addi %mul3A_1572, %add3A_1573 : i32
          %mul3A_1575 = arith.constant 16 : i32
          %mul3A_1576 = arith.muli %add3A_1574, %mul3A_1575 : i32
          %get3A_1577 = arith.index_cast %mul3A_1576 : i32 to index
          %get3A_1578 = tpu.vector_load %arg5[%get3A_1577] {strides = array<i32>} : memref<32768xi32, #tpu.memory_space<vmem>>, vector<16xi32>,
          %get3A_1579 = vector.shape_cast %get3A_1578 : vector<16xi32> to vector<16xi32>
          %ge3A_1580 = arith.cmpi sge, %get3A_1579, %add3A_1451 : vector<16xi32>
          %broadcast_in_dim3A_1581 = arith.constant 1 : i32
          %broadcast_in_dim3A_1582 = vector.broadcast %broadcast_in_dim3A_1581 : i32 to vector<16xi32>
          %broadcast_in_dim3A_1583 = arith.constant 0 : i32
          %broadcast_in_dim3A_1584 = vector.broadcast %broadcast_in_dim3A_1583 : i32 to vector<16xi32>
          %select_n3A_1585 = arith.select %ge3A_1580, %broadcast_in_dim3A_1582, %broadcast_in_dim3A_1584 : vector<16xi1>, vector<16xi32>
          %add3A_1586 = arith.addi %add3A_1570, %select_n3A_1585 : vector<16xi32>
          %mul3A_1587 = arith.constant 8 : i32
          %mul3A_1588 = arith.muli %scan3A_1506, %mul3A_1587 : i32
          %add3A_1589 = arith.constant 5 : i32
          %add3A_1590 = arith.addi %mul3A_1588, %add3A_1589 : i32
          %mul3A_1591 = arith.constant 16 : i32
          %mul3A_1592 = arith.muli %add3A_1590, %mul3A_1591 : i32
          %get3A_1593 = arith.index_cast %mul3A_1592 : i32 to index
          %get3A_1594 = tpu.vector_load %arg5[%get3A_1593] {strides = array<i32>} : memref<32768xi32, #tpu.memory_space<vmem>>, vector<16xi32>,
          %get3A_1595 = vector.shape_cast %get3A_1594 : vector<16xi32> to vector<16xi32>
          %ge3A_1596 = arith.cmpi sge, %get3A_1595, %add3A_1451 : vector<16xi32>
          %broadcast_in_dim3A_1597 = arith.constant 1 : i32
          %broadcast_in_dim3A_1598 = vector.broadcast %broadcast_in_dim3A_1597 : i32 to vector<16xi32>
          %broadcast_in_dim3A_1599 = arith.constant 0 : i32
          %broadcast_in_dim3A_1600 = vector.broadcast %broadcast_in_dim3A_1599 : i32 to vector<16xi32>
          %select_n3A_1601 = arith.select %ge3A_1596, %broadcast_in_dim3A_1598, %broadcast_in_dim3A_1600 : vector<16xi1>, vector<16xi32>
          %add3A_1602 = arith.addi %add3A_1586, %select_n3A_1601 : vector<16xi32>
          %mul3A_1603 = arith.constant 8 : i32
          %mul3A_1604 = arith.muli %scan3A_1506, %mul3A_1603 : i32
          %add3A_1605 = arith.constant 6 : i32
          %add3A_1606 = arith.addi %mul3A_1604, %add3A_1605 : i32
          %mul3A_1607 = arith.constant 16 : i32
          %mul3A_1608 = arith.muli %add3A_1606, %mul3A_1607 : i32
          %get3A_1609 = arith.index_cast %mul3A_1608 : i32 to index
          %get3A_1610 = tpu.vector_load %arg5[%get3A_1609] {strides = array<i32>} : memref<32768xi32, #tpu.memory_space<vmem>>, vector<16xi32>,
          %get3A_1611 = vector.shape_cast %get3A_1610 : vector<16xi32> to vector<16xi32>
          %ge3A_1612 = arith.cmpi sge, %get3A_1611, %add3A_1451 : vector<16xi32>
          %broadcast_in_dim3A_1613 = arith.constant 1 : i32
          %broadcast_in_dim3A_1614 = vector.broadcast %broadcast_in_dim3A_1613 : i32 to vector<16xi32>
          %broadcast_in_dim3A_1615 = arith.constant 0 : i32
          %broadcast_in_dim3A_1616 = vector.broadcast %broadcast_in_dim3A_1615 : i32 to vector<16xi32>
          %select_n3A_1617 = arith.select %ge3A_1612, %broadcast_in_dim3A_1614, %broadcast_in_dim3A_1616 : vector<16xi1>, vector<16xi32>
          %add3A_1618 = arith.addi %add3A_1602, %select_n3A_1617 : vector<16xi32>
          %mul3A_1619 = arith.constant 8 : i32
          %mul3A_1620 = arith.muli %scan3A_1506, %mul3A_1619 : i32
          %add3A_1621 = arith.constant 7 : i32
          %add3A_1622 = arith.addi %mul3A_1620, %add3A_1621 : i32
          %mul3A_1623 = arith.constant 16 : i32
          %mul3A_1624 = arith.muli %add3A_1622, %mul3A_1623 : i32
          %get3A_1625 = arith.index_cast %mul3A_1624 : i32 to index
          %get3A_1626 = tpu.vector_load %arg5[%get3A_1625] {strides = array<i32>} : memref<32768xi32, #tpu.memory_space<vmem>>, vector<16xi32>,
          %get3A_1627 = vector.shape_cast %get3A_1626 : vector<16xi32> to vector<16xi32>
          %ge3A_1628 = arith.cmpi sge, %get3A_1627, %add3A_1451 : vector<16xi32>
          %broadcast_in_dim3A_1629 = arith.constant 1 : i32
          %broadcast_in_dim3A_1630 = vector.broadcast %broadcast_in_dim3A_1629 : i32 to vector<16xi32>
          %broadcast_in_dim3A_1631 = arith.constant 0 : i32
          %broadcast_in_dim3A_1632 = vector.broadcast %broadcast_in_dim3A_1631 : i32 to vector<16xi32>
          %select_n3A_1633 = arith.select %ge3A_1628, %broadcast_in_dim3A_1630, %broadcast_in_dim3A_1632 : vector<16xi1>, vector<16xi32>
          %add3A_1634 = arith.addi %add3A_1618, %select_n3A_1633 : vector<16xi32>
          scf.yield %add3A_1634 : vector<16xi32>
        }
        %scan3A_1459 = arith.constant 256 : i32
        %slice3A = vector.extract_strided_slice %scan3A_1458 {offsets = [0], sizes = [1], strides = [1]} : vector<16xi32> to vector<1xi32>
        %squeeze3A = vector.extract %slice3A[0] : i32 from vector<1xi32>
        %slice3A_1460 = vector.extract_strided_slice %scan3A_1458 {offsets = [1], sizes = [1], strides = [1]} : vector<16xi32> to vector<1xi32>
        %squeeze3A_1461 = vector.extract %slice3A_1460[0] : i32 from vector<1xi32>
        %add3A_1462 = arith.addi %squeeze3A, %squeeze3A_1461 : i32
        %slice3A_1463 = vector.extract_strided_slice %scan3A_1458 {offsets = [2], sizes = [1], strides = [1]} : vector<16xi32> to vector<1xi32>
        %squeeze3A_1464 = vector.extract %slice3A_1463[0] : i32 from vector<1xi32>
        %add3A_1465 = arith.addi %add3A_1462, %squeeze3A_1464 : i32
        %slice3A_1466 = vector.extract_strided_slice %scan3A_1458 {offsets = [3], sizes = [1], strides = [1]} : vector<16xi32> to vector<1xi32>
        %squeeze3A_1467 = vector.extract %slice3A_1466[0] : i32 from vector<1xi32>
        %add3A_1468 = arith.addi %add3A_1465, %squeeze3A_1467 : i32
        %slice3A_1469 = vector.extract_strided_slice %scan3A_1458 {offsets = [4], sizes = [1], strides = [1]} : vector<16xi32> to vector<1xi32>
        %squeeze3A_1470 = vector.extract %slice3A_1469[0] : i32 from vector<1xi32>
        %add3A_1471 = arith.addi %add3A_1468, %squeeze3A_1470 : i32
        %slice3A_1472 = vector.extract_strided_slice %scan3A_1458 {offsets = [5], sizes = [1], strides = [1]} : vector<16xi32> to vector<1xi32>
        %squeeze3A_1473 = vector.extract %slice3A_1472[0] : i32 from vector<1xi32>
        %add3A_1474 = arith.addi %add3A_1471, %squeeze3A_1473 : i32
        %slice3A_1475 = vector.extract_strided_slice %scan3A_1458 {offsets = [6], sizes = [1], strides = [1]} : vector<16xi32> to vector<1xi32>
        %squeeze3A_1476 = vector.extract %slice3A_1475[0] : i32 from vector<1xi32>
        %add3A_1477 = arith.addi %add3A_1474, %squeeze3A_1476 : i32
        %slice3A_1478 = vector.extract_strided_slice %scan3A_1458 {offsets = [7], sizes = [1], strides = [1]} : vector<16xi32> to vector<1xi32>
        %squeeze3A_1479 = vector.extract %slice3A_1478[0] : i32 from vector<1xi32>
        %add3A_1480 = arith.addi %add3A_1477, %squeeze3A_1479 : i32
        %slice3A_1481 = vector.extract_strided_slice %scan3A_1458 {offsets = [8], sizes = [1], strides = [1]} : vector<16xi32> to vector<1xi32>
        %squeeze3A_1482 = vector.extract %slice3A_1481[0] : i32 from vector<1xi32>
        %add3A_1483 = arith.addi %add3A_1480, %squeeze3A_1482 : i32
        %slice3A_1484 = vector.extract_strided_slice %scan3A_1458 {offsets = [9], sizes = [1], strides = [1]} : vector<16xi32> to vector<1xi32>
        %squeeze3A_1485 = vector.extract %slice3A_1484[0] : i32 from vector<1xi32>
        %add3A_1486 = arith.addi %add3A_1483, %squeeze3A_1485 : i32
        %slice3A_1487 = vector.extract_strided_slice %scan3A_1458 {offsets = [10], sizes = [1], strides = [1]} : vector<16xi32> to vector<1xi32>
        %squeeze3A_1488 = vector.extract %slice3A_1487[0] : i32 from vector<1xi32>
        %add3A_1489 = arith.addi %add3A_1486, %squeeze3A_1488 : i32
        %slice3A_1490 = vector.extract_strided_slice %scan3A_1458 {offsets = [11], sizes = [1], strides = [1]} : vector<16xi32> to vector<1xi32>
        %squeeze3A_1491 = vector.extract %slice3A_1490[0] : i32 from vector<1xi32>
        %add3A_1492 = arith.addi %add3A_1489, %squeeze3A_1491 : i32
        %slice3A_1493 = vector.extract_strided_slice %scan3A_1458 {offsets = [12], sizes = [1], strides = [1]} : vector<16xi32> to vector<1xi32>
        %squeeze3A_1494 = vector.extract %slice3A_1493[0] : i32 from vector<1xi32>
        %add3A_1495 = arith.addi %add3A_1492, %squeeze3A_1494 : i32
        %slice3A_1496 = vector.extract_strided_slice %scan3A_1458 {offsets = [13], sizes = [1], strides = [1]} : vector<16xi32> to vector<1xi32>
        %squeeze3A_1497 = vector.extract %slice3A_1496[0] : i32 from vector<1xi32>
        %add3A_1498 = arith.addi %add3A_1495, %squeeze3A_1497 : i32
        %slice3A_1499 = vector.extract_strided_slice %scan3A_1458 {offsets = [14], sizes = [1], strides = [1]} : vector<16xi32> to vector<1xi32>
        %squeeze3A_1500 = vector.extract %slice3A_1499[0] : i32 from vector<1xi32>
        %add3A_1501 = arith.addi %add3A_1498, %squeeze3A_1500 : i32
        %slice3A_1502 = vector.extract_strided_slice %scan3A_1458 {offsets = [15], sizes = [1], strides = [1]} : vector<16xi32> to vector<1xi32>
        %squeeze3A_1503 = vector.extract %slice3A_1502[0] : i32 from vector<1xi32>
        %add3A_1504 = arith.addi %add3A_1501, %squeeze3A_1503 : i32
        %ge3A = arith.constant 8192 : i32
        %ge3A_1505 = arith.cmpi sge, %add3A_1504, %ge3A : i32
        %select_n3A = arith.select %ge3A_1505, %add3A_1451, %scan3A_1446 : vector<16xi32>
        scf.yield %select_n3A : vector<16xi32>
      }
      %scan3A_733 = arith.constant 32 : i32
      %scan3A_734 = arith.constant 0 : i32
      %scan3A_735 = arith.constant 0 : i32
      %scan3A_736 = arith.constant 256 : i32
      %scan3A_737 = arith.addi %scan3A_735, %scan3A_736 : i32
      %scan3A_738 = arith.constant 1 : i32
      scf.for %scan3A_1445 = %scan3A_735 to %scan3A_737 step %scan3A_738  : i32 {
        %mul3A_1446 = arith.constant 8 : i32
        %mul3A_1447 = arith.muli %scan3A_1445, %mul3A_1446 : i32
        %add3A_1448 = arith.constant 0 : i32
        %add3A_1449 = arith.addi %mul3A_1447, %add3A_1448 : i32
        %mul3A_1450 = arith.constant 16 : i32
        %mul3A_1451 = arith.muli %add3A_1449, %mul3A_1450 : i32
        %get3A = arith.index_cast %mul3A_1451 : i32 to index
        %get3A_1452 = tpu.vector_load %arg5[%get3A] {strides = array<i32>} : memref<32768xi32, #tpu.memory_space<vmem>>, vector<16xi32>,
        %get3A_1453 = vector.shape_cast %get3A_1452 : vector<16xi32> to vector<16xi32>
        %ge3A = arith.cmpi sge, %get3A_1453, %scan3A_732 : vector<16xi32>
        %get3A_1454 = arith.index_cast %mul3A_1451 : i32 to index
        %get3A_1455 = tpu.vector_load %arg4[%get3A_1454] {strides = array<i32>} : memref<32768xf32, #tpu.memory_space<vmem>>, vector<16xf32>,
        %get3A_1456 = vector.shape_cast %get3A_1455 : vector<16xf32> to vector<16xf32>
        %jit3A = arith.constant 0.000000e+00 : f32
        %broadcast_in_dim3A_1457 = vector.broadcast %jit3A : f32 to vector<16xf32>
        %select_n3A = arith.select %ge3A, %get3A_1456, %broadcast_in_dim3A_1457 : vector<16xi1>, vector<16xf32>
        %swap3A = arith.index_cast %mul3A_1451 : i32 to index
        %swap3A_1458 = tpu.vector_load %arg4[%swap3A] {strides = array<i32>} : memref<32768xf32, #tpu.memory_space<vmem>>, vector<16xf32>,
        %swap3A_1459 = vector.shape_cast %swap3A_1458 : vector<16xf32> to vector<16xf32>
        %swap3A_1460 = vector.shape_cast %select_n3A : vector<16xf32> to vector<16xf32>
        tpu.vector_store %arg4[%swap3A], %swap3A_1460 {strides = array<i32>} : memref<32768xf32, #tpu.memory_space<vmem>>, vector<16xf32>,
        %mul3A_1461 = arith.constant 8 : i32
        %mul3A_1462 = arith.muli %scan3A_1445, %mul3A_1461 : i32
        %add3A_1463 = arith.constant 1 : i32
        %add3A_1464 = arith.addi %mul3A_1462, %add3A_1463 : i32
        %mul3A_1465 = arith.constant 16 : i32
        %mul3A_1466 = arith.muli %add3A_1464, %mul3A_1465 : i32
        %get3A_1467 = arith.index_cast %mul3A_1466 : i32 to index
        %get3A_1468 = tpu.vector_load %arg5[%get3A_1467] {strides = array<i32>} : memref<32768xi32, #tpu.memory_space<vmem>>, vector<16xi32>,
        %get3A_1469 = vector.shape_cast %get3A_1468 : vector<16xi32> to vector<16xi32>
        %ge3A_1470 = arith.cmpi sge, %get3A_1469, %scan3A_732 : vector<16xi32>
        %get3A_1471 = arith.index_cast %mul3A_1466 : i32 to index
        %get3A_1472 = tpu.vector_load %arg4[%get3A_1471] {strides = array<i32>} : memref<32768xf32, #tpu.memory_space<vmem>>, vector<16xf32>,
        %get3A_1473 = vector.shape_cast %get3A_1472 : vector<16xf32> to vector<16xf32>
        %jit3A_1474 = arith.constant 0.000000e+00 : f32
        %broadcast_in_dim3A_1475 = vector.broadcast %jit3A_1474 : f32 to vector<16xf32>
        %select_n3A_1476 = arith.select %ge3A_1470, %get3A_1473, %broadcast_in_dim3A_1475 : vector<16xi1>, vector<16xf32>
        %swap3A_1477 = arith.index_cast %mul3A_1466 : i32 to index
        %swap3A_1478 = tpu.vector_load %arg4[%swap3A_1477] {strides = array<i32>} : memref<32768xf32, #tpu.memory_space<vmem>>, vector<16xf32>,
        %swap3A_1479 = vector.shape_cast %swap3A_1478 : vector<16xf32> to vector<16xf32>
        %swap3A_1480 = vector.shape_cast %select_n3A_1476 : vector<16xf32> to vector<16xf32>
        tpu.vector_store %arg4[%swap3A_1477], %swap3A_1480 {strides = array<i32>} : memref<32768xf32, #tpu.memory_space<vmem>>, vector<16xf32>,
        %mul3A_1481 = arith.constant 8 : i32
        %mul3A_1482 = arith.muli %scan3A_1445, %mul3A_1481 : i32
        %add3A_1483 = arith.constant 2 : i32
        %add3A_1484 = arith.addi %mul3A_1482, %add3A_1483 : i32
        %mul3A_1485 = arith.constant 16 : i32
        %mul3A_1486 = arith.muli %add3A_1484, %mul3A_1485 : i32
        %get3A_1487 = arith.index_cast %mul3A_1486 : i32 to index
        %get3A_1488 = tpu.vector_load %arg5[%get3A_1487] {strides = array<i32>} : memref<32768xi32, #tpu.memory_space<vmem>>, vector<16xi32>,
        %get3A_1489 = vector.shape_cast %get3A_1488 : vector<16xi32> to vector<16xi32>
        %ge3A_1490 = arith.cmpi sge, %get3A_1489, %scan3A_732 : vector<16xi32>
        %get3A_1491 = arith.index_cast %mul3A_1486 : i32 to index
        %get3A_1492 = tpu.vector_load %arg4[%get3A_1491] {strides = array<i32>} : memref<32768xf32, #tpu.memory_space<vmem>>, vector<16xf32>,
        %get3A_1493 = vector.shape_cast %get3A_1492 : vector<16xf32> to vector<16xf32>
        %jit3A_1494 = arith.constant 0.000000e+00 : f32
        %broadcast_in_dim3A_1495 = vector.broadcast %jit3A_1494 : f32 to vector<16xf32>
        %select_n3A_1496 = arith.select %ge3A_1490, %get3A_1493, %broadcast_in_dim3A_1495 : vector<16xi1>, vector<16xf32>
        %swap3A_1497 = arith.index_cast %mul3A_1486 : i32 to index
        %swap3A_1498 = tpu.vector_load %arg4[%swap3A_1497] {strides = array<i32>} : memref<32768xf32, #tpu.memory_space<vmem>>, vector<16xf32>,
        %swap3A_1499 = vector.shape_cast %swap3A_1498 : vector<16xf32> to vector<16xf32>
        %swap3A_1500 = vector.shape_cast %select_n3A_1496 : vector<16xf32> to vector<16xf32>
        tpu.vector_store %arg4[%swap3A_1497], %swap3A_1500 {strides = array<i32>} : memref<32768xf32, #tpu.memory_space<vmem>>, vector<16xf32>,
        %mul3A_1501 = arith.constant 8 : i32
        %mul3A_1502 = arith.muli %scan3A_1445, %mul3A_1501 : i32
        %add3A_1503 = arith.constant 3 : i32
        %add3A_1504 = arith.addi %mul3A_1502, %add3A_1503 : i32
        %mul3A_1505 = arith.constant 16 : i32
        %mul3A_1506 = arith.muli %add3A_1504, %mul3A_1505 : i32
        %get3A_1507 = arith.index_cast %mul3A_1506 : i32 to index
        %get3A_1508 = tpu.vector_load %arg5[%get3A_1507] {strides = array<i32>} : memref<32768xi32, #tpu.memory_space<vmem>>, vector<16xi32>,
        %get3A_1509 = vector.shape_cast %get3A_1508 : vector<16xi32> to vector<16xi32>
        %ge3A_1510 = arith.cmpi sge, %get3A_1509, %scan3A_732 : vector<16xi32>
        %get3A_1511 = arith.index_cast %mul3A_1506 : i32 to index
        %get3A_1512 = tpu.vector_load %arg4[%get3A_1511] {strides = array<i32>} : memref<32768xf32, #tpu.memory_space<vmem>>, vector<16xf32>,
        %get3A_1513 = vector.shape_cast %get3A_1512 : vector<16xf32> to vector<16xf32>
        %jit3A_1514 = arith.constant 0.000000e+00 : f32
        %broadcast_in_dim3A_1515 = vector.broadcast %jit3A_1514 : f32 to vector<16xf32>
        %select_n3A_1516 = arith.select %ge3A_1510, %get3A_1513, %broadcast_in_dim3A_1515 : vector<16xi1>, vector<16xf32>
        %swap3A_1517 = arith.index_cast %mul3A_1506 : i32 to index
        %swap3A_1518 = tpu.vector_load %arg4[%swap3A_1517] {strides = array<i32>} : memref<32768xf32, #tpu.memory_space<vmem>>, vector<16xf32>,
        %swap3A_1519 = vector.shape_cast %swap3A_1518 : vector<16xf32> to vector<16xf32>
        %swap3A_1520 = vector.shape_cast %select_n3A_1516 : vector<16xf32> to vector<16xf32>
        tpu.vector_store %arg4[%swap3A_1517], %swap3A_1520 {strides = array<i32>} : memref<32768xf32, #tpu.memory_space<vmem>>, vector<16xf32>,
        %mul3A_1521 = arith.constant 8 : i32
        %mul3A_1522 = arith.muli %scan3A_1445, %mul3A_1521 : i32
        %add3A_1523 = arith.constant 4 : i32
        %add3A_1524 = arith.addi %mul3A_1522, %add3A_1523 : i32
        %mul3A_1525 = arith.constant 16 : i32
        %mul3A_1526 = arith.muli %add3A_1524, %mul3A_1525 : i32
        %get3A_1527 = arith.index_cast %mul3A_1526 : i32 to index
        %get3A_1528 = tpu.vector_load %arg5[%get3A_1527] {strides = array<i32>} : memref<32768xi32, #tpu.memory_space<vmem>>, vector<16xi32>,
        %get3A_1529 = vector.shape_cast %get3A_1528 : vector<16xi32> to vector<16xi32>
        %ge3A_1530 = arith.cmpi sge, %get3A_1529, %scan3A_732 : vector<16xi32>
        %get3A_1531 = arith.index_cast %mul3A_1526 : i32 to index
        %get3A_1532 = tpu.vector_load %arg4[%get3A_1531] {strides = array<i32>} : memref<32768xf32, #tpu.memory_space<vmem>>, vector<16xf32>,
        %get3A_1533 = vector.shape_cast %get3A_1532 : vector<16xf32> to vector<16xf32>
        %jit3A_1534 = arith.constant 0.000000e+00 : f32
        %broadcast_in_dim3A_1535 = vector.broadcast %jit3A_1534 : f32 to vector<16xf32>
        %select_n3A_1536 = arith.select %ge3A_1530, %get3A_1533, %broadcast_in_dim3A_1535 : vector<16xi1>, vector<16xf32>
        %swap3A_1537 = arith.index_cast %mul3A_1526 : i32 to index
        %swap3A_1538 = tpu.vector_load %arg4[%swap3A_1537] {strides = array<i32>} : memref<32768xf32, #tpu.memory_space<vmem>>, vector<16xf32>,
        %swap3A_1539 = vector.shape_cast %swap3A_1538 : vector<16xf32> to vector<16xf32>
        %swap3A_1540 = vector.shape_cast %select_n3A_1536 : vector<16xf32> to vector<16xf32>
        tpu.vector_store %arg4[%swap3A_1537], %swap3A_1540 {strides = array<i32>} : memref<32768xf32, #tpu.memory_space<vmem>>, vector<16xf32>,
        %mul3A_1541 = arith.constant 8 : i32
        %mul3A_1542 = arith.muli %scan3A_1445, %mul3A_1541 : i32
        %add3A_1543 = arith.constant 5 : i32
        %add3A_1544 = arith.addi %mul3A_1542, %add3A_1543 : i32
        %mul3A_1545 = arith.constant 16 : i32
        %mul3A_1546 = arith.muli %add3A_1544, %mul3A_1545 : i32
        %get3A_1547 = arith.index_cast %mul3A_1546 : i32 to index
        %get3A_1548 = tpu.vector_load %arg5[%get3A_1547] {strides = array<i32>} : memref<32768xi32, #tpu.memory_space<vmem>>, vector<16xi32>,
        %get3A_1549 = vector.shape_cast %get3A_1548 : vector<16xi32> to vector<16xi32>
        %ge3A_1550 = arith.cmpi sge, %get3A_1549, %scan3A_732 : vector<16xi32>
        %get3A_1551 = arith.index_cast %mul3A_1546 : i32 to index
        %get3A_1552 = tpu.vector_load %arg4[%get3A_1551] {strides = array<i32>} : memref<32768xf32, #tpu.memory_space<vmem>>, vector<16xf32>,
        %get3A_1553 = vector.shape_cast %get3A_1552 : vector<16xf32> to vector<16xf32>
        %jit3A_1554 = arith.constant 0.000000e+00 : f32
        %broadcast_in_dim3A_1555 = vector.broadcast %jit3A_1554 : f32 to vector<16xf32>
        %select_n3A_1556 = arith.select %ge3A_1550, %get3A_1553, %broadcast_in_dim3A_1555 : vector<16xi1>, vector<16xf32>
        %swap3A_1557 = arith.index_cast %mul3A_1546 : i32 to index
        %swap3A_1558 = tpu.vector_load %arg4[%swap3A_1557] {strides = array<i32>} : memref<32768xf32, #tpu.memory_space<vmem>>, vector<16xf32>,
        %swap3A_1559 = vector.shape_cast %swap3A_1558 : vector<16xf32> to vector<16xf32>
        %swap3A_1560 = vector.shape_cast %select_n3A_1556 : vector<16xf32> to vector<16xf32>
        tpu.vector_store %arg4[%swap3A_1557], %swap3A_1560 {strides = array<i32>} : memref<32768xf32, #tpu.memory_space<vmem>>, vector<16xf32>,
        %mul3A_1561 = arith.constant 8 : i32
        %mul3A_1562 = arith.muli %scan3A_1445, %mul3A_1561 : i32
        %add3A_1563 = arith.constant 6 : i32
        %add3A_1564 = arith.addi %mul3A_1562, %add3A_1563 : i32
        %mul3A_1565 = arith.constant 16 : i32
        %mul3A_1566 = arith.muli %add3A_1564, %mul3A_1565 : i32
        %get3A_1567 = arith.index_cast %mul3A_1566 : i32 to index
        %get3A_1568 = tpu.vector_load %arg5[%get3A_1567] {strides = array<i32>} : memref<32768xi32, #tpu.memory_space<vmem>>, vector<16xi32>,
        %get3A_1569 = vector.shape_cast %get3A_1568 : vector<16xi32> to vector<16xi32>
        %ge3A_1570 = arith.cmpi sge, %get3A_1569, %scan3A_732 : vector<16xi32>
        %get3A_1571 = arith.index_cast %mul3A_1566 : i32 to index
        %get3A_1572 = tpu.vector_load %arg4[%get3A_1571] {strides = array<i32>} : memref<32768xf32, #tpu.memory_space<vmem>>, vector<16xf32>,
        %get3A_1573 = vector.shape_cast %get3A_1572 : vector<16xf32> to vector<16xf32>
        %jit3A_1574 = arith.constant 0.000000e+00 : f32
        %broadcast_in_dim3A_1575 = vector.broadcast %jit3A_1574 : f32 to vector<16xf32>
        %select_n3A_1576 = arith.select %ge3A_1570, %get3A_1573, %broadcast_in_dim3A_1575 : vector<16xi1>, vector<16xf32>
        %swap3A_1577 = arith.index_cast %mul3A_1566 : i32 to index
        %swap3A_1578 = tpu.vector_load %arg4[%swap3A_1577] {strides = array<i32>} : memref<32768xf32, #tpu.memory_space<vmem>>, vector<16xf32>,
        %swap3A_1579 = vector.shape_cast %swap3A_1578 : vector<16xf32> to vector<16xf32>
        %swap3A_1580 = vector.shape_cast %select_n3A_1576 : vector<16xf32> to vector<16xf32>
        tpu.vector_store %arg4[%swap3A_1577], %swap3A_1580 {strides = array<i32>} : memref<32768xf32, #tpu.memory_space<vmem>>, vector<16xf32>,
        %mul3A_1581 = arith.constant 8 : i32
        %mul3A_1582 = arith.muli %scan3A_1445, %mul3A_1581 : i32
        %add3A_1583 = arith.constant 7 : i32
        %add3A_1584 = arith.addi %mul3A_1582, %add3A_1583 : i32
        %mul3A_1585 = arith.constant 16 : i32
        %mul3A_1586 = arith.muli %add3A_1584, %mul3A_1585 : i32
        %get3A_1587 = arith.index_cast %mul3A_1586 : i32 to index
        %get3A_1588 = tpu.vector_load %arg5[%get3A_1587] {strides = array<i32>} : memref<32768xi32, #tpu.memory_space<vmem>>, vector<16xi32>,
        %get3A_1589 = vector.shape_cast %get3A_1588 : vector<16xi32> to vector<16xi32>
        %ge3A_1590 = arith.cmpi sge, %get3A_1589, %scan3A_732 : vector<16xi32>
        %get3A_1591 = arith.index_cast %mul3A_1586 : i32 to index
        %get3A_1592 = tpu.vector_load %arg4[%get3A_1591] {strides = array<i32>} : memref<32768xf32, #tpu.memory_space<vmem>>, vector<16xf32>,
        %get3A_1593 = vector.shape_cast %get3A_1592 : vector<16xf32> to vector<16xf32>
        %jit3A_1594 = arith.constant 0.000000e+00 : f32
        %broadcast_in_dim3A_1595 = vector.broadcast %jit3A_1594 : f32 to vector<16xf32>
        %select_n3A_1596 = arith.select %ge3A_1590, %get3A_1593, %broadcast_in_dim3A_1595 : vector<16xi1>, vector<16xf32>
        %swap3A_1597 = arith.index_cast %mul3A_1586 : i32 to index
        %swap3A_1598 = tpu.vector_load %arg4[%swap3A_1597] {strides = array<i32>} : memref<32768xf32, #tpu.memory_space<vmem>>, vector<16xf32>,
        %swap3A_1599 = vector.shape_cast %swap3A_1598 : vector<16xf32> to vector<16xf32>
        %swap3A_1600 = vector.shape_cast %select_n3A_1596 : vector<16xf32> to vector<16xf32>
        tpu.vector_store %arg4[%swap3A_1597], %swap3A_1600 {strides = array<i32>} : memref<32768xf32, #tpu.memory_space<vmem>>, vector<16xf32>,
      }
      %scan3A_739 = arith.constant 256 : i32
      %dma_start3A_740 = arith.constant 0 : i32
      %dma_start3A_741 = arith.constant 0 : i32
      %dma_start3A_742 = tpu.memref_slice %arg4[%dma_start3A_741] : memref<32768xf32, #tpu.memory_space<vmem>> -> memref<1024xf32, #tpu.memory_space<vmem>>
      %dma_start3A_743 = arith.constant 0 : i32
      %dma_start3A_744 = tpu.memref_slice %arg3[%dma_start3A_740, %add3A_11, %dma_start3A_743] : memref<32x96x1024xf32, #tpu.memory_space<hbm>> -> memref<1x1x1024xf32, #tpu.memory_space<hbm>>
      %dma_start3A_745 = tpu.memref_squeeze %dma_start3A_744 : memref<1x1x1024xf32, #tpu.memory_space<hbm>> -> memref<1024xf32, #tpu.memory_space<hbm>>
      %dma_start3A_746 = arith.constant 0 : i32
      %dma_start3A_747 = tpu.memref_slice %arg3[%dma_start3A_740, %add3A_11, %dma_start3A_746] : memref<32x96x1024xf32, #tpu.memory_space<hbm>> -> memref<1x1x1024xf32, #tpu.memory_space<hbm>>
      %dma_start3A_748 = tpu.memref_squeeze %dma_start3A_747 : memref<1x1x1024xf32, #tpu.memory_space<hbm>> -> memref<1024xf32, #tpu.memory_space<hbm>>
      %dma_start3A_749 = arith.constant 0 : i32
      %dma_start3A_750 = tpu.memref_slice %arg4[%dma_start3A_749] : memref<32768xf32, #tpu.memory_space<vmem>> -> memref<1024xf32, #tpu.memory_space<vmem>>
      tpu.enqueue_dma source(%dma_start3A_750 : memref<1024xf32, #tpu.memory_space<vmem>>) target(%dma_start3A_748 : memref<1024xf32, #tpu.memory_space<hbm>>) target_semaphore(%arg6 : memref<!tpu.dma_semaphore, #tpu.memory_space<semaphore_mem>>)
      %dma_start3A_751 = arith.constant 1 : i32
      %dma_start3A_752 = arith.constant 1024 : i32
      %dma_start3A_753 = tpu.memref_slice %arg4[%dma_start3A_752] : memref<32768xf32, #tpu.memory_space<vmem>> -> memref<1024xf32, #tpu.memory_space<vmem>>
      %dma_start3A_754 = arith.constant 0 : i32
      %dma_start3A_755 = tpu.memref_slice %arg3[%dma_start3A_751, %add3A_11, %dma_start3A_754] : memref<32x96x1024xf32, #tpu.memory_space<hbm>> -> memref<1x1x1024xf32, #tpu.memory_space<hbm>>
      %dma_start3A_756 = tpu.memref_squeeze %dma_start3A_755 : memref<1x1x1024xf32, #tpu.memory_space<hbm>> -> memref<1024xf32, #tpu.memory_space<hbm>>
      %dma_start3A_757 = arith.constant 0 : i32
      %dma_start3A_758 = tpu.memref_slice %arg3[%dma_start3A_751, %add3A_11, %dma_start3A_757] : memref<32x96x1024xf32, #tpu.memory_space<hbm>> -> memref<1x1x1024xf32, #tpu.memory_space<hbm>>
      %dma_start3A_759 = tpu.memref_squeeze %dma_start3A_758 : memref<1x1x1024xf32, #tpu.memory_space<hbm>> -> memref<1024xf32, #tpu.memory_space<hbm>>
      %dma_start3A_760 = arith.constant 1024 : i32
      %dma_start3A_761 = tpu.memref_slice %arg4[%dma_start3A_760] : memref<32768xf32, #tpu.memory_space<vmem>> -> memref<1024xf32, #tpu.memory_space<vmem>>
      tpu.enqueue_dma source(%dma_start3A_761 : memref<1024xf32, #tpu.memory_space<vmem>>) target(%dma_start3A_759 : memref<1024xf32, #tpu.memory_space<hbm>>) target_semaphore(%arg6 : memref<!tpu.dma_semaphore, #tpu.memory_space<semaphore_mem>>)
      %dma_start3A_762 = arith.constant 2 : i32
      %dma_start3A_763 = arith.constant 2048 : i32
      %dma_start3A_764 = tpu.memref_slice %arg4[%dma_start3A_763] : memref<32768xf32, #tpu.memory_space<vmem>> -> memref<1024xf32, #tpu.memory_space<vmem>>
      %dma_start3A_765 = arith.constant 0 : i32
      %dma_start3A_766 = tpu.memref_slice %arg3[%dma_start3A_762, %add3A_11, %dma_start3A_765] : memref<32x96x1024xf32, #tpu.memory_space<hbm>> -> memref<1x1x1024xf32, #tpu.memory_space<hbm>>
      %dma_start3A_767 = tpu.memref_squeeze %dma_start3A_766 : memref<1x1x1024xf32, #tpu.memory_space<hbm>> -> memref<1024xf32, #tpu.memory_space<hbm>>
      %dma_start3A_768 = arith.constant 0 : i32
      %dma_start3A_769 = tpu.memref_slice %arg3[%dma_start3A_762, %add3A_11, %dma_start3A_768] : memref<32x96x1024xf32, #tpu.memory_space<hbm>> -> memref<1x1x1024xf32, #tpu.memory_space<hbm>>
      %dma_start3A_770 = tpu.memref_squeeze %dma_start3A_769 : memref<1x1x1024xf32, #tpu.memory_space<hbm>> -> memref<1024xf32, #tpu.memory_space<hbm>>
      %dma_start3A_771 = arith.constant 2048 : i32
      %dma_start3A_772 = tpu.memref_slice %arg4[%dma_start3A_771] : memref<32768xf32, #tpu.memory_space<vmem>> -> memref<1024xf32, #tpu.memory_space<vmem>>
      tpu.enqueue_dma source(%dma_start3A_772 : memref<1024xf32, #tpu.memory_space<vmem>>) target(%dma_start3A_770 : memref<1024xf32, #tpu.memory_space<hbm>>) target_semaphore(%arg6 : memref<!tpu.dma_semaphore, #tpu.memory_space<semaphore_mem>>)
      %dma_start3A_773 = arith.constant 3 : i32
      %dma_start3A_774 = arith.constant 3072 : i32
      %dma_start3A_775 = tpu.memref_slice %arg4[%dma_start3A_774] : memref<32768xf32, #tpu.memory_space<vmem>> -> memref<1024xf32, #tpu.memory_space<vmem>>
      %dma_start3A_776 = arith.constant 0 : i32
      %dma_start3A_777 = tpu.memref_slice %arg3[%dma_start3A_773, %add3A_11, %dma_start3A_776] : memref<32x96x1024xf32, #tpu.memory_space<hbm>> -> memref<1x1x1024xf32, #tpu.memory_space<hbm>>
      %dma_start3A_778 = tpu.memref_squeeze %dma_start3A_777 : memref<1x1x1024xf32, #tpu.memory_space<hbm>> -> memref<1024xf32, #tpu.memory_space<hbm>>
      %dma_start3A_779 = arith.constant 0 : i32
      %dma_start3A_780 = tpu.memref_slice %arg3[%dma_start3A_773, %add3A_11, %dma_start3A_779] : memref<32x96x1024xf32, #tpu.memory_space<hbm>> -> memref<1x1x1024xf32, #tpu.memory_space<hbm>>
      %dma_start3A_781 = tpu.memref_squeeze %dma_start3A_780 : memref<1x1x1024xf32, #tpu.memory_space<hbm>> -> memref<1024xf32, #tpu.memory_space<hbm>>
      %dma_start3A_782 = arith.constant 3072 : i32
      %dma_start3A_783 = tpu.memref_slice %arg4[%dma_start3A_782] : memref<32768xf32, #tpu.memory_space<vmem>> -> memref<1024xf32, #tpu.memory_space<vmem>>
      tpu.enqueue_dma source(%dma_start3A_783 : memref<1024xf32, #tpu.memory_space<vmem>>) target(%dma_start3A_781 : memref<1024xf32, #tpu.memory_space<hbm>>) target_semaphore(%arg6 : memref<!tpu.dma_semaphore, #tpu.memory_space<semaphore_mem>>)
      %dma_start3A_784 = arith.constant 4 : i32
      %dma_start3A_785 = arith.constant 4096 : i32
      %dma_start3A_786 = tpu.memref_slice %arg4[%dma_start3A_785] : memref<32768xf32, #tpu.memory_space<vmem>> -> memref<1024xf32, #tpu.memory_space<vmem>>
      %dma_start3A_787 = arith.constant 0 : i32
      %dma_start3A_788 = tpu.memref_slice %arg3[%dma_start3A_784, %add3A_11, %dma_start3A_787] : memref<32x96x1024xf32, #tpu.memory_space<hbm>> -> memref<1x1x1024xf32, #tpu.memory_space<hbm>>
      %dma_start3A_789 = tpu.memref_squeeze %dma_start3A_788 : memref<1x1x1024xf32, #tpu.memory_space<hbm>> -> memref<1024xf32, #tpu.memory_space<hbm>>
      %dma_start3A_790 = arith.constant 0 : i32
      %dma_start3A_791 = tpu.memref_slice %arg3[%dma_start3A_784, %add3A_11, %dma_start3A_790] : memref<32x96x1024xf32, #tpu.memory_space<hbm>> -> memref<1x1x1024xf32, #tpu.memory_space<hbm>>
      %dma_start3A_792 = tpu.memref_squeeze %dma_start3A_791 : memref<1x1x1024xf32, #tpu.memory_space<hbm>> -> memref<1024xf32, #tpu.memory_space<hbm>>
      %dma_start3A_793 = arith.constant 4096 : i32
      %dma_start3A_794 = tpu.memref_slice %arg4[%dma_start3A_793] : memref<32768xf32, #tpu.memory_space<vmem>> -> memref<1024xf32, #tpu.memory_space<vmem>>
      tpu.enqueue_dma source(%dma_start3A_794 : memref<1024xf32, #tpu.memory_space<vmem>>) target(%dma_start3A_792 : memref<1024xf32, #tpu.memory_space<hbm>>) target_semaphore(%arg6 : memref<!tpu.dma_semaphore, #tpu.memory_space<semaphore_mem>>)
      %dma_start3A_795 = arith.constant 5 : i32
      %dma_start3A_796 = arith.constant 5120 : i32
      %dma_start3A_797 = tpu.memref_slice %arg4[%dma_start3A_796] : memref<32768xf32, #tpu.memory_space<vmem>> -> memref<1024xf32, #tpu.memory_space<vmem>>
      %dma_start3A_798 = arith.constant 0 : i32
      %dma_start3A_799 = tpu.memref_slice %arg3[%dma_start3A_795, %add3A_11, %dma_start3A_798] : memref<32x96x1024xf32, #tpu.memory_space<hbm>> -> memref<1x1x1024xf32, #tpu.memory_space<hbm>>
      %dma_start3A_800 = tpu.memref_squeeze %dma_start3A_799 : memref<1x1x1024xf32, #tpu.memory_space<hbm>> -> memref<1024xf32, #tpu.memory_space<hbm>>
      %dma_start3A_801 = arith.constant 0 : i32
      %dma_start3A_802 = tpu.memref_slice %arg3[%dma_start3A_795, %add3A_11, %dma_start3A_801] : memref<32x96x1024xf32, #tpu.memory_space<hbm>> -> memref<1x1x1024xf32, #tpu.memory_space<hbm>>
      %dma_start3A_803 = tpu.memref_squeeze %dma_start3A_802 : memref<1x1x1024xf32, #tpu.memory_space<hbm>> -> memref<1024xf32, #tpu.memory_space<hbm>>
      %dma_start3A_804 = arith.constant 5120 : i32
      %dma_start3A_805 = tpu.memref_slice %arg4[%dma_start3A_804] : memref<32768xf32, #tpu.memory_space<vmem>> -> memref<1024xf32, #tpu.memory_space<vmem>>
      tpu.enqueue_dma source(%dma_start3A_805 : memref<1024xf32, #tpu.memory_space<vmem>>) target(%dma_start3A_803 : memref<1024xf32, #tpu.memory_space<hbm>>) target_semaphore(%arg6 : memref<!tpu.dma_semaphore, #tpu.memory_space<semaphore_mem>>)
      %dma_start3A_806 = arith.constant 6 : i32
      %dma_start3A_807 = arith.constant 6144 : i32
      %dma_start3A_808 = tpu.memref_slice %arg4[%dma_start3A_807] : memref<32768xf32, #tpu.memory_space<vmem>> -> memref<1024xf32, #tpu.memory_space<vmem>>
      %dma_start3A_809 = arith.constant 0 : i32
      %dma_start3A_810 = tpu.memref_slice %arg3[%dma_start3A_806, %add3A_11, %dma_start3A_809] : memref<32x96x1024xf32, #tpu.memory_space<hbm>> -> memref<1x1x1024xf32, #tpu.memory_space<hbm>>
      %dma_start3A_811 = tpu.memref_squeeze %dma_start3A_810 : memref<1x1x1024xf32, #tpu.memory_space<hbm>> -> memref<1024xf32, #tpu.memory_space<hbm>>
      %dma_start3A_812 = arith.constant 0 : i32
      %dma_start3A_813 = tpu.memref_slice %arg3[%dma_start3A_806, %add3A_11, %dma_start3A_812] : memref<32x96x1024xf32, #tpu.memory_space<hbm>> -> memref<1x1x1024xf32, #tpu.memory_space<hbm>>
      %dma_start3A_814 = tpu.memref_squeeze %dma_start3A_813 : memref<1x1x1024xf32, #tpu.memory_space<hbm>> -> memref<1024xf32, #tpu.memory_space<hbm>>
      %dma_start3A_815 = arith.constant 6144 : i32
      %dma_start3A_816 = tpu.memref_slice %arg4[%dma_start3A_815] : memref<32768xf32, #tpu.memory_space<vmem>> -> memref<1024xf32, #tpu.memory_space<vmem>>
      tpu.enqueue_dma source(%dma_start3A_816 : memref<1024xf32, #tpu.memory_space<vmem>>) target(%dma_start3A_814 : memref<1024xf32, #tpu.memory_space<hbm>>) target_semaphore(%arg6 : memref<!tpu.dma_semaphore, #tpu.memory_space<semaphore_mem>>)
      %dma_start3A_817 = arith.constant 7 : i32
      %dma_start3A_818 = arith.constant 7168 : i32
      %dma_start3A_819 = tpu.memref_slice %arg4[%dma_start3A_818] : memref<32768xf32, #tpu.memory_space<vmem>> -> memref<1024xf32, #tpu.memory_space<vmem>>
      %dma_start3A_820 = arith.constant 0 : i32
      %dma_start3A_821 = tpu.memref_slice %arg3[%dma_start3A_817, %add3A_11, %dma_start3A_820] : memref<32x96x1024xf32, #tpu.memory_space<hbm>> -> memref<1x1x1024xf32, #tpu.memory_space<hbm>>
      %dma_start3A_822 = tpu.memref_squeeze %dma_start3A_821 : memref<1x1x1024xf32, #tpu.memory_space<hbm>> -> memref<1024xf32, #tpu.memory_space<hbm>>
      %dma_start3A_823 = arith.constant 0 : i32
      %dma_start3A_824 = tpu.memref_slice %arg3[%dma_start3A_817, %add3A_11, %dma_start3A_823] : memref<32x96x1024xf32, #tpu.memory_space<hbm>> -> memref<1x1x1024xf32, #tpu.memory_space<hbm>>
      %dma_start3A_825 = tpu.memref_squeeze %dma_start3A_824 : memref<1x1x1024xf32, #tpu.memory_space<hbm>> -> memref<1024xf32, #tpu.memory_space<hbm>>
      %dma_start3A_826 = arith.constant 7168 : i32
      %dma_start3A_827 = tpu.memref_slice %arg4[%dma_start3A_826] : memref<32768xf32, #tpu.memory_space<vmem>> -> memref<1024xf32, #tpu.memory_space<vmem>>
      tpu.enqueue_dma source(%dma_start3A_827 : memref<1024xf32, #tpu.memory_space<vmem>>) target(%dma_start3A_825 : memref<1024xf32, #tpu.memory_space<hbm>>) target_semaphore(%arg6 : memref<!tpu.dma_semaphore, #tpu.memory_space<semaphore_mem>>)
      %dma_start3A_828 = arith.constant 8 : i32
      %dma_start3A_829 = arith.constant 8192 : i32
      %dma_start3A_830 = tpu.memref_slice %arg4[%dma_start3A_829] : memref<32768xf32, #tpu.memory_space<vmem>> -> memref<1024xf32, #tpu.memory_space<vmem>>
      %dma_start3A_831 = arith.constant 0 : i32
      %dma_start3A_832 = tpu.memref_slice %arg3[%dma_start3A_828, %add3A_11, %dma_start3A_831] : memref<32x96x1024xf32, #tpu.memory_space<hbm>> -> memref<1x1x1024xf32, #tpu.memory_space<hbm>>
      %dma_start3A_833 = tpu.memref_squeeze %dma_start3A_832 : memref<1x1x1024xf32, #tpu.memory_space<hbm>> -> memref<1024xf32, #tpu.memory_space<hbm>>
      %dma_start3A_834 = arith.constant 0 : i32
      %dma_start3A_835 = tpu.memref_slice %arg3[%dma_start3A_828, %add3A_11, %dma_start3A_834] : memref<32x96x1024xf32, #tpu.memory_space<hbm>> -> memref<1x1x1024xf32, #tpu.memory_space<hbm>>
      %dma_start3A_836 = tpu.memref_squeeze %dma_start3A_835 : memref<1x1x1024xf32, #tpu.memory_space<hbm>> -> memref<1024xf32, #tpu.memory_space<hbm>>
      %dma_start3A_837 = arith.constant 8192 : i32
      %dma_start3A_838 = tpu.memref_slice %arg4[%dma_start3A_837] : memref<32768xf32, #tpu.memory_space<vmem>> -> memref<1024xf32, #tpu.memory_space<vmem>>
      tpu.enqueue_dma source(%dma_start3A_838 : memref<1024xf32, #tpu.memory_space<vmem>>) target(%dma_start3A_836 : memref<1024xf32, #tpu.memory_space<hbm>>) target_semaphore(%arg6 : memref<!tpu.dma_semaphore, #tpu.memory_space<semaphore_mem>>)
      %dma_start3A_839 = arith.constant 9 : i32
      %dma_start3A_840 = arith.constant 9216 : i32
      %dma_start3A_841 = tpu.memref_slice %arg4[%dma_start3A_840] : memref<32768xf32, #tpu.memory_space<vmem>> -> memref<1024xf32, #tpu.memory_space<vmem>>
      %dma_start3A_842 = arith.constant 0 : i32
      %dma_start3A_843 = tpu.memref_slice %arg3[%dma_start3A_839, %add3A_11, %dma_start3A_842] : memref<32x96x1024xf32, #tpu.memory_space<hbm>> -> memref<1x1x1024xf32, #tpu.memory_space<hbm>>
      %dma_start3A_844 = tpu.memref_squeeze %dma_start3A_843 : memref<1x1x1024xf32, #tpu.memory_space<hbm>> -> memref<1024xf32, #tpu.memory_space<hbm>>
      %dma_start3A_845 = arith.constant 0 : i32
      %dma_start3A_846 = tpu.memref_slice %arg3[%dma_start3A_839, %add3A_11, %dma_start3A_845] : memref<32x96x1024xf32, #tpu.memory_space<hbm>> -> memref<1x1x1024xf32, #tpu.memory_space<hbm>>
      %dma_start3A_847 = tpu.memref_squeeze %dma_start3A_846 : memref<1x1x1024xf32, #tpu.memory_space<hbm>> -> memref<1024xf32, #tpu.memory_space<hbm>>
      %dma_start3A_848 = arith.constant 9216 : i32
      %dma_start3A_849 = tpu.memref_slice %arg4[%dma_start3A_848] : memref<32768xf32, #tpu.memory_space<vmem>> -> memref<1024xf32, #tpu.memory_space<vmem>>
      tpu.enqueue_dma source(%dma_start3A_849 : memref<1024xf32, #tpu.memory_space<vmem>>) target(%dma_start3A_847 : memref<1024xf32, #tpu.memory_space<hbm>>) target_semaphore(%arg6 : memref<!tpu.dma_semaphore, #tpu.memory_space<semaphore_mem>>)
      %dma_start3A_850 = arith.constant 10 : i32
      %dma_start3A_851 = arith.constant 10240 : i32
      %dma_start3A_852 = tpu.memref_slice %arg4[%dma_start3A_851] : memref<32768xf32, #tpu.memory_space<vmem>> -> memref<1024xf32, #tpu.memory_space<vmem>>
      %dma_start3A_853 = arith.constant 0 : i32
      %dma_start3A_854 = tpu.memref_slice %arg3[%dma_start3A_850, %add3A_11, %dma_start3A_853] : memref<32x96x1024xf32, #tpu.memory_space<hbm>> -> memref<1x1x1024xf32, #tpu.memory_space<hbm>>
      %dma_start3A_855 = tpu.memref_squeeze %dma_start3A_854 : memref<1x1x1024xf32, #tpu.memory_space<hbm>> -> memref<1024xf32, #tpu.memory_space<hbm>>
      %dma_start3A_856 = arith.constant 0 : i32
      %dma_start3A_857 = tpu.memref_slice %arg3[%dma_start3A_850, %add3A_11, %dma_start3A_856] : memref<32x96x1024xf32, #tpu.memory_space<hbm>> -> memref<1x1x1024xf32, #tpu.memory_space<hbm>>
      %dma_start3A_858 = tpu.memref_squeeze %dma_start3A_857 : memref<1x1x1024xf32, #tpu.memory_space<hbm>> -> memref<1024xf32, #tpu.memory_space<hbm>>
      %dma_start3A_859 = arith.constant 10240 : i32
      %dma_start3A_860 = tpu.memref_slice %arg4[%dma_start3A_859] : memref<32768xf32, #tpu.memory_space<vmem>> -> memref<1024xf32, #tpu.memory_space<vmem>>
      tpu.enqueue_dma source(%dma_start3A_860 : memref<1024xf32, #tpu.memory_space<vmem>>) target(%dma_start3A_858 : memref<1024xf32, #tpu.memory_space<hbm>>) target_semaphore(%arg6 : memref<!tpu.dma_semaphore, #tpu.memory_space<semaphore_mem>>)
      %dma_start3A_861 = arith.constant 11 : i32
      %dma_start3A_862 = arith.constant 11264 : i32
      %dma_start3A_863 = tpu.memref_slice %arg4[%dma_start3A_862] : memref<32768xf32, #tpu.memory_space<vmem>> -> memref<1024xf32, #tpu.memory_space<vmem>>
      %dma_start3A_864 = arith.constant 0 : i32
      %dma_start3A_865 = tpu.memref_slice %arg3[%dma_start3A_861, %add3A_11, %dma_start3A_864] : memref<32x96x1024xf32, #tpu.memory_space<hbm>> -> memref<1x1x1024xf32, #tpu.memory_space<hbm>>
      %dma_start3A_866 = tpu.memref_squeeze %dma_start3A_865 : memref<1x1x1024xf32, #tpu.memory_space<hbm>> -> memref<1024xf32, #tpu.memory_space<hbm>>
      %dma_start3A_867 = arith.constant 0 : i32
      %dma_start3A_868 = tpu.memref_slice %arg3[%dma_start3A_861, %add3A_11, %dma_start3A_867] : memref<32x96x1024xf32, #tpu.memory_space<hbm>> -> memref<1x1x1024xf32, #tpu.memory_space<hbm>>
      %dma_start3A_869 = tpu.memref_squeeze %dma_start3A_868 : memref<1x1x1024xf32, #tpu.memory_space<hbm>> -> memref<1024xf32, #tpu.memory_space<hbm>>
      %dma_start3A_870 = arith.constant 11264 : i32
      %dma_start3A_871 = tpu.memref_slice %arg4[%dma_start3A_870] : memref<32768xf32, #tpu.memory_space<vmem>> -> memref<1024xf32, #tpu.memory_space<vmem>>
      tpu.enqueue_dma source(%dma_start3A_871 : memref<1024xf32, #tpu.memory_space<vmem>>) target(%dma_start3A_869 : memref<1024xf32, #tpu.memory_space<hbm>>) target_semaphore(%arg6 : memref<!tpu.dma_semaphore, #tpu.memory_space<semaphore_mem>>)
      %dma_start3A_872 = arith.constant 12 : i32
      %dma_start3A_873 = arith.constant 12288 : i32
      %dma_start3A_874 = tpu.memref_slice %arg4[%dma_start3A_873] : memref<32768xf32, #tpu.memory_space<vmem>> -> memref<1024xf32, #tpu.memory_space<vmem>>
      %dma_start3A_875 = arith.constant 0 : i32
      %dma_start3A_876 = tpu.memref_slice %arg3[%dma_start3A_872, %add3A_11, %dma_start3A_875] : memref<32x96x1024xf32, #tpu.memory_space<hbm>> -> memref<1x1x1024xf32, #tpu.memory_space<hbm>>
      %dma_start3A_877 = tpu.memref_squeeze %dma_start3A_876 : memref<1x1x1024xf32, #tpu.memory_space<hbm>> -> memref<1024xf32, #tpu.memory_space<hbm>>
      %dma_start3A_878 = arith.constant 0 : i32
      %dma_start3A_879 = tpu.memref_slice %arg3[%dma_start3A_872, %add3A_11, %dma_start3A_878] : memref<32x96x1024xf32, #tpu.memory_space<hbm>> -> memref<1x1x1024xf32, #tpu.memory_space<hbm>>
      %dma_start3A_880 = tpu.memref_squeeze %dma_start3A_879 : memref<1x1x1024xf32, #tpu.memory_space<hbm>> -> memref<1024xf32, #tpu.memory_space<hbm>>
      %dma_start3A_881 = arith.constant 12288 : i32
      %dma_start3A_882 = tpu.memref_slice %arg4[%dma_start3A_881] : memref<32768xf32, #tpu.memory_space<vmem>> -> memref<1024xf32, #tpu.memory_space<vmem>>
      tpu.enqueue_dma source(%dma_start3A_882 : memref<1024xf32, #tpu.memory_space<vmem>>) target(%dma_start3A_880 : memref<1024xf32, #tpu.memory_space<hbm>>) target_semaphore(%arg6 : memref<!tpu.dma_semaphore, #tpu.memory_space<semaphore_mem>>)
      %dma_start3A_883 = arith.constant 13 : i32
      %dma_start3A_884 = arith.constant 13312 : i32
      %dma_start3A_885 = tpu.memref_slice %arg4[%dma_start3A_884] : memref<32768xf32, #tpu.memory_space<vmem>> -> memref<1024xf32, #tpu.memory_space<vmem>>
      %dma_start3A_886 = arith.constant 0 : i32
      %dma_start3A_887 = tpu.memref_slice %arg3[%dma_start3A_883, %add3A_11, %dma_start3A_886] : memref<32x96x1024xf32, #tpu.memory_space<hbm>> -> memref<1x1x1024xf32, #tpu.memory_space<hbm>>
      %dma_start3A_888 = tpu.memref_squeeze %dma_start3A_887 : memref<1x1x1024xf32, #tpu.memory_space<hbm>> -> memref<1024xf32, #tpu.memory_space<hbm>>
      %dma_start3A_889 = arith.constant 0 : i32
      %dma_start3A_890 = tpu.memref_slice %arg3[%dma_start3A_883, %add3A_11, %dma_start3A_889] : memref<32x96x1024xf32, #tpu.memory_space<hbm>> -> memref<1x1x1024xf32, #tpu.memory_space<hbm>>
      %dma_start3A_891 = tpu.memref_squeeze %dma_start3A_890 : memref<1x1x1024xf32, #tpu.memory_space<hbm>> -> memref<1024xf32, #tpu.memory_space<hbm>>
      %dma_start3A_892 = arith.constant 13312 : i32
      %dma_start3A_893 = tpu.memref_slice %arg4[%dma_start3A_892] : memref<32768xf32, #tpu.memory_space<vmem>> -> memref<1024xf32, #tpu.memory_space<vmem>>
      tpu.enqueue_dma source(%dma_start3A_893 : memref<1024xf32, #tpu.memory_space<vmem>>) target(%dma_start3A_891 : memref<1024xf32, #tpu.memory_space<hbm>>) target_semaphore(%arg6 : memref<!tpu.dma_semaphore, #tpu.memory_space<semaphore_mem>>)
      %dma_start3A_894 = arith.constant 14 : i32
      %dma_start3A_895 = arith.constant 14336 : i32
      %dma_start3A_896 = tpu.memref_slice %arg4[%dma_start3A_895] : memref<32768xf32, #tpu.memory_space<vmem>> -> memref<1024xf32, #tpu.memory_space<vmem>>
      %dma_start3A_897 = arith.constant 0 : i32
      %dma_start3A_898 = tpu.memref_slice %arg3[%dma_start3A_894, %add3A_11, %dma_start3A_897] : memref<32x96x1024xf32, #tpu.memory_space<hbm>> -> memref<1x1x1024xf32, #tpu.memory_space<hbm>>
      %dma_start3A_899 = tpu.memref_squeeze %dma_start3A_898 : memref<1x1x1024xf32, #tpu.memory_space<hbm>> -> memref<1024xf32, #tpu.memory_space<hbm>>
      %dma_start3A_900 = arith.constant 0 : i32
      %dma_start3A_901 = tpu.memref_slice %arg3[%dma_start3A_894, %add3A_11, %dma_start3A_900] : memref<32x96x1024xf32, #tpu.memory_space<hbm>> -> memref<1x1x1024xf32, #tpu.memory_space<hbm>>
      %dma_start3A_902 = tpu.memref_squeeze %dma_start3A_901 : memref<1x1x1024xf32, #tpu.memory_space<hbm>> -> memref<1024xf32, #tpu.memory_space<hbm>>
      %dma_start3A_903 = arith.constant 14336 : i32
      %dma_start3A_904 = tpu.memref_slice %arg4[%dma_start3A_903] : memref<32768xf32, #tpu.memory_space<vmem>> -> memref<1024xf32, #tpu.memory_space<vmem>>
      tpu.enqueue_dma source(%dma_start3A_904 : memref<1024xf32, #tpu.memory_space<vmem>>) target(%dma_start3A_902 : memref<1024xf32, #tpu.memory_space<hbm>>) target_semaphore(%arg6 : memref<!tpu.dma_semaphore, #tpu.memory_space<semaphore_mem>>)
      %dma_start3A_905 = arith.constant 15 : i32
      %dma_start3A_906 = arith.constant 15360 : i32
      %dma_start3A_907 = tpu.memref_slice %arg4[%dma_start3A_906] : memref<32768xf32, #tpu.memory_space<vmem>> -> memref<1024xf32, #tpu.memory_space<vmem>>
      %dma_start3A_908 = arith.constant 0 : i32
      %dma_start3A_909 = tpu.memref_slice %arg3[%dma_start3A_905, %add3A_11, %dma_start3A_908] : memref<32x96x1024xf32, #tpu.memory_space<hbm>> -> memref<1x1x1024xf32, #tpu.memory_space<hbm>>
      %dma_start3A_910 = tpu.memref_squeeze %dma_start3A_909 : memref<1x1x1024xf32, #tpu.memory_space<hbm>> -> memref<1024xf32, #tpu.memory_space<hbm>>
      %dma_start3A_911 = arith.constant 0 : i32
      %dma_start3A_912 = tpu.memref_slice %arg3[%dma_start3A_905, %add3A_11, %dma_start3A_911] : memref<32x96x1024xf32, #tpu.memory_space<hbm>> -> memref<1x1x1024xf32, #tpu.memory_space<hbm>>
      %dma_start3A_913 = tpu.memref_squeeze %dma_start3A_912 : memref<1x1x1024xf32, #tpu.memory_space<hbm>> -> memref<1024xf32, #tpu.memory_space<hbm>>
      %dma_start3A_914 = arith.constant 15360 : i32
      %dma_start3A_915 = tpu.memref_slice %arg4[%dma_start3A_914] : memref<32768xf32, #tpu.memory_space<vmem>> -> memref<1024xf32, #tpu.memory_space<vmem>>
      tpu.enqueue_dma source(%dma_start3A_915 : memref<1024xf32, #tpu.memory_space<vmem>>) target(%dma_start3A_913 : memref<1024xf32, #tpu.memory_space<hbm>>) target_semaphore(%arg6 : memref<!tpu.dma_semaphore, #tpu.memory_space<semaphore_mem>>)
      %dma_start3A_916 = arith.constant 16 : i32
      %dma_start3A_917 = arith.constant 16384 : i32
      %dma_start3A_918 = tpu.memref_slice %arg4[%dma_start3A_917] : memref<32768xf32, #tpu.memory_space<vmem>> -> memref<1024xf32, #tpu.memory_space<vmem>>
      %dma_start3A_919 = arith.constant 0 : i32
      %dma_start3A_920 = tpu.memref_slice %arg3[%dma_start3A_916, %add3A_11, %dma_start3A_919] : memref<32x96x1024xf32, #tpu.memory_space<hbm>> -> memref<1x1x1024xf32, #tpu.memory_space<hbm>>
      %dma_start3A_921 = tpu.memref_squeeze %dma_start3A_920 : memref<1x1x1024xf32, #tpu.memory_space<hbm>> -> memref<1024xf32, #tpu.memory_space<hbm>>
      %dma_start3A_922 = arith.constant 0 : i32
      %dma_start3A_923 = tpu.memref_slice %arg3[%dma_start3A_916, %add3A_11, %dma_start3A_922] : memref<32x96x1024xf32, #tpu.memory_space<hbm>> -> memref<1x1x1024xf32, #tpu.memory_space<hbm>>
      %dma_start3A_924 = tpu.memref_squeeze %dma_start3A_923 : memref<1x1x1024xf32, #tpu.memory_space<hbm>> -> memref<1024xf32, #tpu.memory_space<hbm>>
      %dma_start3A_925 = arith.constant 16384 : i32
      %dma_start3A_926 = tpu.memref_slice %arg4[%dma_start3A_925] : memref<32768xf32, #tpu.memory_space<vmem>> -> memref<1024xf32, #tpu.memory_space<vmem>>
      tpu.enqueue_dma source(%dma_start3A_926 : memref<1024xf32, #tpu.memory_space<vmem>>) target(%dma_start3A_924 : memref<1024xf32, #tpu.memory_space<hbm>>) target_semaphore(%arg6 : memref<!tpu.dma_semaphore, #tpu.memory_space<semaphore_mem>>)
      %dma_start3A_927 = arith.constant 17 : i32
      %dma_start3A_928 = arith.constant 17408 : i32
      %dma_start3A_929 = tpu.memref_slice %arg4[%dma_start3A_928] : memref<32768xf32, #tpu.memory_space<vmem>> -> memref<1024xf32, #tpu.memory_space<vmem>>
      %dma_start3A_930 = arith.constant 0 : i32
      %dma_start3A_931 = tpu.memref_slice %arg3[%dma_start3A_927, %add3A_11, %dma_start3A_930] : memref<32x96x1024xf32, #tpu.memory_space<hbm>> -> memref<1x1x1024xf32, #tpu.memory_space<hbm>>
      %dma_start3A_932 = tpu.memref_squeeze %dma_start3A_931 : memref<1x1x1024xf32, #tpu.memory_space<hbm>> -> memref<1024xf32, #tpu.memory_space<hbm>>
      %dma_start3A_933 = arith.constant 0 : i32
      %dma_start3A_934 = tpu.memref_slice %arg3[%dma_start3A_927, %add3A_11, %dma_start3A_933] : memref<32x96x1024xf32, #tpu.memory_space<hbm>> -> memref<1x1x1024xf32, #tpu.memory_space<hbm>>
      %dma_start3A_935 = tpu.memref_squeeze %dma_start3A_934 : memref<1x1x1024xf32, #tpu.memory_space<hbm>> -> memref<1024xf32, #tpu.memory_space<hbm>>
      %dma_start3A_936 = arith.constant 17408 : i32
      %dma_start3A_937 = tpu.memref_slice %arg4[%dma_start3A_936] : memref<32768xf32, #tpu.memory_space<vmem>> -> memref<1024xf32, #tpu.memory_space<vmem>>
      tpu.enqueue_dma source(%dma_start3A_937 : memref<1024xf32, #tpu.memory_space<vmem>>) target(%dma_start3A_935 : memref<1024xf32, #tpu.memory_space<hbm>>) target_semaphore(%arg6 : memref<!tpu.dma_semaphore, #tpu.memory_space<semaphore_mem>>)
      %dma_start3A_938 = arith.constant 18 : i32
      %dma_start3A_939 = arith.constant 18432 : i32
      %dma_start3A_940 = tpu.memref_slice %arg4[%dma_start3A_939] : memref<32768xf32, #tpu.memory_space<vmem>> -> memref<1024xf32, #tpu.memory_space<vmem>>
      %dma_start3A_941 = arith.constant 0 : i32
      %dma_start3A_942 = tpu.memref_slice %arg3[%dma_start3A_938, %add3A_11, %dma_start3A_941] : memref<32x96x1024xf32, #tpu.memory_space<hbm>> -> memref<1x1x1024xf32, #tpu.memory_space<hbm>>
      %dma_start3A_943 = tpu.memref_squeeze %dma_start3A_942 : memref<1x1x1024xf32, #tpu.memory_space<hbm>> -> memref<1024xf32, #tpu.memory_space<hbm>>
      %dma_start3A_944 = arith.constant 0 : i32
      %dma_start3A_945 = tpu.memref_slice %arg3[%dma_start3A_938, %add3A_11, %dma_start3A_944] : memref<32x96x1024xf32, #tpu.memory_space<hbm>> -> memref<1x1x1024xf32, #tpu.memory_space<hbm>>
      %dma_start3A_946 = tpu.memref_squeeze %dma_start3A_945 : memref<1x1x1024xf32, #tpu.memory_space<hbm>> -> memref<1024xf32, #tpu.memory_space<hbm>>
      %dma_start3A_947 = arith.constant 18432 : i32
      %dma_start3A_948 = tpu.memref_slice %arg4[%dma_start3A_947] : memref<32768xf32, #tpu.memory_space<vmem>> -> memref<1024xf32, #tpu.memory_space<vmem>>
      tpu.enqueue_dma source(%dma_start3A_948 : memref<1024xf32, #tpu.memory_space<vmem>>) target(%dma_start3A_946 : memref<1024xf32, #tpu.memory_space<hbm>>) target_semaphore(%arg6 : memref<!tpu.dma_semaphore, #tpu.memory_space<semaphore_mem>>)
      %dma_start3A_949 = arith.constant 19 : i32
      %dma_start3A_950 = arith.constant 19456 : i32
      %dma_start3A_951 = tpu.memref_slice %arg4[%dma_start3A_950] : memref<32768xf32, #tpu.memory_space<vmem>> -> memref<1024xf32, #tpu.memory_space<vmem>>
      %dma_start3A_952 = arith.constant 0 : i32
      %dma_start3A_953 = tpu.memref_slice %arg3[%dma_start3A_949, %add3A_11, %dma_start3A_952] : memref<32x96x1024xf32, #tpu.memory_space<hbm>> -> memref<1x1x1024xf32, #tpu.memory_space<hbm>>
      %dma_start3A_954 = tpu.memref_squeeze %dma_start3A_953 : memref<1x1x1024xf32, #tpu.memory_space<hbm>> -> memref<1024xf32, #tpu.memory_space<hbm>>
      %dma_start3A_955 = arith.constant 0 : i32
      %dma_start3A_956 = tpu.memref_slice %arg3[%dma_start3A_949, %add3A_11, %dma_start3A_955] : memref<32x96x1024xf32, #tpu.memory_space<hbm>> -> memref<1x1x1024xf32, #tpu.memory_space<hbm>>
      %dma_start3A_957 = tpu.memref_squeeze %dma_start3A_956 : memref<1x1x1024xf32, #tpu.memory_space<hbm>> -> memref<1024xf32, #tpu.memory_space<hbm>>
      %dma_start3A_958 = arith.constant 19456 : i32
      %dma_start3A_959 = tpu.memref_slice %arg4[%dma_start3A_958] : memref<32768xf32, #tpu.memory_space<vmem>> -> memref<1024xf32, #tpu.memory_space<vmem>>
      tpu.enqueue_dma source(%dma_start3A_959 : memref<1024xf32, #tpu.memory_space<vmem>>) target(%dma_start3A_957 : memref<1024xf32, #tpu.memory_space<hbm>>) target_semaphore(%arg6 : memref<!tpu.dma_semaphore, #tpu.memory_space<semaphore_mem>>)
      %dma_start3A_960 = arith.constant 20 : i32
      %dma_start3A_961 = arith.constant 20480 : i32
      %dma_start3A_962 = tpu.memref_slice %arg4[%dma_start3A_961] : memref<32768xf32, #tpu.memory_space<vmem>> -> memref<1024xf32, #tpu.memory_space<vmem>>
      %dma_start3A_963 = arith.constant 0 : i32
      %dma_start3A_964 = tpu.memref_slice %arg3[%dma_start3A_960, %add3A_11, %dma_start3A_963] : memref<32x96x1024xf32, #tpu.memory_space<hbm>> -> memref<1x1x1024xf32, #tpu.memory_space<hbm>>
      %dma_start3A_965 = tpu.memref_squeeze %dma_start3A_964 : memref<1x1x1024xf32, #tpu.memory_space<hbm>> -> memref<1024xf32, #tpu.memory_space<hbm>>
      %dma_start3A_966 = arith.constant 0 : i32
      %dma_start3A_967 = tpu.memref_slice %arg3[%dma_start3A_960, %add3A_11, %dma_start3A_966] : memref<32x96x1024xf32, #tpu.memory_space<hbm>> -> memref<1x1x1024xf32, #tpu.memory_space<hbm>>
      %dma_start3A_968 = tpu.memref_squeeze %dma_start3A_967 : memref<1x1x1024xf32, #tpu.memory_space<hbm>> -> memref<1024xf32, #tpu.memory_space<hbm>>
      %dma_start3A_969 = arith.constant 20480 : i32
      %dma_start3A_970 = tpu.memref_slice %arg4[%dma_start3A_969] : memref<32768xf32, #tpu.memory_space<vmem>> -> memref<1024xf32, #tpu.memory_space<vmem>>
      tpu.enqueue_dma source(%dma_start3A_970 : memref<1024xf32, #tpu.memory_space<vmem>>) target(%dma_start3A_968 : memref<1024xf32, #tpu.memory_space<hbm>>) target_semaphore(%arg6 : memref<!tpu.dma_semaphore, #tpu.memory_space<semaphore_mem>>)
      %dma_start3A_971 = arith.constant 21 : i32
      %dma_start3A_972 = arith.constant 21504 : i32
      %dma_start3A_973 = tpu.memref_slice %arg4[%dma_start3A_972] : memref<32768xf32, #tpu.memory_space<vmem>> -> memref<1024xf32, #tpu.memory_space<vmem>>
      %dma_start3A_974 = arith.constant 0 : i32
      %dma_start3A_975 = tpu.memref_slice %arg3[%dma_start3A_971, %add3A_11, %dma_start3A_974] : memref<32x96x1024xf32, #tpu.memory_space<hbm>> -> memref<1x1x1024xf32, #tpu.memory_space<hbm>>
      %dma_start3A_976 = tpu.memref_squeeze %dma_start3A_975 : memref<1x1x1024xf32, #tpu.memory_space<hbm>> -> memref<1024xf32, #tpu.memory_space<hbm>>
      %dma_start3A_977 = arith.constant 0 : i32
      %dma_start3A_978 = tpu.memref_slice %arg3[%dma_start3A_971, %add3A_11, %dma_start3A_977] : memref<32x96x1024xf32, #tpu.memory_space<hbm>> -> memref<1x1x1024xf32, #tpu.memory_space<hbm>>
      %dma_start3A_979 = tpu.memref_squeeze %dma_start3A_978 : memref<1x1x1024xf32, #tpu.memory_space<hbm>> -> memref<1024xf32, #tpu.memory_space<hbm>>
      %dma_start3A_980 = arith.constant 21504 : i32
      %dma_start3A_981 = tpu.memref_slice %arg4[%dma_start3A_980] : memref<32768xf32, #tpu.memory_space<vmem>> -> memref<1024xf32, #tpu.memory_space<vmem>>
      tpu.enqueue_dma source(%dma_start3A_981 : memref<1024xf32, #tpu.memory_space<vmem>>) target(%dma_start3A_979 : memref<1024xf32, #tpu.memory_space<hbm>>) target_semaphore(%arg6 : memref<!tpu.dma_semaphore, #tpu.memory_space<semaphore_mem>>)
      %dma_start3A_982 = arith.constant 22 : i32
      %dma_start3A_983 = arith.constant 22528 : i32
      %dma_start3A_984 = tpu.memref_slice %arg4[%dma_start3A_983] : memref<32768xf32, #tpu.memory_space<vmem>> -> memref<1024xf32, #tpu.memory_space<vmem>>
      %dma_start3A_985 = arith.constant 0 : i32
      %dma_start3A_986 = tpu.memref_slice %arg3[%dma_start3A_982, %add3A_11, %dma_start3A_985] : memref<32x96x1024xf32, #tpu.memory_space<hbm>> -> memref<1x1x1024xf32, #tpu.memory_space<hbm>>
      %dma_start3A_987 = tpu.memref_squeeze %dma_start3A_986 : memref<1x1x1024xf32, #tpu.memory_space<hbm>> -> memref<1024xf32, #tpu.memory_space<hbm>>
      %dma_start3A_988 = arith.constant 0 : i32
      %dma_start3A_989 = tpu.memref_slice %arg3[%dma_start3A_982, %add3A_11, %dma_start3A_988] : memref<32x96x1024xf32, #tpu.memory_space<hbm>> -> memref<1x1x1024xf32, #tpu.memory_space<hbm>>
      %dma_start3A_990 = tpu.memref_squeeze %dma_start3A_989 : memref<1x1x1024xf32, #tpu.memory_space<hbm>> -> memref<1024xf32, #tpu.memory_space<hbm>>
      %dma_start3A_991 = arith.constant 22528 : i32
      %dma_start3A_992 = tpu.memref_slice %arg4[%dma_start3A_991] : memref<32768xf32, #tpu.memory_space<vmem>> -> memref<1024xf32, #tpu.memory_space<vmem>>
      tpu.enqueue_dma source(%dma_start3A_992 : memref<1024xf32, #tpu.memory_space<vmem>>) target(%dma_start3A_990 : memref<1024xf32, #tpu.memory_space<hbm>>) target_semaphore(%arg6 : memref<!tpu.dma_semaphore, #tpu.memory_space<semaphore_mem>>)
      %dma_start3A_993 = arith.constant 23 : i32
      %dma_start3A_994 = arith.constant 23552 : i32
      %dma_start3A_995 = tpu.memref_slice %arg4[%dma_start3A_994] : memref<32768xf32, #tpu.memory_space<vmem>> -> memref<1024xf32, #tpu.memory_space<vmem>>
      %dma_start3A_996 = arith.constant 0 : i32
      %dma_start3A_997 = tpu.memref_slice %arg3[%dma_start3A_993, %add3A_11, %dma_start3A_996] : memref<32x96x1024xf32, #tpu.memory_space<hbm>> -> memref<1x1x1024xf32, #tpu.memory_space<hbm>>
      %dma_start3A_998 = tpu.memref_squeeze %dma_start3A_997 : memref<1x1x1024xf32, #tpu.memory_space<hbm>> -> memref<1024xf32, #tpu.memory_space<hbm>>
      %dma_start3A_999 = arith.constant 0 : i32
      %dma_start3A_1000 = tpu.memref_slice %arg3[%dma_start3A_993, %add3A_11, %dma_start3A_999] : memref<32x96x1024xf32, #tpu.memory_space<hbm>> -> memref<1x1x1024xf32, #tpu.memory_space<hbm>>
      %dma_start3A_1001 = tpu.memref_squeeze %dma_start3A_1000 : memref<1x1x1024xf32, #tpu.memory_space<hbm>> -> memref<1024xf32, #tpu.memory_space<hbm>>
      %dma_start3A_1002 = arith.constant 23552 : i32
      %dma_start3A_1003 = tpu.memref_slice %arg4[%dma_start3A_1002] : memref<32768xf32, #tpu.memory_space<vmem>> -> memref<1024xf32, #tpu.memory_space<vmem>>
      tpu.enqueue_dma source(%dma_start3A_1003 : memref<1024xf32, #tpu.memory_space<vmem>>) target(%dma_start3A_1001 : memref<1024xf32, #tpu.memory_space<hbm>>) target_semaphore(%arg6 : memref<!tpu.dma_semaphore, #tpu.memory_space<semaphore_mem>>)
      %dma_start3A_1004 = arith.constant 24 : i32
      %dma_start3A_1005 = arith.constant 24576 : i32
      %dma_start3A_1006 = tpu.memref_slice %arg4[%dma_start3A_1005] : memref<32768xf32, #tpu.memory_space<vmem>> -> memref<1024xf32, #tpu.memory_space<vmem>>
      %dma_start3A_1007 = arith.constant 0 : i32
      %dma_start3A_1008 = tpu.memref_slice %arg3[%dma_start3A_1004, %add3A_11, %dma_start3A_1007] : memref<32x96x1024xf32, #tpu.memory_space<hbm>> -> memref<1x1x1024xf32, #tpu.memory_space<hbm>>
      %dma_start3A_1009 = tpu.memref_squeeze %dma_start3A_1008 : memref<1x1x1024xf32, #tpu.memory_space<hbm>> -> memref<1024xf32, #tpu.memory_space<hbm>>
      %dma_start3A_1010 = arith.constant 0 : i32
      %dma_start3A_1011 = tpu.memref_slice %arg3[%dma_start3A_1004, %add3A_11, %dma_start3A_1010] : memref<32x96x1024xf32, #tpu.memory_space<hbm>> -> memref<1x1x1024xf32, #tpu.memory_space<hbm>>
      %dma_start3A_1012 = tpu.memref_squeeze %dma_start3A_1011 : memref<1x1x1024xf32, #tpu.memory_space<hbm>> -> memref<1024xf32, #tpu.memory_space<hbm>>
      %dma_start3A_1013 = arith.constant 24576 : i32
      %dma_start3A_1014 = tpu.memref_slice %arg4[%dma_start3A_1013] : memref<32768xf32, #tpu.memory_space<vmem>> -> memref<1024xf32, #tpu.memory_space<vmem>>
      tpu.enqueue_dma source(%dma_start3A_1014 : memref<1024xf32, #tpu.memory_space<vmem>>) target(%dma_start3A_1012 : memref<1024xf32, #tpu.memory_space<hbm>>) target_semaphore(%arg6 : memref<!tpu.dma_semaphore, #tpu.memory_space<semaphore_mem>>)
      %dma_start3A_1015 = arith.constant 25 : i32
      %dma_start3A_1016 = arith.constant 25600 : i32
      %dma_start3A_1017 = tpu.memref_slice %arg4[%dma_start3A_1016] : memref<32768xf32, #tpu.memory_space<vmem>> -> memref<1024xf32, #tpu.memory_space<vmem>>
      %dma_start3A_1018 = arith.constant 0 : i32
      %dma_start3A_1019 = tpu.memref_slice %arg3[%dma_start3A_1015, %add3A_11, %dma_start3A_1018] : memref<32x96x1024xf32, #tpu.memory_space<hbm>> -> memref<1x1x1024xf32, #tpu.memory_space<hbm>>
      %dma_start3A_1020 = tpu.memref_squeeze %dma_start3A_1019 : memref<1x1x1024xf32, #tpu.memory_space<hbm>> -> memref<1024xf32, #tpu.memory_space<hbm>>
      %dma_start3A_1021 = arith.constant 0 : i32
      %dma_start3A_1022 = tpu.memref_slice %arg3[%dma_start3A_1015, %add3A_11, %dma_start3A_1021] : memref<32x96x1024xf32, #tpu.memory_space<hbm>> -> memref<1x1x1024xf32, #tpu.memory_space<hbm>>
      %dma_start3A_1023 = tpu.memref_squeeze %dma_start3A_1022 : memref<1x1x1024xf32, #tpu.memory_space<hbm>> -> memref<1024xf32, #tpu.memory_space<hbm>>
      %dma_start3A_1024 = arith.constant 25600 : i32
      %dma_start3A_1025 = tpu.memref_slice %arg4[%dma_start3A_1024] : memref<32768xf32, #tpu.memory_space<vmem>> -> memref<1024xf32, #tpu.memory_space<vmem>>
      tpu.enqueue_dma source(%dma_start3A_1025 : memref<1024xf32, #tpu.memory_space<vmem>>) target(%dma_start3A_1023 : memref<1024xf32, #tpu.memory_space<hbm>>) target_semaphore(%arg6 : memref<!tpu.dma_semaphore, #tpu.memory_space<semaphore_mem>>)
      %dma_start3A_1026 = arith.constant 26 : i32
      %dma_start3A_1027 = arith.constant 26624 : i32
      %dma_start3A_1028 = tpu.memref_slice %arg4[%dma_start3A_1027] : memref<32768xf32, #tpu.memory_space<vmem>> -> memref<1024xf32, #tpu.memory_space<vmem>>
      %dma_start3A_1029 = arith.constant 0 : i32
      %dma_start3A_1030 = tpu.memref_slice %arg3[%dma_start3A_1026, %add3A_11, %dma_start3A_1029] : memref<32x96x1024xf32, #tpu.memory_space<hbm>> -> memref<1x1x1024xf32, #tpu.memory_space<hbm>>
      %dma_start3A_1031 = tpu.memref_squeeze %dma_start3A_1030 : memref<1x1x1024xf32, #tpu.memory_space<hbm>> -> memref<1024xf32, #tpu.memory_space<hbm>>
      %dma_start3A_1032 = arith.constant 0 : i32
      %dma_start3A_1033 = tpu.memref_slice %arg3[%dma_start3A_1026, %add3A_11, %dma_start3A_1032] : memref<32x96x1024xf32, #tpu.memory_space<hbm>> -> memref<1x1x1024xf32, #tpu.memory_space<hbm>>
      %dma_start3A_1034 = tpu.memref_squeeze %dma_start3A_1033 : memref<1x1x1024xf32, #tpu.memory_space<hbm>> -> memref<1024xf32, #tpu.memory_space<hbm>>
      %dma_start3A_1035 = arith.constant 26624 : i32
      %dma_start3A_1036 = tpu.memref_slice %arg4[%dma_start3A_1035] : memref<32768xf32, #tpu.memory_space<vmem>> -> memref<1024xf32, #tpu.memory_space<vmem>>
      tpu.enqueue_dma source(%dma_start3A_1036 : memref<1024xf32, #tpu.memory_space<vmem>>) target(%dma_start3A_1034 : memref<1024xf32, #tpu.memory_space<hbm>>) target_semaphore(%arg6 : memref<!tpu.dma_semaphore, #tpu.memory_space<semaphore_mem>>)
      %dma_start3A_1037 = arith.constant 27 : i32
      %dma_start3A_1038 = arith.constant 27648 : i32
      %dma_start3A_1039 = tpu.memref_slice %arg4[%dma_start3A_1038] : memref<32768xf32, #tpu.memory_space<vmem>> -> memref<1024xf32, #tpu.memory_space<vmem>>
      %dma_start3A_1040 = arith.constant 0 : i32
      %dma_start3A_1041 = tpu.memref_slice %arg3[%dma_start3A_1037, %add3A_11, %dma_start3A_1040] : memref<32x96x1024xf32, #tpu.memory_space<hbm>> -> memref<1x1x1024xf32, #tpu.memory_space<hbm>>
      %dma_start3A_1042 = tpu.memref_squeeze %dma_start3A_1041 : memref<1x1x1024xf32, #tpu.memory_space<hbm>> -> memref<1024xf32, #tpu.memory_space<hbm>>
      %dma_start3A_1043 = arith.constant 0 : i32
      %dma_start3A_1044 = tpu.memref_slice %arg3[%dma_start3A_1037, %add3A_11, %dma_start3A_1043] : memref<32x96x1024xf32, #tpu.memory_space<hbm>> -> memref<1x1x1024xf32, #tpu.memory_space<hbm>>
      %dma_start3A_1045 = tpu.memref_squeeze %dma_start3A_1044 : memref<1x1x1024xf32, #tpu.memory_space<hbm>> -> memref<1024xf32, #tpu.memory_space<hbm>>
      %dma_start3A_1046 = arith.constant 27648 : i32
      %dma_start3A_1047 = tpu.memref_slice %arg4[%dma_start3A_1046] : memref<32768xf32, #tpu.memory_space<vmem>> -> memref<1024xf32, #tpu.memory_space<vmem>>
      tpu.enqueue_dma source(%dma_start3A_1047 : memref<1024xf32, #tpu.memory_space<vmem>>) target(%dma_start3A_1045 : memref<1024xf32, #tpu.memory_space<hbm>>) target_semaphore(%arg6 : memref<!tpu.dma_semaphore, #tpu.memory_space<semaphore_mem>>)
      %dma_start3A_1048 = arith.constant 28 : i32
      %dma_start3A_1049 = arith.constant 28672 : i32
      %dma_start3A_1050 = tpu.memref_slice %arg4[%dma_start3A_1049] : memref<32768xf32, #tpu.memory_space<vmem>> -> memref<1024xf32, #tpu.memory_space<vmem>>
      %dma_start3A_1051 = arith.constant 0 : i32
      %dma_start3A_1052 = tpu.memref_slice %arg3[%dma_start3A_1048, %add3A_11, %dma_start3A_1051] : memref<32x96x1024xf32, #tpu.memory_space<hbm>> -> memref<1x1x1024xf32, #tpu.memory_space<hbm>>
      %dma_start3A_1053 = tpu.memref_squeeze %dma_start3A_1052 : memref<1x1x1024xf32, #tpu.memory_space<hbm>> -> memref<1024xf32, #tpu.memory_space<hbm>>
      %dma_start3A_1054 = arith.constant 0 : i32
      %dma_start3A_1055 = tpu.memref_slice %arg3[%dma_start3A_1048, %add3A_11, %dma_start3A_1054] : memref<32x96x1024xf32, #tpu.memory_space<hbm>> -> memref<1x1x1024xf32, #tpu.memory_space<hbm>>
      %dma_start3A_1056 = tpu.memref_squeeze %dma_start3A_1055 : memref<1x1x1024xf32, #tpu.memory_space<hbm>> -> memref<1024xf32, #tpu.memory_space<hbm>>
      %dma_start3A_1057 = arith.constant 28672 : i32
      %dma_start3A_1058 = tpu.memref_slice %arg4[%dma_start3A_1057] : memref<32768xf32, #tpu.memory_space<vmem>> -> memref<1024xf32, #tpu.memory_space<vmem>>
      tpu.enqueue_dma source(%dma_start3A_1058 : memref<1024xf32, #tpu.memory_space<vmem>>) target(%dma_start3A_1056 : memref<1024xf32, #tpu.memory_space<hbm>>) target_semaphore(%arg6 : memref<!tpu.dma_semaphore, #tpu.memory_space<semaphore_mem>>)
      %dma_start3A_1059 = arith.constant 29 : i32
      %dma_start3A_1060 = arith.constant 29696 : i32
      %dma_start3A_1061 = tpu.memref_slice %arg4[%dma_start3A_1060] : memref<32768xf32, #tpu.memory_space<vmem>> -> memref<1024xf32, #tpu.memory_space<vmem>>
      %dma_start3A_1062 = arith.constant 0 : i32
      %dma_start3A_1063 = tpu.memref_slice %arg3[%dma_start3A_1059, %add3A_11, %dma_start3A_1062] : memref<32x96x1024xf32, #tpu.memory_space<hbm>> -> memref<1x1x1024xf32, #tpu.memory_space<hbm>>
      %dma_start3A_1064 = tpu.memref_squeeze %dma_start3A_1063 : memref<1x1x1024xf32, #tpu.memory_space<hbm>> -> memref<1024xf32, #tpu.memory_space<hbm>>
      %dma_start3A_1065 = arith.constant 0 : i32
      %dma_start3A_1066 = tpu.memref_slice %arg3[%dma_start3A_1059, %add3A_11, %dma_start3A_1065] : memref<32x96x1024xf32, #tpu.memory_space<hbm>> -> memref<1x1x1024xf32, #tpu.memory_space<hbm>>
      %dma_start3A_1067 = tpu.memref_squeeze %dma_start3A_1066 : memref<1x1x1024xf32, #tpu.memory_space<hbm>> -> memref<1024xf32, #tpu.memory_space<hbm>>
      %dma_start3A_1068 = arith.constant 29696 : i32
      %dma_start3A_1069 = tpu.memref_slice %arg4[%dma_start3A_1068] : memref<32768xf32, #tpu.memory_space<vmem>> -> memref<1024xf32, #tpu.memory_space<vmem>>
      tpu.enqueue_dma source(%dma_start3A_1069 : memref<1024xf32, #tpu.memory_space<vmem>>) target(%dma_start3A_1067 : memref<1024xf32, #tpu.memory_space<hbm>>) target_semaphore(%arg6 : memref<!tpu.dma_semaphore, #tpu.memory_space<semaphore_mem>>)
      %dma_start3A_1070 = arith.constant 30 : i32
      %dma_start3A_1071 = arith.constant 30720 : i32
      %dma_start3A_1072 = tpu.memref_slice %arg4[%dma_start3A_1071] : memref<32768xf32, #tpu.memory_space<vmem>> -> memref<1024xf32, #tpu.memory_space<vmem>>
      %dma_start3A_1073 = arith.constant 0 : i32
      %dma_start3A_1074 = tpu.memref_slice %arg3[%dma_start3A_1070, %add3A_11, %dma_start3A_1073] : memref<32x96x1024xf32, #tpu.memory_space<hbm>> -> memref<1x1x1024xf32, #tpu.memory_space<hbm>>
      %dma_start3A_1075 = tpu.memref_squeeze %dma_start3A_1074 : memref<1x1x1024xf32, #tpu.memory_space<hbm>> -> memref<1024xf32, #tpu.memory_space<hbm>>
      %dma_start3A_1076 = arith.constant 0 : i32
      %dma_start3A_1077 = tpu.memref_slice %arg3[%dma_start3A_1070, %add3A_11, %dma_start3A_1076] : memref<32x96x1024xf32, #tpu.memory_space<hbm>> -> memref<1x1x1024xf32, #tpu.memory_space<hbm>>
      %dma_start3A_1078 = tpu.memref_squeeze %dma_start3A_1077 : memref<1x1x1024xf32, #tpu.memory_space<hbm>> -> memref<1024xf32, #tpu.memory_space<hbm>>
      %dma_start3A_1079 = arith.constant 30720 : i32
      %dma_start3A_1080 = tpu.memref_slice %arg4[%dma_start3A_1079] : memref<32768xf32, #tpu.memory_space<vmem>> -> memref<1024xf32, #tpu.memory_space<vmem>>
      tpu.enqueue_dma source(%dma_start3A_1080 : memref<1024xf32, #tpu.memory_space<vmem>>) target(%dma_start3A_1078 : memref<1024xf32, #tpu.memory_space<hbm>>) target_semaphore(%arg6 : memref<!tpu.dma_semaphore, #tpu.memory_space<semaphore_mem>>)
      %dma_start3A_1081 = arith.constant 31 : i32
      %dma_start3A_1082 = arith.constant 31744 : i32
      %dma_start3A_1083 = tpu.memref_slice %arg4[%dma_start3A_1082] : memref<32768xf32, #tpu.memory_space<vmem>> -> memref<1024xf32, #tpu.memory_space<vmem>>
      %dma_start3A_1084 = arith.constant 0 : i32
      %dma_start3A_1085 = tpu.memref_slice %arg3[%dma_start3A_1081, %add3A_11, %dma_start3A_1084] : memref<32x96x1024xf32, #tpu.memory_space<hbm>> -> memref<1x1x1024xf32, #tpu.memory_space<hbm>>
      %dma_start3A_1086 = tpu.memref_squeeze %dma_start3A_1085 : memref<1x1x1024xf32, #tpu.memory_space<hbm>> -> memref<1024xf32, #tpu.memory_space<hbm>>
      %dma_start3A_1087 = arith.constant 0 : i32
      %dma_start3A_1088 = tpu.memref_slice %arg3[%dma_start3A_1081, %add3A_11, %dma_start3A_1087] : memref<32x96x1024xf32, #tpu.memory_space<hbm>> -> memref<1x1x1024xf32, #tpu.memory_space<hbm>>
      %dma_start3A_1089 = tpu.memref_squeeze %dma_start3A_1088 : memref<1x1x1024xf32, #tpu.memory_space<hbm>> -> memref<1024xf32, #tpu.memory_space<hbm>>
      %dma_start3A_1090 = arith.constant 31744 : i32
      %dma_start3A_1091 = tpu.memref_slice %arg4[%dma_start3A_1090] : memref<32768xf32, #tpu.memory_space<vmem>> -> memref<1024xf32, #tpu.memory_space<vmem>>
      tpu.enqueue_dma source(%dma_start3A_1091 : memref<1024xf32, #tpu.memory_space<vmem>>) target(%dma_start3A_1089 : memref<1024xf32, #tpu.memory_space<hbm>>) target_semaphore(%arg6 : memref<!tpu.dma_semaphore, #tpu.memory_space<semaphore_mem>>)
      %dma_wait3A_1092 = arith.constant 0 : i32
      %dma_wait3A_1093 = arith.constant 0 : i32
      %dma_wait3A_1094 = tpu.memref_slice %arg4[%dma_wait3A_1093] : memref<32768xf32, #tpu.memory_space<vmem>> -> memref<1024xf32, #tpu.memory_space<vmem>>
      %dma_wait3A_1095 = arith.constant 0 : i32
      %dma_wait3A_1096 = tpu.memref_slice %arg3[%dma_wait3A_1092, %add3A_11, %dma_wait3A_1095] : memref<32x96x1024xf32, #tpu.memory_space<hbm>> -> memref<1x1x1024xf32, #tpu.memory_space<hbm>>
      %dma_wait3A_1097 = tpu.memref_squeeze %dma_wait3A_1096 : memref<1x1x1024xf32, #tpu.memory_space<hbm>> -> memref<1024xf32, #tpu.memory_space<hbm>>
      %dma_wait3A_1098 = arith.constant 0 : i32
      %dma_wait3A_1099 = tpu.memref_slice %arg3[%dma_wait3A_1092, %add3A_11, %dma_wait3A_1098] : memref<32x96x1024xf32, #tpu.memory_space<hbm>> -> memref<1x1x1024xf32, #tpu.memory_space<hbm>>
      %dma_wait3A_1100 = tpu.memref_squeeze %dma_wait3A_1099 : memref<1x1x1024xf32, #tpu.memory_space<hbm>> -> memref<1024xf32, #tpu.memory_space<hbm>>
      %dma_wait3A_1101 = arith.constant 0 : i32
      %dma_wait3A_1102 = tpu.memref_slice %arg4[%dma_wait3A_1101] : memref<32768xf32, #tpu.memory_space<vmem>> -> memref<1024xf32, #tpu.memory_space<vmem>>
      tpu.wait_dma2 semaphore(%arg6 : memref<!tpu.dma_semaphore, #tpu.memory_space<semaphore_mem>>) src(%dma_wait3A_1102 : memref<1024xf32, #tpu.memory_space<vmem>>) dst(%dma_wait3A_1100 : memref<1024xf32, #tpu.memory_space<hbm>>)
      %dma_wait3A_1103 = arith.constant 1 : i32
      %dma_wait3A_1104 = arith.constant 1024 : i32
      %dma_wait3A_1105 = tpu.memref_slice %arg4[%dma_wait3A_1104] : memref<32768xf32, #tpu.memory_space<vmem>> -> memref<1024xf32, #tpu.memory_space<vmem>>
      %dma_wait3A_1106 = arith.constant 0 : i32
      %dma_wait3A_1107 = tpu.memref_slice %arg3[%dma_wait3A_1103, %add3A_11, %dma_wait3A_1106] : memref<32x96x1024xf32, #tpu.memory_space<hbm>> -> memref<1x1x1024xf32, #tpu.memory_space<hbm>>
      %dma_wait3A_1108 = tpu.memref_squeeze %dma_wait3A_1107 : memref<1x1x1024xf32, #tpu.memory_space<hbm>> -> memref<1024xf32, #tpu.memory_space<hbm>>
      %dma_wait3A_1109 = arith.constant 0 : i32
      %dma_wait3A_1110 = tpu.memref_slice %arg3[%dma_wait3A_1103, %add3A_11, %dma_wait3A_1109] : memref<32x96x1024xf32, #tpu.memory_space<hbm>> -> memref<1x1x1024xf32, #tpu.memory_space<hbm>>
      %dma_wait3A_1111 = tpu.memref_squeeze %dma_wait3A_1110 : memref<1x1x1024xf32, #tpu.memory_space<hbm>> -> memref<1024xf32, #tpu.memory_space<hbm>>
      %dma_wait3A_1112 = arith.constant 1024 : i32
      %dma_wait3A_1113 = tpu.memref_slice %arg4[%dma_wait3A_1112] : memref<32768xf32, #tpu.memory_space<vmem>> -> memref<1024xf32, #tpu.memory_space<vmem>>
      tpu.wait_dma2 semaphore(%arg6 : memref<!tpu.dma_semaphore, #tpu.memory_space<semaphore_mem>>) src(%dma_wait3A_1113 : memref<1024xf32, #tpu.memory_space<vmem>>) dst(%dma_wait3A_1111 : memref<1024xf32, #tpu.memory_space<hbm>>)
      %dma_wait3A_1114 = arith.constant 2 : i32
      %dma_wait3A_1115 = arith.constant 2048 : i32
      %dma_wait3A_1116 = tpu.memref_slice %arg4[%dma_wait3A_1115] : memref<32768xf32, #tpu.memory_space<vmem>> -> memref<1024xf32, #tpu.memory_space<vmem>>
      %dma_wait3A_1117 = arith.constant 0 : i32
      %dma_wait3A_1118 = tpu.memref_slice %arg3[%dma_wait3A_1114, %add3A_11, %dma_wait3A_1117] : memref<32x96x1024xf32, #tpu.memory_space<hbm>> -> memref<1x1x1024xf32, #tpu.memory_space<hbm>>
      %dma_wait3A_1119 = tpu.memref_squeeze %dma_wait3A_1118 : memref<1x1x1024xf32, #tpu.memory_space<hbm>> -> memref<1024xf32, #tpu.memory_space<hbm>>
      %dma_wait3A_1120 = arith.constant 0 : i32
      %dma_wait3A_1121 = tpu.memref_slice %arg3[%dma_wait3A_1114, %add3A_11, %dma_wait3A_1120] : memref<32x96x1024xf32, #tpu.memory_space<hbm>> -> memref<1x1x1024xf32, #tpu.memory_space<hbm>>
      %dma_wait3A_1122 = tpu.memref_squeeze %dma_wait3A_1121 : memref<1x1x1024xf32, #tpu.memory_space<hbm>> -> memref<1024xf32, #tpu.memory_space<hbm>>
      %dma_wait3A_1123 = arith.constant 2048 : i32
      %dma_wait3A_1124 = tpu.memref_slice %arg4[%dma_wait3A_1123] : memref<32768xf32, #tpu.memory_space<vmem>> -> memref<1024xf32, #tpu.memory_space<vmem>>
      tpu.wait_dma2 semaphore(%arg6 : memref<!tpu.dma_semaphore, #tpu.memory_space<semaphore_mem>>) src(%dma_wait3A_1124 : memref<1024xf32, #tpu.memory_space<vmem>>) dst(%dma_wait3A_1122 : memref<1024xf32, #tpu.memory_space<hbm>>)
      %dma_wait3A_1125 = arith.constant 3 : i32
      %dma_wait3A_1126 = arith.constant 3072 : i32
      %dma_wait3A_1127 = tpu.memref_slice %arg4[%dma_wait3A_1126] : memref<32768xf32, #tpu.memory_space<vmem>> -> memref<1024xf32, #tpu.memory_space<vmem>>
      %dma_wait3A_1128 = arith.constant 0 : i32
      %dma_wait3A_1129 = tpu.memref_slice %arg3[%dma_wait3A_1125, %add3A_11, %dma_wait3A_1128] : memref<32x96x1024xf32, #tpu.memory_space<hbm>> -> memref<1x1x1024xf32, #tpu.memory_space<hbm>>
      %dma_wait3A_1130 = tpu.memref_squeeze %dma_wait3A_1129 : memref<1x1x1024xf32, #tpu.memory_space<hbm>> -> memref<1024xf32, #tpu.memory_space<hbm>>
      %dma_wait3A_1131 = arith.constant 0 : i32
      %dma_wait3A_1132 = tpu.memref_slice %arg3[%dma_wait3A_1125, %add3A_11, %dma_wait3A_1131] : memref<32x96x1024xf32, #tpu.memory_space<hbm>> -> memref<1x1x1024xf32, #tpu.memory_space<hbm>>
      %dma_wait3A_1133 = tpu.memref_squeeze %dma_wait3A_1132 : memref<1x1x1024xf32, #tpu.memory_space<hbm>> -> memref<1024xf32, #tpu.memory_space<hbm>>
      %dma_wait3A_1134 = arith.constant 3072 : i32
      %dma_wait3A_1135 = tpu.memref_slice %arg4[%dma_wait3A_1134] : memref<32768xf32, #tpu.memory_space<vmem>> -> memref<1024xf32, #tpu.memory_space<vmem>>
      tpu.wait_dma2 semaphore(%arg6 : memref<!tpu.dma_semaphore, #tpu.memory_space<semaphore_mem>>) src(%dma_wait3A_1135 : memref<1024xf32, #tpu.memory_space<vmem>>) dst(%dma_wait3A_1133 : memref<1024xf32, #tpu.memory_space<hbm>>)
      %dma_wait3A_1136 = arith.constant 4 : i32
      %dma_wait3A_1137 = arith.constant 4096 : i32
      %dma_wait3A_1138 = tpu.memref_slice %arg4[%dma_wait3A_1137] : memref<32768xf32, #tpu.memory_space<vmem>> -> memref<1024xf32, #tpu.memory_space<vmem>>
      %dma_wait3A_1139 = arith.constant 0 : i32
      %dma_wait3A_1140 = tpu.memref_slice %arg3[%dma_wait3A_1136, %add3A_11, %dma_wait3A_1139] : memref<32x96x1024xf32, #tpu.memory_space<hbm>> -> memref<1x1x1024xf32, #tpu.memory_space<hbm>>
      %dma_wait3A_1141 = tpu.memref_squeeze %dma_wait3A_1140 : memref<1x1x1024xf32, #tpu.memory_space<hbm>> -> memref<1024xf32, #tpu.memory_space<hbm>>
      %dma_wait3A_1142 = arith.constant 0 : i32
      %dma_wait3A_1143 = tpu.memref_slice %arg3[%dma_wait3A_1136, %add3A_11, %dma_wait3A_1142] : memref<32x96x1024xf32, #tpu.memory_space<hbm>> -> memref<1x1x1024xf32, #tpu.memory_space<hbm>>
      %dma_wait3A_1144 = tpu.memref_squeeze %dma_wait3A_1143 : memref<1x1x1024xf32, #tpu.memory_space<hbm>> -> memref<1024xf32, #tpu.memory_space<hbm>>
      %dma_wait3A_1145 = arith.constant 4096 : i32
      %dma_wait3A_1146 = tpu.memref_slice %arg4[%dma_wait3A_1145] : memref<32768xf32, #tpu.memory_space<vmem>> -> memref<1024xf32, #tpu.memory_space<vmem>>
      tpu.wait_dma2 semaphore(%arg6 : memref<!tpu.dma_semaphore, #tpu.memory_space<semaphore_mem>>) src(%dma_wait3A_1146 : memref<1024xf32, #tpu.memory_space<vmem>>) dst(%dma_wait3A_1144 : memref<1024xf32, #tpu.memory_space<hbm>>)
      %dma_wait3A_1147 = arith.constant 5 : i32
      %dma_wait3A_1148 = arith.constant 5120 : i32
      %dma_wait3A_1149 = tpu.memref_slice %arg4[%dma_wait3A_1148] : memref<32768xf32, #tpu.memory_space<vmem>> -> memref<1024xf32, #tpu.memory_space<vmem>>
      %dma_wait3A_1150 = arith.constant 0 : i32
      %dma_wait3A_1151 = tpu.memref_slice %arg3[%dma_wait3A_1147, %add3A_11, %dma_wait3A_1150] : memref<32x96x1024xf32, #tpu.memory_space<hbm>> -> memref<1x1x1024xf32, #tpu.memory_space<hbm>>
      %dma_wait3A_1152 = tpu.memref_squeeze %dma_wait3A_1151 : memref<1x1x1024xf32, #tpu.memory_space<hbm>> -> memref<1024xf32, #tpu.memory_space<hbm>>
      %dma_wait3A_1153 = arith.constant 0 : i32
      %dma_wait3A_1154 = tpu.memref_slice %arg3[%dma_wait3A_1147, %add3A_11, %dma_wait3A_1153] : memref<32x96x1024xf32, #tpu.memory_space<hbm>> -> memref<1x1x1024xf32, #tpu.memory_space<hbm>>
      %dma_wait3A_1155 = tpu.memref_squeeze %dma_wait3A_1154 : memref<1x1x1024xf32, #tpu.memory_space<hbm>> -> memref<1024xf32, #tpu.memory_space<hbm>>
      %dma_wait3A_1156 = arith.constant 5120 : i32
      %dma_wait3A_1157 = tpu.memref_slice %arg4[%dma_wait3A_1156] : memref<32768xf32, #tpu.memory_space<vmem>> -> memref<1024xf32, #tpu.memory_space<vmem>>
      tpu.wait_dma2 semaphore(%arg6 : memref<!tpu.dma_semaphore, #tpu.memory_space<semaphore_mem>>) src(%dma_wait3A_1157 : memref<1024xf32, #tpu.memory_space<vmem>>) dst(%dma_wait3A_1155 : memref<1024xf32, #tpu.memory_space<hbm>>)
      %dma_wait3A_1158 = arith.constant 6 : i32
      %dma_wait3A_1159 = arith.constant 6144 : i32
      %dma_wait3A_1160 = tpu.memref_slice %arg4[%dma_wait3A_1159] : memref<32768xf32, #tpu.memory_space<vmem>> -> memref<1024xf32, #tpu.memory_space<vmem>>
      %dma_wait3A_1161 = arith.constant 0 : i32
      %dma_wait3A_1162 = tpu.memref_slice %arg3[%dma_wait3A_1158, %add3A_11, %dma_wait3A_1161] : memref<32x96x1024xf32, #tpu.memory_space<hbm>> -> memref<1x1x1024xf32, #tpu.memory_space<hbm>>
      %dma_wait3A_1163 = tpu.memref_squeeze %dma_wait3A_1162 : memref<1x1x1024xf32, #tpu.memory_space<hbm>> -> memref<1024xf32, #tpu.memory_space<hbm>>
      %dma_wait3A_1164 = arith.constant 0 : i32
      %dma_wait3A_1165 = tpu.memref_slice %arg3[%dma_wait3A_1158, %add3A_11, %dma_wait3A_1164] : memref<32x96x1024xf32, #tpu.memory_space<hbm>> -> memref<1x1x1024xf32, #tpu.memory_space<hbm>>
      %dma_wait3A_1166 = tpu.memref_squeeze %dma_wait3A_1165 : memref<1x1x1024xf32, #tpu.memory_space<hbm>> -> memref<1024xf32, #tpu.memory_space<hbm>>
      %dma_wait3A_1167 = arith.constant 6144 : i32
      %dma_wait3A_1168 = tpu.memref_slice %arg4[%dma_wait3A_1167] : memref<32768xf32, #tpu.memory_space<vmem>> -> memref<1024xf32, #tpu.memory_space<vmem>>
      tpu.wait_dma2 semaphore(%arg6 : memref<!tpu.dma_semaphore, #tpu.memory_space<semaphore_mem>>) src(%dma_wait3A_1168 : memref<1024xf32, #tpu.memory_space<vmem>>) dst(%dma_wait3A_1166 : memref<1024xf32, #tpu.memory_space<hbm>>)
      %dma_wait3A_1169 = arith.constant 7 : i32
      %dma_wait3A_1170 = arith.constant 7168 : i32
      %dma_wait3A_1171 = tpu.memref_slice %arg4[%dma_wait3A_1170] : memref<32768xf32, #tpu.memory_space<vmem>> -> memref<1024xf32, #tpu.memory_space<vmem>>
      %dma_wait3A_1172 = arith.constant 0 : i32
      %dma_wait3A_1173 = tpu.memref_slice %arg3[%dma_wait3A_1169, %add3A_11, %dma_wait3A_1172] : memref<32x96x1024xf32, #tpu.memory_space<hbm>> -> memref<1x1x1024xf32, #tpu.memory_space<hbm>>
      %dma_wait3A_1174 = tpu.memref_squeeze %dma_wait3A_1173 : memref<1x1x1024xf32, #tpu.memory_space<hbm>> -> memref<1024xf32, #tpu.memory_space<hbm>>
      %dma_wait3A_1175 = arith.constant 0 : i32
      %dma_wait3A_1176 = tpu.memref_slice %arg3[%dma_wait3A_1169, %add3A_11, %dma_wait3A_1175] : memref<32x96x1024xf32, #tpu.memory_space<hbm>> -> memref<1x1x1024xf32, #tpu.memory_space<hbm>>
      %dma_wait3A_1177 = tpu.memref_squeeze %dma_wait3A_1176 : memref<1x1x1024xf32, #tpu.memory_space<hbm>> -> memref<1024xf32, #tpu.memory_space<hbm>>
      %dma_wait3A_1178 = arith.constant 7168 : i32
      %dma_wait3A_1179 = tpu.memref_slice %arg4[%dma_wait3A_1178] : memref<32768xf32, #tpu.memory_space<vmem>> -> memref<1024xf32, #tpu.memory_space<vmem>>
      tpu.wait_dma2 semaphore(%arg6 : memref<!tpu.dma_semaphore, #tpu.memory_space<semaphore_mem>>) src(%dma_wait3A_1179 : memref<1024xf32, #tpu.memory_space<vmem>>) dst(%dma_wait3A_1177 : memref<1024xf32, #tpu.memory_space<hbm>>)
      %dma_wait3A_1180 = arith.constant 8 : i32
      %dma_wait3A_1181 = arith.constant 8192 : i32
      %dma_wait3A_1182 = tpu.memref_slice %arg4[%dma_wait3A_1181] : memref<32768xf32, #tpu.memory_space<vmem>> -> memref<1024xf32, #tpu.memory_space<vmem>>
      %dma_wait3A_1183 = arith.constant 0 : i32
      %dma_wait3A_1184 = tpu.memref_slice %arg3[%dma_wait3A_1180, %add3A_11, %dma_wait3A_1183] : memref<32x96x1024xf32, #tpu.memory_space<hbm>> -> memref<1x1x1024xf32, #tpu.memory_space<hbm>>
      %dma_wait3A_1185 = tpu.memref_squeeze %dma_wait3A_1184 : memref<1x1x1024xf32, #tpu.memory_space<hbm>> -> memref<1024xf32, #tpu.memory_space<hbm>>
      %dma_wait3A_1186 = arith.constant 0 : i32
      %dma_wait3A_1187 = tpu.memref_slice %arg3[%dma_wait3A_1180, %add3A_11, %dma_wait3A_1186] : memref<32x96x1024xf32, #tpu.memory_space<hbm>> -> memref<1x1x1024xf32, #tpu.memory_space<hbm>>
      %dma_wait3A_1188 = tpu.memref_squeeze %dma_wait3A_1187 : memref<1x1x1024xf32, #tpu.memory_space<hbm>> -> memref<1024xf32, #tpu.memory_space<hbm>>
      %dma_wait3A_1189 = arith.constant 8192 : i32
      %dma_wait3A_1190 = tpu.memref_slice %arg4[%dma_wait3A_1189] : memref<32768xf32, #tpu.memory_space<vmem>> -> memref<1024xf32, #tpu.memory_space<vmem>>
      tpu.wait_dma2 semaphore(%arg6 : memref<!tpu.dma_semaphore, #tpu.memory_space<semaphore_mem>>) src(%dma_wait3A_1190 : memref<1024xf32, #tpu.memory_space<vmem>>) dst(%dma_wait3A_1188 : memref<1024xf32, #tpu.memory_space<hbm>>)
      %dma_wait3A_1191 = arith.constant 9 : i32
      %dma_wait3A_1192 = arith.constant 9216 : i32
      %dma_wait3A_1193 = tpu.memref_slice %arg4[%dma_wait3A_1192] : memref<32768xf32, #tpu.memory_space<vmem>> -> memref<1024xf32, #tpu.memory_space<vmem>>
      %dma_wait3A_1194 = arith.constant 0 : i32
      %dma_wait3A_1195 = tpu.memref_slice %arg3[%dma_wait3A_1191, %add3A_11, %dma_wait3A_1194] : memref<32x96x1024xf32, #tpu.memory_space<hbm>> -> memref<1x1x1024xf32, #tpu.memory_space<hbm>>
      %dma_wait3A_1196 = tpu.memref_squeeze %dma_wait3A_1195 : memref<1x1x1024xf32, #tpu.memory_space<hbm>> -> memref<1024xf32, #tpu.memory_space<hbm>>
      %dma_wait3A_1197 = arith.constant 0 : i32
      %dma_wait3A_1198 = tpu.memref_slice %arg3[%dma_wait3A_1191, %add3A_11, %dma_wait3A_1197] : memref<32x96x1024xf32, #tpu.memory_space<hbm>> -> memref<1x1x1024xf32, #tpu.memory_space<hbm>>
      %dma_wait3A_1199 = tpu.memref_squeeze %dma_wait3A_1198 : memref<1x1x1024xf32, #tpu.memory_space<hbm>> -> memref<1024xf32, #tpu.memory_space<hbm>>
      %dma_wait3A_1200 = arith.constant 9216 : i32
      %dma_wait3A_1201 = tpu.memref_slice %arg4[%dma_wait3A_1200] : memref<32768xf32, #tpu.memory_space<vmem>> -> memref<1024xf32, #tpu.memory_space<vmem>>
      tpu.wait_dma2 semaphore(%arg6 : memref<!tpu.dma_semaphore, #tpu.memory_space<semaphore_mem>>) src(%dma_wait3A_1201 : memref<1024xf32, #tpu.memory_space<vmem>>) dst(%dma_wait3A_1199 : memref<1024xf32, #tpu.memory_space<hbm>>)
      %dma_wait3A_1202 = arith.constant 10 : i32
      %dma_wait3A_1203 = arith.constant 10240 : i32
      %dma_wait3A_1204 = tpu.memref_slice %arg4[%dma_wait3A_1203] : memref<32768xf32, #tpu.memory_space<vmem>> -> memref<1024xf32, #tpu.memory_space<vmem>>
      %dma_wait3A_1205 = arith.constant 0 : i32
      %dma_wait3A_1206 = tpu.memref_slice %arg3[%dma_wait3A_1202, %add3A_11, %dma_wait3A_1205] : memref<32x96x1024xf32, #tpu.memory_space<hbm>> -> memref<1x1x1024xf32, #tpu.memory_space<hbm>>
      %dma_wait3A_1207 = tpu.memref_squeeze %dma_wait3A_1206 : memref<1x1x1024xf32, #tpu.memory_space<hbm>> -> memref<1024xf32, #tpu.memory_space<hbm>>
      %dma_wait3A_1208 = arith.constant 0 : i32
      %dma_wait3A_1209 = tpu.memref_slice %arg3[%dma_wait3A_1202, %add3A_11, %dma_wait3A_1208] : memref<32x96x1024xf32, #tpu.memory_space<hbm>> -> memref<1x1x1024xf32, #tpu.memory_space<hbm>>
      %dma_wait3A_1210 = tpu.memref_squeeze %dma_wait3A_1209 : memref<1x1x1024xf32, #tpu.memory_space<hbm>> -> memref<1024xf32, #tpu.memory_space<hbm>>
      %dma_wait3A_1211 = arith.constant 10240 : i32
      %dma_wait3A_1212 = tpu.memref_slice %arg4[%dma_wait3A_1211] : memref<32768xf32, #tpu.memory_space<vmem>> -> memref<1024xf32, #tpu.memory_space<vmem>>
      tpu.wait_dma2 semaphore(%arg6 : memref<!tpu.dma_semaphore, #tpu.memory_space<semaphore_mem>>) src(%dma_wait3A_1212 : memref<1024xf32, #tpu.memory_space<vmem>>) dst(%dma_wait3A_1210 : memref<1024xf32, #tpu.memory_space<hbm>>)
      %dma_wait3A_1213 = arith.constant 11 : i32
      %dma_wait3A_1214 = arith.constant 11264 : i32
      %dma_wait3A_1215 = tpu.memref_slice %arg4[%dma_wait3A_1214] : memref<32768xf32, #tpu.memory_space<vmem>> -> memref<1024xf32, #tpu.memory_space<vmem>>
      %dma_wait3A_1216 = arith.constant 0 : i32
      %dma_wait3A_1217 = tpu.memref_slice %arg3[%dma_wait3A_1213, %add3A_11, %dma_wait3A_1216] : memref<32x96x1024xf32, #tpu.memory_space<hbm>> -> memref<1x1x1024xf32, #tpu.memory_space<hbm>>
      %dma_wait3A_1218 = tpu.memref_squeeze %dma_wait3A_1217 : memref<1x1x1024xf32, #tpu.memory_space<hbm>> -> memref<1024xf32, #tpu.memory_space<hbm>>
      %dma_wait3A_1219 = arith.constant 0 : i32
      %dma_wait3A_1220 = tpu.memref_slice %arg3[%dma_wait3A_1213, %add3A_11, %dma_wait3A_1219] : memref<32x96x1024xf32, #tpu.memory_space<hbm>> -> memref<1x1x1024xf32, #tpu.memory_space<hbm>>
      %dma_wait3A_1221 = tpu.memref_squeeze %dma_wait3A_1220 : memref<1x1x1024xf32, #tpu.memory_space<hbm>> -> memref<1024xf32, #tpu.memory_space<hbm>>
      %dma_wait3A_1222 = arith.constant 11264 : i32
      %dma_wait3A_1223 = tpu.memref_slice %arg4[%dma_wait3A_1222] : memref<32768xf32, #tpu.memory_space<vmem>> -> memref<1024xf32, #tpu.memory_space<vmem>>
      tpu.wait_dma2 semaphore(%arg6 : memref<!tpu.dma_semaphore, #tpu.memory_space<semaphore_mem>>) src(%dma_wait3A_1223 : memref<1024xf32, #tpu.memory_space<vmem>>) dst(%dma_wait3A_1221 : memref<1024xf32, #tpu.memory_space<hbm>>)
      %dma_wait3A_1224 = arith.constant 12 : i32
      %dma_wait3A_1225 = arith.constant 12288 : i32
      %dma_wait3A_1226 = tpu.memref_slice %arg4[%dma_wait3A_1225] : memref<32768xf32, #tpu.memory_space<vmem>> -> memref<1024xf32, #tpu.memory_space<vmem>>
      %dma_wait3A_1227 = arith.constant 0 : i32
      %dma_wait3A_1228 = tpu.memref_slice %arg3[%dma_wait3A_1224, %add3A_11, %dma_wait3A_1227] : memref<32x96x1024xf32, #tpu.memory_space<hbm>> -> memref<1x1x1024xf32, #tpu.memory_space<hbm>>
      %dma_wait3A_1229 = tpu.memref_squeeze %dma_wait3A_1228 : memref<1x1x1024xf32, #tpu.memory_space<hbm>> -> memref<1024xf32, #tpu.memory_space<hbm>>
      %dma_wait3A_1230 = arith.constant 0 : i32
      %dma_wait3A_1231 = tpu.memref_slice %arg3[%dma_wait3A_1224, %add3A_11, %dma_wait3A_1230] : memref<32x96x1024xf32, #tpu.memory_space<hbm>> -> memref<1x1x1024xf32, #tpu.memory_space<hbm>>
      %dma_wait3A_1232 = tpu.memref_squeeze %dma_wait3A_1231 : memref<1x1x1024xf32, #tpu.memory_space<hbm>> -> memref<1024xf32, #tpu.memory_space<hbm>>
      %dma_wait3A_1233 = arith.constant 12288 : i32
      %dma_wait3A_1234 = tpu.memref_slice %arg4[%dma_wait3A_1233] : memref<32768xf32, #tpu.memory_space<vmem>> -> memref<1024xf32, #tpu.memory_space<vmem>>
      tpu.wait_dma2 semaphore(%arg6 : memref<!tpu.dma_semaphore, #tpu.memory_space<semaphore_mem>>) src(%dma_wait3A_1234 : memref<1024xf32, #tpu.memory_space<vmem>>) dst(%dma_wait3A_1232 : memref<1024xf32, #tpu.memory_space<hbm>>)
      %dma_wait3A_1235 = arith.constant 13 : i32
      %dma_wait3A_1236 = arith.constant 13312 : i32
      %dma_wait3A_1237 = tpu.memref_slice %arg4[%dma_wait3A_1236] : memref<32768xf32, #tpu.memory_space<vmem>> -> memref<1024xf32, #tpu.memory_space<vmem>>
      %dma_wait3A_1238 = arith.constant 0 : i32
      %dma_wait3A_1239 = tpu.memref_slice %arg3[%dma_wait3A_1235, %add3A_11, %dma_wait3A_1238] : memref<32x96x1024xf32, #tpu.memory_space<hbm>> -> memref<1x1x1024xf32, #tpu.memory_space<hbm>>
      %dma_wait3A_1240 = tpu.memref_squeeze %dma_wait3A_1239 : memref<1x1x1024xf32, #tpu.memory_space<hbm>> -> memref<1024xf32, #tpu.memory_space<hbm>>
      %dma_wait3A_1241 = arith.constant 0 : i32
      %dma_wait3A_1242 = tpu.memref_slice %arg3[%dma_wait3A_1235, %add3A_11, %dma_wait3A_1241] : memref<32x96x1024xf32, #tpu.memory_space<hbm>> -> memref<1x1x1024xf32, #tpu.memory_space<hbm>>
      %dma_wait3A_1243 = tpu.memref_squeeze %dma_wait3A_1242 : memref<1x1x1024xf32, #tpu.memory_space<hbm>> -> memref<1024xf32, #tpu.memory_space<hbm>>
      %dma_wait3A_1244 = arith.constant 13312 : i32
      %dma_wait3A_1245 = tpu.memref_slice %arg4[%dma_wait3A_1244] : memref<32768xf32, #tpu.memory_space<vmem>> -> memref<1024xf32, #tpu.memory_space<vmem>>
      tpu.wait_dma2 semaphore(%arg6 : memref<!tpu.dma_semaphore, #tpu.memory_space<semaphore_mem>>) src(%dma_wait3A_1245 : memref<1024xf32, #tpu.memory_space<vmem>>) dst(%dma_wait3A_1243 : memref<1024xf32, #tpu.memory_space<hbm>>)
      %dma_wait3A_1246 = arith.constant 14 : i32
      %dma_wait3A_1247 = arith.constant 14336 : i32
      %dma_wait3A_1248 = tpu.memref_slice %arg4[%dma_wait3A_1247] : memref<32768xf32, #tpu.memory_space<vmem>> -> memref<1024xf32, #tpu.memory_space<vmem>>
      %dma_wait3A_1249 = arith.constant 0 : i32
      %dma_wait3A_1250 = tpu.memref_slice %arg3[%dma_wait3A_1246, %add3A_11, %dma_wait3A_1249] : memref<32x96x1024xf32, #tpu.memory_space<hbm>> -> memref<1x1x1024xf32, #tpu.memory_space<hbm>>
      %dma_wait3A_1251 = tpu.memref_squeeze %dma_wait3A_1250 : memref<1x1x1024xf32, #tpu.memory_space<hbm>> -> memref<1024xf32, #tpu.memory_space<hbm>>
      %dma_wait3A_1252 = arith.constant 0 : i32
      %dma_wait3A_1253 = tpu.memref_slice %arg3[%dma_wait3A_1246, %add3A_11, %dma_wait3A_1252] : memref<32x96x1024xf32, #tpu.memory_space<hbm>> -> memref<1x1x1024xf32, #tpu.memory_space<hbm>>
      %dma_wait3A_1254 = tpu.memref_squeeze %dma_wait3A_1253 : memref<1x1x1024xf32, #tpu.memory_space<hbm>> -> memref<1024xf32, #tpu.memory_space<hbm>>
      %dma_wait3A_1255 = arith.constant 14336 : i32
      %dma_wait3A_1256 = tpu.memref_slice %arg4[%dma_wait3A_1255] : memref<32768xf32, #tpu.memory_space<vmem>> -> memref<1024xf32, #tpu.memory_space<vmem>>
      tpu.wait_dma2 semaphore(%arg6 : memref<!tpu.dma_semaphore, #tpu.memory_space<semaphore_mem>>) src(%dma_wait3A_1256 : memref<1024xf32, #tpu.memory_space<vmem>>) dst(%dma_wait3A_1254 : memref<1024xf32, #tpu.memory_space<hbm>>)
      %dma_wait3A_1257 = arith.constant 15 : i32
      %dma_wait3A_1258 = arith.constant 15360 : i32
      %dma_wait3A_1259 = tpu.memref_slice %arg4[%dma_wait3A_1258] : memref<32768xf32, #tpu.memory_space<vmem>> -> memref<1024xf32, #tpu.memory_space<vmem>>
      %dma_wait3A_1260 = arith.constant 0 : i32
      %dma_wait3A_1261 = tpu.memref_slice %arg3[%dma_wait3A_1257, %add3A_11, %dma_wait3A_1260] : memref<32x96x1024xf32, #tpu.memory_space<hbm>> -> memref<1x1x1024xf32, #tpu.memory_space<hbm>>
      %dma_wait3A_1262 = tpu.memref_squeeze %dma_wait3A_1261 : memref<1x1x1024xf32, #tpu.memory_space<hbm>> -> memref<1024xf32, #tpu.memory_space<hbm>>
      %dma_wait3A_1263 = arith.constant 0 : i32
      %dma_wait3A_1264 = tpu.memref_slice %arg3[%dma_wait3A_1257, %add3A_11, %dma_wait3A_1263] : memref<32x96x1024xf32, #tpu.memory_space<hbm>> -> memref<1x1x1024xf32, #tpu.memory_space<hbm>>
      %dma_wait3A_1265 = tpu.memref_squeeze %dma_wait3A_1264 : memref<1x1x1024xf32, #tpu.memory_space<hbm>> -> memref<1024xf32, #tpu.memory_space<hbm>>
      %dma_wait3A_1266 = arith.constant 15360 : i32
      %dma_wait3A_1267 = tpu.memref_slice %arg4[%dma_wait3A_1266] : memref<32768xf32, #tpu.memory_space<vmem>> -> memref<1024xf32, #tpu.memory_space<vmem>>
      tpu.wait_dma2 semaphore(%arg6 : memref<!tpu.dma_semaphore, #tpu.memory_space<semaphore_mem>>) src(%dma_wait3A_1267 : memref<1024xf32, #tpu.memory_space<vmem>>) dst(%dma_wait3A_1265 : memref<1024xf32, #tpu.memory_space<hbm>>)
      %dma_wait3A_1268 = arith.constant 16 : i32
      %dma_wait3A_1269 = arith.constant 16384 : i32
      %dma_wait3A_1270 = tpu.memref_slice %arg4[%dma_wait3A_1269] : memref<32768xf32, #tpu.memory_space<vmem>> -> memref<1024xf32, #tpu.memory_space<vmem>>
      %dma_wait3A_1271 = arith.constant 0 : i32
      %dma_wait3A_1272 = tpu.memref_slice %arg3[%dma_wait3A_1268, %add3A_11, %dma_wait3A_1271] : memref<32x96x1024xf32, #tpu.memory_space<hbm>> -> memref<1x1x1024xf32, #tpu.memory_space<hbm>>
      %dma_wait3A_1273 = tpu.memref_squeeze %dma_wait3A_1272 : memref<1x1x1024xf32, #tpu.memory_space<hbm>> -> memref<1024xf32, #tpu.memory_space<hbm>>
      %dma_wait3A_1274 = arith.constant 0 : i32
      %dma_wait3A_1275 = tpu.memref_slice %arg3[%dma_wait3A_1268, %add3A_11, %dma_wait3A_1274] : memref<32x96x1024xf32, #tpu.memory_space<hbm>> -> memref<1x1x1024xf32, #tpu.memory_space<hbm>>
      %dma_wait3A_1276 = tpu.memref_squeeze %dma_wait3A_1275 : memref<1x1x1024xf32, #tpu.memory_space<hbm>> -> memref<1024xf32, #tpu.memory_space<hbm>>
      %dma_wait3A_1277 = arith.constant 16384 : i32
      %dma_wait3A_1278 = tpu.memref_slice %arg4[%dma_wait3A_1277] : memref<32768xf32, #tpu.memory_space<vmem>> -> memref<1024xf32, #tpu.memory_space<vmem>>
      tpu.wait_dma2 semaphore(%arg6 : memref<!tpu.dma_semaphore, #tpu.memory_space<semaphore_mem>>) src(%dma_wait3A_1278 : memref<1024xf32, #tpu.memory_space<vmem>>) dst(%dma_wait3A_1276 : memref<1024xf32, #tpu.memory_space<hbm>>)
      %dma_wait3A_1279 = arith.constant 17 : i32
      %dma_wait3A_1280 = arith.constant 17408 : i32
      %dma_wait3A_1281 = tpu.memref_slice %arg4[%dma_wait3A_1280] : memref<32768xf32, #tpu.memory_space<vmem>> -> memref<1024xf32, #tpu.memory_space<vmem>>
      %dma_wait3A_1282 = arith.constant 0 : i32
      %dma_wait3A_1283 = tpu.memref_slice %arg3[%dma_wait3A_1279, %add3A_11, %dma_wait3A_1282] : memref<32x96x1024xf32, #tpu.memory_space<hbm>> -> memref<1x1x1024xf32, #tpu.memory_space<hbm>>
      %dma_wait3A_1284 = tpu.memref_squeeze %dma_wait3A_1283 : memref<1x1x1024xf32, #tpu.memory_space<hbm>> -> memref<1024xf32, #tpu.memory_space<hbm>>
      %dma_wait3A_1285 = arith.constant 0 : i32
      %dma_wait3A_1286 = tpu.memref_slice %arg3[%dma_wait3A_1279, %add3A_11, %dma_wait3A_1285] : memref<32x96x1024xf32, #tpu.memory_space<hbm>> -> memref<1x1x1024xf32, #tpu.memory_space<hbm>>
      %dma_wait3A_1287 = tpu.memref_squeeze %dma_wait3A_1286 : memref<1x1x1024xf32, #tpu.memory_space<hbm>> -> memref<1024xf32, #tpu.memory_space<hbm>>
      %dma_wait3A_1288 = arith.constant 17408 : i32
      %dma_wait3A_1289 = tpu.memref_slice %arg4[%dma_wait3A_1288] : memref<32768xf32, #tpu.memory_space<vmem>> -> memref<1024xf32, #tpu.memory_space<vmem>>
      tpu.wait_dma2 semaphore(%arg6 : memref<!tpu.dma_semaphore, #tpu.memory_space<semaphore_mem>>) src(%dma_wait3A_1289 : memref<1024xf32, #tpu.memory_space<vmem>>) dst(%dma_wait3A_1287 : memref<1024xf32, #tpu.memory_space<hbm>>)
      %dma_wait3A_1290 = arith.constant 18 : i32
      %dma_wait3A_1291 = arith.constant 18432 : i32
      %dma_wait3A_1292 = tpu.memref_slice %arg4[%dma_wait3A_1291] : memref<32768xf32, #tpu.memory_space<vmem>> -> memref<1024xf32, #tpu.memory_space<vmem>>
      %dma_wait3A_1293 = arith.constant 0 : i32
      %dma_wait3A_1294 = tpu.memref_slice %arg3[%dma_wait3A_1290, %add3A_11, %dma_wait3A_1293] : memref<32x96x1024xf32, #tpu.memory_space<hbm>> -> memref<1x1x1024xf32, #tpu.memory_space<hbm>>
      %dma_wait3A_1295 = tpu.memref_squeeze %dma_wait3A_1294 : memref<1x1x1024xf32, #tpu.memory_space<hbm>> -> memref<1024xf32, #tpu.memory_space<hbm>>
      %dma_wait3A_1296 = arith.constant 0 : i32
      %dma_wait3A_1297 = tpu.memref_slice %arg3[%dma_wait3A_1290, %add3A_11, %dma_wait3A_1296] : memref<32x96x1024xf32, #tpu.memory_space<hbm>> -> memref<1x1x1024xf32, #tpu.memory_space<hbm>>
      %dma_wait3A_1298 = tpu.memref_squeeze %dma_wait3A_1297 : memref<1x1x1024xf32, #tpu.memory_space<hbm>> -> memref<1024xf32, #tpu.memory_space<hbm>>
      %dma_wait3A_1299 = arith.constant 18432 : i32
      %dma_wait3A_1300 = tpu.memref_slice %arg4[%dma_wait3A_1299] : memref<32768xf32, #tpu.memory_space<vmem>> -> memref<1024xf32, #tpu.memory_space<vmem>>
      tpu.wait_dma2 semaphore(%arg6 : memref<!tpu.dma_semaphore, #tpu.memory_space<semaphore_mem>>) src(%dma_wait3A_1300 : memref<1024xf32, #tpu.memory_space<vmem>>) dst(%dma_wait3A_1298 : memref<1024xf32, #tpu.memory_space<hbm>>)
      %dma_wait3A_1301 = arith.constant 19 : i32
      %dma_wait3A_1302 = arith.constant 19456 : i32
      %dma_wait3A_1303 = tpu.memref_slice %arg4[%dma_wait3A_1302] : memref<32768xf32, #tpu.memory_space<vmem>> -> memref<1024xf32, #tpu.memory_space<vmem>>
      %dma_wait3A_1304 = arith.constant 0 : i32
      %dma_wait3A_1305 = tpu.memref_slice %arg3[%dma_wait3A_1301, %add3A_11, %dma_wait3A_1304] : memref<32x96x1024xf32, #tpu.memory_space<hbm>> -> memref<1x1x1024xf32, #tpu.memory_space<hbm>>
      %dma_wait3A_1306 = tpu.memref_squeeze %dma_wait3A_1305 : memref<1x1x1024xf32, #tpu.memory_space<hbm>> -> memref<1024xf32, #tpu.memory_space<hbm>>
      %dma_wait3A_1307 = arith.constant 0 : i32
      %dma_wait3A_1308 = tpu.memref_slice %arg3[%dma_wait3A_1301, %add3A_11, %dma_wait3A_1307] : memref<32x96x1024xf32, #tpu.memory_space<hbm>> -> memref<1x1x1024xf32, #tpu.memory_space<hbm>>
      %dma_wait3A_1309 = tpu.memref_squeeze %dma_wait3A_1308 : memref<1x1x1024xf32, #tpu.memory_space<hbm>> -> memref<1024xf32, #tpu.memory_space<hbm>>
      %dma_wait3A_1310 = arith.constant 19456 : i32
      %dma_wait3A_1311 = tpu.memref_slice %arg4[%dma_wait3A_1310] : memref<32768xf32, #tpu.memory_space<vmem>> -> memref<1024xf32, #tpu.memory_space<vmem>>
      tpu.wait_dma2 semaphore(%arg6 : memref<!tpu.dma_semaphore, #tpu.memory_space<semaphore_mem>>) src(%dma_wait3A_1311 : memref<1024xf32, #tpu.memory_space<vmem>>) dst(%dma_wait3A_1309 : memref<1024xf32, #tpu.memory_space<hbm>>)
      %dma_wait3A_1312 = arith.constant 20 : i32
      %dma_wait3A_1313 = arith.constant 20480 : i32
      %dma_wait3A_1314 = tpu.memref_slice %arg4[%dma_wait3A_1313] : memref<32768xf32, #tpu.memory_space<vmem>> -> memref<1024xf32, #tpu.memory_space<vmem>>
      %dma_wait3A_1315 = arith.constant 0 : i32
      %dma_wait3A_1316 = tpu.memref_slice %arg3[%dma_wait3A_1312, %add3A_11, %dma_wait3A_1315] : memref<32x96x1024xf32, #tpu.memory_space<hbm>> -> memref<1x1x1024xf32, #tpu.memory_space<hbm>>
      %dma_wait3A_1317 = tpu.memref_squeeze %dma_wait3A_1316 : memref<1x1x1024xf32, #tpu.memory_space<hbm>> -> memref<1024xf32, #tpu.memory_space<hbm>>
      %dma_wait3A_1318 = arith.constant 0 : i32
      %dma_wait3A_1319 = tpu.memref_slice %arg3[%dma_wait3A_1312, %add3A_11, %dma_wait3A_1318] : memref<32x96x1024xf32, #tpu.memory_space<hbm>> -> memref<1x1x1024xf32, #tpu.memory_space<hbm>>
      %dma_wait3A_1320 = tpu.memref_squeeze %dma_wait3A_1319 : memref<1x1x1024xf32, #tpu.memory_space<hbm>> -> memref<1024xf32, #tpu.memory_space<hbm>>
      %dma_wait3A_1321 = arith.constant 20480 : i32
      %dma_wait3A_1322 = tpu.memref_slice %arg4[%dma_wait3A_1321] : memref<32768xf32, #tpu.memory_space<vmem>> -> memref<1024xf32, #tpu.memory_space<vmem>>
      tpu.wait_dma2 semaphore(%arg6 : memref<!tpu.dma_semaphore, #tpu.memory_space<semaphore_mem>>) src(%dma_wait3A_1322 : memref<1024xf32, #tpu.memory_space<vmem>>) dst(%dma_wait3A_1320 : memref<1024xf32, #tpu.memory_space<hbm>>)
      %dma_wait3A_1323 = arith.constant 21 : i32
      %dma_wait3A_1324 = arith.constant 21504 : i32
      %dma_wait3A_1325 = tpu.memref_slice %arg4[%dma_wait3A_1324] : memref<32768xf32, #tpu.memory_space<vmem>> -> memref<1024xf32, #tpu.memory_space<vmem>>
      %dma_wait3A_1326 = arith.constant 0 : i32
      %dma_wait3A_1327 = tpu.memref_slice %arg3[%dma_wait3A_1323, %add3A_11, %dma_wait3A_1326] : memref<32x96x1024xf32, #tpu.memory_space<hbm>> -> memref<1x1x1024xf32, #tpu.memory_space<hbm>>
      %dma_wait3A_1328 = tpu.memref_squeeze %dma_wait3A_1327 : memref<1x1x1024xf32, #tpu.memory_space<hbm>> -> memref<1024xf32, #tpu.memory_space<hbm>>
      %dma_wait3A_1329 = arith.constant 0 : i32
      %dma_wait3A_1330 = tpu.memref_slice %arg3[%dma_wait3A_1323, %add3A_11, %dma_wait3A_1329] : memref<32x96x1024xf32, #tpu.memory_space<hbm>> -> memref<1x1x1024xf32, #tpu.memory_space<hbm>>
      %dma_wait3A_1331 = tpu.memref_squeeze %dma_wait3A_1330 : memref<1x1x1024xf32, #tpu.memory_space<hbm>> -> memref<1024xf32, #tpu.memory_space<hbm>>
      %dma_wait3A_1332 = arith.constant 21504 : i32
      %dma_wait3A_1333 = tpu.memref_slice %arg4[%dma_wait3A_1332] : memref<32768xf32, #tpu.memory_space<vmem>> -> memref<1024xf32, #tpu.memory_space<vmem>>
      tpu.wait_dma2 semaphore(%arg6 : memref<!tpu.dma_semaphore, #tpu.memory_space<semaphore_mem>>) src(%dma_wait3A_1333 : memref<1024xf32, #tpu.memory_space<vmem>>) dst(%dma_wait3A_1331 : memref<1024xf32, #tpu.memory_space<hbm>>)
      %dma_wait3A_1334 = arith.constant 22 : i32
      %dma_wait3A_1335 = arith.constant 22528 : i32
      %dma_wait3A_1336 = tpu.memref_slice %arg4[%dma_wait3A_1335] : memref<32768xf32, #tpu.memory_space<vmem>> -> memref<1024xf32, #tpu.memory_space<vmem>>
      %dma_wait3A_1337 = arith.constant 0 : i32
      %dma_wait3A_1338 = tpu.memref_slice %arg3[%dma_wait3A_1334, %add3A_11, %dma_wait3A_1337] : memref<32x96x1024xf32, #tpu.memory_space<hbm>> -> memref<1x1x1024xf32, #tpu.memory_space<hbm>>
      %dma_wait3A_1339 = tpu.memref_squeeze %dma_wait3A_1338 : memref<1x1x1024xf32, #tpu.memory_space<hbm>> -> memref<1024xf32, #tpu.memory_space<hbm>>
      %dma_wait3A_1340 = arith.constant 0 : i32
      %dma_wait3A_1341 = tpu.memref_slice %arg3[%dma_wait3A_1334, %add3A_11, %dma_wait3A_1340] : memref<32x96x1024xf32, #tpu.memory_space<hbm>> -> memref<1x1x1024xf32, #tpu.memory_space<hbm>>
      %dma_wait3A_1342 = tpu.memref_squeeze %dma_wait3A_1341 : memref<1x1x1024xf32, #tpu.memory_space<hbm>> -> memref<1024xf32, #tpu.memory_space<hbm>>
      %dma_wait3A_1343 = arith.constant 22528 : i32
      %dma_wait3A_1344 = tpu.memref_slice %arg4[%dma_wait3A_1343] : memref<32768xf32, #tpu.memory_space<vmem>> -> memref<1024xf32, #tpu.memory_space<vmem>>
      tpu.wait_dma2 semaphore(%arg6 : memref<!tpu.dma_semaphore, #tpu.memory_space<semaphore_mem>>) src(%dma_wait3A_1344 : memref<1024xf32, #tpu.memory_space<vmem>>) dst(%dma_wait3A_1342 : memref<1024xf32, #tpu.memory_space<hbm>>)
      %dma_wait3A_1345 = arith.constant 23 : i32
      %dma_wait3A_1346 = arith.constant 23552 : i32
      %dma_wait3A_1347 = tpu.memref_slice %arg4[%dma_wait3A_1346] : memref<32768xf32, #tpu.memory_space<vmem>> -> memref<1024xf32, #tpu.memory_space<vmem>>
      %dma_wait3A_1348 = arith.constant 0 : i32
      %dma_wait3A_1349 = tpu.memref_slice %arg3[%dma_wait3A_1345, %add3A_11, %dma_wait3A_1348] : memref<32x96x1024xf32, #tpu.memory_space<hbm>> -> memref<1x1x1024xf32, #tpu.memory_space<hbm>>
      %dma_wait3A_1350 = tpu.memref_squeeze %dma_wait3A_1349 : memref<1x1x1024xf32, #tpu.memory_space<hbm>> -> memref<1024xf32, #tpu.memory_space<hbm>>
      %dma_wait3A_1351 = arith.constant 0 : i32
      %dma_wait3A_1352 = tpu.memref_slice %arg3[%dma_wait3A_1345, %add3A_11, %dma_wait3A_1351] : memref<32x96x1024xf32, #tpu.memory_space<hbm>> -> memref<1x1x1024xf32, #tpu.memory_space<hbm>>
      %dma_wait3A_1353 = tpu.memref_squeeze %dma_wait3A_1352 : memref<1x1x1024xf32, #tpu.memory_space<hbm>> -> memref<1024xf32, #tpu.memory_space<hbm>>
      %dma_wait3A_1354 = arith.constant 23552 : i32
      %dma_wait3A_1355 = tpu.memref_slice %arg4[%dma_wait3A_1354] : memref<32768xf32, #tpu.memory_space<vmem>> -> memref<1024xf32, #tpu.memory_space<vmem>>
      tpu.wait_dma2 semaphore(%arg6 : memref<!tpu.dma_semaphore, #tpu.memory_space<semaphore_mem>>) src(%dma_wait3A_1355 : memref<1024xf32, #tpu.memory_space<vmem>>) dst(%dma_wait3A_1353 : memref<1024xf32, #tpu.memory_space<hbm>>)
      %dma_wait3A_1356 = arith.constant 24 : i32
      %dma_wait3A_1357 = arith.constant 24576 : i32
      %dma_wait3A_1358 = tpu.memref_slice %arg4[%dma_wait3A_1357] : memref<32768xf32, #tpu.memory_space<vmem>> -> memref<1024xf32, #tpu.memory_space<vmem>>
      %dma_wait3A_1359 = arith.constant 0 : i32
      %dma_wait3A_1360 = tpu.memref_slice %arg3[%dma_wait3A_1356, %add3A_11, %dma_wait3A_1359] : memref<32x96x1024xf32, #tpu.memory_space<hbm>> -> memref<1x1x1024xf32, #tpu.memory_space<hbm>>
      %dma_wait3A_1361 = tpu.memref_squeeze %dma_wait3A_1360 : memref<1x1x1024xf32, #tpu.memory_space<hbm>> -> memref<1024xf32, #tpu.memory_space<hbm>>
      %dma_wait3A_1362 = arith.constant 0 : i32
      %dma_wait3A_1363 = tpu.memref_slice %arg3[%dma_wait3A_1356, %add3A_11, %dma_wait3A_1362] : memref<32x96x1024xf32, #tpu.memory_space<hbm>> -> memref<1x1x1024xf32, #tpu.memory_space<hbm>>
      %dma_wait3A_1364 = tpu.memref_squeeze %dma_wait3A_1363 : memref<1x1x1024xf32, #tpu.memory_space<hbm>> -> memref<1024xf32, #tpu.memory_space<hbm>>
      %dma_wait3A_1365 = arith.constant 24576 : i32
      %dma_wait3A_1366 = tpu.memref_slice %arg4[%dma_wait3A_1365] : memref<32768xf32, #tpu.memory_space<vmem>> -> memref<1024xf32, #tpu.memory_space<vmem>>
      tpu.wait_dma2 semaphore(%arg6 : memref<!tpu.dma_semaphore, #tpu.memory_space<semaphore_mem>>) src(%dma_wait3A_1366 : memref<1024xf32, #tpu.memory_space<vmem>>) dst(%dma_wait3A_1364 : memref<1024xf32, #tpu.memory_space<hbm>>)
      %dma_wait3A_1367 = arith.constant 25 : i32
      %dma_wait3A_1368 = arith.constant 25600 : i32
      %dma_wait3A_1369 = tpu.memref_slice %arg4[%dma_wait3A_1368] : memref<32768xf32, #tpu.memory_space<vmem>> -> memref<1024xf32, #tpu.memory_space<vmem>>
      %dma_wait3A_1370 = arith.constant 0 : i32
      %dma_wait3A_1371 = tpu.memref_slice %arg3[%dma_wait3A_1367, %add3A_11, %dma_wait3A_1370] : memref<32x96x1024xf32, #tpu.memory_space<hbm>> -> memref<1x1x1024xf32, #tpu.memory_space<hbm>>
      %dma_wait3A_1372 = tpu.memref_squeeze %dma_wait3A_1371 : memref<1x1x1024xf32, #tpu.memory_space<hbm>> -> memref<1024xf32, #tpu.memory_space<hbm>>
      %dma_wait3A_1373 = arith.constant 0 : i32
      %dma_wait3A_1374 = tpu.memref_slice %arg3[%dma_wait3A_1367, %add3A_11, %dma_wait3A_1373] : memref<32x96x1024xf32, #tpu.memory_space<hbm>> -> memref<1x1x1024xf32, #tpu.memory_space<hbm>>
      %dma_wait3A_1375 = tpu.memref_squeeze %dma_wait3A_1374 : memref<1x1x1024xf32, #tpu.memory_space<hbm>> -> memref<1024xf32, #tpu.memory_space<hbm>>
      %dma_wait3A_1376 = arith.constant 25600 : i32
      %dma_wait3A_1377 = tpu.memref_slice %arg4[%dma_wait3A_1376] : memref<32768xf32, #tpu.memory_space<vmem>> -> memref<1024xf32, #tpu.memory_space<vmem>>
      tpu.wait_dma2 semaphore(%arg6 : memref<!tpu.dma_semaphore, #tpu.memory_space<semaphore_mem>>) src(%dma_wait3A_1377 : memref<1024xf32, #tpu.memory_space<vmem>>) dst(%dma_wait3A_1375 : memref<1024xf32, #tpu.memory_space<hbm>>)
      %dma_wait3A_1378 = arith.constant 26 : i32
      %dma_wait3A_1379 = arith.constant 26624 : i32
      %dma_wait3A_1380 = tpu.memref_slice %arg4[%dma_wait3A_1379] : memref<32768xf32, #tpu.memory_space<vmem>> -> memref<1024xf32, #tpu.memory_space<vmem>>
      %dma_wait3A_1381 = arith.constant 0 : i32
      %dma_wait3A_1382 = tpu.memref_slice %arg3[%dma_wait3A_1378, %add3A_11, %dma_wait3A_1381] : memref<32x96x1024xf32, #tpu.memory_space<hbm>> -> memref<1x1x1024xf32, #tpu.memory_space<hbm>>
      %dma_wait3A_1383 = tpu.memref_squeeze %dma_wait3A_1382 : memref<1x1x1024xf32, #tpu.memory_space<hbm>> -> memref<1024xf32, #tpu.memory_space<hbm>>
      %dma_wait3A_1384 = arith.constant 0 : i32
      %dma_wait3A_1385 = tpu.memref_slice %arg3[%dma_wait3A_1378, %add3A_11, %dma_wait3A_1384] : memref<32x96x1024xf32, #tpu.memory_space<hbm>> -> memref<1x1x1024xf32, #tpu.memory_space<hbm>>
      %dma_wait3A_1386 = tpu.memref_squeeze %dma_wait3A_1385 : memref<1x1x1024xf32, #tpu.memory_space<hbm>> -> memref<1024xf32, #tpu.memory_space<hbm>>
      %dma_wait3A_1387 = arith.constant 26624 : i32
      %dma_wait3A_1388 = tpu.memref_slice %arg4[%dma_wait3A_1387] : memref<32768xf32, #tpu.memory_space<vmem>> -> memref<1024xf32, #tpu.memory_space<vmem>>
      tpu.wait_dma2 semaphore(%arg6 : memref<!tpu.dma_semaphore, #tpu.memory_space<semaphore_mem>>) src(%dma_wait3A_1388 : memref<1024xf32, #tpu.memory_space<vmem>>) dst(%dma_wait3A_1386 : memref<1024xf32, #tpu.memory_space<hbm>>)
      %dma_wait3A_1389 = arith.constant 27 : i32
      %dma_wait3A_1390 = arith.constant 27648 : i32
      %dma_wait3A_1391 = tpu.memref_slice %arg4[%dma_wait3A_1390] : memref<32768xf32, #tpu.memory_space<vmem>> -> memref<1024xf32, #tpu.memory_space<vmem>>
      %dma_wait3A_1392 = arith.constant 0 : i32
      %dma_wait3A_1393 = tpu.memref_slice %arg3[%dma_wait3A_1389, %add3A_11, %dma_wait3A_1392] : memref<32x96x1024xf32, #tpu.memory_space<hbm>> -> memref<1x1x1024xf32, #tpu.memory_space<hbm>>
      %dma_wait3A_1394 = tpu.memref_squeeze %dma_wait3A_1393 : memref<1x1x1024xf32, #tpu.memory_space<hbm>> -> memref<1024xf32, #tpu.memory_space<hbm>>
      %dma_wait3A_1395 = arith.constant 0 : i32
      %dma_wait3A_1396 = tpu.memref_slice %arg3[%dma_wait3A_1389, %add3A_11, %dma_wait3A_1395] : memref<32x96x1024xf32, #tpu.memory_space<hbm>> -> memref<1x1x1024xf32, #tpu.memory_space<hbm>>
      %dma_wait3A_1397 = tpu.memref_squeeze %dma_wait3A_1396 : memref<1x1x1024xf32, #tpu.memory_space<hbm>> -> memref<1024xf32, #tpu.memory_space<hbm>>
      %dma_wait3A_1398 = arith.constant 27648 : i32
      %dma_wait3A_1399 = tpu.memref_slice %arg4[%dma_wait3A_1398] : memref<32768xf32, #tpu.memory_space<vmem>> -> memref<1024xf32, #tpu.memory_space<vmem>>
      tpu.wait_dma2 semaphore(%arg6 : memref<!tpu.dma_semaphore, #tpu.memory_space<semaphore_mem>>) src(%dma_wait3A_1399 : memref<1024xf32, #tpu.memory_space<vmem>>) dst(%dma_wait3A_1397 : memref<1024xf32, #tpu.memory_space<hbm>>)
      %dma_wait3A_1400 = arith.constant 28 : i32
      %dma_wait3A_1401 = arith.constant 28672 : i32
      %dma_wait3A_1402 = tpu.memref_slice %arg4[%dma_wait3A_1401] : memref<32768xf32, #tpu.memory_space<vmem>> -> memref<1024xf32, #tpu.memory_space<vmem>>
      %dma_wait3A_1403 = arith.constant 0 : i32
      %dma_wait3A_1404 = tpu.memref_slice %arg3[%dma_wait3A_1400, %add3A_11, %dma_wait3A_1403] : memref<32x96x1024xf32, #tpu.memory_space<hbm>> -> memref<1x1x1024xf32, #tpu.memory_space<hbm>>
      %dma_wait3A_1405 = tpu.memref_squeeze %dma_wait3A_1404 : memref<1x1x1024xf32, #tpu.memory_space<hbm>> -> memref<1024xf32, #tpu.memory_space<hbm>>
      %dma_wait3A_1406 = arith.constant 0 : i32
      %dma_wait3A_1407 = tpu.memref_slice %arg3[%dma_wait3A_1400, %add3A_11, %dma_wait3A_1406] : memref<32x96x1024xf32, #tpu.memory_space<hbm>> -> memref<1x1x1024xf32, #tpu.memory_space<hbm>>
      %dma_wait3A_1408 = tpu.memref_squeeze %dma_wait3A_1407 : memref<1x1x1024xf32, #tpu.memory_space<hbm>> -> memref<1024xf32, #tpu.memory_space<hbm>>
      %dma_wait3A_1409 = arith.constant 28672 : i32
      %dma_wait3A_1410 = tpu.memref_slice %arg4[%dma_wait3A_1409] : memref<32768xf32, #tpu.memory_space<vmem>> -> memref<1024xf32, #tpu.memory_space<vmem>>
      tpu.wait_dma2 semaphore(%arg6 : memref<!tpu.dma_semaphore, #tpu.memory_space<semaphore_mem>>) src(%dma_wait3A_1410 : memref<1024xf32, #tpu.memory_space<vmem>>) dst(%dma_wait3A_1408 : memref<1024xf32, #tpu.memory_space<hbm>>)
      %dma_wait3A_1411 = arith.constant 29 : i32
      %dma_wait3A_1412 = arith.constant 29696 : i32
      %dma_wait3A_1413 = tpu.memref_slice %arg4[%dma_wait3A_1412] : memref<32768xf32, #tpu.memory_space<vmem>> -> memref<1024xf32, #tpu.memory_space<vmem>>
      %dma_wait3A_1414 = arith.constant 0 : i32
      %dma_wait3A_1415 = tpu.memref_slice %arg3[%dma_wait3A_1411, %add3A_11, %dma_wait3A_1414] : memref<32x96x1024xf32, #tpu.memory_space<hbm>> -> memref<1x1x1024xf32, #tpu.memory_space<hbm>>
      %dma_wait3A_1416 = tpu.memref_squeeze %dma_wait3A_1415 : memref<1x1x1024xf32, #tpu.memory_space<hbm>> -> memref<1024xf32, #tpu.memory_space<hbm>>
      %dma_wait3A_1417 = arith.constant 0 : i32
      %dma_wait3A_1418 = tpu.memref_slice %arg3[%dma_wait3A_1411, %add3A_11, %dma_wait3A_1417] : memref<32x96x1024xf32, #tpu.memory_space<hbm>> -> memref<1x1x1024xf32, #tpu.memory_space<hbm>>
      %dma_wait3A_1419 = tpu.memref_squeeze %dma_wait3A_1418 : memref<1x1x1024xf32, #tpu.memory_space<hbm>> -> memref<1024xf32, #tpu.memory_space<hbm>>
      %dma_wait3A_1420 = arith.constant 29696 : i32
      %dma_wait3A_1421 = tpu.memref_slice %arg4[%dma_wait3A_1420] : memref<32768xf32, #tpu.memory_space<vmem>> -> memref<1024xf32, #tpu.memory_space<vmem>>
      tpu.wait_dma2 semaphore(%arg6 : memref<!tpu.dma_semaphore, #tpu.memory_space<semaphore_mem>>) src(%dma_wait3A_1421 : memref<1024xf32, #tpu.memory_space<vmem>>) dst(%dma_wait3A_1419 : memref<1024xf32, #tpu.memory_space<hbm>>)
      %dma_wait3A_1422 = arith.constant 30 : i32
      %dma_wait3A_1423 = arith.constant 30720 : i32
      %dma_wait3A_1424 = tpu.memref_slice %arg4[%dma_wait3A_1423] : memref<32768xf32, #tpu.memory_space<vmem>> -> memref<1024xf32, #tpu.memory_space<vmem>>
      %dma_wait3A_1425 = arith.constant 0 : i32
      %dma_wait3A_1426 = tpu.memref_slice %arg3[%dma_wait3A_1422, %add3A_11, %dma_wait3A_1425] : memref<32x96x1024xf32, #tpu.memory_space<hbm>> -> memref<1x1x1024xf32, #tpu.memory_space<hbm>>
      %dma_wait3A_1427 = tpu.memref_squeeze %dma_wait3A_1426 : memref<1x1x1024xf32, #tpu.memory_space<hbm>> -> memref<1024xf32, #tpu.memory_space<hbm>>
      %dma_wait3A_1428 = arith.constant 0 : i32
      %dma_wait3A_1429 = tpu.memref_slice %arg3[%dma_wait3A_1422, %add3A_11, %dma_wait3A_1428] : memref<32x96x1024xf32, #tpu.memory_space<hbm>> -> memref<1x1x1024xf32, #tpu.memory_space<hbm>>
      %dma_wait3A_1430 = tpu.memref_squeeze %dma_wait3A_1429 : memref<1x1x1024xf32, #tpu.memory_space<hbm>> -> memref<1024xf32, #tpu.memory_space<hbm>>
      %dma_wait3A_1431 = arith.constant 30720 : i32
      %dma_wait3A_1432 = tpu.memref_slice %arg4[%dma_wait3A_1431] : memref<32768xf32, #tpu.memory_space<vmem>> -> memref<1024xf32, #tpu.memory_space<vmem>>
      tpu.wait_dma2 semaphore(%arg6 : memref<!tpu.dma_semaphore, #tpu.memory_space<semaphore_mem>>) src(%dma_wait3A_1432 : memref<1024xf32, #tpu.memory_space<vmem>>) dst(%dma_wait3A_1430 : memref<1024xf32, #tpu.memory_space<hbm>>)
      %dma_wait3A_1433 = arith.constant 31 : i32
      %dma_wait3A_1434 = arith.constant 31744 : i32
      %dma_wait3A_1435 = tpu.memref_slice %arg4[%dma_wait3A_1434] : memref<32768xf32, #tpu.memory_space<vmem>> -> memref<1024xf32, #tpu.memory_space<vmem>>
      %dma_wait3A_1436 = arith.constant 0 : i32
      %dma_wait3A_1437 = tpu.memref_slice %arg3[%dma_wait3A_1433, %add3A_11, %dma_wait3A_1436] : memref<32x96x1024xf32, #tpu.memory_space<hbm>> -> memref<1x1x1024xf32, #tpu.memory_space<hbm>>
      %dma_wait3A_1438 = tpu.memref_squeeze %dma_wait3A_1437 : memref<1x1x1024xf32, #tpu.memory_space<hbm>> -> memref<1024xf32, #tpu.memory_space<hbm>>
      %dma_wait3A_1439 = arith.constant 0 : i32
      %dma_wait3A_1440 = tpu.memref_slice %arg3[%dma_wait3A_1433, %add3A_11, %dma_wait3A_1439] : memref<32x96x1024xf32, #tpu.memory_space<hbm>> -> memref<1x1x1024xf32, #tpu.memory_space<hbm>>
      %dma_wait3A_1441 = tpu.memref_squeeze %dma_wait3A_1440 : memref<1x1x1024xf32, #tpu.memory_space<hbm>> -> memref<1024xf32, #tpu.memory_space<hbm>>
      %dma_wait3A_1442 = arith.constant 31744 : i32
      %dma_wait3A_1443 = tpu.memref_slice %arg4[%dma_wait3A_1442] : memref<32768xf32, #tpu.memory_space<vmem>> -> memref<1024xf32, #tpu.memory_space<vmem>>
      tpu.wait_dma2 semaphore(%arg6 : memref<!tpu.dma_semaphore, #tpu.memory_space<semaphore_mem>>) src(%dma_wait3A_1443 : memref<1024xf32, #tpu.memory_space<vmem>>) dst(%dma_wait3A_1441 : memref<1024xf32, #tpu.memory_space<hbm>>)
      %scan3A_1444 = arith.constant 0 : i32
      scf.yield %scan3A_1444 : i32
    }
    %scan3A_6 = arith.constant 3 : i32
    return
  }
}

module attributes {stable_mosaic.version = 14 : i64} {
  func.func @_ins(%arg0: i32, %arg1: memref<32x384x1024xf32, #tpu.memory_space<any>>, %arg2: memref<32x32x1024xf32, #tpu.memory_space<vmem>>, %arg3: memref<32x32x1024xf32, #tpu.memory_space<vmem>>) attributes {dimension_semantics = [#tpu.dimension_semantics<arbitrary>], iteration_bounds = array<i64: 3>, scalar_prefetch = 0 : i64, scratch_operands = 0 : i64, tpu.core_type = #tpu.core_type<tc>, window_params = [{}, {transform_indices = @transform_1, window_bounds = array<i64: 32, 32, 1024>}, {transform_indices = @transform_2, window_bounds = array<i64: 32, 32, 1024>}]} {
    %get3A = arith.constant 0 : index
    %get3A_0 = arith.constant 0 : index
    %get3A_1 = arith.constant 0 : index
    %get3A_2 = vector.load %arg2[%get3A, %get3A_0, %get3A_1] : memref<32x32x1024xf32, #tpu.memory_space<vmem>>, vector<32x32x1024xf32>
    %swap3A = arith.constant 0 : index
    %swap3A_3 = arith.constant 0 : index
    %swap3A_4 = arith.constant 0 : index
    %swap3A_5 = vector.load %arg3[%swap3A, %swap3A_3, %swap3A_4] : memref<32x32x1024xf32, #tpu.memory_space<vmem>>, vector<32x32x1024xf32>
    tpu.vector_store %arg3[%swap3A, %swap3A_3, %swap3A_4], %get3A_2 {strides = array<i32>} : memref<32x32x1024xf32, #tpu.memory_space<vmem>>, vector<32x32x1024xf32>,
    return
  }
  func.func @transform_1(%arg0: i32) -> (i32, i32, i32) {
    %c0_i32 = arith.constant 0 : i32
    %c0_i32_0 = arith.constant 0 : i32
    %c0_i32_1 = arith.constant 0 : i32
    return %c0_i32, %arg0, %c0_i32_0 : i32, i32, i32
  }
  func.func @transform_2(%arg0: i32) -> (i32, i32, i32) {
    %c0_i32 = arith.constant 0 : i32
    %c0_i32_0 = arith.constant 0 : i32
    %c0_i32_1 = arith.constant 0 : i32
    return %c0_i32, %arg0, %c0_i32_0 : i32, i32, i32
  }
}

module attributes {stable_mosaic.version = 14 : i64} {
  func.func @_kern(%arg0: i32, %arg1: memref<32x32x1024xf32, #tpu.memory_space<vmem>>, %arg2: memref<32x32x1024xf32, #tpu.memory_space<vmem>>) attributes {dimension_semantics = [#tpu.dimension_semantics<arbitrary>], iteration_bounds = array<i64: 9>, scalar_prefetch = 0 : i64, scratch_operands = 0 : i64, tpu.core_type = #tpu.core_type<tc>, window_params = [{transform_indices = @transform_0, window_bounds = array<i64: 32, 32, 1024>}, {transform_indices = @transform_1, window_bounds = array<i64: 32, 32, 1024>}]} {
    %get3A = arith.constant 0 : index
    %get3A_0 = arith.constant 0 : index
    %get3A_1 = arith.constant 0 : index
    %get3A_2 = vector.load %arg1[%get3A, %get3A_0, %get3A_1] : memref<32x32x1024xf32, #tpu.memory_space<vmem>>, vector<32x32x1024xf32>
    %bitcast_convert_type3A = tpu.bitcast %get3A_2 : vector<32x32x1024xf32> -> vector<32x32x1024xi32>
    %ge3A = arith.constant 0 : i32
    %ge3A_3 = vector.broadcast %ge3A : i32 to vector<32x32x1024xi32>
    %ge3A_4 = arith.cmpi sge, %bitcast_convert_type3A, %ge3A_3 : vector<32x32x1024xi32>
    %sub3A = arith.constant -2147483648 : i32
    %sub3A_5 = vector.broadcast %sub3A : i32 to vector<32x32x1024xi32>
    %sub3A_6 = arith.subi %sub3A_5, %bitcast_convert_type3A : vector<32x32x1024xi32>
    %select_n3A = arith.select %ge3A_4, %bitcast_convert_type3A, %sub3A_6 : vector<32x32x1024xi1>, vector<32x32x1024xi32>
    %broadcast_in_dim3A = arith.constant -2147483648 : i32
    %broadcast_in_dim3A_7 = vector.broadcast %broadcast_in_dim3A : i32 to vector<32x32xi32>
    %add3A = arith.constant -2147483648 : i32
    %add3A_8 = vector.broadcast %add3A : i32 to vector<32x32xi32>
    %add3A_9 = arith.addi %broadcast_in_dim3A_7, %add3A_8 : vector<32x32xi32>
    %broadcast_in_dim3A_10 = vector.shape_cast %add3A_9 : vector<32x32xi32> to vector<32x32x1xi32>
    %broadcast_in_dim3A_11 = vector.shape_cast %broadcast_in_dim3A_10 : vector<32x32x1xi32> to vector<32x32x1xi32>
    %broadcast_in_dim3A_12 = vector.broadcast %broadcast_in_dim3A_11 : vector<32x32x1xi32> to vector<32x32x1024xi32>
    %ge3A_13 = arith.cmpi sge, %select_n3A, %broadcast_in_dim3A_12 : vector<32x32x1024xi32>
    %convert_element_type3A = arith.extui %ge3A_13 : vector<32x32x1024xi1> to vector<32x32x1024xi32>
    %reduce_sum3A = arith.constant dense<0> : vector<32x32xi32>
    %reduce_sum3A_14 = vector.multi_reduction <add>, %convert_element_type3A, %reduce_sum3A [2] : vector<32x32x1024xi32> to vector<32x32xi32>
    %ge3A_15 = arith.constant 512 : i32
    %ge3A_16 = vector.broadcast %ge3A_15 : i32 to vector<32x32xi32>
    %ge3A_17 = arith.cmpi sge, %reduce_sum3A_14, %ge3A_16 : vector<32x32xi32>
    %select_n3A_18 = arith.select %ge3A_17, %add3A_9, %broadcast_in_dim3A_7 : vector<32x32xi1>, vector<32x32xi32>
    %add3A_19 = arith.constant 1073741824 : i32
    %add3A_20 = vector.broadcast %add3A_19 : i32 to vector<32x32xi32>
    %add3A_21 = arith.addi %select_n3A_18, %add3A_20 : vector<32x32xi32>
    %broadcast_in_dim3A_22 = vector.shape_cast %add3A_21 : vector<32x32xi32> to vector<32x32x1xi32>
    %broadcast_in_dim3A_23 = vector.shape_cast %broadcast_in_dim3A_22 : vector<32x32x1xi32> to vector<32x32x1xi32>
    %broadcast_in_dim3A_24 = vector.broadcast %broadcast_in_dim3A_23 : vector<32x32x1xi32> to vector<32x32x1024xi32>
    %ge3A_25 = arith.cmpi sge, %select_n3A, %broadcast_in_dim3A_24 : vector<32x32x1024xi32>
    %convert_element_type3A_26 = arith.extui %ge3A_25 : vector<32x32x1024xi1> to vector<32x32x1024xi32>
    %reduce_sum3A_27 = arith.constant dense<0> : vector<32x32xi32>
    %reduce_sum3A_28 = vector.multi_reduction <add>, %convert_element_type3A_26, %reduce_sum3A_27 [2] : vector<32x32x1024xi32> to vector<32x32xi32>
    %ge3A_29 = arith.constant 512 : i32
    %ge3A_30 = vector.broadcast %ge3A_29 : i32 to vector<32x32xi32>
    %ge3A_31 = arith.cmpi sge, %reduce_sum3A_28, %ge3A_30 : vector<32x32xi32>
    %select_n3A_32 = arith.select %ge3A_31, %add3A_21, %select_n3A_18 : vector<32x32xi1>, vector<32x32xi32>
    %add3A_33 = arith.constant 536870912 : i32
    %add3A_34 = vector.broadcast %add3A_33 : i32 to vector<32x32xi32>
    %add3A_35 = arith.addi %select_n3A_32, %add3A_34 : vector<32x32xi32>
    %broadcast_in_dim3A_36 = vector.shape_cast %add3A_35 : vector<32x32xi32> to vector<32x32x1xi32>
    %broadcast_in_dim3A_37 = vector.shape_cast %broadcast_in_dim3A_36 : vector<32x32x1xi32> to vector<32x32x1xi32>
    %broadcast_in_dim3A_38 = vector.broadcast %broadcast_in_dim3A_37 : vector<32x32x1xi32> to vector<32x32x1024xi32>
    %ge3A_39 = arith.cmpi sge, %select_n3A, %broadcast_in_dim3A_38 : vector<32x32x1024xi32>
    %convert_element_type3A_40 = arith.extui %ge3A_39 : vector<32x32x1024xi1> to vector<32x32x1024xi32>
    %reduce_sum3A_41 = arith.constant dense<0> : vector<32x32xi32>
    %reduce_sum3A_42 = vector.multi_reduction <add>, %convert_element_type3A_40, %reduce_sum3A_41 [2] : vector<32x32x1024xi32> to vector<32x32xi32>
    %ge3A_43 = arith.constant 512 : i32
    %ge3A_44 = vector.broadcast %ge3A_43 : i32 to vector<32x32xi32>
    %ge3A_45 = arith.cmpi sge, %reduce_sum3A_42, %ge3A_44 : vector<32x32xi32>
    %select_n3A_46 = arith.select %ge3A_45, %add3A_35, %select_n3A_32 : vector<32x32xi1>, vector<32x32xi32>
    %add3A_47 = arith.constant 268435456 : i32
    %add3A_48 = vector.broadcast %add3A_47 : i32 to vector<32x32xi32>
    %add3A_49 = arith.addi %select_n3A_46, %add3A_48 : vector<32x32xi32>
    %broadcast_in_dim3A_50 = vector.shape_cast %add3A_49 : vector<32x32xi32> to vector<32x32x1xi32>
    %broadcast_in_dim3A_51 = vector.shape_cast %broadcast_in_dim3A_50 : vector<32x32x1xi32> to vector<32x32x1xi32>
    %broadcast_in_dim3A_52 = vector.broadcast %broadcast_in_dim3A_51 : vector<32x32x1xi32> to vector<32x32x1024xi32>
    %ge3A_53 = arith.cmpi sge, %select_n3A, %broadcast_in_dim3A_52 : vector<32x32x1024xi32>
    %convert_element_type3A_54 = arith.extui %ge3A_53 : vector<32x32x1024xi1> to vector<32x32x1024xi32>
    %reduce_sum3A_55 = arith.constant dense<0> : vector<32x32xi32>
    %reduce_sum3A_56 = vector.multi_reduction <add>, %convert_element_type3A_54, %reduce_sum3A_55 [2] : vector<32x32x1024xi32> to vector<32x32xi32>
    %ge3A_57 = arith.constant 512 : i32
    %ge3A_58 = vector.broadcast %ge3A_57 : i32 to vector<32x32xi32>
    %ge3A_59 = arith.cmpi sge, %reduce_sum3A_56, %ge3A_58 : vector<32x32xi32>
    %select_n3A_60 = arith.select %ge3A_59, %add3A_49, %select_n3A_46 : vector<32x32xi1>, vector<32x32xi32>
    %add3A_61 = arith.constant 134217728 : i32
    %add3A_62 = vector.broadcast %add3A_61 : i32 to vector<32x32xi32>
    %add3A_63 = arith.addi %select_n3A_60, %add3A_62 : vector<32x32xi32>
    %broadcast_in_dim3A_64 = vector.shape_cast %add3A_63 : vector<32x32xi32> to vector<32x32x1xi32>
    %broadcast_in_dim3A_65 = vector.shape_cast %broadcast_in_dim3A_64 : vector<32x32x1xi32> to vector<32x32x1xi32>
    %broadcast_in_dim3A_66 = vector.broadcast %broadcast_in_dim3A_65 : vector<32x32x1xi32> to vector<32x32x1024xi32>
    %ge3A_67 = arith.cmpi sge, %select_n3A, %broadcast_in_dim3A_66 : vector<32x32x1024xi32>
    %convert_element_type3A_68 = arith.extui %ge3A_67 : vector<32x32x1024xi1> to vector<32x32x1024xi32>
    %reduce_sum3A_69 = arith.constant dense<0> : vector<32x32xi32>
    %reduce_sum3A_70 = vector.multi_reduction <add>, %convert_element_type3A_68, %reduce_sum3A_69 [2] : vector<32x32x1024xi32> to vector<32x32xi32>
    %ge3A_71 = arith.constant 512 : i32
    %ge3A_72 = vector.broadcast %ge3A_71 : i32 to vector<32x32xi32>
    %ge3A_73 = arith.cmpi sge, %reduce_sum3A_70, %ge3A_72 : vector<32x32xi32>
    %select_n3A_74 = arith.select %ge3A_73, %add3A_63, %select_n3A_60 : vector<32x32xi1>, vector<32x32xi32>
    %add3A_75 = arith.constant 67108864 : i32
    %add3A_76 = vector.broadcast %add3A_75 : i32 to vector<32x32xi32>
    %add3A_77 = arith.addi %select_n3A_74, %add3A_76 : vector<32x32xi32>
    %broadcast_in_dim3A_78 = vector.shape_cast %add3A_77 : vector<32x32xi32> to vector<32x32x1xi32>
    %broadcast_in_dim3A_79 = vector.shape_cast %broadcast_in_dim3A_78 : vector<32x32x1xi32> to vector<32x32x1xi32>
    %broadcast_in_dim3A_80 = vector.broadcast %broadcast_in_dim3A_79 : vector<32x32x1xi32> to vector<32x32x1024xi32>
    %ge3A_81 = arith.cmpi sge, %select_n3A, %broadcast_in_dim3A_80 : vector<32x32x1024xi32>
    %convert_element_type3A_82 = arith.extui %ge3A_81 : vector<32x32x1024xi1> to vector<32x32x1024xi32>
    %reduce_sum3A_83 = arith.constant dense<0> : vector<32x32xi32>
    %reduce_sum3A_84 = vector.multi_reduction <add>, %convert_element_type3A_82, %reduce_sum3A_83 [2] : vector<32x32x1024xi32> to vector<32x32xi32>
    %ge3A_85 = arith.constant 512 : i32
    %ge3A_86 = vector.broadcast %ge3A_85 : i32 to vector<32x32xi32>
    %ge3A_87 = arith.cmpi sge, %reduce_sum3A_84, %ge3A_86 : vector<32x32xi32>
    %select_n3A_88 = arith.select %ge3A_87, %add3A_77, %select_n3A_74 : vector<32x32xi1>, vector<32x32xi32>
    %add3A_89 = arith.constant 33554432 : i32
    %add3A_90 = vector.broadcast %add3A_89 : i32 to vector<32x32xi32>
    %add3A_91 = arith.addi %select_n3A_88, %add3A_90 : vector<32x32xi32>
    %broadcast_in_dim3A_92 = vector.shape_cast %add3A_91 : vector<32x32xi32> to vector<32x32x1xi32>
    %broadcast_in_dim3A_93 = vector.shape_cast %broadcast_in_dim3A_92 : vector<32x32x1xi32> to vector<32x32x1xi32>
    %broadcast_in_dim3A_94 = vector.broadcast %broadcast_in_dim3A_93 : vector<32x32x1xi32> to vector<32x32x1024xi32>
    %ge3A_95 = arith.cmpi sge, %select_n3A, %broadcast_in_dim3A_94 : vector<32x32x1024xi32>
    %convert_element_type3A_96 = arith.extui %ge3A_95 : vector<32x32x1024xi1> to vector<32x32x1024xi32>
    %reduce_sum3A_97 = arith.constant dense<0> : vector<32x32xi32>
    %reduce_sum3A_98 = vector.multi_reduction <add>, %convert_element_type3A_96, %reduce_sum3A_97 [2] : vector<32x32x1024xi32> to vector<32x32xi32>
    %ge3A_99 = arith.constant 512 : i32
    %ge3A_100 = vector.broadcast %ge3A_99 : i32 to vector<32x32xi32>
    %ge3A_101 = arith.cmpi sge, %reduce_sum3A_98, %ge3A_100 : vector<32x32xi32>
    %select_n3A_102 = arith.select %ge3A_101, %add3A_91, %select_n3A_88 : vector<32x32xi1>, vector<32x32xi32>
    %add3A_103 = arith.constant 16777216 : i32
    %add3A_104 = vector.broadcast %add3A_103 : i32 to vector<32x32xi32>
    %add3A_105 = arith.addi %select_n3A_102, %add3A_104 : vector<32x32xi32>
    %broadcast_in_dim3A_106 = vector.shape_cast %add3A_105 : vector<32x32xi32> to vector<32x32x1xi32>
    %broadcast_in_dim3A_107 = vector.shape_cast %broadcast_in_dim3A_106 : vector<32x32x1xi32> to vector<32x32x1xi32>
    %broadcast_in_dim3A_108 = vector.broadcast %broadcast_in_dim3A_107 : vector<32x32x1xi32> to vector<32x32x1024xi32>
    %ge3A_109 = arith.cmpi sge, %select_n3A, %broadcast_in_dim3A_108 : vector<32x32x1024xi32>
    %convert_element_type3A_110 = arith.extui %ge3A_109 : vector<32x32x1024xi1> to vector<32x32x1024xi32>
    %reduce_sum3A_111 = arith.constant dense<0> : vector<32x32xi32>
    %reduce_sum3A_112 = vector.multi_reduction <add>, %convert_element_type3A_110, %reduce_sum3A_111 [2] : vector<32x32x1024xi32> to vector<32x32xi32>
    %ge3A_113 = arith.constant 512 : i32
    %ge3A_114 = vector.broadcast %ge3A_113 : i32 to vector<32x32xi32>
    %ge3A_115 = arith.cmpi sge, %reduce_sum3A_112, %ge3A_114 : vector<32x32xi32>
    %select_n3A_116 = arith.select %ge3A_115, %add3A_105, %select_n3A_102 : vector<32x32xi1>, vector<32x32xi32>
    %add3A_117 = arith.constant 8388608 : i32
    %add3A_118 = vector.broadcast %add3A_117 : i32 to vector<32x32xi32>
    %add3A_119 = arith.addi %select_n3A_116, %add3A_118 : vector<32x32xi32>
    %broadcast_in_dim3A_120 = vector.shape_cast %add3A_119 : vector<32x32xi32> to vector<32x32x1xi32>
    %broadcast_in_dim3A_121 = vector.shape_cast %broadcast_in_dim3A_120 : vector<32x32x1xi32> to vector<32x32x1xi32>
    %broadcast_in_dim3A_122 = vector.broadcast %broadcast_in_dim3A_121 : vector<32x32x1xi32> to vector<32x32x1024xi32>
    %ge3A_123 = arith.cmpi sge, %select_n3A, %broadcast_in_dim3A_122 : vector<32x32x1024xi32>
    %convert_element_type3A_124 = arith.extui %ge3A_123 : vector<32x32x1024xi1> to vector<32x32x1024xi32>
    %reduce_sum3A_125 = arith.constant dense<0> : vector<32x32xi32>
    %reduce_sum3A_126 = vector.multi_reduction <add>, %convert_element_type3A_124, %reduce_sum3A_125 [2] : vector<32x32x1024xi32> to vector<32x32xi32>
    %ge3A_127 = arith.constant 512 : i32
    %ge3A_128 = vector.broadcast %ge3A_127 : i32 to vector<32x32xi32>
    %ge3A_129 = arith.cmpi sge, %reduce_sum3A_126, %ge3A_128 : vector<32x32xi32>
    %select_n3A_130 = arith.select %ge3A_129, %add3A_119, %select_n3A_116 : vector<32x32xi1>, vector<32x32xi32>
    %add3A_131 = arith.constant 4194304 : i32
    %add3A_132 = vector.broadcast %add3A_131 : i32 to vector<32x32xi32>
    %add3A_133 = arith.addi %select_n3A_130, %add3A_132 : vector<32x32xi32>
    %broadcast_in_dim3A_134 = vector.shape_cast %add3A_133 : vector<32x32xi32> to vector<32x32x1xi32>
    %broadcast_in_dim3A_135 = vector.shape_cast %broadcast_in_dim3A_134 : vector<32x32x1xi32> to vector<32x32x1xi32>
    %broadcast_in_dim3A_136 = vector.broadcast %broadcast_in_dim3A_135 : vector<32x32x1xi32> to vector<32x32x1024xi32>
    %ge3A_137 = arith.cmpi sge, %select_n3A, %broadcast_in_dim3A_136 : vector<32x32x1024xi32>
    %convert_element_type3A_138 = arith.extui %ge3A_137 : vector<32x32x1024xi1> to vector<32x32x1024xi32>
    %reduce_sum3A_139 = arith.constant dense<0> : vector<32x32xi32>
    %reduce_sum3A_140 = vector.multi_reduction <add>, %convert_element_type3A_138, %reduce_sum3A_139 [2] : vector<32x32x1024xi32> to vector<32x32xi32>
    %ge3A_141 = arith.constant 512 : i32
    %ge3A_142 = vector.broadcast %ge3A_141 : i32 to vector<32x32xi32>
    %ge3A_143 = arith.cmpi sge, %reduce_sum3A_140, %ge3A_142 : vector<32x32xi32>
    %select_n3A_144 = arith.select %ge3A_143, %add3A_133, %select_n3A_130 : vector<32x32xi1>, vector<32x32xi32>
    %add3A_145 = arith.constant 2097152 : i32
    %add3A_146 = vector.broadcast %add3A_145 : i32 to vector<32x32xi32>
    %add3A_147 = arith.addi %select_n3A_144, %add3A_146 : vector<32x32xi32>
    %broadcast_in_dim3A_148 = vector.shape_cast %add3A_147 : vector<32x32xi32> to vector<32x32x1xi32>
    %broadcast_in_dim3A_149 = vector.shape_cast %broadcast_in_dim3A_148 : vector<32x32x1xi32> to vector<32x32x1xi32>
    %broadcast_in_dim3A_150 = vector.broadcast %broadcast_in_dim3A_149 : vector<32x32x1xi32> to vector<32x32x1024xi32>
    %ge3A_151 = arith.cmpi sge, %select_n3A, %broadcast_in_dim3A_150 : vector<32x32x1024xi32>
    %convert_element_type3A_152 = arith.extui %ge3A_151 : vector<32x32x1024xi1> to vector<32x32x1024xi32>
    %reduce_sum3A_153 = arith.constant dense<0> : vector<32x32xi32>
    %reduce_sum3A_154 = vector.multi_reduction <add>, %convert_element_type3A_152, %reduce_sum3A_153 [2] : vector<32x32x1024xi32> to vector<32x32xi32>
    %ge3A_155 = arith.constant 512 : i32
    %ge3A_156 = vector.broadcast %ge3A_155 : i32 to vector<32x32xi32>
    %ge3A_157 = arith.cmpi sge, %reduce_sum3A_154, %ge3A_156 : vector<32x32xi32>
    %select_n3A_158 = arith.select %ge3A_157, %add3A_147, %select_n3A_144 : vector<32x32xi1>, vector<32x32xi32>
    %add3A_159 = arith.constant 1048576 : i32
    %add3A_160 = vector.broadcast %add3A_159 : i32 to vector<32x32xi32>
    %add3A_161 = arith.addi %select_n3A_158, %add3A_160 : vector<32x32xi32>
    %broadcast_in_dim3A_162 = vector.shape_cast %add3A_161 : vector<32x32xi32> to vector<32x32x1xi32>
    %broadcast_in_dim3A_163 = vector.shape_cast %broadcast_in_dim3A_162 : vector<32x32x1xi32> to vector<32x32x1xi32>
    %broadcast_in_dim3A_164 = vector.broadcast %broadcast_in_dim3A_163 : vector<32x32x1xi32> to vector<32x32x1024xi32>
    %ge3A_165 = arith.cmpi sge, %select_n3A, %broadcast_in_dim3A_164 : vector<32x32x1024xi32>
    %convert_element_type3A_166 = arith.extui %ge3A_165 : vector<32x32x1024xi1> to vector<32x32x1024xi32>
    %reduce_sum3A_167 = arith.constant dense<0> : vector<32x32xi32>
    %reduce_sum3A_168 = vector.multi_reduction <add>, %convert_element_type3A_166, %reduce_sum3A_167 [2] : vector<32x32x1024xi32> to vector<32x32xi32>
    %ge3A_169 = arith.constant 512 : i32
    %ge3A_170 = vector.broadcast %ge3A_169 : i32 to vector<32x32xi32>
    %ge3A_171 = arith.cmpi sge, %reduce_sum3A_168, %ge3A_170 : vector<32x32xi32>
    %select_n3A_172 = arith.select %ge3A_171, %add3A_161, %select_n3A_158 : vector<32x32xi1>, vector<32x32xi32>
    %add3A_173 = arith.constant 524288 : i32
    %add3A_174 = vector.broadcast %add3A_173 : i32 to vector<32x32xi32>
    %add3A_175 = arith.addi %select_n3A_172, %add3A_174 : vector<32x32xi32>
    %broadcast_in_dim3A_176 = vector.shape_cast %add3A_175 : vector<32x32xi32> to vector<32x32x1xi32>
    %broadcast_in_dim3A_177 = vector.shape_cast %broadcast_in_dim3A_176 : vector<32x32x1xi32> to vector<32x32x1xi32>
    %broadcast_in_dim3A_178 = vector.broadcast %broadcast_in_dim3A_177 : vector<32x32x1xi32> to vector<32x32x1024xi32>
    %ge3A_179 = arith.cmpi sge, %select_n3A, %broadcast_in_dim3A_178 : vector<32x32x1024xi32>
    %convert_element_type3A_180 = arith.extui %ge3A_179 : vector<32x32x1024xi1> to vector<32x32x1024xi32>
    %reduce_sum3A_181 = arith.constant dense<0> : vector<32x32xi32>
    %reduce_sum3A_182 = vector.multi_reduction <add>, %convert_element_type3A_180, %reduce_sum3A_181 [2] : vector<32x32x1024xi32> to vector<32x32xi32>
    %ge3A_183 = arith.constant 512 : i32
    %ge3A_184 = vector.broadcast %ge3A_183 : i32 to vector<32x32xi32>
    %ge3A_185 = arith.cmpi sge, %reduce_sum3A_182, %ge3A_184 : vector<32x32xi32>
    %select_n3A_186 = arith.select %ge3A_185, %add3A_175, %select_n3A_172 : vector<32x32xi1>, vector<32x32xi32>
    %add3A_187 = arith.constant 262144 : i32
    %add3A_188 = vector.broadcast %add3A_187 : i32 to vector<32x32xi32>
    %add3A_189 = arith.addi %select_n3A_186, %add3A_188 : vector<32x32xi32>
    %broadcast_in_dim3A_190 = vector.shape_cast %add3A_189 : vector<32x32xi32> to vector<32x32x1xi32>
    %broadcast_in_dim3A_191 = vector.shape_cast %broadcast_in_dim3A_190 : vector<32x32x1xi32> to vector<32x32x1xi32>
    %broadcast_in_dim3A_192 = vector.broadcast %broadcast_in_dim3A_191 : vector<32x32x1xi32> to vector<32x32x1024xi32>
    %ge3A_193 = arith.cmpi sge, %select_n3A, %broadcast_in_dim3A_192 : vector<32x32x1024xi32>
    %convert_element_type3A_194 = arith.extui %ge3A_193 : vector<32x32x1024xi1> to vector<32x32x1024xi32>
    %reduce_sum3A_195 = arith.constant dense<0> : vector<32x32xi32>
    %reduce_sum3A_196 = vector.multi_reduction <add>, %convert_element_type3A_194, %reduce_sum3A_195 [2] : vector<32x32x1024xi32> to vector<32x32xi32>
    %ge3A_197 = arith.constant 512 : i32
    %ge3A_198 = vector.broadcast %ge3A_197 : i32 to vector<32x32xi32>
    %ge3A_199 = arith.cmpi sge, %reduce_sum3A_196, %ge3A_198 : vector<32x32xi32>
    %select_n3A_200 = arith.select %ge3A_199, %add3A_189, %select_n3A_186 : vector<32x32xi1>, vector<32x32xi32>
    %add3A_201 = arith.constant 131072 : i32
    %add3A_202 = vector.broadcast %add3A_201 : i32 to vector<32x32xi32>
    %add3A_203 = arith.addi %select_n3A_200, %add3A_202 : vector<32x32xi32>
    %broadcast_in_dim3A_204 = vector.shape_cast %add3A_203 : vector<32x32xi32> to vector<32x32x1xi32>
    %broadcast_in_dim3A_205 = vector.shape_cast %broadcast_in_dim3A_204 : vector<32x32x1xi32> to vector<32x32x1xi32>
    %broadcast_in_dim3A_206 = vector.broadcast %broadcast_in_dim3A_205 : vector<32x32x1xi32> to vector<32x32x1024xi32>
    %ge3A_207 = arith.cmpi sge, %select_n3A, %broadcast_in_dim3A_206 : vector<32x32x1024xi32>
    %convert_element_type3A_208 = arith.extui %ge3A_207 : vector<32x32x1024xi1> to vector<32x32x1024xi32>
    %reduce_sum3A_209 = arith.constant dense<0> : vector<32x32xi32>
    %reduce_sum3A_210 = vector.multi_reduction <add>, %convert_element_type3A_208, %reduce_sum3A_209 [2] : vector<32x32x1024xi32> to vector<32x32xi32>
    %ge3A_211 = arith.constant 512 : i32
    %ge3A_212 = vector.broadcast %ge3A_211 : i32 to vector<32x32xi32>
    %ge3A_213 = arith.cmpi sge, %reduce_sum3A_210, %ge3A_212 : vector<32x32xi32>
    %select_n3A_214 = arith.select %ge3A_213, %add3A_203, %select_n3A_200 : vector<32x32xi1>, vector<32x32xi32>
    %add3A_215 = arith.constant 65536 : i32
    %add3A_216 = vector.broadcast %add3A_215 : i32 to vector<32x32xi32>
    %add3A_217 = arith.addi %select_n3A_214, %add3A_216 : vector<32x32xi32>
    %broadcast_in_dim3A_218 = vector.shape_cast %add3A_217 : vector<32x32xi32> to vector<32x32x1xi32>
    %broadcast_in_dim3A_219 = vector.shape_cast %broadcast_in_dim3A_218 : vector<32x32x1xi32> to vector<32x32x1xi32>
    %broadcast_in_dim3A_220 = vector.broadcast %broadcast_in_dim3A_219 : vector<32x32x1xi32> to vector<32x32x1024xi32>
    %ge3A_221 = arith.cmpi sge, %select_n3A, %broadcast_in_dim3A_220 : vector<32x32x1024xi32>
    %convert_element_type3A_222 = arith.extui %ge3A_221 : vector<32x32x1024xi1> to vector<32x32x1024xi32>
    %reduce_sum3A_223 = arith.constant dense<0> : vector<32x32xi32>
    %reduce_sum3A_224 = vector.multi_reduction <add>, %convert_element_type3A_222, %reduce_sum3A_223 [2] : vector<32x32x1024xi32> to vector<32x32xi32>
    %ge3A_225 = arith.constant 512 : i32
    %ge3A_226 = vector.broadcast %ge3A_225 : i32 to vector<32x32xi32>
    %ge3A_227 = arith.cmpi sge, %reduce_sum3A_224, %ge3A_226 : vector<32x32xi32>
    %select_n3A_228 = arith.select %ge3A_227, %add3A_217, %select_n3A_214 : vector<32x32xi1>, vector<32x32xi32>
    %add3A_229 = arith.constant 32768 : i32
    %add3A_230 = vector.broadcast %add3A_229 : i32 to vector<32x32xi32>
    %add3A_231 = arith.addi %select_n3A_228, %add3A_230 : vector<32x32xi32>
    %broadcast_in_dim3A_232 = vector.shape_cast %add3A_231 : vector<32x32xi32> to vector<32x32x1xi32>
    %broadcast_in_dim3A_233 = vector.shape_cast %broadcast_in_dim3A_232 : vector<32x32x1xi32> to vector<32x32x1xi32>
    %broadcast_in_dim3A_234 = vector.broadcast %broadcast_in_dim3A_233 : vector<32x32x1xi32> to vector<32x32x1024xi32>
    %ge3A_235 = arith.cmpi sge, %select_n3A, %broadcast_in_dim3A_234 : vector<32x32x1024xi32>
    %convert_element_type3A_236 = arith.extui %ge3A_235 : vector<32x32x1024xi1> to vector<32x32x1024xi32>
    %reduce_sum3A_237 = arith.constant dense<0> : vector<32x32xi32>
    %reduce_sum3A_238 = vector.multi_reduction <add>, %convert_element_type3A_236, %reduce_sum3A_237 [2] : vector<32x32x1024xi32> to vector<32x32xi32>
    %ge3A_239 = arith.constant 512 : i32
    %ge3A_240 = vector.broadcast %ge3A_239 : i32 to vector<32x32xi32>
    %ge3A_241 = arith.cmpi sge, %reduce_sum3A_238, %ge3A_240 : vector<32x32xi32>
    %select_n3A_242 = arith.select %ge3A_241, %add3A_231, %select_n3A_228 : vector<32x32xi1>, vector<32x32xi32>
    %add3A_243 = arith.constant 16384 : i32
    %add3A_244 = vector.broadcast %add3A_243 : i32 to vector<32x32xi32>
    %add3A_245 = arith.addi %select_n3A_242, %add3A_244 : vector<32x32xi32>
    %broadcast_in_dim3A_246 = vector.shape_cast %add3A_245 : vector<32x32xi32> to vector<32x32x1xi32>
    %broadcast_in_dim3A_247 = vector.shape_cast %broadcast_in_dim3A_246 : vector<32x32x1xi32> to vector<32x32x1xi32>
    %broadcast_in_dim3A_248 = vector.broadcast %broadcast_in_dim3A_247 : vector<32x32x1xi32> to vector<32x32x1024xi32>
    %ge3A_249 = arith.cmpi sge, %select_n3A, %broadcast_in_dim3A_248 : vector<32x32x1024xi32>
    %convert_element_type3A_250 = arith.extui %ge3A_249 : vector<32x32x1024xi1> to vector<32x32x1024xi32>
    %reduce_sum3A_251 = arith.constant dense<0> : vector<32x32xi32>
    %reduce_sum3A_252 = vector.multi_reduction <add>, %convert_element_type3A_250, %reduce_sum3A_251 [2] : vector<32x32x1024xi32> to vector<32x32xi32>
    %ge3A_253 = arith.constant 512 : i32
    %ge3A_254 = vector.broadcast %ge3A_253 : i32 to vector<32x32xi32>
    %ge3A_255 = arith.cmpi sge, %reduce_sum3A_252, %ge3A_254 : vector<32x32xi32>
    %select_n3A_256 = arith.select %ge3A_255, %add3A_245, %select_n3A_242 : vector<32x32xi1>, vector<32x32xi32>
    %add3A_257 = arith.constant 8192 : i32
    %add3A_258 = vector.broadcast %add3A_257 : i32 to vector<32x32xi32>
    %add3A_259 = arith.addi %select_n3A_256, %add3A_258 : vector<32x32xi32>
    %broadcast_in_dim3A_260 = vector.shape_cast %add3A_259 : vector<32x32xi32> to vector<32x32x1xi32>
    %broadcast_in_dim3A_261 = vector.shape_cast %broadcast_in_dim3A_260 : vector<32x32x1xi32> to vector<32x32x1xi32>
    %broadcast_in_dim3A_262 = vector.broadcast %broadcast_in_dim3A_261 : vector<32x32x1xi32> to vector<32x32x1024xi32>
    %ge3A_263 = arith.cmpi sge, %select_n3A, %broadcast_in_dim3A_262 : vector<32x32x1024xi32>
    %convert_element_type3A_264 = arith.extui %ge3A_263 : vector<32x32x1024xi1> to vector<32x32x1024xi32>
    %reduce_sum3A_265 = arith.constant dense<0> : vector<32x32xi32>
    %reduce_sum3A_266 = vector.multi_reduction <add>, %convert_element_type3A_264, %reduce_sum3A_265 [2] : vector<32x32x1024xi32> to vector<32x32xi32>
    %ge3A_267 = arith.constant 512 : i32
    %ge3A_268 = vector.broadcast %ge3A_267 : i32 to vector<32x32xi32>
    %ge3A_269 = arith.cmpi sge, %reduce_sum3A_266, %ge3A_268 : vector<32x32xi32>
    %select_n3A_270 = arith.select %ge3A_269, %add3A_259, %select_n3A_256 : vector<32x32xi1>, vector<32x32xi32>
    %add3A_271 = arith.constant 4096 : i32
    %add3A_272 = vector.broadcast %add3A_271 : i32 to vector<32x32xi32>
    %add3A_273 = arith.addi %select_n3A_270, %add3A_272 : vector<32x32xi32>
    %broadcast_in_dim3A_274 = vector.shape_cast %add3A_273 : vector<32x32xi32> to vector<32x32x1xi32>
    %broadcast_in_dim3A_275 = vector.shape_cast %broadcast_in_dim3A_274 : vector<32x32x1xi32> to vector<32x32x1xi32>
    %broadcast_in_dim3A_276 = vector.broadcast %broadcast_in_dim3A_275 : vector<32x32x1xi32> to vector<32x32x1024xi32>
    %ge3A_277 = arith.cmpi sge, %select_n3A, %broadcast_in_dim3A_276 : vector<32x32x1024xi32>
    %convert_element_type3A_278 = arith.extui %ge3A_277 : vector<32x32x1024xi1> to vector<32x32x1024xi32>
    %reduce_sum3A_279 = arith.constant dense<0> : vector<32x32xi32>
    %reduce_sum3A_280 = vector.multi_reduction <add>, %convert_element_type3A_278, %reduce_sum3A_279 [2] : vector<32x32x1024xi32> to vector<32x32xi32>
    %ge3A_281 = arith.constant 512 : i32
    %ge3A_282 = vector.broadcast %ge3A_281 : i32 to vector<32x32xi32>
    %ge3A_283 = arith.cmpi sge, %reduce_sum3A_280, %ge3A_282 : vector<32x32xi32>
    %select_n3A_284 = arith.select %ge3A_283, %add3A_273, %select_n3A_270 : vector<32x32xi1>, vector<32x32xi32>
    %add3A_285 = arith.constant 2048 : i32
    %add3A_286 = vector.broadcast %add3A_285 : i32 to vector<32x32xi32>
    %add3A_287 = arith.addi %select_n3A_284, %add3A_286 : vector<32x32xi32>
    %broadcast_in_dim3A_288 = vector.shape_cast %add3A_287 : vector<32x32xi32> to vector<32x32x1xi32>
    %broadcast_in_dim3A_289 = vector.shape_cast %broadcast_in_dim3A_288 : vector<32x32x1xi32> to vector<32x32x1xi32>
    %broadcast_in_dim3A_290 = vector.broadcast %broadcast_in_dim3A_289 : vector<32x32x1xi32> to vector<32x32x1024xi32>
    %ge3A_291 = arith.cmpi sge, %select_n3A, %broadcast_in_dim3A_290 : vector<32x32x1024xi32>
    %convert_element_type3A_292 = arith.extui %ge3A_291 : vector<32x32x1024xi1> to vector<32x32x1024xi32>
    %reduce_sum3A_293 = arith.constant dense<0> : vector<32x32xi32>
    %reduce_sum3A_294 = vector.multi_reduction <add>, %convert_element_type3A_292, %reduce_sum3A_293 [2] : vector<32x32x1024xi32> to vector<32x32xi32>
    %ge3A_295 = arith.constant 512 : i32
    %ge3A_296 = vector.broadcast %ge3A_295 : i32 to vector<32x32xi32>
    %ge3A_297 = arith.cmpi sge, %reduce_sum3A_294, %ge3A_296 : vector<32x32xi32>
    %select_n3A_298 = arith.select %ge3A_297, %add3A_287, %select_n3A_284 : vector<32x32xi1>, vector<32x32xi32>
    %add3A_299 = arith.constant 1024 : i32
    %add3A_300 = vector.broadcast %add3A_299 : i32 to vector<32x32xi32>
    %add3A_301 = arith.addi %select_n3A_298, %add3A_300 : vector<32x32xi32>
    %broadcast_in_dim3A_302 = vector.shape_cast %add3A_301 : vector<32x32xi32> to vector<32x32x1xi32>
    %broadcast_in_dim3A_303 = vector.shape_cast %broadcast_in_dim3A_302 : vector<32x32x1xi32> to vector<32x32x1xi32>
    %broadcast_in_dim3A_304 = vector.broadcast %broadcast_in_dim3A_303 : vector<32x32x1xi32> to vector<32x32x1024xi32>
    %ge3A_305 = arith.cmpi sge, %select_n3A, %broadcast_in_dim3A_304 : vector<32x32x1024xi32>
    %convert_element_type3A_306 = arith.extui %ge3A_305 : vector<32x32x1024xi1> to vector<32x32x1024xi32>
    %reduce_sum3A_307 = arith.constant dense<0> : vector<32x32xi32>
    %reduce_sum3A_308 = vector.multi_reduction <add>, %convert_element_type3A_306, %reduce_sum3A_307 [2] : vector<32x32x1024xi32> to vector<32x32xi32>
    %ge3A_309 = arith.constant 512 : i32
    %ge3A_310 = vector.broadcast %ge3A_309 : i32 to vector<32x32xi32>
    %ge3A_311 = arith.cmpi sge, %reduce_sum3A_308, %ge3A_310 : vector<32x32xi32>
    %select_n3A_312 = arith.select %ge3A_311, %add3A_301, %select_n3A_298 : vector<32x32xi1>, vector<32x32xi32>
    %add3A_313 = arith.constant 512 : i32
    %add3A_314 = vector.broadcast %add3A_313 : i32 to vector<32x32xi32>
    %add3A_315 = arith.addi %select_n3A_312, %add3A_314 : vector<32x32xi32>
    %broadcast_in_dim3A_316 = vector.shape_cast %add3A_315 : vector<32x32xi32> to vector<32x32x1xi32>
    %broadcast_in_dim3A_317 = vector.shape_cast %broadcast_in_dim3A_316 : vector<32x32x1xi32> to vector<32x32x1xi32>
    %broadcast_in_dim3A_318 = vector.broadcast %broadcast_in_dim3A_317 : vector<32x32x1xi32> to vector<32x32x1024xi32>
    %ge3A_319 = arith.cmpi sge, %select_n3A, %broadcast_in_dim3A_318 : vector<32x32x1024xi32>
    %convert_element_type3A_320 = arith.extui %ge3A_319 : vector<32x32x1024xi1> to vector<32x32x1024xi32>
    %reduce_sum3A_321 = arith.constant dense<0> : vector<32x32xi32>
    %reduce_sum3A_322 = vector.multi_reduction <add>, %convert_element_type3A_320, %reduce_sum3A_321 [2] : vector<32x32x1024xi32> to vector<32x32xi32>
    %ge3A_323 = arith.constant 512 : i32
    %ge3A_324 = vector.broadcast %ge3A_323 : i32 to vector<32x32xi32>
    %ge3A_325 = arith.cmpi sge, %reduce_sum3A_322, %ge3A_324 : vector<32x32xi32>
    %select_n3A_326 = arith.select %ge3A_325, %add3A_315, %select_n3A_312 : vector<32x32xi1>, vector<32x32xi32>
    %add3A_327 = arith.constant 256 : i32
    %add3A_328 = vector.broadcast %add3A_327 : i32 to vector<32x32xi32>
    %add3A_329 = arith.addi %select_n3A_326, %add3A_328 : vector<32x32xi32>
    %broadcast_in_dim3A_330 = vector.shape_cast %add3A_329 : vector<32x32xi32> to vector<32x32x1xi32>
    %broadcast_in_dim3A_331 = vector.shape_cast %broadcast_in_dim3A_330 : vector<32x32x1xi32> to vector<32x32x1xi32>
    %broadcast_in_dim3A_332 = vector.broadcast %broadcast_in_dim3A_331 : vector<32x32x1xi32> to vector<32x32x1024xi32>
    %ge3A_333 = arith.cmpi sge, %select_n3A, %broadcast_in_dim3A_332 : vector<32x32x1024xi32>
    %convert_element_type3A_334 = arith.extui %ge3A_333 : vector<32x32x1024xi1> to vector<32x32x1024xi32>
    %reduce_sum3A_335 = arith.constant dense<0> : vector<32x32xi32>
    %reduce_sum3A_336 = vector.multi_reduction <add>, %convert_element_type3A_334, %reduce_sum3A_335 [2] : vector<32x32x1024xi32> to vector<32x32xi32>
    %ge3A_337 = arith.constant 512 : i32
    %ge3A_338 = vector.broadcast %ge3A_337 : i32 to vector<32x32xi32>
    %ge3A_339 = arith.cmpi sge, %reduce_sum3A_336, %ge3A_338 : vector<32x32xi32>
    %select_n3A_340 = arith.select %ge3A_339, %add3A_329, %select_n3A_326 : vector<32x32xi1>, vector<32x32xi32>
    %add3A_341 = arith.constant 128 : i32
    %add3A_342 = vector.broadcast %add3A_341 : i32 to vector<32x32xi32>
    %add3A_343 = arith.addi %select_n3A_340, %add3A_342 : vector<32x32xi32>
    %broadcast_in_dim3A_344 = vector.shape_cast %add3A_343 : vector<32x32xi32> to vector<32x32x1xi32>
    %broadcast_in_dim3A_345 = vector.shape_cast %broadcast_in_dim3A_344 : vector<32x32x1xi32> to vector<32x32x1xi32>
    %broadcast_in_dim3A_346 = vector.broadcast %broadcast_in_dim3A_345 : vector<32x32x1xi32> to vector<32x32x1024xi32>
    %ge3A_347 = arith.cmpi sge, %select_n3A, %broadcast_in_dim3A_346 : vector<32x32x1024xi32>
    %convert_element_type3A_348 = arith.extui %ge3A_347 : vector<32x32x1024xi1> to vector<32x32x1024xi32>
    %reduce_sum3A_349 = arith.constant dense<0> : vector<32x32xi32>
    %reduce_sum3A_350 = vector.multi_reduction <add>, %convert_element_type3A_348, %reduce_sum3A_349 [2] : vector<32x32x1024xi32> to vector<32x32xi32>
    %ge3A_351 = arith.constant 512 : i32
    %ge3A_352 = vector.broadcast %ge3A_351 : i32 to vector<32x32xi32>
    %ge3A_353 = arith.cmpi sge, %reduce_sum3A_350, %ge3A_352 : vector<32x32xi32>
    %select_n3A_354 = arith.select %ge3A_353, %add3A_343, %select_n3A_340 : vector<32x32xi1>, vector<32x32xi32>
    %add3A_355 = arith.constant 64 : i32
    %add3A_356 = vector.broadcast %add3A_355 : i32 to vector<32x32xi32>
    %add3A_357 = arith.addi %select_n3A_354, %add3A_356 : vector<32x32xi32>
    %broadcast_in_dim3A_358 = vector.shape_cast %add3A_357 : vector<32x32xi32> to vector<32x32x1xi32>
    %broadcast_in_dim3A_359 = vector.shape_cast %broadcast_in_dim3A_358 : vector<32x32x1xi32> to vector<32x32x1xi32>
    %broadcast_in_dim3A_360 = vector.broadcast %broadcast_in_dim3A_359 : vector<32x32x1xi32> to vector<32x32x1024xi32>
    %ge3A_361 = arith.cmpi sge, %select_n3A, %broadcast_in_dim3A_360 : vector<32x32x1024xi32>
    %convert_element_type3A_362 = arith.extui %ge3A_361 : vector<32x32x1024xi1> to vector<32x32x1024xi32>
    %reduce_sum3A_363 = arith.constant dense<0> : vector<32x32xi32>
    %reduce_sum3A_364 = vector.multi_reduction <add>, %convert_element_type3A_362, %reduce_sum3A_363 [2] : vector<32x32x1024xi32> to vector<32x32xi32>
    %ge3A_365 = arith.constant 512 : i32
    %ge3A_366 = vector.broadcast %ge3A_365 : i32 to vector<32x32xi32>
    %ge3A_367 = arith.cmpi sge, %reduce_sum3A_364, %ge3A_366 : vector<32x32xi32>
    %select_n3A_368 = arith.select %ge3A_367, %add3A_357, %select_n3A_354 : vector<32x32xi1>, vector<32x32xi32>
    %add3A_369 = arith.constant 32 : i32
    %add3A_370 = vector.broadcast %add3A_369 : i32 to vector<32x32xi32>
    %add3A_371 = arith.addi %select_n3A_368, %add3A_370 : vector<32x32xi32>
    %broadcast_in_dim3A_372 = vector.shape_cast %add3A_371 : vector<32x32xi32> to vector<32x32x1xi32>
    %broadcast_in_dim3A_373 = vector.shape_cast %broadcast_in_dim3A_372 : vector<32x32x1xi32> to vector<32x32x1xi32>
    %broadcast_in_dim3A_374 = vector.broadcast %broadcast_in_dim3A_373 : vector<32x32x1xi32> to vector<32x32x1024xi32>
    %ge3A_375 = arith.cmpi sge, %select_n3A, %broadcast_in_dim3A_374 : vector<32x32x1024xi32>
    %convert_element_type3A_376 = arith.extui %ge3A_375 : vector<32x32x1024xi1> to vector<32x32x1024xi32>
    %reduce_sum3A_377 = arith.constant dense<0> : vector<32x32xi32>
    %reduce_sum3A_378 = vector.multi_reduction <add>, %convert_element_type3A_376, %reduce_sum3A_377 [2] : vector<32x32x1024xi32> to vector<32x32xi32>
    %ge3A_379 = arith.constant 512 : i32
    %ge3A_380 = vector.broadcast %ge3A_379 : i32 to vector<32x32xi32>
    %ge3A_381 = arith.cmpi sge, %reduce_sum3A_378, %ge3A_380 : vector<32x32xi32>
    %select_n3A_382 = arith.select %ge3A_381, %add3A_371, %select_n3A_368 : vector<32x32xi1>, vector<32x32xi32>
    %add3A_383 = arith.constant 16 : i32
    %add3A_384 = vector.broadcast %add3A_383 : i32 to vector<32x32xi32>
    %add3A_385 = arith.addi %select_n3A_382, %add3A_384 : vector<32x32xi32>
    %broadcast_in_dim3A_386 = vector.shape_cast %add3A_385 : vector<32x32xi32> to vector<32x32x1xi32>
    %broadcast_in_dim3A_387 = vector.shape_cast %broadcast_in_dim3A_386 : vector<32x32x1xi32> to vector<32x32x1xi32>
    %broadcast_in_dim3A_388 = vector.broadcast %broadcast_in_dim3A_387 : vector<32x32x1xi32> to vector<32x32x1024xi32>
    %ge3A_389 = arith.cmpi sge, %select_n3A, %broadcast_in_dim3A_388 : vector<32x32x1024xi32>
    %convert_element_type3A_390 = arith.extui %ge3A_389 : vector<32x32x1024xi1> to vector<32x32x1024xi32>
    %reduce_sum3A_391 = arith.constant dense<0> : vector<32x32xi32>
    %reduce_sum3A_392 = vector.multi_reduction <add>, %convert_element_type3A_390, %reduce_sum3A_391 [2] : vector<32x32x1024xi32> to vector<32x32xi32>
    %ge3A_393 = arith.constant 512 : i32
    %ge3A_394 = vector.broadcast %ge3A_393 : i32 to vector<32x32xi32>
    %ge3A_395 = arith.cmpi sge, %reduce_sum3A_392, %ge3A_394 : vector<32x32xi32>
    %select_n3A_396 = arith.select %ge3A_395, %add3A_385, %select_n3A_382 : vector<32x32xi1>, vector<32x32xi32>
    %add3A_397 = arith.constant 8 : i32
    %add3A_398 = vector.broadcast %add3A_397 : i32 to vector<32x32xi32>
    %add3A_399 = arith.addi %select_n3A_396, %add3A_398 : vector<32x32xi32>
    %broadcast_in_dim3A_400 = vector.shape_cast %add3A_399 : vector<32x32xi32> to vector<32x32x1xi32>
    %broadcast_in_dim3A_401 = vector.shape_cast %broadcast_in_dim3A_400 : vector<32x32x1xi32> to vector<32x32x1xi32>
    %broadcast_in_dim3A_402 = vector.broadcast %broadcast_in_dim3A_401 : vector<32x32x1xi32> to vector<32x32x1024xi32>
    %ge3A_403 = arith.cmpi sge, %select_n3A, %broadcast_in_dim3A_402 : vector<32x32x1024xi32>
    %convert_element_type3A_404 = arith.extui %ge3A_403 : vector<32x32x1024xi1> to vector<32x32x1024xi32>
    %reduce_sum3A_405 = arith.constant dense<0> : vector<32x32xi32>
    %reduce_sum3A_406 = vector.multi_reduction <add>, %convert_element_type3A_404, %reduce_sum3A_405 [2] : vector<32x32x1024xi32> to vector<32x32xi32>
    %ge3A_407 = arith.constant 512 : i32
    %ge3A_408 = vector.broadcast %ge3A_407 : i32 to vector<32x32xi32>
    %ge3A_409 = arith.cmpi sge, %reduce_sum3A_406, %ge3A_408 : vector<32x32xi32>
    %select_n3A_410 = arith.select %ge3A_409, %add3A_399, %select_n3A_396 : vector<32x32xi1>, vector<32x32xi32>
    %add3A_411 = arith.constant 4 : i32
    %add3A_412 = vector.broadcast %add3A_411 : i32 to vector<32x32xi32>
    %add3A_413 = arith.addi %select_n3A_410, %add3A_412 : vector<32x32xi32>
    %broadcast_in_dim3A_414 = vector.shape_cast %add3A_413 : vector<32x32xi32> to vector<32x32x1xi32>
    %broadcast_in_dim3A_415 = vector.shape_cast %broadcast_in_dim3A_414 : vector<32x32x1xi32> to vector<32x32x1xi32>
    %broadcast_in_dim3A_416 = vector.broadcast %broadcast_in_dim3A_415 : vector<32x32x1xi32> to vector<32x32x1024xi32>
    %ge3A_417 = arith.cmpi sge, %select_n3A, %broadcast_in_dim3A_416 : vector<32x32x1024xi32>
    %convert_element_type3A_418 = arith.extui %ge3A_417 : vector<32x32x1024xi1> to vector<32x32x1024xi32>
    %reduce_sum3A_419 = arith.constant dense<0> : vector<32x32xi32>
    %reduce_sum3A_420 = vector.multi_reduction <add>, %convert_element_type3A_418, %reduce_sum3A_419 [2] : vector<32x32x1024xi32> to vector<32x32xi32>
    %ge3A_421 = arith.constant 512 : i32
    %ge3A_422 = vector.broadcast %ge3A_421 : i32 to vector<32x32xi32>
    %ge3A_423 = arith.cmpi sge, %reduce_sum3A_420, %ge3A_422 : vector<32x32xi32>
    %select_n3A_424 = arith.select %ge3A_423, %add3A_413, %select_n3A_410 : vector<32x32xi1>, vector<32x32xi32>
    %add3A_425 = arith.constant 2 : i32
    %add3A_426 = vector.broadcast %add3A_425 : i32 to vector<32x32xi32>
    %add3A_427 = arith.addi %select_n3A_424, %add3A_426 : vector<32x32xi32>
    %broadcast_in_dim3A_428 = vector.shape_cast %add3A_427 : vector<32x32xi32> to vector<32x32x1xi32>
    %broadcast_in_dim3A_429 = vector.shape_cast %broadcast_in_dim3A_428 : vector<32x32x1xi32> to vector<32x32x1xi32>
    %broadcast_in_dim3A_430 = vector.broadcast %broadcast_in_dim3A_429 : vector<32x32x1xi32> to vector<32x32x1024xi32>
    %ge3A_431 = arith.cmpi sge, %select_n3A, %broadcast_in_dim3A_430 : vector<32x32x1024xi32>
    %convert_element_type3A_432 = arith.extui %ge3A_431 : vector<32x32x1024xi1> to vector<32x32x1024xi32>
    %reduce_sum3A_433 = arith.constant dense<0> : vector<32x32xi32>
    %reduce_sum3A_434 = vector.multi_reduction <add>, %convert_element_type3A_432, %reduce_sum3A_433 [2] : vector<32x32x1024xi32> to vector<32x32xi32>
    %ge3A_435 = arith.constant 512 : i32
    %ge3A_436 = vector.broadcast %ge3A_435 : i32 to vector<32x32xi32>
    %ge3A_437 = arith.cmpi sge, %reduce_sum3A_434, %ge3A_436 : vector<32x32xi32>
    %select_n3A_438 = arith.select %ge3A_437, %add3A_427, %select_n3A_424 : vector<32x32xi1>, vector<32x32xi32>
    %add3A_439 = arith.constant 1 : i32
    %add3A_440 = vector.broadcast %add3A_439 : i32 to vector<32x32xi32>
    %add3A_441 = arith.addi %select_n3A_438, %add3A_440 : vector<32x32xi32>
    %broadcast_in_dim3A_442 = vector.shape_cast %add3A_441 : vector<32x32xi32> to vector<32x32x1xi32>
    %broadcast_in_dim3A_443 = vector.shape_cast %broadcast_in_dim3A_442 : vector<32x32x1xi32> to vector<32x32x1xi32>
    %broadcast_in_dim3A_444 = vector.broadcast %broadcast_in_dim3A_443 : vector<32x32x1xi32> to vector<32x32x1024xi32>
    %ge3A_445 = arith.cmpi sge, %select_n3A, %broadcast_in_dim3A_444 : vector<32x32x1024xi32>
    %convert_element_type3A_446 = arith.extui %ge3A_445 : vector<32x32x1024xi1> to vector<32x32x1024xi32>
    %reduce_sum3A_447 = arith.constant dense<0> : vector<32x32xi32>
    %reduce_sum3A_448 = vector.multi_reduction <add>, %convert_element_type3A_446, %reduce_sum3A_447 [2] : vector<32x32x1024xi32> to vector<32x32xi32>
    %ge3A_449 = arith.constant 512 : i32
    %ge3A_450 = vector.broadcast %ge3A_449 : i32 to vector<32x32xi32>
    %ge3A_451 = arith.cmpi sge, %reduce_sum3A_448, %ge3A_450 : vector<32x32xi32>
    %select_n3A_452 = arith.select %ge3A_451, %add3A_441, %select_n3A_438 : vector<32x32xi1>, vector<32x32xi32>
    %broadcast_in_dim3A_453 = vector.shape_cast %select_n3A_452 : vector<32x32xi32> to vector<32x32x1xi32>
    %broadcast_in_dim3A_454 = vector.shape_cast %broadcast_in_dim3A_453 : vector<32x32x1xi32> to vector<32x32x1xi32>
    %broadcast_in_dim3A_455 = vector.broadcast %broadcast_in_dim3A_454 : vector<32x32x1xi32> to vector<32x32x1024xi32>
    %ge3A_456 = arith.cmpi sge, %select_n3A, %broadcast_in_dim3A_455 : vector<32x32x1024xi32>
    %jit3A = arith.constant 0.000000e+00 : f32
    %broadcast_in_dim3A_457 = vector.broadcast %jit3A : f32 to vector<32x32x1024xf32>
    %select_n3A_458 = arith.select %ge3A_456, %get3A_2, %broadcast_in_dim3A_457 : vector<32x32x1024xi1>, vector<32x32x1024xf32>
    %jit3A_459 = arith.constant 0 : i32
    %broadcast_in_dim3A_460 = vector.broadcast %jit3A_459 : i32 to vector<32x32x1024xi32>
    %select_n3A_461 = arith.select %ge3A_456, %select_n3A, %broadcast_in_dim3A_460 : vector<32x32x1024xi1>, vector<32x32x1024xi32>
    %broadcast_in_dim3A_462 = arith.constant -2147483648 : i32
    %broadcast_in_dim3A_463 = vector.broadcast %broadcast_in_dim3A_462 : i32 to vector<1x32xi32>
    %add3A_464 = arith.constant -2147483648 : i32
    %add3A_465 = vector.broadcast %add3A_464 : i32 to vector<1x32xi32>
    %add3A_466 = arith.addi %broadcast_in_dim3A_463, %add3A_465 : vector<1x32xi32>
    %broadcast_in_dim3A_467 = vector.shape_cast %add3A_466 : vector<1x32xi32> to vector<1x32x1xi32>
    %broadcast_in_dim3A_468 = vector.shape_cast %broadcast_in_dim3A_467 : vector<1x32x1xi32> to vector<1x32x1xi32>
    %broadcast_in_dim3A_469 = vector.broadcast %broadcast_in_dim3A_468 : vector<1x32x1xi32> to vector<32x32x1024xi32>
    %ge3A_470 = arith.cmpi sge, %select_n3A_461, %broadcast_in_dim3A_469 : vector<32x32x1024xi32>
    %convert_element_type3A_471 = arith.extui %ge3A_470 : vector<32x32x1024xi1> to vector<32x32x1024xi32>
    %reduce_sum3A_472 = arith.constant dense<0> : vector<32x32xi32>
    %reduce_sum3A_473 = vector.multi_reduction <add>, %convert_element_type3A_471, %reduce_sum3A_472 [2] : vector<32x32x1024xi32> to vector<32x32xi32>
    %reduce_sum3A_474 = arith.constant dense<0> : vector<32xi32>
    %reduce_sum3A_475 = vector.multi_reduction <add>, %reduce_sum3A_473, %reduce_sum3A_474 [0] : vector<32x32xi32> to vector<32xi32>
    %broadcast_in_dim3A_476 = vector.shape_cast %reduce_sum3A_475 : vector<32xi32> to vector<1x32xi32>
    %ge3A_477 = arith.constant 8192 : i32
    %ge3A_478 = vector.broadcast %ge3A_477 : i32 to vector<1x32xi32>
    %ge3A_479 = arith.cmpi sge, %broadcast_in_dim3A_476, %ge3A_478 : vector<1x32xi32>
    %select_n3A_480 = arith.select %ge3A_479, %add3A_466, %broadcast_in_dim3A_463 : vector<1x32xi1>, vector<1x32xi32>
    %add3A_481 = arith.constant 1073741824 : i32
    %add3A_482 = vector.broadcast %add3A_481 : i32 to vector<1x32xi32>
    %add3A_483 = arith.addi %select_n3A_480, %add3A_482 : vector<1x32xi32>
    %broadcast_in_dim3A_484 = vector.shape_cast %add3A_483 : vector<1x32xi32> to vector<1x32x1xi32>
    %broadcast_in_dim3A_485 = vector.shape_cast %broadcast_in_dim3A_484 : vector<1x32x1xi32> to vector<1x32x1xi32>
    %broadcast_in_dim3A_486 = vector.broadcast %broadcast_in_dim3A_485 : vector<1x32x1xi32> to vector<32x32x1024xi32>
    %ge3A_487 = arith.cmpi sge, %select_n3A_461, %broadcast_in_dim3A_486 : vector<32x32x1024xi32>
    %convert_element_type3A_488 = arith.extui %ge3A_487 : vector<32x32x1024xi1> to vector<32x32x1024xi32>
    %reduce_sum3A_489 = arith.constant dense<0> : vector<32x32xi32>
    %reduce_sum3A_490 = vector.multi_reduction <add>, %convert_element_type3A_488, %reduce_sum3A_489 [2] : vector<32x32x1024xi32> to vector<32x32xi32>
    %reduce_sum3A_491 = arith.constant dense<0> : vector<32xi32>
    %reduce_sum3A_492 = vector.multi_reduction <add>, %reduce_sum3A_490, %reduce_sum3A_491 [0] : vector<32x32xi32> to vector<32xi32>
    %broadcast_in_dim3A_493 = vector.shape_cast %reduce_sum3A_492 : vector<32xi32> to vector<1x32xi32>
    %ge3A_494 = arith.constant 8192 : i32
    %ge3A_495 = vector.broadcast %ge3A_494 : i32 to vector<1x32xi32>
    %ge3A_496 = arith.cmpi sge, %broadcast_in_dim3A_493, %ge3A_495 : vector<1x32xi32>
    %select_n3A_497 = arith.select %ge3A_496, %add3A_483, %select_n3A_480 : vector<1x32xi1>, vector<1x32xi32>
    %add3A_498 = arith.constant 536870912 : i32
    %add3A_499 = vector.broadcast %add3A_498 : i32 to vector<1x32xi32>
    %add3A_500 = arith.addi %select_n3A_497, %add3A_499 : vector<1x32xi32>
    %broadcast_in_dim3A_501 = vector.shape_cast %add3A_500 : vector<1x32xi32> to vector<1x32x1xi32>
    %broadcast_in_dim3A_502 = vector.shape_cast %broadcast_in_dim3A_501 : vector<1x32x1xi32> to vector<1x32x1xi32>
    %broadcast_in_dim3A_503 = vector.broadcast %broadcast_in_dim3A_502 : vector<1x32x1xi32> to vector<32x32x1024xi32>
    %ge3A_504 = arith.cmpi sge, %select_n3A_461, %broadcast_in_dim3A_503 : vector<32x32x1024xi32>
    %convert_element_type3A_505 = arith.extui %ge3A_504 : vector<32x32x1024xi1> to vector<32x32x1024xi32>
    %reduce_sum3A_506 = arith.constant dense<0> : vector<32x32xi32>
    %reduce_sum3A_507 = vector.multi_reduction <add>, %convert_element_type3A_505, %reduce_sum3A_506 [2] : vector<32x32x1024xi32> to vector<32x32xi32>
    %reduce_sum3A_508 = arith.constant dense<0> : vector<32xi32>
    %reduce_sum3A_509 = vector.multi_reduction <add>, %reduce_sum3A_507, %reduce_sum3A_508 [0] : vector<32x32xi32> to vector<32xi32>
    %broadcast_in_dim3A_510 = vector.shape_cast %reduce_sum3A_509 : vector<32xi32> to vector<1x32xi32>
    %ge3A_511 = arith.constant 8192 : i32
    %ge3A_512 = vector.broadcast %ge3A_511 : i32 to vector<1x32xi32>
    %ge3A_513 = arith.cmpi sge, %broadcast_in_dim3A_510, %ge3A_512 : vector<1x32xi32>
    %select_n3A_514 = arith.select %ge3A_513, %add3A_500, %select_n3A_497 : vector<1x32xi1>, vector<1x32xi32>
    %add3A_515 = arith.constant 268435456 : i32
    %add3A_516 = vector.broadcast %add3A_515 : i32 to vector<1x32xi32>
    %add3A_517 = arith.addi %select_n3A_514, %add3A_516 : vector<1x32xi32>
    %broadcast_in_dim3A_518 = vector.shape_cast %add3A_517 : vector<1x32xi32> to vector<1x32x1xi32>
    %broadcast_in_dim3A_519 = vector.shape_cast %broadcast_in_dim3A_518 : vector<1x32x1xi32> to vector<1x32x1xi32>
    %broadcast_in_dim3A_520 = vector.broadcast %broadcast_in_dim3A_519 : vector<1x32x1xi32> to vector<32x32x1024xi32>
    %ge3A_521 = arith.cmpi sge, %select_n3A_461, %broadcast_in_dim3A_520 : vector<32x32x1024xi32>
    %convert_element_type3A_522 = arith.extui %ge3A_521 : vector<32x32x1024xi1> to vector<32x32x1024xi32>
    %reduce_sum3A_523 = arith.constant dense<0> : vector<32x32xi32>
    %reduce_sum3A_524 = vector.multi_reduction <add>, %convert_element_type3A_522, %reduce_sum3A_523 [2] : vector<32x32x1024xi32> to vector<32x32xi32>
    %reduce_sum3A_525 = arith.constant dense<0> : vector<32xi32>
    %reduce_sum3A_526 = vector.multi_reduction <add>, %reduce_sum3A_524, %reduce_sum3A_525 [0] : vector<32x32xi32> to vector<32xi32>
    %broadcast_in_dim3A_527 = vector.shape_cast %reduce_sum3A_526 : vector<32xi32> to vector<1x32xi32>
    %ge3A_528 = arith.constant 8192 : i32
    %ge3A_529 = vector.broadcast %ge3A_528 : i32 to vector<1x32xi32>
    %ge3A_530 = arith.cmpi sge, %broadcast_in_dim3A_527, %ge3A_529 : vector<1x32xi32>
    %select_n3A_531 = arith.select %ge3A_530, %add3A_517, %select_n3A_514 : vector<1x32xi1>, vector<1x32xi32>
    %add3A_532 = arith.constant 134217728 : i32
    %add3A_533 = vector.broadcast %add3A_532 : i32 to vector<1x32xi32>
    %add3A_534 = arith.addi %select_n3A_531, %add3A_533 : vector<1x32xi32>
    %broadcast_in_dim3A_535 = vector.shape_cast %add3A_534 : vector<1x32xi32> to vector<1x32x1xi32>
    %broadcast_in_dim3A_536 = vector.shape_cast %broadcast_in_dim3A_535 : vector<1x32x1xi32> to vector<1x32x1xi32>
    %broadcast_in_dim3A_537 = vector.broadcast %broadcast_in_dim3A_536 : vector<1x32x1xi32> to vector<32x32x1024xi32>
    %ge3A_538 = arith.cmpi sge, %select_n3A_461, %broadcast_in_dim3A_537 : vector<32x32x1024xi32>
    %convert_element_type3A_539 = arith.extui %ge3A_538 : vector<32x32x1024xi1> to vector<32x32x1024xi32>
    %reduce_sum3A_540 = arith.constant dense<0> : vector<32x32xi32>
    %reduce_sum3A_541 = vector.multi_reduction <add>, %convert_element_type3A_539, %reduce_sum3A_540 [2] : vector<32x32x1024xi32> to vector<32x32xi32>
    %reduce_sum3A_542 = arith.constant dense<0> : vector<32xi32>
    %reduce_sum3A_543 = vector.multi_reduction <add>, %reduce_sum3A_541, %reduce_sum3A_542 [0] : vector<32x32xi32> to vector<32xi32>
    %broadcast_in_dim3A_544 = vector.shape_cast %reduce_sum3A_543 : vector<32xi32> to vector<1x32xi32>
    %ge3A_545 = arith.constant 8192 : i32
    %ge3A_546 = vector.broadcast %ge3A_545 : i32 to vector<1x32xi32>
    %ge3A_547 = arith.cmpi sge, %broadcast_in_dim3A_544, %ge3A_546 : vector<1x32xi32>
    %select_n3A_548 = arith.select %ge3A_547, %add3A_534, %select_n3A_531 : vector<1x32xi1>, vector<1x32xi32>
    %add3A_549 = arith.constant 67108864 : i32
    %add3A_550 = vector.broadcast %add3A_549 : i32 to vector<1x32xi32>
    %add3A_551 = arith.addi %select_n3A_548, %add3A_550 : vector<1x32xi32>
    %broadcast_in_dim3A_552 = vector.shape_cast %add3A_551 : vector<1x32xi32> to vector<1x32x1xi32>
    %broadcast_in_dim3A_553 = vector.shape_cast %broadcast_in_dim3A_552 : vector<1x32x1xi32> to vector<1x32x1xi32>
    %broadcast_in_dim3A_554 = vector.broadcast %broadcast_in_dim3A_553 : vector<1x32x1xi32> to vector<32x32x1024xi32>
    %ge3A_555 = arith.cmpi sge, %select_n3A_461, %broadcast_in_dim3A_554 : vector<32x32x1024xi32>
    %convert_element_type3A_556 = arith.extui %ge3A_555 : vector<32x32x1024xi1> to vector<32x32x1024xi32>
    %reduce_sum3A_557 = arith.constant dense<0> : vector<32x32xi32>
    %reduce_sum3A_558 = vector.multi_reduction <add>, %convert_element_type3A_556, %reduce_sum3A_557 [2] : vector<32x32x1024xi32> to vector<32x32xi32>
    %reduce_sum3A_559 = arith.constant dense<0> : vector<32xi32>
    %reduce_sum3A_560 = vector.multi_reduction <add>, %reduce_sum3A_558, %reduce_sum3A_559 [0] : vector<32x32xi32> to vector<32xi32>
    %broadcast_in_dim3A_561 = vector.shape_cast %reduce_sum3A_560 : vector<32xi32> to vector<1x32xi32>
    %ge3A_562 = arith.constant 8192 : i32
    %ge3A_563 = vector.broadcast %ge3A_562 : i32 to vector<1x32xi32>
    %ge3A_564 = arith.cmpi sge, %broadcast_in_dim3A_561, %ge3A_563 : vector<1x32xi32>
    %select_n3A_565 = arith.select %ge3A_564, %add3A_551, %select_n3A_548 : vector<1x32xi1>, vector<1x32xi32>
    %add3A_566 = arith.constant 33554432 : i32
    %add3A_567 = vector.broadcast %add3A_566 : i32 to vector<1x32xi32>
    %add3A_568 = arith.addi %select_n3A_565, %add3A_567 : vector<1x32xi32>
    %broadcast_in_dim3A_569 = vector.shape_cast %add3A_568 : vector<1x32xi32> to vector<1x32x1xi32>
    %broadcast_in_dim3A_570 = vector.shape_cast %broadcast_in_dim3A_569 : vector<1x32x1xi32> to vector<1x32x1xi32>
    %broadcast_in_dim3A_571 = vector.broadcast %broadcast_in_dim3A_570 : vector<1x32x1xi32> to vector<32x32x1024xi32>
    %ge3A_572 = arith.cmpi sge, %select_n3A_461, %broadcast_in_dim3A_571 : vector<32x32x1024xi32>
    %convert_element_type3A_573 = arith.extui %ge3A_572 : vector<32x32x1024xi1> to vector<32x32x1024xi32>
    %reduce_sum3A_574 = arith.constant dense<0> : vector<32x32xi32>
    %reduce_sum3A_575 = vector.multi_reduction <add>, %convert_element_type3A_573, %reduce_sum3A_574 [2] : vector<32x32x1024xi32> to vector<32x32xi32>
    %reduce_sum3A_576 = arith.constant dense<0> : vector<32xi32>
    %reduce_sum3A_577 = vector.multi_reduction <add>, %reduce_sum3A_575, %reduce_sum3A_576 [0] : vector<32x32xi32> to vector<32xi32>
    %broadcast_in_dim3A_578 = vector.shape_cast %reduce_sum3A_577 : vector<32xi32> to vector<1x32xi32>
    %ge3A_579 = arith.constant 8192 : i32
    %ge3A_580 = vector.broadcast %ge3A_579 : i32 to vector<1x32xi32>
    %ge3A_581 = arith.cmpi sge, %broadcast_in_dim3A_578, %ge3A_580 : vector<1x32xi32>
    %select_n3A_582 = arith.select %ge3A_581, %add3A_568, %select_n3A_565 : vector<1x32xi1>, vector<1x32xi32>
    %add3A_583 = arith.constant 16777216 : i32
    %add3A_584 = vector.broadcast %add3A_583 : i32 to vector<1x32xi32>
    %add3A_585 = arith.addi %select_n3A_582, %add3A_584 : vector<1x32xi32>
    %broadcast_in_dim3A_586 = vector.shape_cast %add3A_585 : vector<1x32xi32> to vector<1x32x1xi32>
    %broadcast_in_dim3A_587 = vector.shape_cast %broadcast_in_dim3A_586 : vector<1x32x1xi32> to vector<1x32x1xi32>
    %broadcast_in_dim3A_588 = vector.broadcast %broadcast_in_dim3A_587 : vector<1x32x1xi32> to vector<32x32x1024xi32>
    %ge3A_589 = arith.cmpi sge, %select_n3A_461, %broadcast_in_dim3A_588 : vector<32x32x1024xi32>
    %convert_element_type3A_590 = arith.extui %ge3A_589 : vector<32x32x1024xi1> to vector<32x32x1024xi32>
    %reduce_sum3A_591 = arith.constant dense<0> : vector<32x32xi32>
    %reduce_sum3A_592 = vector.multi_reduction <add>, %convert_element_type3A_590, %reduce_sum3A_591 [2] : vector<32x32x1024xi32> to vector<32x32xi32>
    %reduce_sum3A_593 = arith.constant dense<0> : vector<32xi32>
    %reduce_sum3A_594 = vector.multi_reduction <add>, %reduce_sum3A_592, %reduce_sum3A_593 [0] : vector<32x32xi32> to vector<32xi32>
    %broadcast_in_dim3A_595 = vector.shape_cast %reduce_sum3A_594 : vector<32xi32> to vector<1x32xi32>
    %ge3A_596 = arith.constant 8192 : i32
    %ge3A_597 = vector.broadcast %ge3A_596 : i32 to vector<1x32xi32>
    %ge3A_598 = arith.cmpi sge, %broadcast_in_dim3A_595, %ge3A_597 : vector<1x32xi32>
    %select_n3A_599 = arith.select %ge3A_598, %add3A_585, %select_n3A_582 : vector<1x32xi1>, vector<1x32xi32>
    %add3A_600 = arith.constant 8388608 : i32
    %add3A_601 = vector.broadcast %add3A_600 : i32 to vector<1x32xi32>
    %add3A_602 = arith.addi %select_n3A_599, %add3A_601 : vector<1x32xi32>
    %broadcast_in_dim3A_603 = vector.shape_cast %add3A_602 : vector<1x32xi32> to vector<1x32x1xi32>
    %broadcast_in_dim3A_604 = vector.shape_cast %broadcast_in_dim3A_603 : vector<1x32x1xi32> to vector<1x32x1xi32>
    %broadcast_in_dim3A_605 = vector.broadcast %broadcast_in_dim3A_604 : vector<1x32x1xi32> to vector<32x32x1024xi32>
    %ge3A_606 = arith.cmpi sge, %select_n3A_461, %broadcast_in_dim3A_605 : vector<32x32x1024xi32>
    %convert_element_type3A_607 = arith.extui %ge3A_606 : vector<32x32x1024xi1> to vector<32x32x1024xi32>
    %reduce_sum3A_608 = arith.constant dense<0> : vector<32x32xi32>
    %reduce_sum3A_609 = vector.multi_reduction <add>, %convert_element_type3A_607, %reduce_sum3A_608 [2] : vector<32x32x1024xi32> to vector<32x32xi32>
    %reduce_sum3A_610 = arith.constant dense<0> : vector<32xi32>
    %reduce_sum3A_611 = vector.multi_reduction <add>, %reduce_sum3A_609, %reduce_sum3A_610 [0] : vector<32x32xi32> to vector<32xi32>
    %broadcast_in_dim3A_612 = vector.shape_cast %reduce_sum3A_611 : vector<32xi32> to vector<1x32xi32>
    %ge3A_613 = arith.constant 8192 : i32
    %ge3A_614 = vector.broadcast %ge3A_613 : i32 to vector<1x32xi32>
    %ge3A_615 = arith.cmpi sge, %broadcast_in_dim3A_612, %ge3A_614 : vector<1x32xi32>
    %select_n3A_616 = arith.select %ge3A_615, %add3A_602, %select_n3A_599 : vector<1x32xi1>, vector<1x32xi32>
    %add3A_617 = arith.constant 4194304 : i32
    %add3A_618 = vector.broadcast %add3A_617 : i32 to vector<1x32xi32>
    %add3A_619 = arith.addi %select_n3A_616, %add3A_618 : vector<1x32xi32>
    %broadcast_in_dim3A_620 = vector.shape_cast %add3A_619 : vector<1x32xi32> to vector<1x32x1xi32>
    %broadcast_in_dim3A_621 = vector.shape_cast %broadcast_in_dim3A_620 : vector<1x32x1xi32> to vector<1x32x1xi32>
    %broadcast_in_dim3A_622 = vector.broadcast %broadcast_in_dim3A_621 : vector<1x32x1xi32> to vector<32x32x1024xi32>
    %ge3A_623 = arith.cmpi sge, %select_n3A_461, %broadcast_in_dim3A_622 : vector<32x32x1024xi32>
    %convert_element_type3A_624 = arith.extui %ge3A_623 : vector<32x32x1024xi1> to vector<32x32x1024xi32>
    %reduce_sum3A_625 = arith.constant dense<0> : vector<32x32xi32>
    %reduce_sum3A_626 = vector.multi_reduction <add>, %convert_element_type3A_624, %reduce_sum3A_625 [2] : vector<32x32x1024xi32> to vector<32x32xi32>
    %reduce_sum3A_627 = arith.constant dense<0> : vector<32xi32>
    %reduce_sum3A_628 = vector.multi_reduction <add>, %reduce_sum3A_626, %reduce_sum3A_627 [0] : vector<32x32xi32> to vector<32xi32>
    %broadcast_in_dim3A_629 = vector.shape_cast %reduce_sum3A_628 : vector<32xi32> to vector<1x32xi32>
    %ge3A_630 = arith.constant 8192 : i32
    %ge3A_631 = vector.broadcast %ge3A_630 : i32 to vector<1x32xi32>
    %ge3A_632 = arith.cmpi sge, %broadcast_in_dim3A_629, %ge3A_631 : vector<1x32xi32>
    %select_n3A_633 = arith.select %ge3A_632, %add3A_619, %select_n3A_616 : vector<1x32xi1>, vector<1x32xi32>
    %add3A_634 = arith.constant 2097152 : i32
    %add3A_635 = vector.broadcast %add3A_634 : i32 to vector<1x32xi32>
    %add3A_636 = arith.addi %select_n3A_633, %add3A_635 : vector<1x32xi32>
    %broadcast_in_dim3A_637 = vector.shape_cast %add3A_636 : vector<1x32xi32> to vector<1x32x1xi32>
    %broadcast_in_dim3A_638 = vector.shape_cast %broadcast_in_dim3A_637 : vector<1x32x1xi32> to vector<1x32x1xi32>
    %broadcast_in_dim3A_639 = vector.broadcast %broadcast_in_dim3A_638 : vector<1x32x1xi32> to vector<32x32x1024xi32>
    %ge3A_640 = arith.cmpi sge, %select_n3A_461, %broadcast_in_dim3A_639 : vector<32x32x1024xi32>
    %convert_element_type3A_641 = arith.extui %ge3A_640 : vector<32x32x1024xi1> to vector<32x32x1024xi32>
    %reduce_sum3A_642 = arith.constant dense<0> : vector<32x32xi32>
    %reduce_sum3A_643 = vector.multi_reduction <add>, %convert_element_type3A_641, %reduce_sum3A_642 [2] : vector<32x32x1024xi32> to vector<32x32xi32>
    %reduce_sum3A_644 = arith.constant dense<0> : vector<32xi32>
    %reduce_sum3A_645 = vector.multi_reduction <add>, %reduce_sum3A_643, %reduce_sum3A_644 [0] : vector<32x32xi32> to vector<32xi32>
    %broadcast_in_dim3A_646 = vector.shape_cast %reduce_sum3A_645 : vector<32xi32> to vector<1x32xi32>
    %ge3A_647 = arith.constant 8192 : i32
    %ge3A_648 = vector.broadcast %ge3A_647 : i32 to vector<1x32xi32>
    %ge3A_649 = arith.cmpi sge, %broadcast_in_dim3A_646, %ge3A_648 : vector<1x32xi32>
    %select_n3A_650 = arith.select %ge3A_649, %add3A_636, %select_n3A_633 : vector<1x32xi1>, vector<1x32xi32>
    %add3A_651 = arith.constant 1048576 : i32
    %add3A_652 = vector.broadcast %add3A_651 : i32 to vector<1x32xi32>
    %add3A_653 = arith.addi %select_n3A_650, %add3A_652 : vector<1x32xi32>
    %broadcast_in_dim3A_654 = vector.shape_cast %add3A_653 : vector<1x32xi32> to vector<1x32x1xi32>
    %broadcast_in_dim3A_655 = vector.shape_cast %broadcast_in_dim3A_654 : vector<1x32x1xi32> to vector<1x32x1xi32>
    %broadcast_in_dim3A_656 = vector.broadcast %broadcast_in_dim3A_655 : vector<1x32x1xi32> to vector<32x32x1024xi32>
    %ge3A_657 = arith.cmpi sge, %select_n3A_461, %broadcast_in_dim3A_656 : vector<32x32x1024xi32>
    %convert_element_type3A_658 = arith.extui %ge3A_657 : vector<32x32x1024xi1> to vector<32x32x1024xi32>
    %reduce_sum3A_659 = arith.constant dense<0> : vector<32x32xi32>
    %reduce_sum3A_660 = vector.multi_reduction <add>, %convert_element_type3A_658, %reduce_sum3A_659 [2] : vector<32x32x1024xi32> to vector<32x32xi32>
    %reduce_sum3A_661 = arith.constant dense<0> : vector<32xi32>
    %reduce_sum3A_662 = vector.multi_reduction <add>, %reduce_sum3A_660, %reduce_sum3A_661 [0] : vector<32x32xi32> to vector<32xi32>
    %broadcast_in_dim3A_663 = vector.shape_cast %reduce_sum3A_662 : vector<32xi32> to vector<1x32xi32>
    %ge3A_664 = arith.constant 8192 : i32
    %ge3A_665 = vector.broadcast %ge3A_664 : i32 to vector<1x32xi32>
    %ge3A_666 = arith.cmpi sge, %broadcast_in_dim3A_663, %ge3A_665 : vector<1x32xi32>
    %select_n3A_667 = arith.select %ge3A_666, %add3A_653, %select_n3A_650 : vector<1x32xi1>, vector<1x32xi32>
    %add3A_668 = arith.constant 524288 : i32
    %add3A_669 = vector.broadcast %add3A_668 : i32 to vector<1x32xi32>
    %add3A_670 = arith.addi %select_n3A_667, %add3A_669 : vector<1x32xi32>
    %broadcast_in_dim3A_671 = vector.shape_cast %add3A_670 : vector<1x32xi32> to vector<1x32x1xi32>
    %broadcast_in_dim3A_672 = vector.shape_cast %broadcast_in_dim3A_671 : vector<1x32x1xi32> to vector<1x32x1xi32>
    %broadcast_in_dim3A_673 = vector.broadcast %broadcast_in_dim3A_672 : vector<1x32x1xi32> to vector<32x32x1024xi32>
    %ge3A_674 = arith.cmpi sge, %select_n3A_461, %broadcast_in_dim3A_673 : vector<32x32x1024xi32>
    %convert_element_type3A_675 = arith.extui %ge3A_674 : vector<32x32x1024xi1> to vector<32x32x1024xi32>
    %reduce_sum3A_676 = arith.constant dense<0> : vector<32x32xi32>
    %reduce_sum3A_677 = vector.multi_reduction <add>, %convert_element_type3A_675, %reduce_sum3A_676 [2] : vector<32x32x1024xi32> to vector<32x32xi32>
    %reduce_sum3A_678 = arith.constant dense<0> : vector<32xi32>
    %reduce_sum3A_679 = vector.multi_reduction <add>, %reduce_sum3A_677, %reduce_sum3A_678 [0] : vector<32x32xi32> to vector<32xi32>
    %broadcast_in_dim3A_680 = vector.shape_cast %reduce_sum3A_679 : vector<32xi32> to vector<1x32xi32>
    %ge3A_681 = arith.constant 8192 : i32
    %ge3A_682 = vector.broadcast %ge3A_681 : i32 to vector<1x32xi32>
    %ge3A_683 = arith.cmpi sge, %broadcast_in_dim3A_680, %ge3A_682 : vector<1x32xi32>
    %select_n3A_684 = arith.select %ge3A_683, %add3A_670, %select_n3A_667 : vector<1x32xi1>, vector<1x32xi32>
    %add3A_685 = arith.constant 262144 : i32
    %add3A_686 = vector.broadcast %add3A_685 : i32 to vector<1x32xi32>
    %add3A_687 = arith.addi %select_n3A_684, %add3A_686 : vector<1x32xi32>
    %broadcast_in_dim3A_688 = vector.shape_cast %add3A_687 : vector<1x32xi32> to vector<1x32x1xi32>
    %broadcast_in_dim3A_689 = vector.shape_cast %broadcast_in_dim3A_688 : vector<1x32x1xi32> to vector<1x32x1xi32>
    %broadcast_in_dim3A_690 = vector.broadcast %broadcast_in_dim3A_689 : vector<1x32x1xi32> to vector<32x32x1024xi32>
    %ge3A_691 = arith.cmpi sge, %select_n3A_461, %broadcast_in_dim3A_690 : vector<32x32x1024xi32>
    %convert_element_type3A_692 = arith.extui %ge3A_691 : vector<32x32x1024xi1> to vector<32x32x1024xi32>
    %reduce_sum3A_693 = arith.constant dense<0> : vector<32x32xi32>
    %reduce_sum3A_694 = vector.multi_reduction <add>, %convert_element_type3A_692, %reduce_sum3A_693 [2] : vector<32x32x1024xi32> to vector<32x32xi32>
    %reduce_sum3A_695 = arith.constant dense<0> : vector<32xi32>
    %reduce_sum3A_696 = vector.multi_reduction <add>, %reduce_sum3A_694, %reduce_sum3A_695 [0] : vector<32x32xi32> to vector<32xi32>
    %broadcast_in_dim3A_697 = vector.shape_cast %reduce_sum3A_696 : vector<32xi32> to vector<1x32xi32>
    %ge3A_698 = arith.constant 8192 : i32
    %ge3A_699 = vector.broadcast %ge3A_698 : i32 to vector<1x32xi32>
    %ge3A_700 = arith.cmpi sge, %broadcast_in_dim3A_697, %ge3A_699 : vector<1x32xi32>
    %select_n3A_701 = arith.select %ge3A_700, %add3A_687, %select_n3A_684 : vector<1x32xi1>, vector<1x32xi32>
    %add3A_702 = arith.constant 131072 : i32
    %add3A_703 = vector.broadcast %add3A_702 : i32 to vector<1x32xi32>
    %add3A_704 = arith.addi %select_n3A_701, %add3A_703 : vector<1x32xi32>
    %broadcast_in_dim3A_705 = vector.shape_cast %add3A_704 : vector<1x32xi32> to vector<1x32x1xi32>
    %broadcast_in_dim3A_706 = vector.shape_cast %broadcast_in_dim3A_705 : vector<1x32x1xi32> to vector<1x32x1xi32>
    %broadcast_in_dim3A_707 = vector.broadcast %broadcast_in_dim3A_706 : vector<1x32x1xi32> to vector<32x32x1024xi32>
    %ge3A_708 = arith.cmpi sge, %select_n3A_461, %broadcast_in_dim3A_707 : vector<32x32x1024xi32>
    %convert_element_type3A_709 = arith.extui %ge3A_708 : vector<32x32x1024xi1> to vector<32x32x1024xi32>
    %reduce_sum3A_710 = arith.constant dense<0> : vector<32x32xi32>
    %reduce_sum3A_711 = vector.multi_reduction <add>, %convert_element_type3A_709, %reduce_sum3A_710 [2] : vector<32x32x1024xi32> to vector<32x32xi32>
    %reduce_sum3A_712 = arith.constant dense<0> : vector<32xi32>
    %reduce_sum3A_713 = vector.multi_reduction <add>, %reduce_sum3A_711, %reduce_sum3A_712 [0] : vector<32x32xi32> to vector<32xi32>
    %broadcast_in_dim3A_714 = vector.shape_cast %reduce_sum3A_713 : vector<32xi32> to vector<1x32xi32>
    %ge3A_715 = arith.constant 8192 : i32
    %ge3A_716 = vector.broadcast %ge3A_715 : i32 to vector<1x32xi32>
    %ge3A_717 = arith.cmpi sge, %broadcast_in_dim3A_714, %ge3A_716 : vector<1x32xi32>
    %select_n3A_718 = arith.select %ge3A_717, %add3A_704, %select_n3A_701 : vector<1x32xi1>, vector<1x32xi32>
    %add3A_719 = arith.constant 65536 : i32
    %add3A_720 = vector.broadcast %add3A_719 : i32 to vector<1x32xi32>
    %add3A_721 = arith.addi %select_n3A_718, %add3A_720 : vector<1x32xi32>
    %broadcast_in_dim3A_722 = vector.shape_cast %add3A_721 : vector<1x32xi32> to vector<1x32x1xi32>
    %broadcast_in_dim3A_723 = vector.shape_cast %broadcast_in_dim3A_722 : vector<1x32x1xi32> to vector<1x32x1xi32>
    %broadcast_in_dim3A_724 = vector.broadcast %broadcast_in_dim3A_723 : vector<1x32x1xi32> to vector<32x32x1024xi32>
    %ge3A_725 = arith.cmpi sge, %select_n3A_461, %broadcast_in_dim3A_724 : vector<32x32x1024xi32>
    %convert_element_type3A_726 = arith.extui %ge3A_725 : vector<32x32x1024xi1> to vector<32x32x1024xi32>
    %reduce_sum3A_727 = arith.constant dense<0> : vector<32x32xi32>
    %reduce_sum3A_728 = vector.multi_reduction <add>, %convert_element_type3A_726, %reduce_sum3A_727 [2] : vector<32x32x1024xi32> to vector<32x32xi32>
    %reduce_sum3A_729 = arith.constant dense<0> : vector<32xi32>
    %reduce_sum3A_730 = vector.multi_reduction <add>, %reduce_sum3A_728, %reduce_sum3A_729 [0] : vector<32x32xi32> to vector<32xi32>
    %broadcast_in_dim3A_731 = vector.shape_cast %reduce_sum3A_730 : vector<32xi32> to vector<1x32xi32>
    %ge3A_732 = arith.constant 8192 : i32
    %ge3A_733 = vector.broadcast %ge3A_732 : i32 to vector<1x32xi32>
    %ge3A_734 = arith.cmpi sge, %broadcast_in_dim3A_731, %ge3A_733 : vector<1x32xi32>
    %select_n3A_735 = arith.select %ge3A_734, %add3A_721, %select_n3A_718 : vector<1x32xi1>, vector<1x32xi32>
    %add3A_736 = arith.constant 32768 : i32
    %add3A_737 = vector.broadcast %add3A_736 : i32 to vector<1x32xi32>
    %add3A_738 = arith.addi %select_n3A_735, %add3A_737 : vector<1x32xi32>
    %broadcast_in_dim3A_739 = vector.shape_cast %add3A_738 : vector<1x32xi32> to vector<1x32x1xi32>
    %broadcast_in_dim3A_740 = vector.shape_cast %broadcast_in_dim3A_739 : vector<1x32x1xi32> to vector<1x32x1xi32>
    %broadcast_in_dim3A_741 = vector.broadcast %broadcast_in_dim3A_740 : vector<1x32x1xi32> to vector<32x32x1024xi32>
    %ge3A_742 = arith.cmpi sge, %select_n3A_461, %broadcast_in_dim3A_741 : vector<32x32x1024xi32>
    %convert_element_type3A_743 = arith.extui %ge3A_742 : vector<32x32x1024xi1> to vector<32x32x1024xi32>
    %reduce_sum3A_744 = arith.constant dense<0> : vector<32x32xi32>
    %reduce_sum3A_745 = vector.multi_reduction <add>, %convert_element_type3A_743, %reduce_sum3A_744 [2] : vector<32x32x1024xi32> to vector<32x32xi32>
    %reduce_sum3A_746 = arith.constant dense<0> : vector<32xi32>
    %reduce_sum3A_747 = vector.multi_reduction <add>, %reduce_sum3A_745, %reduce_sum3A_746 [0] : vector<32x32xi32> to vector<32xi32>
    %broadcast_in_dim3A_748 = vector.shape_cast %reduce_sum3A_747 : vector<32xi32> to vector<1x32xi32>
    %ge3A_749 = arith.constant 8192 : i32
    %ge3A_750 = vector.broadcast %ge3A_749 : i32 to vector<1x32xi32>
    %ge3A_751 = arith.cmpi sge, %broadcast_in_dim3A_748, %ge3A_750 : vector<1x32xi32>
    %select_n3A_752 = arith.select %ge3A_751, %add3A_738, %select_n3A_735 : vector<1x32xi1>, vector<1x32xi32>
    %add3A_753 = arith.constant 16384 : i32
    %add3A_754 = vector.broadcast %add3A_753 : i32 to vector<1x32xi32>
    %add3A_755 = arith.addi %select_n3A_752, %add3A_754 : vector<1x32xi32>
    %broadcast_in_dim3A_756 = vector.shape_cast %add3A_755 : vector<1x32xi32> to vector<1x32x1xi32>
    %broadcast_in_dim3A_757 = vector.shape_cast %broadcast_in_dim3A_756 : vector<1x32x1xi32> to vector<1x32x1xi32>
    %broadcast_in_dim3A_758 = vector.broadcast %broadcast_in_dim3A_757 : vector<1x32x1xi32> to vector<32x32x1024xi32>
    %ge3A_759 = arith.cmpi sge, %select_n3A_461, %broadcast_in_dim3A_758 : vector<32x32x1024xi32>
    %convert_element_type3A_760 = arith.extui %ge3A_759 : vector<32x32x1024xi1> to vector<32x32x1024xi32>
    %reduce_sum3A_761 = arith.constant dense<0> : vector<32x32xi32>
    %reduce_sum3A_762 = vector.multi_reduction <add>, %convert_element_type3A_760, %reduce_sum3A_761 [2] : vector<32x32x1024xi32> to vector<32x32xi32>
    %reduce_sum3A_763 = arith.constant dense<0> : vector<32xi32>
    %reduce_sum3A_764 = vector.multi_reduction <add>, %reduce_sum3A_762, %reduce_sum3A_763 [0] : vector<32x32xi32> to vector<32xi32>
    %broadcast_in_dim3A_765 = vector.shape_cast %reduce_sum3A_764 : vector<32xi32> to vector<1x32xi32>
    %ge3A_766 = arith.constant 8192 : i32
    %ge3A_767 = vector.broadcast %ge3A_766 : i32 to vector<1x32xi32>
    %ge3A_768 = arith.cmpi sge, %broadcast_in_dim3A_765, %ge3A_767 : vector<1x32xi32>
    %select_n3A_769 = arith.select %ge3A_768, %add3A_755, %select_n3A_752 : vector<1x32xi1>, vector<1x32xi32>
    %add3A_770 = arith.constant 8192 : i32
    %add3A_771 = vector.broadcast %add3A_770 : i32 to vector<1x32xi32>
    %add3A_772 = arith.addi %select_n3A_769, %add3A_771 : vector<1x32xi32>
    %broadcast_in_dim3A_773 = vector.shape_cast %add3A_772 : vector<1x32xi32> to vector<1x32x1xi32>
    %broadcast_in_dim3A_774 = vector.shape_cast %broadcast_in_dim3A_773 : vector<1x32x1xi32> to vector<1x32x1xi32>
    %broadcast_in_dim3A_775 = vector.broadcast %broadcast_in_dim3A_774 : vector<1x32x1xi32> to vector<32x32x1024xi32>
    %ge3A_776 = arith.cmpi sge, %select_n3A_461, %broadcast_in_dim3A_775 : vector<32x32x1024xi32>
    %convert_element_type3A_777 = arith.extui %ge3A_776 : vector<32x32x1024xi1> to vector<32x32x1024xi32>
    %reduce_sum3A_778 = arith.constant dense<0> : vector<32x32xi32>
    %reduce_sum3A_779 = vector.multi_reduction <add>, %convert_element_type3A_777, %reduce_sum3A_778 [2] : vector<32x32x1024xi32> to vector<32x32xi32>
    %reduce_sum3A_780 = arith.constant dense<0> : vector<32xi32>
    %reduce_sum3A_781 = vector.multi_reduction <add>, %reduce_sum3A_779, %reduce_sum3A_780 [0] : vector<32x32xi32> to vector<32xi32>
    %broadcast_in_dim3A_782 = vector.shape_cast %reduce_sum3A_781 : vector<32xi32> to vector<1x32xi32>
    %ge3A_783 = arith.constant 8192 : i32
    %ge3A_784 = vector.broadcast %ge3A_783 : i32 to vector<1x32xi32>
    %ge3A_785 = arith.cmpi sge, %broadcast_in_dim3A_782, %ge3A_784 : vector<1x32xi32>
    %select_n3A_786 = arith.select %ge3A_785, %add3A_772, %select_n3A_769 : vector<1x32xi1>, vector<1x32xi32>
    %add3A_787 = arith.constant 4096 : i32
    %add3A_788 = vector.broadcast %add3A_787 : i32 to vector<1x32xi32>
    %add3A_789 = arith.addi %select_n3A_786, %add3A_788 : vector<1x32xi32>
    %broadcast_in_dim3A_790 = vector.shape_cast %add3A_789 : vector<1x32xi32> to vector<1x32x1xi32>
    %broadcast_in_dim3A_791 = vector.shape_cast %broadcast_in_dim3A_790 : vector<1x32x1xi32> to vector<1x32x1xi32>
    %broadcast_in_dim3A_792 = vector.broadcast %broadcast_in_dim3A_791 : vector<1x32x1xi32> to vector<32x32x1024xi32>
    %ge3A_793 = arith.cmpi sge, %select_n3A_461, %broadcast_in_dim3A_792 : vector<32x32x1024xi32>
    %convert_element_type3A_794 = arith.extui %ge3A_793 : vector<32x32x1024xi1> to vector<32x32x1024xi32>
    %reduce_sum3A_795 = arith.constant dense<0> : vector<32x32xi32>
    %reduce_sum3A_796 = vector.multi_reduction <add>, %convert_element_type3A_794, %reduce_sum3A_795 [2] : vector<32x32x1024xi32> to vector<32x32xi32>
    %reduce_sum3A_797 = arith.constant dense<0> : vector<32xi32>
    %reduce_sum3A_798 = vector.multi_reduction <add>, %reduce_sum3A_796, %reduce_sum3A_797 [0] : vector<32x32xi32> to vector<32xi32>
    %broadcast_in_dim3A_799 = vector.shape_cast %reduce_sum3A_798 : vector<32xi32> to vector<1x32xi32>
    %ge3A_800 = arith.constant 8192 : i32
    %ge3A_801 = vector.broadcast %ge3A_800 : i32 to vector<1x32xi32>
    %ge3A_802 = arith.cmpi sge, %broadcast_in_dim3A_799, %ge3A_801 : vector<1x32xi32>
    %select_n3A_803 = arith.select %ge3A_802, %add3A_789, %select_n3A_786 : vector<1x32xi1>, vector<1x32xi32>
    %add3A_804 = arith.constant 2048 : i32
    %add3A_805 = vector.broadcast %add3A_804 : i32 to vector<1x32xi32>
    %add3A_806 = arith.addi %select_n3A_803, %add3A_805 : vector<1x32xi32>
    %broadcast_in_dim3A_807 = vector.shape_cast %add3A_806 : vector<1x32xi32> to vector<1x32x1xi32>
    %broadcast_in_dim3A_808 = vector.shape_cast %broadcast_in_dim3A_807 : vector<1x32x1xi32> to vector<1x32x1xi32>
    %broadcast_in_dim3A_809 = vector.broadcast %broadcast_in_dim3A_808 : vector<1x32x1xi32> to vector<32x32x1024xi32>
    %ge3A_810 = arith.cmpi sge, %select_n3A_461, %broadcast_in_dim3A_809 : vector<32x32x1024xi32>
    %convert_element_type3A_811 = arith.extui %ge3A_810 : vector<32x32x1024xi1> to vector<32x32x1024xi32>
    %reduce_sum3A_812 = arith.constant dense<0> : vector<32x32xi32>
    %reduce_sum3A_813 = vector.multi_reduction <add>, %convert_element_type3A_811, %reduce_sum3A_812 [2] : vector<32x32x1024xi32> to vector<32x32xi32>
    %reduce_sum3A_814 = arith.constant dense<0> : vector<32xi32>
    %reduce_sum3A_815 = vector.multi_reduction <add>, %reduce_sum3A_813, %reduce_sum3A_814 [0] : vector<32x32xi32> to vector<32xi32>
    %broadcast_in_dim3A_816 = vector.shape_cast %reduce_sum3A_815 : vector<32xi32> to vector<1x32xi32>
    %ge3A_817 = arith.constant 8192 : i32
    %ge3A_818 = vector.broadcast %ge3A_817 : i32 to vector<1x32xi32>
    %ge3A_819 = arith.cmpi sge, %broadcast_in_dim3A_816, %ge3A_818 : vector<1x32xi32>
    %select_n3A_820 = arith.select %ge3A_819, %add3A_806, %select_n3A_803 : vector<1x32xi1>, vector<1x32xi32>
    %add3A_821 = arith.constant 1024 : i32
    %add3A_822 = vector.broadcast %add3A_821 : i32 to vector<1x32xi32>
    %add3A_823 = arith.addi %select_n3A_820, %add3A_822 : vector<1x32xi32>
    %broadcast_in_dim3A_824 = vector.shape_cast %add3A_823 : vector<1x32xi32> to vector<1x32x1xi32>
    %broadcast_in_dim3A_825 = vector.shape_cast %broadcast_in_dim3A_824 : vector<1x32x1xi32> to vector<1x32x1xi32>
    %broadcast_in_dim3A_826 = vector.broadcast %broadcast_in_dim3A_825 : vector<1x32x1xi32> to vector<32x32x1024xi32>
    %ge3A_827 = arith.cmpi sge, %select_n3A_461, %broadcast_in_dim3A_826 : vector<32x32x1024xi32>
    %convert_element_type3A_828 = arith.extui %ge3A_827 : vector<32x32x1024xi1> to vector<32x32x1024xi32>
    %reduce_sum3A_829 = arith.constant dense<0> : vector<32x32xi32>
    %reduce_sum3A_830 = vector.multi_reduction <add>, %convert_element_type3A_828, %reduce_sum3A_829 [2] : vector<32x32x1024xi32> to vector<32x32xi32>
    %reduce_sum3A_831 = arith.constant dense<0> : vector<32xi32>
    %reduce_sum3A_832 = vector.multi_reduction <add>, %reduce_sum3A_830, %reduce_sum3A_831 [0] : vector<32x32xi32> to vector<32xi32>
    %broadcast_in_dim3A_833 = vector.shape_cast %reduce_sum3A_832 : vector<32xi32> to vector<1x32xi32>
    %ge3A_834 = arith.constant 8192 : i32
    %ge3A_835 = vector.broadcast %ge3A_834 : i32 to vector<1x32xi32>
    %ge3A_836 = arith.cmpi sge, %broadcast_in_dim3A_833, %ge3A_835 : vector<1x32xi32>
    %select_n3A_837 = arith.select %ge3A_836, %add3A_823, %select_n3A_820 : vector<1x32xi1>, vector<1x32xi32>
    %add3A_838 = arith.constant 512 : i32
    %add3A_839 = vector.broadcast %add3A_838 : i32 to vector<1x32xi32>
    %add3A_840 = arith.addi %select_n3A_837, %add3A_839 : vector<1x32xi32>
    %broadcast_in_dim3A_841 = vector.shape_cast %add3A_840 : vector<1x32xi32> to vector<1x32x1xi32>
    %broadcast_in_dim3A_842 = vector.shape_cast %broadcast_in_dim3A_841 : vector<1x32x1xi32> to vector<1x32x1xi32>
    %broadcast_in_dim3A_843 = vector.broadcast %broadcast_in_dim3A_842 : vector<1x32x1xi32> to vector<32x32x1024xi32>
    %ge3A_844 = arith.cmpi sge, %select_n3A_461, %broadcast_in_dim3A_843 : vector<32x32x1024xi32>
    %convert_element_type3A_845 = arith.extui %ge3A_844 : vector<32x32x1024xi1> to vector<32x32x1024xi32>
    %reduce_sum3A_846 = arith.constant dense<0> : vector<32x32xi32>
    %reduce_sum3A_847 = vector.multi_reduction <add>, %convert_element_type3A_845, %reduce_sum3A_846 [2] : vector<32x32x1024xi32> to vector<32x32xi32>
    %reduce_sum3A_848 = arith.constant dense<0> : vector<32xi32>
    %reduce_sum3A_849 = vector.multi_reduction <add>, %reduce_sum3A_847, %reduce_sum3A_848 [0] : vector<32x32xi32> to vector<32xi32>
    %broadcast_in_dim3A_850 = vector.shape_cast %reduce_sum3A_849 : vector<32xi32> to vector<1x32xi32>
    %ge3A_851 = arith.constant 8192 : i32
    %ge3A_852 = vector.broadcast %ge3A_851 : i32 to vector<1x32xi32>
    %ge3A_853 = arith.cmpi sge, %broadcast_in_dim3A_850, %ge3A_852 : vector<1x32xi32>
    %select_n3A_854 = arith.select %ge3A_853, %add3A_840, %select_n3A_837 : vector<1x32xi1>, vector<1x32xi32>
    %add3A_855 = arith.constant 256 : i32
    %add3A_856 = vector.broadcast %add3A_855 : i32 to vector<1x32xi32>
    %add3A_857 = arith.addi %select_n3A_854, %add3A_856 : vector<1x32xi32>
    %broadcast_in_dim3A_858 = vector.shape_cast %add3A_857 : vector<1x32xi32> to vector<1x32x1xi32>
    %broadcast_in_dim3A_859 = vector.shape_cast %broadcast_in_dim3A_858 : vector<1x32x1xi32> to vector<1x32x1xi32>
    %broadcast_in_dim3A_860 = vector.broadcast %broadcast_in_dim3A_859 : vector<1x32x1xi32> to vector<32x32x1024xi32>
    %ge3A_861 = arith.cmpi sge, %select_n3A_461, %broadcast_in_dim3A_860 : vector<32x32x1024xi32>
    %convert_element_type3A_862 = arith.extui %ge3A_861 : vector<32x32x1024xi1> to vector<32x32x1024xi32>
    %reduce_sum3A_863 = arith.constant dense<0> : vector<32x32xi32>
    %reduce_sum3A_864 = vector.multi_reduction <add>, %convert_element_type3A_862, %reduce_sum3A_863 [2] : vector<32x32x1024xi32> to vector<32x32xi32>
    %reduce_sum3A_865 = arith.constant dense<0> : vector<32xi32>
    %reduce_sum3A_866 = vector.multi_reduction <add>, %reduce_sum3A_864, %reduce_sum3A_865 [0] : vector<32x32xi32> to vector<32xi32>
    %broadcast_in_dim3A_867 = vector.shape_cast %reduce_sum3A_866 : vector<32xi32> to vector<1x32xi32>
    %ge3A_868 = arith.constant 8192 : i32
    %ge3A_869 = vector.broadcast %ge3A_868 : i32 to vector<1x32xi32>
    %ge3A_870 = arith.cmpi sge, %broadcast_in_dim3A_867, %ge3A_869 : vector<1x32xi32>
    %select_n3A_871 = arith.select %ge3A_870, %add3A_857, %select_n3A_854 : vector<1x32xi1>, vector<1x32xi32>
    %add3A_872 = arith.constant 128 : i32
    %add3A_873 = vector.broadcast %add3A_872 : i32 to vector<1x32xi32>
    %add3A_874 = arith.addi %select_n3A_871, %add3A_873 : vector<1x32xi32>
    %broadcast_in_dim3A_875 = vector.shape_cast %add3A_874 : vector<1x32xi32> to vector<1x32x1xi32>
    %broadcast_in_dim3A_876 = vector.shape_cast %broadcast_in_dim3A_875 : vector<1x32x1xi32> to vector<1x32x1xi32>
    %broadcast_in_dim3A_877 = vector.broadcast %broadcast_in_dim3A_876 : vector<1x32x1xi32> to vector<32x32x1024xi32>
    %ge3A_878 = arith.cmpi sge, %select_n3A_461, %broadcast_in_dim3A_877 : vector<32x32x1024xi32>
    %convert_element_type3A_879 = arith.extui %ge3A_878 : vector<32x32x1024xi1> to vector<32x32x1024xi32>
    %reduce_sum3A_880 = arith.constant dense<0> : vector<32x32xi32>
    %reduce_sum3A_881 = vector.multi_reduction <add>, %convert_element_type3A_879, %reduce_sum3A_880 [2] : vector<32x32x1024xi32> to vector<32x32xi32>
    %reduce_sum3A_882 = arith.constant dense<0> : vector<32xi32>
    %reduce_sum3A_883 = vector.multi_reduction <add>, %reduce_sum3A_881, %reduce_sum3A_882 [0] : vector<32x32xi32> to vector<32xi32>
    %broadcast_in_dim3A_884 = vector.shape_cast %reduce_sum3A_883 : vector<32xi32> to vector<1x32xi32>
    %ge3A_885 = arith.constant 8192 : i32
    %ge3A_886 = vector.broadcast %ge3A_885 : i32 to vector<1x32xi32>
    %ge3A_887 = arith.cmpi sge, %broadcast_in_dim3A_884, %ge3A_886 : vector<1x32xi32>
    %select_n3A_888 = arith.select %ge3A_887, %add3A_874, %select_n3A_871 : vector<1x32xi1>, vector<1x32xi32>
    %add3A_889 = arith.constant 64 : i32
    %add3A_890 = vector.broadcast %add3A_889 : i32 to vector<1x32xi32>
    %add3A_891 = arith.addi %select_n3A_888, %add3A_890 : vector<1x32xi32>
    %broadcast_in_dim3A_892 = vector.shape_cast %add3A_891 : vector<1x32xi32> to vector<1x32x1xi32>
    %broadcast_in_dim3A_893 = vector.shape_cast %broadcast_in_dim3A_892 : vector<1x32x1xi32> to vector<1x32x1xi32>
    %broadcast_in_dim3A_894 = vector.broadcast %broadcast_in_dim3A_893 : vector<1x32x1xi32> to vector<32x32x1024xi32>
    %ge3A_895 = arith.cmpi sge, %select_n3A_461, %broadcast_in_dim3A_894 : vector<32x32x1024xi32>
    %convert_element_type3A_896 = arith.extui %ge3A_895 : vector<32x32x1024xi1> to vector<32x32x1024xi32>
    %reduce_sum3A_897 = arith.constant dense<0> : vector<32x32xi32>
    %reduce_sum3A_898 = vector.multi_reduction <add>, %convert_element_type3A_896, %reduce_sum3A_897 [2] : vector<32x32x1024xi32> to vector<32x32xi32>
    %reduce_sum3A_899 = arith.constant dense<0> : vector<32xi32>
    %reduce_sum3A_900 = vector.multi_reduction <add>, %reduce_sum3A_898, %reduce_sum3A_899 [0] : vector<32x32xi32> to vector<32xi32>
    %broadcast_in_dim3A_901 = vector.shape_cast %reduce_sum3A_900 : vector<32xi32> to vector<1x32xi32>
    %ge3A_902 = arith.constant 8192 : i32
    %ge3A_903 = vector.broadcast %ge3A_902 : i32 to vector<1x32xi32>
    %ge3A_904 = arith.cmpi sge, %broadcast_in_dim3A_901, %ge3A_903 : vector<1x32xi32>
    %select_n3A_905 = arith.select %ge3A_904, %add3A_891, %select_n3A_888 : vector<1x32xi1>, vector<1x32xi32>
    %add3A_906 = arith.constant 32 : i32
    %add3A_907 = vector.broadcast %add3A_906 : i32 to vector<1x32xi32>
    %add3A_908 = arith.addi %select_n3A_905, %add3A_907 : vector<1x32xi32>
    %broadcast_in_dim3A_909 = vector.shape_cast %add3A_908 : vector<1x32xi32> to vector<1x32x1xi32>
    %broadcast_in_dim3A_910 = vector.shape_cast %broadcast_in_dim3A_909 : vector<1x32x1xi32> to vector<1x32x1xi32>
    %broadcast_in_dim3A_911 = vector.broadcast %broadcast_in_dim3A_910 : vector<1x32x1xi32> to vector<32x32x1024xi32>
    %ge3A_912 = arith.cmpi sge, %select_n3A_461, %broadcast_in_dim3A_911 : vector<32x32x1024xi32>
    %convert_element_type3A_913 = arith.extui %ge3A_912 : vector<32x32x1024xi1> to vector<32x32x1024xi32>
    %reduce_sum3A_914 = arith.constant dense<0> : vector<32x32xi32>
    %reduce_sum3A_915 = vector.multi_reduction <add>, %convert_element_type3A_913, %reduce_sum3A_914 [2] : vector<32x32x1024xi32> to vector<32x32xi32>
    %reduce_sum3A_916 = arith.constant dense<0> : vector<32xi32>
    %reduce_sum3A_917 = vector.multi_reduction <add>, %reduce_sum3A_915, %reduce_sum3A_916 [0] : vector<32x32xi32> to vector<32xi32>
    %broadcast_in_dim3A_918 = vector.shape_cast %reduce_sum3A_917 : vector<32xi32> to vector<1x32xi32>
    %ge3A_919 = arith.constant 8192 : i32
    %ge3A_920 = vector.broadcast %ge3A_919 : i32 to vector<1x32xi32>
    %ge3A_921 = arith.cmpi sge, %broadcast_in_dim3A_918, %ge3A_920 : vector<1x32xi32>
    %select_n3A_922 = arith.select %ge3A_921, %add3A_908, %select_n3A_905 : vector<1x32xi1>, vector<1x32xi32>
    %add3A_923 = arith.constant 16 : i32
    %add3A_924 = vector.broadcast %add3A_923 : i32 to vector<1x32xi32>
    %add3A_925 = arith.addi %select_n3A_922, %add3A_924 : vector<1x32xi32>
    %broadcast_in_dim3A_926 = vector.shape_cast %add3A_925 : vector<1x32xi32> to vector<1x32x1xi32>
    %broadcast_in_dim3A_927 = vector.shape_cast %broadcast_in_dim3A_926 : vector<1x32x1xi32> to vector<1x32x1xi32>
    %broadcast_in_dim3A_928 = vector.broadcast %broadcast_in_dim3A_927 : vector<1x32x1xi32> to vector<32x32x1024xi32>
    %ge3A_929 = arith.cmpi sge, %select_n3A_461, %broadcast_in_dim3A_928 : vector<32x32x1024xi32>
    %convert_element_type3A_930 = arith.extui %ge3A_929 : vector<32x32x1024xi1> to vector<32x32x1024xi32>
    %reduce_sum3A_931 = arith.constant dense<0> : vector<32x32xi32>
    %reduce_sum3A_932 = vector.multi_reduction <add>, %convert_element_type3A_930, %reduce_sum3A_931 [2] : vector<32x32x1024xi32> to vector<32x32xi32>
    %reduce_sum3A_933 = arith.constant dense<0> : vector<32xi32>
    %reduce_sum3A_934 = vector.multi_reduction <add>, %reduce_sum3A_932, %reduce_sum3A_933 [0] : vector<32x32xi32> to vector<32xi32>
    %broadcast_in_dim3A_935 = vector.shape_cast %reduce_sum3A_934 : vector<32xi32> to vector<1x32xi32>
    %ge3A_936 = arith.constant 8192 : i32
    %ge3A_937 = vector.broadcast %ge3A_936 : i32 to vector<1x32xi32>
    %ge3A_938 = arith.cmpi sge, %broadcast_in_dim3A_935, %ge3A_937 : vector<1x32xi32>
    %select_n3A_939 = arith.select %ge3A_938, %add3A_925, %select_n3A_922 : vector<1x32xi1>, vector<1x32xi32>
    %add3A_940 = arith.constant 8 : i32
    %add3A_941 = vector.broadcast %add3A_940 : i32 to vector<1x32xi32>
    %add3A_942 = arith.addi %select_n3A_939, %add3A_941 : vector<1x32xi32>
    %broadcast_in_dim3A_943 = vector.shape_cast %add3A_942 : vector<1x32xi32> to vector<1x32x1xi32>
    %broadcast_in_dim3A_944 = vector.shape_cast %broadcast_in_dim3A_943 : vector<1x32x1xi32> to vector<1x32x1xi32>
    %broadcast_in_dim3A_945 = vector.broadcast %broadcast_in_dim3A_944 : vector<1x32x1xi32> to vector<32x32x1024xi32>
    %ge3A_946 = arith.cmpi sge, %select_n3A_461, %broadcast_in_dim3A_945 : vector<32x32x1024xi32>
    %convert_element_type3A_947 = arith.extui %ge3A_946 : vector<32x32x1024xi1> to vector<32x32x1024xi32>
    %reduce_sum3A_948 = arith.constant dense<0> : vector<32x32xi32>
    %reduce_sum3A_949 = vector.multi_reduction <add>, %convert_element_type3A_947, %reduce_sum3A_948 [2] : vector<32x32x1024xi32> to vector<32x32xi32>
    %reduce_sum3A_950 = arith.constant dense<0> : vector<32xi32>
    %reduce_sum3A_951 = vector.multi_reduction <add>, %reduce_sum3A_949, %reduce_sum3A_950 [0] : vector<32x32xi32> to vector<32xi32>
    %broadcast_in_dim3A_952 = vector.shape_cast %reduce_sum3A_951 : vector<32xi32> to vector<1x32xi32>
    %ge3A_953 = arith.constant 8192 : i32
    %ge3A_954 = vector.broadcast %ge3A_953 : i32 to vector<1x32xi32>
    %ge3A_955 = arith.cmpi sge, %broadcast_in_dim3A_952, %ge3A_954 : vector<1x32xi32>
    %select_n3A_956 = arith.select %ge3A_955, %add3A_942, %select_n3A_939 : vector<1x32xi1>, vector<1x32xi32>
    %add3A_957 = arith.constant 4 : i32
    %add3A_958 = vector.broadcast %add3A_957 : i32 to vector<1x32xi32>
    %add3A_959 = arith.addi %select_n3A_956, %add3A_958 : vector<1x32xi32>
    %broadcast_in_dim3A_960 = vector.shape_cast %add3A_959 : vector<1x32xi32> to vector<1x32x1xi32>
    %broadcast_in_dim3A_961 = vector.shape_cast %broadcast_in_dim3A_960 : vector<1x32x1xi32> to vector<1x32x1xi32>
    %broadcast_in_dim3A_962 = vector.broadcast %broadcast_in_dim3A_961 : vector<1x32x1xi32> to vector<32x32x1024xi32>
    %ge3A_963 = arith.cmpi sge, %select_n3A_461, %broadcast_in_dim3A_962 : vector<32x32x1024xi32>
    %convert_element_type3A_964 = arith.extui %ge3A_963 : vector<32x32x1024xi1> to vector<32x32x1024xi32>
    %reduce_sum3A_965 = arith.constant dense<0> : vector<32x32xi32>
    %reduce_sum3A_966 = vector.multi_reduction <add>, %convert_element_type3A_964, %reduce_sum3A_965 [2] : vector<32x32x1024xi32> to vector<32x32xi32>
    %reduce_sum3A_967 = arith.constant dense<0> : vector<32xi32>
    %reduce_sum3A_968 = vector.multi_reduction <add>, %reduce_sum3A_966, %reduce_sum3A_967 [0] : vector<32x32xi32> to vector<32xi32>
    %broadcast_in_dim3A_969 = vector.shape_cast %reduce_sum3A_968 : vector<32xi32> to vector<1x32xi32>
    %ge3A_970 = arith.constant 8192 : i32
    %ge3A_971 = vector.broadcast %ge3A_970 : i32 to vector<1x32xi32>
    %ge3A_972 = arith.cmpi sge, %broadcast_in_dim3A_969, %ge3A_971 : vector<1x32xi32>
    %select_n3A_973 = arith.select %ge3A_972, %add3A_959, %select_n3A_956 : vector<1x32xi1>, vector<1x32xi32>
    %add3A_974 = arith.constant 2 : i32
    %add3A_975 = vector.broadcast %add3A_974 : i32 to vector<1x32xi32>
    %add3A_976 = arith.addi %select_n3A_973, %add3A_975 : vector<1x32xi32>
    %broadcast_in_dim3A_977 = vector.shape_cast %add3A_976 : vector<1x32xi32> to vector<1x32x1xi32>
    %broadcast_in_dim3A_978 = vector.shape_cast %broadcast_in_dim3A_977 : vector<1x32x1xi32> to vector<1x32x1xi32>
    %broadcast_in_dim3A_979 = vector.broadcast %broadcast_in_dim3A_978 : vector<1x32x1xi32> to vector<32x32x1024xi32>
    %ge3A_980 = arith.cmpi sge, %select_n3A_461, %broadcast_in_dim3A_979 : vector<32x32x1024xi32>
    %convert_element_type3A_981 = arith.extui %ge3A_980 : vector<32x32x1024xi1> to vector<32x32x1024xi32>
    %reduce_sum3A_982 = arith.constant dense<0> : vector<32x32xi32>
    %reduce_sum3A_983 = vector.multi_reduction <add>, %convert_element_type3A_981, %reduce_sum3A_982 [2] : vector<32x32x1024xi32> to vector<32x32xi32>
    %reduce_sum3A_984 = arith.constant dense<0> : vector<32xi32>
    %reduce_sum3A_985 = vector.multi_reduction <add>, %reduce_sum3A_983, %reduce_sum3A_984 [0] : vector<32x32xi32> to vector<32xi32>
    %broadcast_in_dim3A_986 = vector.shape_cast %reduce_sum3A_985 : vector<32xi32> to vector<1x32xi32>
    %ge3A_987 = arith.constant 8192 : i32
    %ge3A_988 = vector.broadcast %ge3A_987 : i32 to vector<1x32xi32>
    %ge3A_989 = arith.cmpi sge, %broadcast_in_dim3A_986, %ge3A_988 : vector<1x32xi32>
    %select_n3A_990 = arith.select %ge3A_989, %add3A_976, %select_n3A_973 : vector<1x32xi1>, vector<1x32xi32>
    %add3A_991 = arith.constant 1 : i32
    %add3A_992 = vector.broadcast %add3A_991 : i32 to vector<1x32xi32>
    %add3A_993 = arith.addi %select_n3A_990, %add3A_992 : vector<1x32xi32>
    %broadcast_in_dim3A_994 = vector.shape_cast %add3A_993 : vector<1x32xi32> to vector<1x32x1xi32>
    %broadcast_in_dim3A_995 = vector.shape_cast %broadcast_in_dim3A_994 : vector<1x32x1xi32> to vector<1x32x1xi32>
    %broadcast_in_dim3A_996 = vector.broadcast %broadcast_in_dim3A_995 : vector<1x32x1xi32> to vector<32x32x1024xi32>
    %ge3A_997 = arith.cmpi sge, %select_n3A_461, %broadcast_in_dim3A_996 : vector<32x32x1024xi32>
    %convert_element_type3A_998 = arith.extui %ge3A_997 : vector<32x32x1024xi1> to vector<32x32x1024xi32>
    %reduce_sum3A_999 = arith.constant dense<0> : vector<32x32xi32>
    %reduce_sum3A_1000 = vector.multi_reduction <add>, %convert_element_type3A_998, %reduce_sum3A_999 [2] : vector<32x32x1024xi32> to vector<32x32xi32>
    %reduce_sum3A_1001 = arith.constant dense<0> : vector<32xi32>
    %reduce_sum3A_1002 = vector.multi_reduction <add>, %reduce_sum3A_1000, %reduce_sum3A_1001 [0] : vector<32x32xi32> to vector<32xi32>
    %broadcast_in_dim3A_1003 = vector.shape_cast %reduce_sum3A_1002 : vector<32xi32> to vector<1x32xi32>
    %ge3A_1004 = arith.constant 8192 : i32
    %ge3A_1005 = vector.broadcast %ge3A_1004 : i32 to vector<1x32xi32>
    %ge3A_1006 = arith.cmpi sge, %broadcast_in_dim3A_1003, %ge3A_1005 : vector<1x32xi32>
    %select_n3A_1007 = arith.select %ge3A_1006, %add3A_993, %select_n3A_990 : vector<1x32xi1>, vector<1x32xi32>
    %broadcast_in_dim3A_1008 = vector.shape_cast %select_n3A_1007 : vector<1x32xi32> to vector<1x32xi32>
    %broadcast_in_dim3A_1009 = vector.broadcast %broadcast_in_dim3A_1008 : vector<1x32xi32> to vector<32x32xi32>
    %broadcast_in_dim3A_1010 = vector.shape_cast %broadcast_in_dim3A_1009 : vector<32x32xi32> to vector<32x32x1xi32>
    %broadcast_in_dim3A_1011 = vector.shape_cast %broadcast_in_dim3A_1010 : vector<32x32x1xi32> to vector<32x32x1xi32>
    %broadcast_in_dim3A_1012 = vector.broadcast %broadcast_in_dim3A_1011 : vector<32x32x1xi32> to vector<32x32x1024xi32>
    %ge3A_1013 = arith.cmpi sge, %select_n3A_461, %broadcast_in_dim3A_1012 : vector<32x32x1024xi32>
    %jit3A_1014 = arith.constant 0.000000e+00 : f32
    %broadcast_in_dim3A_1015 = vector.broadcast %jit3A_1014 : f32 to vector<32x32x1024xf32>
    %select_n3A_1016 = arith.select %ge3A_1013, %select_n3A_458, %broadcast_in_dim3A_1015 : vector<32x32x1024xi1>, vector<32x32x1024xf32>
    %swap3A = arith.constant 0 : index
    %swap3A_1017 = arith.constant 0 : index
    %swap3A_1018 = arith.constant 0 : index
    %swap3A_1019 = vector.load %arg2[%swap3A, %swap3A_1017, %swap3A_1018] : memref<32x32x1024xf32, #tpu.memory_space<vmem>>, vector<32x32x1024xf32>
    tpu.vector_store %arg2[%swap3A, %swap3A_1017, %swap3A_1018], %select_n3A_1016 {strides = array<i32>} : memref<32x32x1024xf32, #tpu.memory_space<vmem>>, vector<32x32x1024xf32>,
    return
  }
  func.func @transform_0(%arg0: i32) -> (i32, i32, i32) {
    %add3A = arith.constant 3 : i32
    %add3A_0 = arith.addi %arg0, %add3A : i32
    %c0_i32 = arith.constant 0 : i32
    %c0_i32_1 = arith.constant 0 : i32
    %c0_i32_2 = arith.constant 0 : i32
    return %c0_i32, %add3A_0, %c0_i32_1 : i32, i32, i32
  }
  func.func @transform_1(%arg0: i32) -> (i32, i32, i32) {
    %add3A = arith.constant 3 : i32
    %add3A_0 = arith.addi %arg0, %add3A : i32
    %c0_i32 = arith.constant 0 : i32
    %c0_i32_1 = arith.constant 0 : i32
    %c0_i32_2 = arith.constant 0 : i32
    return %c0_i32, %add3A_0, %c0_i32_1 : i32, i32, i32
  }
}

</mosaic_0001>

<sc_bundles>
// kernel: kernel.5.cloned.1.call-start
scs
__scs_entry_jumppad:
0x0: {  	(pc) =	sbr.rel $0x88, $3  }
0x1: {  	(tag) =	ssettag $0x0;
	lr =	simm.s32 $0x1  }
0x2: {  	[smem:$0x3FA0] =	sst lr;
	_ =	strace $0xD0000000  }
0x3: {  	_ = 	snop  }
0x4: {  	_ = 	snop  }
0x5: {  	_ = 	snop  }
0x6: {  	_ = 	snop  }
0x7: {  	_ = 	snop  }
__scs_overlays_trampoline_lowered:
0x8: {  	[smem:$0x3FAF] =	sst s0  }
0x9: {  	[smem:$0x3FB0] =	sst s1  }
0xa: {  	[smem:$0x3FB1] =	sst s2  }
0xb: {  	[smem:$0x3FB2] =	sst s3  }
0xc: {  	[smem:$0x3FB3] =	sst s4  }
0xd: {  	[smem:$0x3FB4] =	sst s5  }
0xe: {  	[smem:$0x3FB5] =	sst s6  }
0xf: {  	[smem:$0x3FB6] =	sst s7  }
0x10: {  	[smem:$0x3FB7] =	sst s8  }
0x11: {  	[smem:$0x3FB8] =	sst s9;
	s0 =	simm.s32 @!p0 $0x0  }
0x12: {  	s1 =	sld [smem:$0x3F9E];
	s0 =	simm.s32 @p0 $0x1  }
0x13: {  	[smem:$0x3FB9] =	sst s0;
	s0 =	simm.s32 @!p1 $0x0  }
0x14: {  	s2 =	sld [smem:$0x3F9D];
	s0 =	simm.s32 @p1 $0x1  }
0x15: {  	[smem:$0x3FBA] =	sst s0;
	s0 =	simm.s32 @!p2 $0x0  }
0x16: {  	s3 =	sld [smem:$0x3FDB];
	s0 =	simm.s32 @p2 $0x1  }
0x17: {  	s4 =	simm.s32 $0x1BF5;
	[smem:$0x3FBC] =	sst s0  }
0x18: {  	s0 =	sld [smem:$0x3F9F];
	_ =	swait.ge [sflag:s4], $0x0  }
0x19: {  	s7 =	sld [smem:$0x3FA0]  }
0x1a: {  	s8 =	sadd.s32 $0xFFFFE003, lr  }
0x1b: {  	s9 =	sadd.s32 $0xFFFFFEF7, lr;
	s5 =	simm.s32 $0xFFFFFFFF;
	p2 =	slt.u32 s8, $0xFFFFF086  }
0x1c: {  	p1 =	slt.u32 s9, $0xF7A;
	s5 =	simm.s32 @!p2 $0x0  }
0x1d: {  	s5 =	simm.s32 @p1 $0x1;
	p0 =	seq.s32 s7, s2  }
0x1e: {  	s7 =	smul.u32 @!p0 $0xF7A, s2;
	p2 =	seq.s32 @!p0 s5, $0x0  }
0x1f: {  	s9 =	smul.u32 $0xF7A, s1;
	s8 =	simm.s32 @!p0 $0x1BF5;
	p2 =	por !p2, p0  }
0x20: {  	[sflag:s8] =	ssyncset.s32 @!p0 $0xFFFFF086;
	s6 =	sadd.s32 @!p0 s3, s7;
	s7 =	simm.s32 @!p0 $0x108  }
0x21: {  	s3 =	sadd.s32 s3, s9;
	s6 =	sadd.s32 @!p0 $0x88, s6;
	s7 =	simm.s32 @p2 $0x1082  }
0x22: {  	[simem:s7], [sflag:s8] =	dma.local @!p0 [hbm:s6], $0xF7A  }
0x23: {  	s9 =	sor.u32 $0xD0000000, s2;
	s6 =	simm.s32 $0x108;
	_ =	swait.ge @!p0 [sflag:s8], $0x0  }
0x24: {  	s3 =	sadd.s32 $0x88, s3;
	s6 =	simm.s32 @!p1 $0x1082;
	[sflag:s4] =	ssyncset.s32 $0xFFFFF086  }
0x25: {  	[simem:s6], [sflag:s4] =	dma.local [hbm:s3], $0xF7A  }
0x26: {  	[smem:$0x3FA0] =	sst s1;
	(tag) =	ssettag s2;
	_ =	strace s9  }
0x27: {  	s1 =	sld [smem:$0x3FB0]  }
0x28: {  	s2 =	sld [smem:$0x3FB1]  }
0x29: {  	s4 =	sld [smem:$0x3FB3]  }
0x2a: {  	p0 =	seq.s32 s5, $0x0;
	s5 =	sld [smem:$0x3FB4]  }
0x2b: {  	s6 =	sld [smem:$0x3FB5]  }
0x2c: {  	s7 =	sld [smem:$0x3FB6]  }
0x2d: {  	s3 =	simm.s32 $0x108;
	s8 =	sld [smem:$0x3FB7]  }
0x2e: {  	s3 =	simm.s32 @!p0 $0x1082;
	s9 =	sld [smem:$0x3FB8]  }
0x2f: {  	lr =	sadd.s32 s0, s3;
	s0 =	sld [smem:$0x3FAF]  }
0x30: {  	s3 =	sld [smem:$0x3FB2]  }
0x31: {  	[smem:$0x3FBB] =	sst s10  }
0x32: {  	s10 =	sld [smem:$0x3FB9];
	_ =	sdelay $0x3  }
0x33: {  	p0 =	seq.s32 s10, $0x1;
	s10 =	sld [smem:$0x3FBB];
	_ =	sdelay $0x3  }
0x34: {  	[smem:$0x3FBB] =	sst s10  }
0x35: {  	s10 =	sld [smem:$0x3FBA];
	_ =	sdelay $0x3  }
0x36: {  	p1 =	seq.s32 s10, $0x1;
	s10 =	sld [smem:$0x3FBB];
	_ =	sdelay $0x3  }
0x37: {  	[smem:$0x3FBB] =	sst s10  }
0x38: {  	s10 =	sld [smem:$0x3FBC]  }
0x39: {  	_ = 	snop;
	(pc) =	sbr.ind lr, $3  }
0x3a: {  	_ = 	snop  }
0x3b: {  	_ = 	snop  }
0x3c: {  	p2 =	seq.s32 s10, $0x1;
	s10 =	sld [smem:$0x3FBB]  }
0x3d: {  	_ =	shalt  }
0x3e: {  	_ =	shalt  }
0x3f: {  	_ =	shalt  }
0x40: {  	_ =	shalt  }
0x41: {  	_ =	shalt  }
0x42: {  	_ =	shalt  }
0x43: {  	_ =	shalt  }
0x44: {  	_ =	shalt  }
0x45: {  	_ =	shalt  }
0x46: {  	_ =	shalt  }
0x47: {  	_ =	shalt  }
0x48: {  	_ =	shalt  }
0x49: {  	_ =	shalt  }
0x4a: {  	_ =	shalt  }
0x4b: {  	_ =	shalt  }
0x4c: {  	_ =	shalt  }
0x4d: {  	_ =	shalt  }
0x4e: {  	_ =	shalt  }
0x4f: {  	_ =	shalt  }
0x50: {  	_ =	shalt  }
0x51: {  	_ =	shalt  }
0x52: {  	_ =	shalt  }
0x53: {  	_ =	shalt  }
0x54: {  	_ =	shalt  }
0x55: {  	_ =	shalt  }
0x56: {  	_ =	shalt  }
0x57: {  	_ =	shalt  }
0x58: {  	_ =	shalt  }
0x59: {  	_ =	shalt  }
0x5a: {  	_ =	shalt  }
0x5b: {  	_ =	shalt  }
0x5c: {  	_ =	shalt  }
0x5d: {  	_ =	shalt  }
0x5e: {  	_ =	shalt  }
0x5f: {  	_ =	shalt  }
0x60: {  	_ =	shalt  }
0x61: {  	_ =	shalt  }
0x62: {  	_ =	shalt  }
0x63: {  	_ =	shalt  }
0x64: {  	_ =	shalt  }
0x65: {  	_ =	shalt  }
0x66: {  	_ =	shalt  }
0x67: {  	_ =	shalt  }
0x68: {  	_ =	shalt  }
0x69: {  	_ =	shalt  }
0x6a: {  	_ =	shalt  }
0x6b: {  	_ =	shalt  }
0x6c: {  	_ =	shalt  }
0x6d: {  	_ =	shalt  }
0x6e: {  	_ =	shalt  }
0x6f: {  	_ =	shalt  }
0x70: {  	_ =	shalt  }
0x71: {  	_ =	shalt  }
0x72: {  	_ =	shalt  }
0x73: {  	_ =	shalt  }
0x74: {  	_ =	shalt  }
0x75: {  	_ =	shalt  }
0x76: {  	_ =	shalt  }
0x77: {  	_ =	shalt  }
0x78: {  	_ =	shalt  }
0x79: {  	_ =	shalt  }
0x7a: {  	_ =	shalt  }
0x7b: {  	_ =	shalt  }
0x7c: {  	_ =	shalt  }
0x7d: {  	_ =	shalt  }
0x7e: {  	_ =	shalt  }
0x7f: {  	_ =	shalt  }
0x80: {  	_ =	shalt  }
0x81: {  	_ =	shalt  }
0x82: {  	_ =	shalt  }
0x83: {  	_ =	shalt  }
0x84: {  	_ =	shalt  }
0x85: {  	_ =	shalt  }
0x86: {  	_ =	shalt  }
0x87: {  	_ =	shalt  }
.Lfunc_end0:
.L_simem_size_0:
called_computation_lowered:
.L_overlay_start_0:
0x88: {  	s2 =	sld [smem:$0x3FD9]  }
0x89: {  	s3 =	sld [smem:$0x3FFE];
	_ =	sdelay $0x1  }
0x8a: {  	s1 =	srdreg.scid  }
0x8b: {  	s0 =	sand.u32 $0x1, s1  }
0x8c: {  	s17 =	sshll.u32 s0, $0xA;
	s2 =	sadd.s32 s3, s2  }
0x8d: {  	s2 =	sadd.s32 s2, s17  }
0x8e: {  	[smem:$0x3FC7] =	sst s2  }
0x8f: {  	_ = 	snop  }
0x90: {  	s2 =	sld [smem:$0x3FD0];
	(tm) =	ssettm $0x1  }
0x91: {  	s18 =	sld [smem:$0x3FFB];
	_ =	sdelay $0x3  }
0x92: {  	_ =	strace s18  }
0x93: {  	s3 =	sld [smem:$0x3FFC];
	_ =	sdelay $0x3  }
0x94: {  	_ =	strace s3  }
0x95: {  	s3 =	sld [smem:$0x3FFD];
	_ =	sdelay $0x3  }
0x96: {  	_ =	strace s3  }
0x97: {  	_ =	strace $0x8FFFFFFF  }
0x98: {  	s19 =	sld [smem:$0x3FDB];
	_ =	sdelay $0x1  }
0x99: {  	s4 =	simm.s32 $_scs_section_size  }
0x9a: {  	s5 =	simm.s32 $_size__tile_overlayer_lowered;
	s6 =	simm.s32 $_tile_overlayer_lowered  }
0x9b: {  	s22 =	simm.s32 $0x1BFF;
	s21 =	sshll.u32 s6, $0x1;
	s3 =	sadd.s32 s4, s19  }
0x9c: {  	s7 =	simm.s32 $0x0;
	s20 =	sshll.u32 s5, $0x1;
	s5 =	sadd.s32 s21, s3  }
0x9d: {  	[timem:s7], [sflag:s22] =	dma.local [hbm:s5], s20  }
0x9e: {  	_ =	swait.ge [sflag:s22], s20  }
0x9f: {  	s4 =	ssub.s32 $0x0, s20;
	[sflag:s22] =	ssyncset.done $0x0  }
0xa0: {  	[sflag:s22] =	ssyncadd.s32 s4;
	_ =	sdelay $0x1  }
0xa1: {  	s23 =	simm.s32 $0x1B8B  }
0xa2: {  	_ =	swait.ge [sflag:s23], $0x1  }
0xa3: {  	[sflag:s23] =	ssyncset.done $0x0  }
0xa4: {  	s25 =	simm.s32 $0x1B8E;
	s24 =	sld [smem:$0x3FFE];
	[sflag:s23] =	ssyncadd.s32 $0xFFFFFFFF  }
0xa5: {  	s26 =	simm.s32 $execute0_lowered;
	[smem:$0x3FD2] =	sst s25  }
0xa6: {  	s5 =	sshll.u32 s26, $0x1;
	_ =	strace $0x80000046;
	[dreg:$0x1] =	wrdreg $0xFFFFFFFF  }
0xa7: {  	s28 =	simm.s32 $_size_execute0_lowered;
	s3 =	sadd.s32 s3, s5;
	[dreg:$0x0] =	wrdreg $0x0  }
0xa8: {  	s5 =	sshll.u32 s28, $0x1;
	[dreg:$0x2] =	wrdreg s3  }
0xa9: {  	[dreg:$0x3] =	wrdreg s5  }
0xaa: {  	[dreg:$0x4] =	wrdreg $0xC0  }
0xab: {  	_ =	task [dreg:s7], $0x5FFFF  }
0xac: {  	[dreg:$0x1] =	wrdreg $0xFFFFFFFF  }
0xad: {  	[dreg:$0x0] =	wrdreg $0x60  }
0xae: {  	[dreg:$0x2] =	wrdreg s2  }
0xaf: {  	[dreg:$0x3] =	wrdreg s24  }
0xb0: {  	[dreg:$0x4] =	wrdreg $0x9  }
0xb1: {  	_ =	task.clear_ibuf [dreg:s7], $0x5FFFF;
	_ =	strace $0x90000046  }
0xb2: {  	s29 =	simm.s32 $0x9;
	_ =	strace $0x80000048  }
0xb3: {  	_ =	swait.ge [sflag:s29], $0x1  }
0xb4: {  	[sflag:s29] =	ssyncadd.s32 $0xFFFFFFFF  }
0xb5: {  	_ =	strace $0x90000048  }
0xb6: {  	_ =	sfence  }
0xb7: {  	s30 =	sld [smem:$0x0];
	_ =	sdelay $0x2  }
0xb8: {  	s31 =	sshll.u32 s1, $0xD;
	s1 =	sshrl.u32 s1, $0x2  }
0xb9: {  	s3 =	sand.u32 $0x4000, s31;
	s1 =	sadd.s32 s1, s30  }
0xba: {  	s0 =	sor.u32 s3, s0;
	s1 =	sshll.u32 s1, $0x11  }
0xbb: {  	s0 =	sor.u32 s1, s0  }
0xbc: {  	s0 =	sadd.s32 $0x8F2B, s0  }
0xbd: {  	[sflag:s0] =	ssyncadd.remote.s32 $0x1  }
0xbe: {  	_ =	sfence.sel $0xFFFF  }
0xbf: {  	[dreg:$0x0] =	wrdreg $0xFFFFFFFF;
	(pc) =	sbr.abs _section_cstart, $3  }
0xc0: {  	[dreg:$0x1] =	wrdreg $0xFFFFFFFF  }
0xc1: {  	_ =	task.clear_ibuf [dreg:s7], $0x2FFFF;
	_ =	strace $0x9FFFFFFF  }
0xc2: {  	(tm) =	ssettm $0x7FFFFFFF  }
0xc3: {  	_ =	shalt  }
tec
execute0_lowered:
.L_overlay_start_1:
0x0: {  	(tag) =	ssettag $0x1  }
0x1: {  	s1 =	rddreg [dreg:$0x0]  }
0x2: {  	s0 =	rddreg [dreg:$0x1]  }
0x3: {  	s2 =	srdreg.scid;
	s3 =	simm.s32 $0x0;
	s4 =	stileid.u32  }
0x4: {  	s7 =	simm.s32 $0x80;
	s8 =	simm.s32 $0x400;
	s28 =	simm.s32 $0xC00  }
0x5: {  	s29 =	simm.s32 $0x1000;
	s30 =	simm.s32 $0x1400;
	s9 =	simm.s32 $0x7400  }
0x6: {  	s10 =	simm.s32 $0x7800;
	s11 =	simm.s32 $0x7C00;
	s12 =	simm.s32 $0x1  }
0x7: {  	s2 =	sand.u32 $0x1, s2;
	[smem:$0x7FF] =	sst s3;
	s6 =	sshll.u32 s4, $0x1  }
0x8: {  	s4 =	sadd.s32 $0x600, s0;
	s26 =	ssub.s32 $0x2, s2;
	s2 =	sor.u32 s2, s6  }
0x9: {  	s3 =	simm.s32 $0x6C00;
	s5 =	sshrl.u32 s26, $0x1;
	s2 =	smul.u32 $0x3, s2  }
0xa: {  	_ =	strace $0x80000047;
	s6 =	simm.s32 $0x6800;
	s31 =	ssub.s32 s26, s5  }
0xb: {  	s26 =	simm.s32 $0x800;
	[dreg:$0x3] =	wrdreg s2;
	s0 =	smax.u32 s31, $0x1  }
0xc: {  	v0 =	vimm.s32 $0x1;
	v1 =	vimm.s32 $0x0;
	s5 =	simm.s32 $0x7000;
	s2 =	simm.s32 $0x0;
	[dreg:$0x4] =	wrdreg s0  }
.LBB2_1:
0xd: {  	[dreg:$0x5] =	wrdreg s2;
	s13 =	simm.s32 $0x0  }
.LBB2_2:
0xe: {  	s0 =	rddreg [dreg:$0x3]  }
0xf: {  	s14 =	sadd.s32 s0, s13  }
0x10: {  	s15 =	sshll.u32 s14, $0xA;
	s14 =	sshll.u32 s14, $0x7  }
0x11: {  	s21 =	sand.u32 $0x7FFFE000, s15;
	s22 =	sand.u32 $0x380, s14  }
0x12: {  	s25 =	sor.u32 s22, s21  }
0x13: {  	s24 =	simm.s32 $0x0;
	s23 =	sshrl.u32 s25, $0x3;
	s2 =	sadd.s32 $0x60000, s25  }
0x14: {  	s15 =	sadd.s32 $0xC0000, s25;
	s0 =	sadd.s32 s1, s23;
	s20 =	sshrl.u32 s2, $0x3  }
0x15: {  	[tilespmem:s24], [sflag:$0x1] =	stream.strided.gather [hbm4b:s0+s7], $0x400, s8, s7, $0x38;
	[tilespmem:$0x10000] =	vst v63  }
0x16: {  	s16 =	sadd.s32 $0x120000, s25;
	s19 =	sshrl.u32 s15, $0x3;
	s14 =	sadd.s32 s1, s20  }
0x17: {  	[tilespmem:s8], [sflag:$0x1] =	stream.strided.gather [hbm4b:s14+s7], $0x400, s8, s7, $0x38;
	[tilespmem:$0x10000] =	vst v63  }
0x18: {  	s17 =	sadd.s32 $0x180000, s25;
	s18 =	sshrl.u32 s16, $0x3;
	s14 =	sadd.s32 s1, s19  }
0x19: {  	[tilespmem:s26], [sflag:$0x1] =	stream.strided.gather [hbm4b:s14+s7], $0x400, s8, s7, $0x38;
	[tilespmem:$0x10000] =	vst v63  }
0x1a: {  	s17 =	sshrl.u32 s17, $0x3;
	s14 =	sadd.s32 s1, s18  }
0x1b: {  	[tilespmem:s28], [sflag:$0x1] =	stream.strided.gather [hbm4b:s14+s7], $0x400, s8, s7, $0x38;
	[tilespmem:$0x10000] =	vst v63  }
0x1c: {  	s26 =	sadd.s32 $0x1E0000, s25;
	s14 =	sadd.s32 s1, s17  }
0x1d: {  	[tilespmem:s29], [sflag:$0x1] =	stream.strided.gather [hbm4b:s14+s7], $0x400, s8, s7, $0x38;
	[tilespmem:$0x10000] =	vst v63  }
0x1e: {  	s16 =	sshrl.u32 s26, $0x3;
	s29 =	sadd.s32 $0x240000, s25  }
0x1f: {  	s14 =	sadd.s32 s1, s16;
	s15 =	sshrl.u32 s29, $0x3  }
0x20: {  	[tilespmem:s30], [sflag:$0x1] =	stream.strided.gather [hbm4b:s14+s7], $0x400, s8, s7, $0x38;
	[tilespmem:$0x10000] =	vst v63  }
0x21: {  	s0 =	simm.s32 $0x1800;
	s14 =	sadd.s32 s1, s15;
	s30 =	sadd.s32 $0x2A0000, s25  }
0x22: {  	[tilespmem:s0], [sflag:$0x1] =	stream.strided.gather [hbm4b:s14+s7], $0x400, s8, s7, $0x38;
	[tilespmem:$0x10000] =	vst v63  }
0x23: {  	s29 =	sadd.s32 $0x300000, s25;
	s14 =	sshrl.u32 s30, $0x3  }
0x24: {  	s31 =	simm.s32 $0x1C00;
	s26 =	sshrl.u32 s29, $0x3;
	s0 =	sadd.s32 s1, s14  }
0x25: {  	[tilespmem:s31], [sflag:$0x1] =	stream.strided.gather [hbm4b:s0+s7], $0x400, s8, s7, $0x38;
	[tilespmem:$0x10000] =	vst v63  }
0x26: {  	s2 =	simm.s32 $0x2000;
	s26 =	sadd.s32 s1, s26;
	s31 =	sadd.s32 $0x360000, s25  }
0x27: {  	[tilespmem:s2], [sflag:$0x1] =	stream.strided.gather [hbm4b:s26+s7], $0x400, s8, s7, $0x38;
	[tilespmem:$0x10000] =	vst v63  }
0x28: {  	s26 =	sshrl.u32 s31, $0x3  }
0x29: {  	s29 =	sadd.s32 $0x3C0000, s25;
	s30 =	simm.s32 $0x2400;
	s26 =	sadd.s32 s1, s26  }
0x2a: {  	[tilespmem:s30], [sflag:$0x1] =	stream.strided.gather [hbm4b:s26+s7], $0x400, s8, s7, $0x38;
	[tilespmem:$0x10000] =	vst v63  }
0x2b: {  	s26 =	sshrl.u32 s29, $0x3  }
0x2c: {  	s2 =	simm.s32 $0x2800;
	s31 =	sadd.s32 $0x420000, s25;
	s26 =	sadd.s32 s1, s26  }
0x2d: {  	[tilespmem:s2], [sflag:$0x1] =	stream.strided.gather [hbm4b:s26+s7], $0x400, s8, s7, $0x38;
	[tilespmem:$0x10000] =	vst v63  }
0x2e: {  	s26 =	sshrl.u32 s31, $0x3  }
0x2f: {  	s30 =	simm.s32 $0x2C00;
	s29 =	sadd.s32 $0x480000, s25;
	s26 =	sadd.s32 s1, s26  }
0x30: {  	[tilespmem:s30], [sflag:$0x1] =	stream.strided.gather [hbm4b:s26+s7], $0x400, s8, s7, $0x38;
	[tilespmem:$0x10000] =	vst v63  }
0x31: {  	s26 =	sshrl.u32 s29, $0x3  }
0x32: {  	s2 =	simm.s32 $0x3000;
	s31 =	sadd.s32 $0x4E0000, s25;
	s26 =	sadd.s32 s1, s26  }
0x33: {  	[tilespmem:s2], [sflag:$0x1] =	stream.strided.gather [hbm4b:s26+s7], $0x400, s8, s7, $0x38;
	[tilespmem:$0x10000] =	vst v63  }
0x34: {  	s26 =	sshrl.u32 s31, $0x3  }
0x35: {  	s30 =	simm.s32 $0x3400;
	s29 =	sadd.s32 $0x540000, s25;
	s26 =	sadd.s32 s1, s26  }
0x36: {  	[tilespmem:s30], [sflag:$0x1] =	stream.strided.gather [hbm4b:s26+s7], $0x400, s8, s7, $0x38;
	[tilespmem:$0x10000] =	vst v63  }
0x37: {  	s26 =	sshrl.u32 s29, $0x3  }
0x38: {  	s2 =	simm.s32 $0x3800;
	s31 =	sadd.s32 $0x5A0000, s25;
	s26 =	sadd.s32 s1, s26  }
0x39: {  	[tilespmem:s2], [sflag:$0x1] =	stream.strided.gather [hbm4b:s26+s7], $0x400, s8, s7, $0x38;
	[tilespmem:$0x10000] =	vst v63  }
0x3a: {  	s26 =	sshrl.u32 s31, $0x3  }
0x3b: {  	s30 =	simm.s32 $0x3C00;
	s29 =	sadd.s32 $0x600000, s25;
	s26 =	sadd.s32 s1, s26  }
0x3c: {  	[tilespmem:s30], [sflag:$0x1] =	stream.strided.gather [hbm4b:s26+s7], $0x400, s8, s7, $0x38;
	[tilespmem:$0x10000] =	vst v63  }
0x3d: {  	s26 =	sshrl.u32 s29, $0x3  }
0x3e: {  	s2 =	simm.s32 $0x4000;
	s31 =	sadd.s32 $0x660000, s25;
	s26 =	sadd.s32 s1, s26  }
0x3f: {  	[tilespmem:s2], [sflag:$0x1] =	stream.strided.gather [hbm4b:s26+s7], $0x400, s8, s7, $0x38;
	[tilespmem:$0x10000] =	vst v63  }
0x40: {  	s26 =	sshrl.u32 s31, $0x3  }
0x41: {  	s30 =	simm.s32 $0x4400;
	s29 =	sadd.s32 $0x6C0000, s25;
	s26 =	sadd.s32 s1, s26  }
0x42: {  	[tilespmem:s30], [sflag:$0x1] =	stream.strided.gather [hbm4b:s26+s7], $0x400, s8, s7, $0x38;
	[tilespmem:$0x10000] =	vst v63  }
0x43: {  	s26 =	sshrl.u32 s29, $0x3  }
0x44: {  	s2 =	simm.s32 $0x4800;
	s31 =	sadd.s32 $0x720000, s25;
	s26 =	sadd.s32 s1, s26  }
0x45: {  	[tilespmem:s2], [sflag:$0x1] =	stream.strided.gather [hbm4b:s26+s7], $0x400, s8, s7, $0x38;
	[tilespmem:$0x10000] =	vst v63  }
0x46: {  	s26 =	sshrl.u32 s31, $0x3  }
0x47: {  	s30 =	simm.s32 $0x4C00;
	s29 =	sadd.s32 $0x780000, s25;
	s26 =	sadd.s32 s1, s26  }
0x48: {  	[tilespmem:s30], [sflag:$0x1] =	stream.strided.gather [hbm4b:s26+s7], $0x400, s8, s7, $0x38;
	[tilespmem:$0x10000] =	vst v63  }
0x49: {  	s26 =	sshrl.u32 s29, $0x3  }
0x4a: {  	s2 =	simm.s32 $0x5000;
	s31 =	sadd.s32 $0x7E0000, s25;
	s26 =	sadd.s32 s1, s26  }
0x4b: {  	[tilespmem:s2], [sflag:$0x1] =	stream.strided.gather [hbm4b:s26+s7], $0x400, s8, s7, $0x38;
	[tilespmem:$0x10000] =	vst v63  }
0x4c: {  	s26 =	sshrl.u32 s31, $0x3  }
0x4d: {  	s30 =	simm.s32 $0x5400;
	s29 =	sadd.s32 $0x840000, s25;
	s26 =	sadd.s32 s1, s26  }
0x4e: {  	[tilespmem:s30], [sflag:$0x1] =	stream.strided.gather [hbm4b:s26+s7], $0x400, s8, s7, $0x38;
	[tilespmem:$0x10000] =	vst v63  }
0x4f: {  	s26 =	sshrl.u32 s29, $0x3  }
0x50: {  	s2 =	simm.s32 $0x5800;
	s31 =	sadd.s32 $0x8A0000, s25;
	s26 =	sadd.s32 s1, s26  }
0x51: {  	[tilespmem:s2], [sflag:$0x1] =	stream.strided.gather [hbm4b:s26+s7], $0x400, s8, s7, $0x38;
	[tilespmem:$0x10000] =	vst v63  }
0x52: {  	s26 =	sshrl.u32 s31, $0x3  }
0x53: {  	s30 =	simm.s32 $0x5C00;
	s29 =	sadd.s32 $0x900000, s25;
	s26 =	sadd.s32 s1, s26  }
0x54: {  	[tilespmem:s30], [sflag:$0x1] =	stream.strided.gather [hbm4b:s26+s7], $0x400, s8, s7, $0x38;
	[tilespmem:$0x10000] =	vst v63  }
0x55: {  	s26 =	sshrl.u32 s29, $0x3  }
0x56: {  	s2 =	simm.s32 $0x6000;
	s31 =	sadd.s32 $0x960000, s25;
	s26 =	sadd.s32 s1, s26  }
0x57: {  	[tilespmem:s2], [sflag:$0x1] =	stream.strided.gather [hbm4b:s26+s7], $0x400, s8, s7, $0x38;
	[tilespmem:$0x10000] =	vst v63  }
0x58: {  	s26 =	sshrl.u32 s31, $0x3  }
0x59: {  	s0 =	sadd.s32 $0x9C0000, s25;
	s30 =	simm.s32 $0x6400;
	s26 =	sadd.s32 s1, s26  }
0x5a: {  	[tilespmem:s30], [sflag:$0x1] =	stream.strided.gather [hbm4b:s26+s7], $0x400, s8, s7, $0x38;
	[tilespmem:$0x10000] =	vst v63  }
0x5b: {  	s26 =	sshrl.u32 s0, $0x3  }
0x5c: {  	s2 =	sadd.s32 $0xA20000, s25;
	s26 =	sadd.s32 s1, s26  }
0x5d: {  	[tilespmem:s6], [sflag:$0x1] =	stream.strided.gather [hbm4b:s26+s7], $0x400, s8, s7, $0x38;
	[tilespmem:$0x10000] =	vst v63  }
0x5e: {  	s26 =	sshrl.u32 s2, $0x3  }
0x5f: {  	s29 =	sadd.s32 $0xA80000, s25;
	s26 =	sadd.s32 s1, s26  }
0x60: {  	[tilespmem:s3], [sflag:$0x1] =	stream.strided.gather [hbm4b:s26+s7], $0x400, s8, s7, $0x38;
	[tilespmem:$0x10000] =	vst v63  }
0x61: {  	s26 =	sshrl.u32 s29, $0x3  }
0x62: {  	s30 =	sadd.s32 $0xAE0000, s25;
	s26 =	sadd.s32 s1, s26  }
0x63: {  	[tilespmem:s5], [sflag:$0x1] =	stream.strided.gather [hbm4b:s26+s7], $0x400, s8, s7, $0x38;
	[tilespmem:$0x10000] =	vst v63  }
0x64: {  	s26 =	sshrl.u32 s30, $0x3  }
0x65: {  	s31 =	sadd.s32 $0xB40000, s25;
	s26 =	sadd.s32 s1, s26  }
0x66: {  	[tilespmem:s9], [sflag:$0x1] =	stream.strided.gather [hbm4b:s26+s7], $0x400, s8, s7, $0x38;
	[tilespmem:$0x10000] =	vst v63  }
0x67: {  	s25 =	sadd.s32 $0xBA0000, s25;
	s26 =	sshrl.u32 s31, $0x3  }
0x68: {  	s25 =	sshrl.u32 s25, $0x3;
	s26 =	sadd.s32 s1, s26  }
0x69: {  	[tilespmem:s10], [sflag:$0x1] =	stream.strided.gather [hbm4b:s26+s7], $0x400, s8, s7, $0x38;
	[tilespmem:$0x10000] =	vst v63  }
0x6a: {  	s25 =	sadd.s32 s1, s25  }
0x6b: {  	[tilespmem:s11], [sflag:$0x1] =	stream.strided.gather [hbm4b:s25+s7], $0x400, s8, s7, $0x38;
	[tilespmem:$0x10000] =	vst v63  }
0x6c: {  	_ =	swait.ge [sflag:s12], $0x400  }
0x6d: {  	[sflag:s12] =	ssyncset.done $0x0  }
0x6e: {  	[sflag:s12] =	ssyncadd.s32 $0xFFFFFC00  }
0x6f: {  	_ =	swait.ge [sflag:s12], $0x400  }
0x70: {  	[sflag:s12] =	ssyncset.done $0x0  }
0x71: {  	[sflag:s12] =	ssyncadd.s32 $0xFFFFFC00  }
0x72: {  	_ =	swait.ge [sflag:s12], $0x400  }
0x73: {  	[sflag:s12] =	ssyncset.done $0x0  }
0x74: {  	[sflag:s12] =	ssyncadd.s32 $0xFFFFFC00  }
0x75: {  	_ =	swait.ge [sflag:s12], $0x400  }
0x76: {  	[sflag:s12] =	ssyncset.done $0x0  }
0x77: {  	[sflag:s12] =	ssyncadd.s32 $0xFFFFFC00  }
0x78: {  	_ =	swait.ge [sflag:s12], $0x400  }
0x79: {  	[sflag:s12] =	ssyncset.done $0x0  }
0x7a: {  	[sflag:s12] =	ssyncadd.s32 $0xFFFFFC00  }
0x7b: {  	_ =	swait.ge [sflag:s12], $0x400  }
0x7c: {  	[sflag:s12] =	ssyncset.done $0x0  }
0x7d: {  	[sflag:s12] =	ssyncadd.s32 $0xFFFFFC00  }
0x7e: {  	_ =	swait.ge [sflag:s12], $0x400  }
0x7f: {  	[sflag:s12] =	ssyncset.done $0x0  }
0x80: {  	[sflag:s12] =	ssyncadd.s32 $0xFFFFFC00  }
0x81: {  	_ =	swait.ge [sflag:s12], $0x400  }
0x82: {  	[sflag:s12] =	ssyncset.done $0x0  }
0x83: {  	[sflag:s12] =	ssyncadd.s32 $0xFFFFFC00  }
0x84: {  	_ =	swait.ge [sflag:s12], $0x400  }
0x85: {  	[sflag:s12] =	ssyncset.done $0x0  }
0x86: {  	[sflag:s12] =	ssyncadd.s32 $0xFFFFFC00  }
0x87: {  	_ =	swait.ge [sflag:s12], $0x400  }
0x88: {  	[sflag:s12] =	ssyncset.done $0x0  }
0x89: {  	[sflag:s12] =	ssyncadd.s32 $0xFFFFFC00  }
0x8a: {  	_ =	swait.ge [sflag:s12], $0x400  }
0x8b: {  	[sflag:s12] =	ssyncset.done $0x0  }
0x8c: {  	[sflag:s12] =	ssyncadd.s32 $0xFFFFFC00  }
0x8d: {  	_ =	swait.ge [sflag:s12], $0x400  }
0x8e: {  	[sflag:s12] =	ssyncset.done $0x0  }
0x8f: {  	[sflag:s12] =	ssyncadd.s32 $0xFFFFFC00  }
0x90: {  	_ =	swait.ge [sflag:s12], $0x400  }
0x91: {  	[sflag:s12] =	ssyncset.done $0x0  }
0x92: {  	[sflag:s12] =	ssyncadd.s32 $0xFFFFFC00  }
0x93: {  	_ =	swait.ge [sflag:s12], $0x400  }
0x94: {  	[sflag:s12] =	ssyncset.done $0x0  }
0x95: {  	[sflag:s12] =	ssyncadd.s32 $0xFFFFFC00  }
0x96: {  	_ =	swait.ge [sflag:s12], $0x400  }
0x97: {  	[sflag:s12] =	ssyncset.done $0x0  }
0x98: {  	[sflag:s12] =	ssyncadd.s32 $0xFFFFFC00  }
0x99: {  	_ =	swait.ge [sflag:s12], $0x400  }
0x9a: {  	[sflag:s12] =	ssyncset.done $0x0  }
0x9b: {  	[sflag:s12] =	ssyncadd.s32 $0xFFFFFC00  }
0x9c: {  	_ =	swait.ge [sflag:s12], $0x400  }
0x9d: {  	[sflag:s12] =	ssyncset.done $0x0  }
0x9e: {  	[sflag:s12] =	ssyncadd.s32 $0xFFFFFC00  }
0x9f: {  	_ =	swait.ge [sflag:s12], $0x400  }
0xa0: {  	[sflag:s12] =	ssyncset.done $0x0  }
0xa1: {  	[sflag:s12] =	ssyncadd.s32 $0xFFFFFC00  }
0xa2: {  	_ =	swait.ge [sflag:s12], $0x400  }
0xa3: {  	[sflag:s12] =	ssyncset.done $0x0  }
0xa4: {  	[sflag:s12] =	ssyncadd.s32 $0xFFFFFC00  }
0xa5: {  	_ =	swait.ge [sflag:s12], $0x400  }
0xa6: {  	[sflag:s12] =	ssyncset.done $0x0  }
0xa7: {  	[sflag:s12] =	ssyncadd.s32 $0xFFFFFC00  }
0xa8: {  	_ =	swait.ge [sflag:s12], $0x400  }
0xa9: {  	[sflag:s12] =	ssyncset.done $0x0  }
0xaa: {  	[sflag:s12] =	ssyncadd.s32 $0xFFFFFC00  }
0xab: {  	_ =	swait.ge [sflag:s12], $0x400  }
0xac: {  	[sflag:s12] =	ssyncset.done $0x0  }
0xad: {  	[sflag:s12] =	ssyncadd.s32 $0xFFFFFC00  }
0xae: {  	_ =	swait.ge [sflag:s12], $0x400  }
0xaf: {  	[sflag:s12] =	ssyncset.done $0x0  }
0xb0: {  	[sflag:s12] =	ssyncadd.s32 $0xFFFFFC00  }
0xb1: {  	_ =	swait.ge [sflag:s12], $0x400  }
0xb2: {  	[sflag:s12] =	ssyncset.done $0x0  }
0xb3: {  	[sflag:s12] =	ssyncadd.s32 $0xFFFFFC00  }
0xb4: {  	_ =	swait.ge [sflag:s12], $0x400  }
0xb5: {  	[sflag:s12] =	ssyncset.done $0x0  }
0xb6: {  	[sflag:s12] =	ssyncadd.s32 $0xFFFFFC00  }
0xb7: {  	_ =	swait.ge [sflag:s12], $0x400  }
0xb8: {  	[sflag:s12] =	ssyncset.done $0x0  }
0xb9: {  	[sflag:s12] =	ssyncadd.s32 $0xFFFFFC00  }
0xba: {  	_ =	swait.ge [sflag:s12], $0x400  }
0xbb: {  	[sflag:s12] =	ssyncset.done $0x0  }
0xbc: {  	[sflag:s12] =	ssyncadd.s32 $0xFFFFFC00  }
0xbd: {  	_ =	swait.ge [sflag:s12], $0x400  }
0xbe: {  	[sflag:s12] =	ssyncset.done $0x0  }
0xbf: {  	[sflag:s12] =	ssyncadd.s32 $0xFFFFFC00  }
0xc0: {  	_ =	swait.ge [sflag:s12], $0x400  }
0xc1: {  	[sflag:s12] =	ssyncset.done $0x0  }
0xc2: {  	[sflag:s12] =	ssyncadd.s32 $0xFFFFFC00  }
0xc3: {  	_ =	swait.ge [sflag:s12], $0x400  }
0xc4: {  	[sflag:s12] =	ssyncset.done $0x0  }
0xc5: {  	[sflag:s12] =	ssyncadd.s32 $0xFFFFFC00  }
0xc6: {  	_ =	swait.ge [sflag:s12], $0x400  }
0xc7: {  	[sflag:s12] =	ssyncset.done $0x0  }
0xc8: {  	[sflag:s12] =	ssyncadd.s32 $0xFFFFFC00  }
0xc9: {  	_ =	swait.ge [sflag:s12], $0x400  }
0xca: {  	[sflag:s12] =	ssyncset.done $0x0  }
0xcb: {  	s26 =	simm.s32 $0x0;
	[sflag:s12] =	ssyncadd.s32 $0xFFFFFC00  }
0xcc: {  	v4 =	vld [tilespmem:s26+$0x70]  }
0xcd: {  	v8 =	vld [tilespmem:s26+$0x0]  }
0xce: {  	v7 =	vld [tilespmem:s26+$0x10]  }
0xcf: {  	v6 =	vld [tilespmem:s26+$0x20]  }
0xd0: {  	v5 =	vld [tilespmem:s26+$0x30]  }
0xd1: {  	v2 =	vld [tilespmem:s26+$0x40];
	v9 =	vsub.s32 $0x80000000, v4;
	vm0 =	vlt.s32 v4, $0x0  }
0xd2: {  	v3 =	vld [tilespmem:s26+$0x50];
	v10 =	vsub.s32 $0x80000000, v8;
	vm1 =	vlt.s32 v8, $0x0;
	v11 =	vsel vm0, v9, v4  }
0xd3: {  	s28 =	simm.s32 $0x400;
	s25 =	simm.s32 $0x80;
	v4 =	vld [tilespmem:s26+$0x60];
	v8 =	vsel vm1, v10, v8;
	v9 =	vsub.s32 $0x80000000, v7;
	vm0 =	vlt.s32 v7, $0x0;
	[tilespmem:s26+$0x8070] =	vst v11  }
.LBB2_3:
0xd4: {  	p0 =	sne.s32 s28, $0x1FE00;
	v10 =	vld [tilespmem:s25+$0x70];
	[tilespmem:s26+$0x8000] =	vst v8;
	v7 =	vsel vm0, v9, v7;
	v8 =	vsub.s32 $0x80000000, v6;
	vm0 =	vlt.s32 v6, $0x0  }
0xd5: {  	v9 =	vld [tilespmem:s25+$0x0];
	[tilespmem:s26+$0x8010] =	vst v7;
	v6 =	vsel vm0, v8, v6;
	v8 =	vsub.s32 $0x80000000, v5;
	vm0 =	vlt.s32 v5, $0x0  }
0xd6: {  	v7 =	vld [tilespmem:s25+$0x10];
	[tilespmem:s26+$0x8020] =	vst v6;
	v5 =	vsel vm0, v8, v5;
	v8 =	vsub.s32 $0x80000000, v2;
	vm0 =	vlt.s32 v2, $0x0  }
.Ltmp0:
0xd7: {  	v6 =	vld [tilespmem:s25+$0x20];
	[tilespmem:s26+$0x8030] =	vst v5;
	v2 =	vsel vm0, v8, v2;
	v8 =	vsub.s32 $0x80000000, v3;
	vm0 =	vlt.s32 v3, $0x0;
	(pc) =	sbr.rel @p0 .LBB2_3-.Ltmp0, $4  }
0xd8: {  	v5 =	vld [tilespmem:s25+$0x30];
	[tilespmem:s26+$0x8040] =	vst v2;
	v3 =	vsel vm0, v8, v3;
	v8 =	vsub.s32 $0x80000000, v4;
	vm0 =	vlt.s32 v4, $0x0  }
0xd9: {  	v2 =	vld [tilespmem:s25+$0x40];
	v11 =	vsub.s32 $0x80000000, v10;
	vm1 =	vlt.s32 v10, $0x0;
	[tilespmem:s26+$0x8050] =	vst v3;
	v4 =	vsel vm0, v8, v4  }
0xda: {  	v8 =	vsub.s32 $0x80000000, v9;
	vm0 =	vlt.s32 v9, $0x0;
	v3 =	vld [tilespmem:s25+$0x50];
	v10 =	vsel vm1, v11, v10;
	[tilespmem:s26+$0x8060] =	vst v4;
	s26 =	smov.u32 s25  }
0xdb: {  	s25 =	sshra.s32 s28, $0x2;
	s28 =	sadd.s32 $0x200, s28;
	v8 =	vsel vm0, v8, v9;
	v9 =	vsub.s32 $0x80000000, v7;
	vm0 =	vlt.s32 v7, $0x0;
	v4 =	vld [tilespmem:s26+$0x60];
	[tilespmem:s26+$0x8070] =	vst v10  }
0xdc: {  	v10 =	vld [tilespmem:s25+$0x70];
	[tilespmem:s26+$0x8000] =	vst v8;
	v7 =	vsel vm0, v9, v7;
	v52 =	vsub.s32 $0x80000000, v6;
	vm4 =	vlt.s32 v6, $0x0  }
0xdd: {  	v8 =	vld [tilespmem:s25+$0x0];
	[tilespmem:s26+$0x8010] =	vst v7;
	v6 =	vsel vm4, v52, v6;
	v53 =	vsub.s32 $0x80000000, v5;
	vm5 =	vlt.s32 v5, $0x0  }
0xde: {  	v7 =	vld [tilespmem:s25+$0x10];
	[tilespmem:s26+$0x8020] =	vst v6;
	v5 =	vsel vm5, v53, v5;
	v54 =	vsub.s32 $0x80000000, v2;
	vm6 =	vlt.s32 v2, $0x0  }
0xdf: {  	v6 =	vld [tilespmem:s25+$0x20];
	[tilespmem:s26+$0x8030] =	vst v5;
	v2 =	vsel vm6, v54, v2;
	v55 =	vsub.s32 $0x80000000, v3;
	vm7 =	vlt.s32 v3, $0x0  }
0xe0: {  	v5 =	vld [tilespmem:s25+$0x30];
	[tilespmem:s26+$0x8040] =	vst v2;
	v2 =	vsel vm7, v55, v3;
	v56 =	vsub.s32 $0x80000000, v4;
	vm8 =	vlt.s32 v4, $0x0  }
0xe1: {  	v3 =	vld [tilespmem:s25+$0x40];
	[tilespmem:s26+$0x8050] =	vst v2;
	v2 =	vsel vm8, v56, v4;
	v58 =	vsub.s32 $0x80000000, v10;
	vm9 =	vlt.s32 v10, $0x0  }
0xe2: {  	v57 =	vld [tilespmem:s25+$0x50];
	[tilespmem:s26+$0x8060] =	vst v2;
	v2 =	vsub.s32 $0x80000000, v8;
	vm1 =	vlt.s32 v8, $0x0;
	v9 =	vsel vm9, v58, v10  }
0xe3: {  	v59 =	vld [tilespmem:s25+$0x60];
	v2 =	vsel vm1, v2, v8;
	v60 =	vsub.s32 $0x80000000, v7;
	vm10 =	vlt.s32 v7, $0x0;
	[tilespmem:s25+$0x8070] =	vst v9  }
0xe4: {  	[tilespmem:s25+$0x8000] =	vst v2;
	v2 =	vsel vm10, v60, v7;
	v61 =	vsub.s32 $0x80000000, v6;
	vm11 =	vlt.s32 v6, $0x0  }
0xe5: {  	[tilespmem:s25+$0x8010] =	vst v2;
	v2 =	vsel vm11, v61, v6;
	v62 =	vsub.s32 $0x80000000, v5;
	vm12 =	vlt.s32 v5, $0x0  }
0xe6: {  	[tilespmem:s25+$0x8020] =	vst v2;
	v2 =	vsel vm12, v62, v5;
	v63 =	vsub.s32 $0x80000000, v3;
	vm13 =	vlt.s32 v3, $0x0  }
0xe7: {  	[tilespmem:s25+$0x8030] =	vst v2;
	v2 =	vsel vm13, v63, v3;
	v3 =	vsub.s32 $0x80000000, v57;
	vm14 =	vlt.s32 v57, $0x0  }
0xe8: {  	[tilespmem:s25+$0x8040] =	vst v2;
	v2 =	vsel vm14, v3, v57;
	v3 =	vsub.s32 $0x80000000, v59;
	vm15 =	vlt.s32 v59, $0x0  }
0xe9: {  	[tilespmem:s25+$0x8050] =	vst v2;
	v2 =	vsel vm15, v3, v59  }
0xea: {  	[tilespmem:s25+$0x8060] =	vst v2;
	s25 =	simm.s32 $0x8070  }
.LBB2_5:
0xeb: {  	v3 =	vmov s25;
	_ =	sdelay $0x3  }
0xec: {  	s26 =	simm.s32 $0x0;
	v2 =	vimm.s32 $0x80000000  }
.LBB2_6:
0xed: {  	_ =	sdelay $0x2  }
0xee: {  	s30 =	simm.s32 $0x0  }
0xef: {  	v5 =	vld.idx.msk [tilespmem:v3+s30+$0xFFFFFF90 ss:$0x1], $0xffff  }
0xf0: {  	s28 =	sxor.u32 $0x1F, s26;
	v8 =	vld.idx.msk [tilespmem:v3+s30+$0xFFFFFFA0 ss:$0x1], $0xffff  }
0xf1: {  	v4 =	vshll.u32 v0, s28;
	v10 =	vld.idx.msk [tilespmem:v3+s30+$0xFFFFFFB0 ss:$0x1], $0xffff  }
0xf2: {  	v9 =	vld.idx.msk [tilespmem:v3+s30+$0xFFFFFFC0 ss:$0x1], $0xffff;
	v4 =	vbroadcast v4, $0x0  }
0xf3: {  	v7 =	vld.idx.msk [tilespmem:v3+s30+$0xFFFFFFD0 ss:$0x1], $0xffff  }
0xf4: {  	v6 =	vld.idx.msk [tilespmem:v3+s30+$0xFFFFFFE0 ss:$0x1], $0xffff;
	v4 =	vadd.s32 v2, v4  }
0xf5: {  	vm0 =	vge.s32 v5, v4;
	v5 =	vld.idx.msk [tilespmem:v3+s30+$0xFFFFFFF0 ss:$0x1], $0xffff  }
0xf6: {  	v12 =	vimm.s32 $0x0;
	s29 =	simm.s32 $0x400;
	s28 =	simm.s32 $0x80;
	v11 =	vsel vm0, $0x1, v1;
	vm0 =	vge.s32 v8, v4;
	v8 =	vld.idx.msk [tilespmem:v3+s30+$0x0 ss:$0x1], $0xffff  }
.LBB2_7:
0xf7: {  	p0 =	sne.s32 s29, $0xE00;
	v13 =	vld.idx.msk [tilespmem:v3+s28+$0xFFFFFF90 ss:$0x1], $0xffff;
	v11 =	vadd.s32 v11, v12;
	v12 =	vsel vm0, $0x1, v1;
	vm0 =	vge.s32 v10, v4  }
0xf8: {  	v14 =	vld.idx.msk [tilespmem:v3+s28+$0xFFFFFFA0 ss:$0x1], $0xffff;
	v11 =	vadd.s32 v12, v11;
	v12 =	vsel vm0, $0x1, v1;
	vm0 =	vge.s32 v9, v4  }
0xf9: {  	v10 =	vld.idx.msk [tilespmem:v3+s28+$0xFFFFFFB0 ss:$0x1], $0xffff;
	v11 =	vadd.s32 v12, v11;
	v12 =	vsel vm0, $0x1, v1;
	vm0 =	vge.s32 v7, v4  }
.Ltmp1:
0xfa: {  	v9 =	vld.idx.msk [tilespmem:v3+s28+$0xFFFFFFC0 ss:$0x1], $0xffff;
	v11 =	vadd.s32 v12, v11;
	v12 =	vsel vm0, $0x1, v1;
	vm0 =	vge.s32 v6, v4;
	(pc) =	sbr.rel @p0 .LBB2_7-.Ltmp1, $4  }
0xfb: {  	v7 =	vld.idx.msk [tilespmem:v3+s28+$0xFFFFFFD0 ss:$0x1], $0xffff;
	v11 =	vadd.s32 v12, v11;
	v12 =	vsel vm0, $0x1, v1;
	vm0 =	vge.s32 v5, v4  }
0xfc: {  	v6 =	vld.idx.msk [tilespmem:v3+s28+$0xFFFFFFE0 ss:$0x1], $0xffff;
	v11 =	vadd.s32 v12, v11;
	v12 =	vsel vm0, $0x1, v1;
	vm0 =	vge.s32 v8, v4  }
0xfd: {  	vm1 =	vge.s32 v13, v4;
	v5 =	vld.idx.msk [tilespmem:v3+s28+$0xFFFFFFF0 ss:$0x1], $0xffff;
	v12 =	vadd.s32 v12, v11;
	v13 =	vsel vm0, $0x1, v1  }
0xfe: {  	v11 =	vsel vm1, $0x1, v1;
	vm0 =	vge.s32 v14, v4;
	v8 =	vld.idx.msk [tilespmem:v3+s28+$0x0 ss:$0x1], $0xffff;
	s28 =	sshra.s32 s29, $0x2;
	s29 =	sadd.s32 $0x200, s29;
	v12 =	vadd.s32 v13, v12  }
0xff: {  	_ =	sdelay $0x2  }
0x100: {  	v11 =	vadd.s32 v11, v12;
	v39 =	vsel vm0, $0x1, v1;
	vm15 =	vge.s32 v10, v4  }
0x101: {  	v40 =	vld.idx.msk [tilespmem:v3+s28+$0xFFFFFF90 ss:$0x1], $0xffff;
	vm4 =	vge.s32 v9, v4;
	v11 =	vadd.s32 v39, v11;
	v41 =	vsel vm15, $0x1, v1  }
0x102: {  	v42 =	vld.idx.msk [tilespmem:v3+s28+$0xFFFFFFA0 ss:$0x1], $0xffff;
	v43 =	vsel vm4, $0x1, v1;
	vm5 =	vge.s32 v7, v4;
	v11 =	vadd.s32 v41, v11  }
0x103: {  	v44 =	vld.idx.msk [tilespmem:v3+s28+$0xFFFFFFB0 ss:$0x1], $0xffff;
	v45 =	vsel vm5, $0x1, v1;
	vm6 =	vge.s32 v6, v4;
	v11 =	vadd.s32 v43, v11  }
0x104: {  	v46 =	vld.idx.msk [tilespmem:v3+s28+$0xFFFFFFC0 ss:$0x1], $0xffff;
	v47 =	vsel vm6, $0x1, v1;
	vm7 =	vge.s32 v5, v4;
	v11 =	vadd.s32 v45, v11  }
0x105: {  	v5 =	vld.idx.msk [tilespmem:v3+s28+$0xFFFFFFD0 ss:$0x1], $0xffff;
	v48 =	vsel vm7, $0x1, v1;
	vm8 =	vge.s32 v8, v4;
	v11 =	vadd.s32 v47, v11  }
0x106: {  	v49 =	vld.idx.msk [tilespmem:v3+s28+$0xFFFFFFE0 ss:$0x1], $0xffff;
	vm1 =	vge.s32 v40, v4;
	v51 =	vsel vm8, $0x1, v1;
	v50 =	vadd.s32 v48, v11  }
0x107: {  	v52 =	vld.idx.msk [tilespmem:v3+s28+$0xFFFFFFF0 ss:$0x1], $0xffff;
	vm9 =	vge.s32 v42, v4;
	v13 =	vsel vm1, $0x1, v1;
	v53 =	vadd.s32 v51, v50  }
0x108: {  	v54 =	vld.idx.msk [tilespmem:v3+s28+$0x0 ss:$0x1], $0xffff;
	vm10 =	vge.s32 v44, v4;
	v55 =	vsel vm9, $0x1, v1;
	v9 =	vadd.s32 v13, v53  }
0x109: {  	vm11 =	vge.s32 v46, v4;
	v57 =	vsel vm10, $0x1, v1;
	v56 =	vadd.s32 v55, v9  }
0x10a: {  	v59 =	vsel vm11, $0x1, v1;
	vm12 =	vge.s32 v5, v4;
	v58 =	vadd.s32 v57, v56  }
0x10b: {  	vm13 =	vge.s32 v49, v4;
	v60 =	vsel vm12, $0x1, v1;
	v5 =	vadd.s32 v59, v58  }
0x10c: {  	vm14 =	vge.s32 v52, v4;
	v61 =	vsel vm13, $0x1, v1;
	v5 =	vadd.s32 v60, v5  }
0x10d: {  	vm15 =	vge.s32 v54, v4;
	v62 =	vsel vm14, $0x1, v1;
	v5 =	vadd.s32 v61, v5  }
0x10e: {  	v63 =	vsel vm15, $0x1, v1;
	v5 =	vadd.s32 v62, v5  }
0x10f: {  	v5 =	vadd.s32 v63, v5  }
0x110: {  	(v2sf) =	vpush v5, $0x0  }
0x111: {  	(v2sf) =	vpush v5, $0x1  }
0x112: {  	(v2sf) =	vpush v5, $0x2  }
0x113: {  	(v2sf) =	vpush v5, $0x3  }
0x114: {  	(v2sf) =	vpush v5, $0x4  }
0x115: {  	(v2sf) =	vpush v5, $0x5  }
0x116: {  	(v2sf) =	vpush v5, $0x6  }
0x117: {  	(v2sf) =	vpush v5, $0x7  }
0x118: {  	(v2sf) =	vpush v5, $0x8  }
0x119: {  	(v2sf) =	vpush v5, $0x9  }
0x11a: {  	(v2sf) =	vpush v5, $0xA  }
0x11b: {  	(v2sf) =	vpush v5, $0xB  }
0x11c: {  	(v2sf) =	vpush v5, $0xC  }
0x11d: {  	(v2sf) =	vpush v5, $0xD  }
0x11e: {  	(v2sf) =	vpush v5, $0xE  }
0x11f: {  	s2 =	spop (v2sf);
	(v2sf) =	vpush v5, $0xF  }
0x120: {  	s29 =	spop (v2sf)  }
0x121: {  	s28 =	sadd.s32 s29, s2;
	s30 =	spop (v2sf)  }
0x122: {  	s28 =	sadd.s32 s30, s28;
	s31 =	spop (v2sf)  }
0x123: {  	s28 =	sadd.s32 s31, s28;
	s0 =	spop (v2sf)  }
0x124: {  	s28 =	sadd.s32 s0, s28;
	s2 =	spop (v2sf)  }
0x125: {  	s28 =	sadd.s32 s2, s28;
	s30 =	spop (v2sf)  }
0x126: {  	s28 =	sadd.s32 s30, s28;
	s31 =	spop (v2sf)  }
0x127: {  	s28 =	sadd.s32 s31, s28;
	s0 =	spop (v2sf)  }
0x128: {  	s28 =	sadd.s32 s0, s28;
	s2 =	spop (v2sf)  }
0x129: {  	s28 =	sadd.s32 s2, s28;
	s30 =	spop (v2sf)  }
0x12a: {  	s28 =	sadd.s32 s30, s28;
	s31 =	spop (v2sf)  }
0x12b: {  	s26 =	sadd.s32 $0x1, s26;
	s28 =	sadd.s32 s31, s28;
	s0 =	spop (v2sf)  }
0x12c: {  	p1 =	seq.s32 s26, $0x20;
	s28 =	sadd.s32 s0, s28;
	s2 =	spop (v2sf)  }
.Ltmp2:
0x12d: {  	s28 =	sadd.s32 s2, s28;
	s30 =	spop (v2sf);
	(pc) =	sbr.rel @!p1 .LBB2_6-.Ltmp2, $4  }
0x12e: {  	s28 =	sadd.s32 s30, s28;
	s31 =	spop (v2sf)  }
0x12f: {  	s28 =	sadd.s32 s31, s28  }
0x130: {  	p0 =	sgt.s32 s28, $0x1FF  }
0x131: {  	v2 =	vpsel p0, v4, v2  }
0x132: {  	s26 =	sshll.u32 s24, $0xA;
	s28 =	simm.s32 $0x0  }
0x133: {  	s28 =	sor.u32 s26, s28  }
0x134: {  	v3 =	vld [tilespmem:s28+$0x8000]  }
0x135: {  	v4 =	vld [tilespmem:s28+$0x0];
	_ =	sdelay $0x3  }
0x136: {  	vm0 =	vlt.s32 v3, v2  }
0x137: {  	v4 =	vsel vm0, $0x0, v4  }
0x138: {  	v3 =	vsel vm0, $0x0, v3;
	[tilespmem:s28+$0x0] =	vst v4  }
0x139: {  	s29 =	sor.u32 $0x10, s28;
	v4 =	vld [tilespmem:s28+$0x8010];
	[tilespmem:s28+$0x8000] =	vst v3  }
0x13a: {  	v3 =	vld [tilespmem:s29+$0x0];
	_ =	sdelay $0x3  }
0x13b: {  	vm9 =	vlt.s32 v4, v2  }
0x13c: {  	v3 =	vsel vm9, $0x0, v3  }
0x13d: {  	v4 =	vsel vm9, $0x0, v4;
	[tilespmem:s29+$0x0] =	vst v3  }
0x13e: {  	s29 =	sor.u32 $0x20, s28;
	[tilespmem:s28+$0x8010] =	vst v4;
	v3 =	vld [tilespmem:s28+$0x8020]  }
0x13f: {  	v4 =	vld [tilespmem:s29+$0x0];
	_ =	sdelay $0x3  }
0x140: {  	vm10 =	vlt.s32 v3, v2  }
0x141: {  	v4 =	vsel vm10, $0x0, v4  }
0x142: {  	v3 =	vsel vm10, $0x0, v3;
	[tilespmem:s29+$0x0] =	vst v4  }
0x143: {  	s29 =	sor.u32 $0x30, s28;
	[tilespmem:s28+$0x8020] =	vst v3;
	v3 =	vld [tilespmem:s28+$0x8030]  }
0x144: {  	v4 =	vld [tilespmem:s29+$0x0];
	_ =	sdelay $0x3  }
0x145: {  	vm11 =	vlt.s32 v3, v2  }
0x146: {  	v4 =	vsel vm11, $0x0, v4  }
0x147: {  	v3 =	vsel vm11, $0x0, v3;
	[tilespmem:s29+$0x0] =	vst v4  }
0x148: {  	s29 =	sor.u32 $0x40, s28;
	[tilespmem:s28+$0x8030] =	vst v3;
	v3 =	vld [tilespmem:s28+$0x8040]  }
0x149: {  	v4 =	vld [tilespmem:s29+$0x0];
	_ =	sdelay $0x3  }
0x14a: {  	vm12 =	vlt.s32 v3, v2  }
0x14b: {  	v4 =	vsel vm12, $0x0, v4  }
0x14c: {  	v3 =	vsel vm12, $0x0, v3;
	[tilespmem:s29+$0x0] =	vst v4  }
0x14d: {  	s29 =	sor.u32 $0x50, s28;
	[tilespmem:s28+$0x8040] =	vst v3;
	v3 =	vld [tilespmem:s28+$0x8050]  }
0x14e: {  	v4 =	vld [tilespmem:s29+$0x0];
	_ =	sdelay $0x3  }
0x14f: {  	vm13 =	vlt.s32 v3, v2  }
0x150: {  	v4 =	vsel vm13, $0x0, v4  }
0x151: {  	v3 =	vsel vm13, $0x0, v3;
	[tilespmem:s29+$0x0] =	vst v4  }
0x152: {  	s29 =	sor.u32 $0x60, s28;
	[tilespmem:s28+$0x8050] =	vst v3;
	v3 =	vld [tilespmem:s28+$0x8060]  }
0x153: {  	v4 =	vld [tilespmem:s29+$0x0];
	_ =	sdelay $0x3  }
0x154: {  	vm14 =	vlt.s32 v3, v2  }
0x155: {  	v4 =	vsel vm14, $0x0, v4  }
0x156: {  	v3 =	vsel vm14, $0x0, v3;
	[tilespmem:s29+$0x0] =	vst v4  }
0x157: {  	s31 =	sor.u32 $0x70, s28;
	[tilespmem:s28+$0x8060] =	vst v3;
	v3 =	vld [tilespmem:s28+$0x8070]  }
0x158: {  	v4 =	vld [tilespmem:s31+$0x0];
	_ =	sdelay $0x3  }
0x159: {  	vm15 =	vlt.s32 v3, v2  }
0x15a: {  	s30 =	simm.s32 $0x100;
	s29 =	simm.s32 $0x80;
	v4 =	vsel vm15, $0x0, v4;
	v3 =	vsel vm15, $0x0, v3  }
.LBB2_10:
0x15b: {  	p0 =	sne.s32 s30, $0x380  }
0x15c: {  	s0 =	sor.u32 s26, s29;
	[tilespmem:s31+$0x0] =	vst v4;
	s29 =	smov.u32 s30;
	s30 =	sadd.s32 $0x80, s30  }
0x15d: {  	v4 =	vld [tilespmem:s0+$0x8000];
	[tilespmem:s28+$0x8070] =	vst v3;
	s28 =	smov.u32 s0  }
0x15e: {  	v3 =	vld [tilespmem:s28+$0x0];
	_ =	sdelay $0x3  }
0x15f: {  	vm0 =	vlt.s32 v4, v2  }
0x160: {  	v3 =	vsel vm0, $0x0, v3;
	v4 =	vsel vm0, $0x0, v4  }
0x161: {  	s0 =	sor.u32 $0x10, s28;
	[tilespmem:s28+$0x0] =	vst v3;
	v3 =	vld [tilespmem:s28+$0x8010]  }
0x162: {  	[tilespmem:s28+$0x8000] =	vst v4  }
0x163: {  	v4 =	vld [tilespmem:s0+$0x0];
	_ =	sdelay $0x2  }
0x164: {  	vm0 =	vlt.s32 v3, v2  }
0x165: {  	v3 =	vsel vm0, $0x0, v3  }
0x166: {  	v4 =	vsel vm0, $0x0, v4  }
0x167: {  	[tilespmem:s0+$0x0] =	vst v4;
	s0 =	sor.u32 $0x20, s28  }
0x168: {  	[tilespmem:s28+$0x8010] =	vst v3;
	v3 =	vld [tilespmem:s28+$0x8020]  }
0x169: {  	v4 =	vld [tilespmem:s0+$0x0];
	_ =	sdelay $0x3  }
0x16a: {  	vm0 =	vlt.s32 v3, v2  }
0x16b: {  	v4 =	vsel vm0, $0x0, v4;
	v3 =	vsel vm0, $0x0, v3  }
0x16c: {  	[tilespmem:s0+$0x0] =	vst v4;
	s0 =	sor.u32 $0x30, s28  }
0x16d: {  	[tilespmem:s28+$0x8020] =	vst v3;
	v3 =	vld [tilespmem:s28+$0x8030]  }
0x16e: {  	v4 =	vld [tilespmem:s0+$0x0];
	_ =	sdelay $0x3  }
0x16f: {  	vm0 =	vlt.s32 v3, v2  }
0x170: {  	v4 =	vsel vm0, $0x0, v4;
	v3 =	vsel vm0, $0x0, v3  }
0x171: {  	[tilespmem:s0+$0x0] =	vst v4;
	s0 =	sor.u32 $0x40, s28  }
0x172: {  	[tilespmem:s28+$0x8030] =	vst v3;
	v3 =	vld [tilespmem:s28+$0x8040]  }
0x173: {  	v4 =	vld [tilespmem:s0+$0x0];
	_ =	sdelay $0x3  }
0x174: {  	vm0 =	vlt.s32 v3, v2  }
0x175: {  	v4 =	vsel vm0, $0x0, v4;
	v3 =	vsel vm0, $0x0, v3  }
0x176: {  	[tilespmem:s0+$0x0] =	vst v4;
	s0 =	sor.u32 $0x50, s28  }
0x177: {  	[tilespmem:s28+$0x8040] =	vst v3;
	v3 =	vld [tilespmem:s28+$0x8050]  }
0x178: {  	v4 =	vld [tilespmem:s0+$0x0];
	_ =	sdelay $0x3  }
0x179: {  	vm0 =	vlt.s32 v3, v2  }
0x17a: {  	v4 =	vsel vm0, $0x0, v4;
	v3 =	vsel vm0, $0x0, v3  }
0x17b: {  	[tilespmem:s0+$0x0] =	vst v4;
	s0 =	sor.u32 $0x60, s28  }
0x17c: {  	[tilespmem:s28+$0x8050] =	vst v3;
	v3 =	vld [tilespmem:s28+$0x8060]  }
0x17d: {  	v4 =	vld [tilespmem:s0+$0x0];
	_ =	sdelay $0x3  }
0x17e: {  	vm0 =	vlt.s32 v3, v2  }
0x17f: {  	v4 =	vsel vm0, $0x0, v4;
	v3 =	vsel vm0, $0x0, v3  }
0x180: {  	s31 =	sor.u32 $0x70, s28;
	[tilespmem:s0+$0x0] =	vst v4  }
0x181: {  	[tilespmem:s28+$0x8060] =	vst v3;
	v3 =	vld [tilespmem:s28+$0x8070]  }
0x182: {  	v4 =	vld [tilespmem:s31+$0x0]  }
.Ltmp3:
0x183: {  	(pc) =	sbr.rel @p0 .LBB2_10-.Ltmp3, $3  }
0x184: {  	_ =	sdelay $0x1  }
0x185: {  	vm0 =	vlt.s32 v3, v2  }
0x186: {  	v4 =	vsel vm0, $0x0, v4;
	v3 =	vsel vm0, $0x0, v3  }
0x187: {  	s26 =	sor.u32 s26, s29;
	[tilespmem:s31+$0x0] =	vst v4  }
0x188: {  	v4 =	vld [tilespmem:s26+$0x8000];
	[tilespmem:s28+$0x8070] =	vst v3  }
0x189: {  	v3 =	vld [tilespmem:s26+$0x0];
	_ =	sdelay $0x3  }
0x18a: {  	vm0 =	vlt.s32 v4, v2  }
0x18b: {  	v3 =	vsel vm0, $0x0, v3  }
0x18c: {  	v4 =	vsel vm0, $0x0, v4;
	[tilespmem:s26+$0x0] =	vst v3  }
0x18d: {  	s0 =	sor.u32 $0x10, s26;
	v3 =	vld [tilespmem:s26+$0x8010];
	[tilespmem:s26+$0x8000] =	vst v4  }
0x18e: {  	v4 =	vld [tilespmem:s0+$0x0];
	_ =	sdelay $0x3  }
0x18f: {  	vm9 =	vlt.s32 v3, v2  }
0x190: {  	v4 =	vsel vm9, $0x0, v4  }
0x191: {  	v3 =	vsel vm9, $0x0, v3;
	[tilespmem:s0+$0x0] =	vst v4  }
0x192: {  	s31 =	sor.u32 $0x20, s26;
	[tilespmem:s26+$0x8010] =	vst v3;
	v3 =	vld [tilespmem:s26+$0x8020]  }
0x193: {  	v4 =	vld [tilespmem:s31+$0x0];
	_ =	sdelay $0x3  }
0x194: {  	vm10 =	vlt.s32 v3, v2  }
0x195: {  	v4 =	vsel vm10, $0x0, v4  }
0x196: {  	v3 =	vsel vm10, $0x0, v3;
	[tilespmem:s31+$0x0] =	vst v4  }
0x197: {  	s2 =	sor.u32 $0x30, s26;
	[tilespmem:s26+$0x8020] =	vst v3;
	v3 =	vld [tilespmem:s26+$0x8030]  }
0x198: {  	v4 =	vld [tilespmem:s2+$0x0];
	_ =	sdelay $0x3  }
0x199: {  	vm11 =	vlt.s32 v3, v2  }
0x19a: {  	v4 =	vsel vm11, $0x0, v4  }
0x19b: {  	v3 =	vsel vm11, $0x0, v3;
	[tilespmem:s2+$0x0] =	vst v4  }
0x19c: {  	s28 =	sor.u32 $0x40, s26;
	[tilespmem:s26+$0x8030] =	vst v3;
	v3 =	vld [tilespmem:s26+$0x8040]  }
0x19d: {  	v4 =	vld [tilespmem:s28+$0x0];
	_ =	sdelay $0x3  }
0x19e: {  	vm12 =	vlt.s32 v3, v2  }
0x19f: {  	v4 =	vsel vm12, $0x0, v4  }
0x1a0: {  	v3 =	vsel vm12, $0x0, v3;
	[tilespmem:s28+$0x0] =	vst v4  }
0x1a1: {  	s29 =	sor.u32 $0x50, s26;
	[tilespmem:s26+$0x8040] =	vst v3;
	v3 =	vld [tilespmem:s26+$0x8050]  }
0x1a2: {  	v4 =	vld [tilespmem:s29+$0x0];
	_ =	sdelay $0x3  }
0x1a3: {  	vm13 =	vlt.s32 v3, v2  }
0x1a4: {  	v4 =	vsel vm13, $0x0, v4  }
0x1a5: {  	v3 =	vsel vm13, $0x0, v3;
	[tilespmem:s29+$0x0] =	vst v4  }
0x1a6: {  	s30 =	sor.u32 $0x60, s26;
	[tilespmem:s26+$0x8050] =	vst v3;
	v3 =	vld [tilespmem:s26+$0x8060]  }
0x1a7: {  	v4 =	vld [tilespmem:s30+$0x0];
	_ =	sdelay $0x3  }
0x1a8: {  	vm14 =	vlt.s32 v3, v2  }
0x1a9: {  	v4 =	vsel vm14, $0x0, v4  }
0x1aa: {  	v3 =	vsel vm14, $0x0, v3;
	[tilespmem:s30+$0x0] =	vst v4  }
0x1ab: {  	s31 =	sor.u32 $0x70, s26;
	[tilespmem:s26+$0x8060] =	vst v3;
	v3 =	vld [tilespmem:s26+$0x8070]  }
0x1ac: {  	v4 =	vld [tilespmem:s31+$0x0]  }
0x1ad: {  	s24 =	sadd.s32 $0x1, s24  }
0x1ae: {  	p0 =	sne.s32 s24, $0x20  }
.Ltmp4:
0x1af: {  	_ = 	snop;
	(pc) =	sbr.rel @p0 .LBB2_5-.Ltmp4, $4  }
0x1b0: {  	vm15 =	vlt.s32 v3, v2  }
0x1b1: {  	v2 =	vsel vm15, $0x0, v4  }
0x1b2: {  	v3 =	vsel vm15, $0x0, v3;
	[tilespmem:s31+$0x0] =	vst v2  }
0x1b3: {  	s25 =	sadd.s32 $0x400, s25;
	[tilespmem:s26+$0x8070] =	vst v3  }
0x1b4: {  	s24 =	simm.s32 $0x0  }
0x1b5: {  	v2 =	vimm.s32 $0x80000000;
	s28 =	simm.s32 $0xC00;
	s29 =	simm.s32 $0x1000;
	s30 =	simm.s32 $0x1400  }
.LBB2_13:
0x1b6: {  	s0 =	simm.s32 $0x0  }
0x1b7: {  	s25 =	sxor.u32 $0x1F, s24;
	v4 =	vld [tilespmem:s0+$0x8000]  }
0x1b8: {  	v3 =	vshll.u32 v0, s25;
	v6 =	vld [tilespmem:s0+$0x8010]  }
0x1b9: {  	v8 =	vld [tilespmem:s0+$0x8020];
	v3 =	vbroadcast v3, $0x0  }
0x1ba: {  	v7 =	vld [tilespmem:s0+$0x8030]  }
0x1bb: {  	v5 =	vld [tilespmem:s0+$0x8040];
	v3 =	vadd.s32 v2, v3  }
0x1bc: {  	vm0 =	vge.s32 v4, v3;
	v4 =	vld [tilespmem:s0+$0x8050]  }
0x1bd: {  	v9 =	vimm.s32 $0x0;
	v10 =	vsel vm0, $0x1, v1;
	vm0 =	vge.s32 v6, v3;
	v6 =	vld [tilespmem:s0+$0x8060]  }
0x1be: {  	s26 =	simm.s32 $0x400;
	s25 =	simm.s32 $0x80;
	v9 =	vadd.s32 v10, v9;
	v10 =	vsel vm0, $0x1, v1;
	vm0 =	vge.s32 v8, v3;
	v8 =	vld [tilespmem:s0+$0x8070]  }
.LBB2_14:
0x1bf: {  	p0 =	sne.s32 s26, $0x1FE00;
	v11 =	vld [tilespmem:s25+$0x8000];
	v9 =	vadd.s32 v10, v9;
	v10 =	vsel vm0, $0x1, v1;
	vm0 =	vge.s32 v7, v3  }
0x1c0: {  	v12 =	vld [tilespmem:s25+$0x8010];
	v7 =	vadd.s32 v10, v9;
	v9 =	vsel vm0, $0x1, v1;
	vm0 =	vge.s32 v5, v3  }
0x1c1: {  	v13 =	vld [tilespmem:s25+$0x8020];
	v5 =	vadd.s32 v9, v7;
	v9 =	vsel vm0, $0x1, v1;
	vm0 =	vge.s32 v4, v3  }
.Ltmp5:
0x1c2: {  	v7 =	vld [tilespmem:s25+$0x8030];
	v4 =	vadd.s32 v9, v5;
	v9 =	vsel vm0, $0x1, v1;
	vm0 =	vge.s32 v6, v3;
	(pc) =	sbr.rel @p0 .LBB2_14-.Ltmp5, $4  }
0x1c3: {  	v5 =	vld [tilespmem:s25+$0x8040];
	v6 =	vadd.s32 v9, v4;
	v9 =	vsel vm0, $0x1, v1;
	vm0 =	vge.s32 v8, v3  }
0x1c4: {  	vm1 =	vge.s32 v11, v3;
	v4 =	vld [tilespmem:s25+$0x8050];
	v8 =	vadd.s32 v9, v6;
	v9 =	vsel vm0, $0x1, v1  }
0x1c5: {  	v10 =	vsel vm1, $0x1, v1;
	vm0 =	vge.s32 v12, v3;
	v6 =	vld [tilespmem:s25+$0x8060];
	v8 =	vadd.s32 v9, v8  }
0x1c6: {  	v9 =	vadd.s32 v10, v8;
	v10 =	vsel vm0, $0x1, v1;
	vm0 =	vge.s32 v13, v3;
	v8 =	vld [tilespmem:s25+$0x8070];
	s25 =	sshra.s32 s26, $0x2;
	s26 =	sadd.s32 $0x200, s26  }
0x1c7: {  	v11 =	vld [tilespmem:s25+$0x8000];
	v9 =	vadd.s32 v10, v9;
	v45 =	vsel vm0, $0x1, v1;
	vm4 =	vge.s32 v7, v3  }
0x1c8: {  	v46 =	vld [tilespmem:s25+$0x8010];
	v9 =	vadd.s32 v45, v9;
	v47 =	vsel vm4, $0x1, v1;
	vm5 =	vge.s32 v5, v3  }
0x1c9: {  	v48 =	vld [tilespmem:s25+$0x8020];
	v9 =	vadd.s32 v47, v9;
	v49 =	vsel vm5, $0x1, v1;
	vm6 =	vge.s32 v4, v3  }
0x1ca: {  	v50 =	vld [tilespmem:s25+$0x8030];
	v9 =	vadd.s32 v49, v9;
	v51 =	vsel vm6, $0x1, v1;
	vm7 =	vge.s32 v6, v3  }
0x1cb: {  	v52 =	vld [tilespmem:s25+$0x8040];
	v9 =	vadd.s32 v51, v9;
	v53 =	vsel vm7, $0x1, v1;
	vm8 =	vge.s32 v8, v3  }
0x1cc: {  	v54 =	vld [tilespmem:s25+$0x8050];
	vm1 =	vge.s32 v11, v3;
	v9 =	vadd.s32 v53, v9;
	v55 =	vsel vm8, $0x1, v1  }
0x1cd: {  	v56 =	vld [tilespmem:s25+$0x8060];
	vm9 =	vge.s32 v46, v3;
	v11 =	vsel vm1, $0x1, v1;
	v9 =	vadd.s32 v55, v9  }
0x1ce: {  	v58 =	vld [tilespmem:s25+$0x8070];
	vm10 =	vge.s32 v48, v3;
	v57 =	vsel vm9, $0x1, v1;
	v9 =	vadd.s32 v11, v9  }
0x1cf: {  	vm11 =	vge.s32 v50, v3;
	v59 =	vsel vm10, $0x1, v1;
	v9 =	vadd.s32 v57, v9  }
0x1d0: {  	vm12 =	vge.s32 v52, v3;
	v61 =	vsel vm11, $0x1, v1;
	v60 =	vadd.s32 v59, v9  }
0x1d1: {  	vm13 =	vge.s32 v54, v3;
	v6 =	vsel vm12, $0x1, v1;
	v4 =	vadd.s32 v61, v60  }
0x1d2: {  	vm14 =	vge.s32 v56, v3;
	v62 =	vsel vm13, $0x1, v1;
	v4 =	vadd.s32 v6, v4  }
0x1d3: {  	vm15 =	vge.s32 v58, v3;
	v63 =	vsel vm14, $0x1, v1;
	v4 =	vadd.s32 v62, v4  }
0x1d4: {  	v5 =	vsel vm15, $0x1, v1;
	v4 =	vadd.s32 v63, v4  }
0x1d5: {  	v4 =	vadd.s32 v5, v4  }
0x1d6: {  	(v2sf) =	vpush v4, $0x0  }
0x1d7: {  	(v2sf) =	vpush v4, $0x1  }
0x1d8: {  	(v2sf) =	vpush v4, $0x2  }
0x1d9: {  	(v2sf) =	vpush v4, $0x3  }
0x1da: {  	(v2sf) =	vpush v4, $0x4  }
0x1db: {  	(v2sf) =	vpush v4, $0x5  }
0x1dc: {  	(v2sf) =	vpush v4, $0x6  }
0x1dd: {  	(v2sf) =	vpush v4, $0x7  }
0x1de: {  	(v2sf) =	vpush v4, $0x8  }
0x1df: {  	(v2sf) =	vpush v4, $0x9  }
0x1e0: {  	(v2sf) =	vpush v4, $0xA  }
0x1e1: {  	(v2sf) =	vpush v4, $0xB  }
0x1e2: {  	(v2sf) =	vpush v4, $0xC  }
0x1e3: {  	(v2sf) =	vpush v4, $0xD  }
0x1e4: {  	(v2sf) =	vpush v4, $0xE  }
0x1e5: {  	s0 =	spop (v2sf);
	(v2sf) =	vpush v4, $0xF  }
0x1e6: {  	s2 =	spop (v2sf)  }
0x1e7: {  	s0 =	sadd.s32 s2, s0;
	s26 =	spop (v2sf)  }
0x1e8: {  	s0 =	sadd.s32 s26, s0;
	s31 =	spop (v2sf)  }
0x1e9: {  	s0 =	sadd.s32 s31, s0;
	s2 =	spop (v2sf)  }
0x1ea: {  	s0 =	sadd.s32 s2, s0;
	s26 =	spop (v2sf)  }
0x1eb: {  	s0 =	sadd.s32 s26, s0;
	s31 =	spop (v2sf)  }
0x1ec: {  	s0 =	sadd.s32 s31, s0;
	s2 =	spop (v2sf)  }
0x1ed: {  	s0 =	sadd.s32 s2, s0;
	s26 =	spop (v2sf)  }
0x1ee: {  	s0 =	sadd.s32 s26, s0;
	s31 =	spop (v2sf)  }
0x1ef: {  	s0 =	sadd.s32 s31, s0;
	s2 =	spop (v2sf)  }
0x1f0: {  	s0 =	sadd.s32 s2, s0;
	s26 =	spop (v2sf)  }
0x1f1: {  	s24 =	sadd.s32 $0x1, s24;
	s0 =	sadd.s32 s26, s0;
	s31 =	spop (v2sf)  }
0x1f2: {  	p1 =	sne.s32 s24, $0x20;
	s0 =	sadd.s32 s31, s0;
	s2 =	spop (v2sf)  }
.Ltmp6:
0x1f3: {  	s0 =	sadd.s32 s2, s0;
	s26 =	spop (v2sf);
	(pc) =	sbr.rel @p1 .LBB2_13-.Ltmp6, $4  }
0x1f4: {  	s0 =	sadd.s32 s26, s0;
	s31 =	spop (v2sf)  }
0x1f5: {  	s0 =	sadd.s32 s31, s0  }
0x1f6: {  	p0 =	sgt.s32 s0, $0x1FFF  }
0x1f7: {  	v2 =	vpsel p0, v3, v2  }
0x1f8: {  	s24 =	simm.s32 $0x0  }
0x1f9: {  	v9 =	vld [tilespmem:s24+$0x8000]  }
0x1fa: {  	v15 =	vld [tilespmem:s24+$0x8010]  }
0x1fb: {  	v8 =	vld [tilespmem:s24+$0x8020]  }
0x1fc: {  	v7 =	vld [tilespmem:s24+$0x8030]  }
0x1fd: {  	v6 =	vld [tilespmem:s24+$0x8040]  }
0x1fe: {  	v5 =	vld [tilespmem:s24+$0x8050]  }
0x1ff: {  	v4 =	vld [tilespmem:s24+$0x8060]  }
0x200: {  	v3 =	vld [tilespmem:s24+$0x8070]  }
0x201: {  	v14 =	vld [tilespmem:s24+$0x0]  }
0x202: {  	v13 =	vld [tilespmem:s24+$0x10]  }
0x203: {  	v12 =	vld [tilespmem:s24+$0x20]  }
0x204: {  	v11 =	vld [tilespmem:s24+$0x30]  }
0x205: {  	v10 =	vld [tilespmem:s24+$0x40];
	vm0 =	vlt.s32 v9, v2  }
0x206: {  	s25 =	simm.s32 $0x200;
	v9 =	vld [tilespmem:s24+$0x50];
	v14 =	vsel vm0, $0x0, v14;
	vm0 =	vlt.s32 v15, v2  }
.LBB2_17:
0x207: {  	p0 =	sne.s32 s25, $0x1FE00;
	[tilespmem:s24+$0x0] =	vst v14;
	v13 =	vsel vm0, $0x0, v13;
	vm0 =	vlt.s32 v8, v2;
	v14 =	vld [tilespmem:s24+$0x60]  }
0x208: {  	s0 =	sshra.s32 s25, $0x2;
	[tilespmem:s24+$0x10] =	vst v13;
	v8 =	vsel vm0, $0x0, v12;
	vm0 =	vlt.s32 v7, v2;
	v12 =	vld [tilespmem:s24+$0x70]  }
0x209: {  	v15 =	vld [tilespmem:s0+$0x8000];
	[tilespmem:s24+$0x20] =	vst v8;
	v7 =	vsel vm0, $0x0, v11;
	vm0 =	vlt.s32 v6, v2  }
0x20a: {  	v16 =	vld [tilespmem:s0+$0x8010];
	[tilespmem:s24+$0x30] =	vst v7;
	v6 =	vsel vm0, $0x0, v10;
	vm0 =	vlt.s32 v5, v2  }
0x20b: {  	v8 =	vld [tilespmem:s0+$0x8020];
	[tilespmem:s24+$0x40] =	vst v6;
	v5 =	vsel vm0, $0x0, v9;
	vm0 =	vlt.s32 v4, v2  }
0x20c: {  	v7 =	vld [tilespmem:s0+$0x8030];
	[tilespmem:s24+$0x50] =	vst v5;
	v4 =	vsel vm0, $0x0, v14;
	vm0 =	vlt.s32 v3, v2  }
0x20d: {  	v6 =	vld [tilespmem:s0+$0x8040];
	[tilespmem:s24+$0x60] =	vst v4;
	v3 =	vsel vm0, $0x0, v12  }
0x20e: {  	v5 =	vld [tilespmem:s0+$0x8050];
	[tilespmem:s24+$0x70] =	vst v3;
	s24 =	smov.u32 s0  }
0x20f: {  	v4 =	vld [tilespmem:s24+$0x8060]  }
0x210: {  	v3 =	vld [tilespmem:s24+$0x8070]  }
0x211: {  	v9 =	vld [tilespmem:s24+$0x0]  }
.Ltmp7:
0x212: {  	v13 =	vld [tilespmem:s24+$0x10];
	(pc) =	sbr.rel @p0 .LBB2_17-.Ltmp7, $4  }
0x213: {  	v12 =	vld [tilespmem:s24+$0x20]  }
0x214: {  	v11 =	vld [tilespmem:s24+$0x30]  }
0x215: {  	vm0 =	vlt.s32 v15, v2;
	v10 =	vld [tilespmem:s24+$0x40]  }
0x216: {  	s25 =	sadd.s32 $0x200, s25;
	v14 =	vsel vm0, $0x0, v9;
	vm0 =	vlt.s32 v16, v2;
	v9 =	vld [tilespmem:s24+$0x50]  }
0x217: {  	[tilespmem:s24+$0x0] =	vst v14;
	v13 =	vsel vm0, $0x0, v13;
	v61 =	vld [tilespmem:s24+$0x60];
	vm10 =	vlt.s32 v8, v2  }
0x218: {  	vm11 =	vlt.s32 v7, v2;
	v62 =	vld [tilespmem:s24+$0x70];
	[tilespmem:s24+$0x10] =	vst v13;
	v8 =	vsel vm10, $0x0, v12  }
0x219: {  	vm12 =	vlt.s32 v6, v2;
	[tilespmem:s24+$0x20] =	vst v8;
	v63 =	vsel vm11, $0x0, v11  }
0x21a: {  	vm13 =	vlt.s32 v5, v2;
	[tilespmem:s24+$0x30] =	vst v63;
	v6 =	vsel vm12, $0x0, v10  }
0x21b: {  	vm14 =	vlt.s32 v4, v2;
	[tilespmem:s24+$0x40] =	vst v6;
	v5 =	vsel vm13, $0x0, v9  }
0x21c: {  	vm15 =	vlt.s32 v3, v2;
	[tilespmem:s24+$0x50] =	vst v5;
	v4 =	vsel vm14, $0x0, v61  }
0x21d: {  	s21 =	sadd.s32 s22, s21;
	v2 =	vsel vm15, $0x0, v62;
	[tilespmem:s24+$0x60] =	vst v4  }
0x21e: {  	s0 =	sadd.s32 s4, s23;
	s25 =	simm.s32 $0x0;
	s26 =	sadd.s32 $0x18000, s21;
	[tilespmem:s24+$0x70] =	vst v2  }
0x21f: {  	[hbm4b:s0+s7] =	stream.strided.scatter [tilespmem:s25], [sflag:$0x1], $0x400, s8, s7, $0x38;
	[tilespmem:$0x10000] =	vst v63  }
0x220: {  	s0 =	sshrl.u32 s26, $0x3  }
0x221: {  	s31 =	sadd.s32 $0x30000, s21;
	s0 =	sadd.s32 s4, s0  }
0x222: {  	[hbm4b:s0+s7] =	stream.strided.scatter [tilespmem:s8], [sflag:$0x1], $0x400, s8, s7, $0x38;
	[tilespmem:$0x10000] =	vst v63  }
0x223: {  	s0 =	sshrl.u32 s31, $0x3  }
0x224: {  	s2 =	sadd.s32 $0x48000, s21;
	s26 =	simm.s32 $0x800;
	s0 =	sadd.s32 s4, s0  }
0x225: {  	[hbm4b:s0+s7] =	stream.strided.scatter [tilespmem:s26], [sflag:$0x1], $0x400, s8, s7, $0x38;
	[tilespmem:$0x10000] =	vst v63  }
0x226: {  	s0 =	sshrl.u32 s2, $0x3  }
0x227: {  	s23 =	sadd.s32 $0x78000, s21;
	s0 =	sadd.s32 s4, s0  }
0x228: {  	[hbm4b:s0+s7] =	stream.strided.scatter [tilespmem:s28], [sflag:$0x1], $0x400, s8, s7, $0x38;
	[tilespmem:$0x10000] =	vst v63  }
0x229: {  	s22 =	sadd.s32 s4, s20;
	s0 =	sshrl.u32 s23, $0x3  }
0x22a: {  	[hbm4b:s22+s7] =	stream.strided.scatter [tilespmem:s29], [sflag:$0x1], $0x400, s8, s7, $0x38;
	[tilespmem:$0x10000] =	vst v63  }
0x22b: {  	s24 =	sadd.s32 $0x90000, s21;
	s0 =	sadd.s32 s4, s0  }
0x22c: {  	[hbm4b:s0+s7] =	stream.strided.scatter [tilespmem:s30], [sflag:$0x1], $0x400, s8, s7, $0x38;
	[tilespmem:$0x10000] =	vst v63  }
0x22d: {  	s0 =	sshrl.u32 s24, $0x3  }
0x22e: {  	s25 =	simm.s32 $0x1800;
	s31 =	sadd.s32 $0xA8000, s21;
	s0 =	sadd.s32 s4, s0  }
0x22f: {  	[hbm4b:s0+s7] =	stream.strided.scatter [tilespmem:s25], [sflag:$0x1], $0x400, s8, s7, $0x38;
	[tilespmem:$0x10000] =	vst v63  }
0x230: {  	s0 =	sshrl.u32 s31, $0x3  }
0x231: {  	s2 =	simm.s32 $0x1C00;
	s23 =	sadd.s32 $0xD8000, s21;
	s0 =	sadd.s32 s4, s0  }
0x232: {  	[hbm4b:s0+s7] =	stream.strided.scatter [tilespmem:s2], [sflag:$0x1], $0x400, s8, s7, $0x38;
	[tilespmem:$0x10000] =	vst v63  }
0x233: {  	s22 =	sadd.s32 s4, s19;
	s2 =	simm.s32 $0x2000;
	s0 =	sshrl.u32 s23, $0x3  }
0x234: {  	[hbm4b:s22+s7] =	stream.strided.scatter [tilespmem:s2], [sflag:$0x1], $0x400, s8, s7, $0x38;
	[tilespmem:$0x10000] =	vst v63  }
0x235: {  	s24 =	simm.s32 $0x2400;
	s25 =	sadd.s32 $0xF0000, s21;
	s0 =	sadd.s32 s4, s0  }
0x236: {  	[hbm4b:s0+s7] =	stream.strided.scatter [tilespmem:s24], [sflag:$0x1], $0x400, s8, s7, $0x38;
	[tilespmem:$0x10000] =	vst v63  }
0x237: {  	s0 =	sshrl.u32 s25, $0x3  }
0x238: {  	s31 =	simm.s32 $0x2800;
	s2 =	sadd.s32 $0x108000, s21;
	s0 =	sadd.s32 s4, s0  }
0x239: {  	[hbm4b:s0+s7] =	stream.strided.scatter [tilespmem:s31], [sflag:$0x1], $0x400, s8, s7, $0x38;
	[tilespmem:$0x10000] =	vst v63  }
0x23a: {  	s0 =	sshrl.u32 s2, $0x3  }
0x23b: {  	s19 =	simm.s32 $0x2C00;
	s23 =	sadd.s32 $0x138000, s21;
	s0 =	sadd.s32 s4, s0  }
0x23c: {  	[hbm4b:s0+s7] =	stream.strided.scatter [tilespmem:s19], [sflag:$0x1], $0x400, s8, s7, $0x38;
	[tilespmem:$0x10000] =	vst v63  }
0x23d: {  	s20 =	sadd.s32 s4, s18;
	s22 =	simm.s32 $0x3000;
	s0 =	sshrl.u32 s23, $0x3  }
0x23e: {  	[hbm4b:s20+s7] =	stream.strided.scatter [tilespmem:s22], [sflag:$0x1], $0x400, s8, s7, $0x38;
	[tilespmem:$0x10000] =	vst v63  }
0x23f: {  	s24 =	simm.s32 $0x3400;
	s25 =	sadd.s32 $0x150000, s21;
	s0 =	sadd.s32 s4, s0  }
0x240: {  	[hbm4b:s0+s7] =	stream.strided.scatter [tilespmem:s24], [sflag:$0x1], $0x400, s8, s7, $0x38;
	[tilespmem:$0x10000] =	vst v63  }
0x241: {  	s0 =	sshrl.u32 s25, $0x3  }
0x242: {  	s18 =	sadd.s32 $0x168000, s21;
	s31 =	simm.s32 $0x3800;
	s0 =	sadd.s32 s4, s0  }
0x243: {  	[hbm4b:s0+s7] =	stream.strided.scatter [tilespmem:s31], [sflag:$0x1], $0x400, s8, s7, $0x38;
	[tilespmem:$0x10000] =	vst v63  }
0x244: {  	s0 =	sshrl.u32 s18, $0x3  }
0x245: {  	s19 =	simm.s32 $0x3C00;
	s23 =	sadd.s32 $0x198000, s21;
	s0 =	sadd.s32 s4, s0  }
0x246: {  	[hbm4b:s0+s7] =	stream.strided.scatter [tilespmem:s19], [sflag:$0x1], $0x400, s8, s7, $0x38;
	[tilespmem:$0x10000] =	vst v63  }
0x247: {  	s20 =	sadd.s32 s4, s17;
	s22 =	simm.s32 $0x4000;
	s0 =	sshrl.u32 s23, $0x3  }
0x248: {  	[hbm4b:s20+s7] =	stream.strided.scatter [tilespmem:s22], [sflag:$0x1], $0x400, s8, s7, $0x38;
	[tilespmem:$0x10000] =	vst v63  }
0x249: {  	s24 =	simm.s32 $0x4400;
	s25 =	sadd.s32 $0x1B0000, s21;
	s0 =	sadd.s32 s4, s0  }
0x24a: {  	[hbm4b:s0+s7] =	stream.strided.scatter [tilespmem:s24], [sflag:$0x1], $0x400, s8, s7, $0x38;
	[tilespmem:$0x10000] =	vst v63  }
0x24b: {  	s0 =	sshrl.u32 s25, $0x3  }
0x24c: {  	s2 =	sadd.s32 $0x1C8000, s21;
	s31 =	simm.s32 $0x4800;
	s0 =	sadd.s32 s4, s0  }
0x24d: {  	[hbm4b:s0+s7] =	stream.strided.scatter [tilespmem:s31], [sflag:$0x1], $0x400, s8, s7, $0x38;
	[tilespmem:$0x10000] =	vst v63  }
0x24e: {  	s0 =	sshrl.u32 s2, $0x3  }
0x24f: {  	s17 =	simm.s32 $0x4C00;
	s20 =	sadd.s32 $0x1F8000, s21;
	s0 =	sadd.s32 s4, s0  }
0x250: {  	[hbm4b:s0+s7] =	stream.strided.scatter [tilespmem:s17], [sflag:$0x1], $0x400, s8, s7, $0x38;
	[tilespmem:$0x10000] =	vst v63  }
0x251: {  	s18 =	sadd.s32 s4, s16;
	s19 =	simm.s32 $0x5000;
	s0 =	sshrl.u32 s20, $0x3  }
0x252: {  	[hbm4b:s18+s7] =	stream.strided.scatter [tilespmem:s19], [sflag:$0x1], $0x400, s8, s7, $0x38;
	[tilespmem:$0x10000] =	vst v63  }
0x253: {  	s23 =	sadd.s32 $0x210000, s21;
	s22 =	simm.s32 $0x5400;
	s0 =	sadd.s32 s4, s0  }
0x254: {  	[hbm4b:s0+s7] =	stream.strided.scatter [tilespmem:s22], [sflag:$0x1], $0x400, s8, s7, $0x38;
	[tilespmem:$0x10000] =	vst v63  }
0x255: {  	s0 =	sshrl.u32 s23, $0x3  }
0x256: {  	s24 =	simm.s32 $0x5800;
	s25 =	sadd.s32 $0x228000, s21;
	s0 =	sadd.s32 s4, s0  }
0x257: {  	[hbm4b:s0+s7] =	stream.strided.scatter [tilespmem:s24], [sflag:$0x1], $0x400, s8, s7, $0x38;
	[tilespmem:$0x10000] =	vst v63  }
0x258: {  	s0 =	sshrl.u32 s25, $0x3  }
0x259: {  	s31 =	simm.s32 $0x5C00;
	s18 =	sadd.s32 $0x258000, s21;
	s0 =	sadd.s32 s4, s0  }
0x25a: {  	[hbm4b:s0+s7] =	stream.strided.scatter [tilespmem:s31], [sflag:$0x1], $0x400, s8, s7, $0x38;
	[tilespmem:$0x10000] =	vst v63  }
0x25b: {  	s16 =	sadd.s32 s4, s15;
	s17 =	simm.s32 $0x6000;
	s0 =	sshrl.u32 s18, $0x3  }
0x25c: {  	[hbm4b:s16+s7] =	stream.strided.scatter [tilespmem:s17], [sflag:$0x1], $0x400, s8, s7, $0x38;
	[tilespmem:$0x10000] =	vst v63  }
0x25d: {  	s20 =	sadd.s32 $0x270000, s21;
	s19 =	simm.s32 $0x6400;
	s0 =	sadd.s32 s4, s0  }
0x25e: {  	[hbm4b:s0+s7] =	stream.strided.scatter [tilespmem:s19], [sflag:$0x1], $0x400, s8, s7, $0x38;
	[tilespmem:$0x10000] =	vst v63  }
0x25f: {  	s0 =	sshrl.u32 s20, $0x3  }
0x260: {  	s22 =	sadd.s32 $0x288000, s21;
	s0 =	sadd.s32 s4, s0  }
0x261: {  	[hbm4b:s0+s7] =	stream.strided.scatter [tilespmem:s6], [sflag:$0x1], $0x400, s8, s7, $0x38;
	[tilespmem:$0x10000] =	vst v63  }
0x262: {  	s0 =	sshrl.u32 s22, $0x3  }
0x263: {  	s24 =	sadd.s32 $0x2B8000, s21;
	s0 =	sadd.s32 s4, s0  }
0x264: {  	[hbm4b:s0+s7] =	stream.strided.scatter [tilespmem:s3], [sflag:$0x1], $0x400, s8, s7, $0x38;
	[tilespmem:$0x10000] =	vst v63  }
0x265: {  	s23 =	sadd.s32 s4, s14;
	s0 =	sshrl.u32 s24, $0x3  }
0x266: {  	[hbm4b:s23+s7] =	stream.strided.scatter [tilespmem:s5], [sflag:$0x1], $0x400, s8, s7, $0x38;
	[tilespmem:$0x10000] =	vst v63  }
0x267: {  	s25 =	sadd.s32 $0x2D0000, s21;
	s0 =	sadd.s32 s4, s0  }
0x268: {  	[hbm4b:s0+s7] =	stream.strided.scatter [tilespmem:s9], [sflag:$0x1], $0x400, s8, s7, $0x38;
	[tilespmem:$0x10000] =	vst v63  }
0x269: {  	s0 =	sshrl.u32 s25, $0x3  }
0x26a: {  	s31 =	sadd.s32 $0x2E8000, s21;
	s0 =	sadd.s32 s4, s0  }
0x26b: {  	[hbm4b:s0+s7] =	stream.strided.scatter [tilespmem:s10], [sflag:$0x1], $0x400, s8, s7, $0x38;
	[tilespmem:$0x10000] =	vst v63  }
0x26c: {  	s0 =	sshrl.u32 s31, $0x3  }
0x26d: {  	s0 =	sadd.s32 s4, s0  }
0x26e: {  	[hbm4b:s0+s7] =	stream.strided.scatter [tilespmem:s11], [sflag:$0x1], $0x400, s8, s7, $0x38;
	[tilespmem:$0x10000] =	vst v63  }
0x26f: {  	_ =	swait.ge [sflag:s12], $0x400  }
0x270: {  	[sflag:s12] =	ssyncset.done $0x0  }
0x271: {  	[sflag:s12] =	ssyncadd.s32 $0xFFFFFC00  }
0x272: {  	_ =	swait.ge [sflag:s12], $0x400  }
0x273: {  	[sflag:s12] =	ssyncset.done $0x0  }
0x274: {  	[sflag:s12] =	ssyncadd.s32 $0xFFFFFC00  }
0x275: {  	_ =	swait.ge [sflag:s12], $0x400  }
0x276: {  	[sflag:s12] =	ssyncset.done $0x0  }
0x277: {  	[sflag:s12] =	ssyncadd.s32 $0xFFFFFC00  }
0x278: {  	_ =	swait.ge [sflag:s12], $0x400  }
0x279: {  	[sflag:s12] =	ssyncset.done $0x0  }
0x27a: {  	[sflag:s12] =	ssyncadd.s32 $0xFFFFFC00  }
0x27b: {  	_ =	swait.ge [sflag:s12], $0x400  }
0x27c: {  	[sflag:s12] =	ssyncset.done $0x0  }
0x27d: {  	[sflag:s12] =	ssyncadd.s32 $0xFFFFFC00  }
0x27e: {  	_ =	swait.ge [sflag:s12], $0x400  }
0x27f: {  	[sflag:s12] =	ssyncset.done $0x0  }
0x280: {  	[sflag:s12] =	ssyncadd.s32 $0xFFFFFC00  }
0x281: {  	_ =	swait.ge [sflag:s12], $0x400  }
0x282: {  	[sflag:s12] =	ssyncset.done $0x0  }
0x283: {  	[sflag:s12] =	ssyncadd.s32 $0xFFFFFC00  }
0x284: {  	_ =	swait.ge [sflag:s12], $0x400  }
0x285: {  	[sflag:s12] =	ssyncset.done $0x0  }
0x286: {  	[sflag:s12] =	ssyncadd.s32 $0xFFFFFC00  }
0x287: {  	_ =	swait.ge [sflag:s12], $0x400  }
0x288: {  	[sflag:s12] =	ssyncset.done $0x0  }
0x289: {  	[sflag:s12] =	ssyncadd.s32 $0xFFFFFC00  }
0x28a: {  	_ =	swait.ge [sflag:s12], $0x400  }
0x28b: {  	[sflag:s12] =	ssyncset.done $0x0  }
0x28c: {  	[sflag:s12] =	ssyncadd.s32 $0xFFFFFC00  }
0x28d: {  	_ =	swait.ge [sflag:s12], $0x400  }
0x28e: {  	[sflag:s12] =	ssyncset.done $0x0  }
0x28f: {  	[sflag:s12] =	ssyncadd.s32 $0xFFFFFC00  }
0x290: {  	_ =	swait.ge [sflag:s12], $0x400  }
0x291: {  	[sflag:s12] =	ssyncset.done $0x0  }
0x292: {  	[sflag:s12] =	ssyncadd.s32 $0xFFFFFC00  }
0x293: {  	_ =	swait.ge [sflag:s12], $0x400  }
0x294: {  	[sflag:s12] =	ssyncset.done $0x0  }
0x295: {  	[sflag:s12] =	ssyncadd.s32 $0xFFFFFC00  }
0x296: {  	_ =	swait.ge [sflag:s12], $0x400  }
0x297: {  	[sflag:s12] =	ssyncset.done $0x0  }
0x298: {  	[sflag:s12] =	ssyncadd.s32 $0xFFFFFC00  }
0x299: {  	_ =	swait.ge [sflag:s12], $0x400  }
0x29a: {  	[sflag:s12] =	ssyncset.done $0x0  }
0x29b: {  	[sflag:s12] =	ssyncadd.s32 $0xFFFFFC00  }
0x29c: {  	_ =	swait.ge [sflag:s12], $0x400  }
0x29d: {  	[sflag:s12] =	ssyncset.done $0x0  }
0x29e: {  	[sflag:s12] =	ssyncadd.s32 $0xFFFFFC00  }
0x29f: {  	_ =	swait.ge [sflag:s12], $0x400  }
0x2a0: {  	[sflag:s12] =	ssyncset.done $0x0  }
0x2a1: {  	[sflag:s12] =	ssyncadd.s32 $0xFFFFFC00  }
0x2a2: {  	_ =	swait.ge [sflag:s12], $0x400  }
0x2a3: {  	[sflag:s12] =	ssyncset.done $0x0  }
0x2a4: {  	[sflag:s12] =	ssyncadd.s32 $0xFFFFFC00  }
0x2a5: {  	_ =	swait.ge [sflag:s12], $0x400  }
0x2a6: {  	[sflag:s12] =	ssyncset.done $0x0  }
0x2a7: {  	[sflag:s12] =	ssyncadd.s32 $0xFFFFFC00  }
0x2a8: {  	_ =	swait.ge [sflag:s12], $0x400  }
0x2a9: {  	[sflag:s12] =	ssyncset.done $0x0  }
0x2aa: {  	[sflag:s12] =	ssyncadd.s32 $0xFFFFFC00  }
0x2ab: {  	_ =	swait.ge [sflag:s12], $0x400  }
0x2ac: {  	[sflag:s12] =	ssyncset.done $0x0  }
0x2ad: {  	[sflag:s12] =	ssyncadd.s32 $0xFFFFFC00  }
0x2ae: {  	_ =	swait.ge [sflag:s12], $0x400  }
0x2af: {  	[sflag:s12] =	ssyncset.done $0x0  }
0x2b0: {  	[sflag:s12] =	ssyncadd.s32 $0xFFFFFC00  }
0x2b1: {  	_ =	swait.ge [sflag:s12], $0x400  }
0x2b2: {  	[sflag:s12] =	ssyncset.done $0x0  }
0x2b3: {  	[sflag:s12] =	ssyncadd.s32 $0xFFFFFC00  }
0x2b4: {  	_ =	swait.ge [sflag:s12], $0x400  }
0x2b5: {  	[sflag:s12] =	ssyncset.done $0x0  }
0x2b6: {  	[sflag:s12] =	ssyncadd.s32 $0xFFFFFC00  }
0x2b7: {  	_ =	swait.ge [sflag:s12], $0x400  }
0x2b8: {  	[sflag:s12] =	ssyncset.done $0x0  }
0x2b9: {  	[sflag:s12] =	ssyncadd.s32 $0xFFFFFC00  }
0x2ba: {  	_ =	swait.ge [sflag:s12], $0x400  }
0x2bb: {  	[sflag:s12] =	ssyncset.done $0x0  }
0x2bc: {  	[sflag:s12] =	ssyncadd.s32 $0xFFFFFC00  }
0x2bd: {  	_ =	swait.ge [sflag:s12], $0x400  }
0x2be: {  	[sflag:s12] =	ssyncset.done $0x0  }
0x2bf: {  	[sflag:s12] =	ssyncadd.s32 $0xFFFFFC00  }
0x2c0: {  	_ =	swait.ge [sflag:s12], $0x400  }
0x2c1: {  	[sflag:s12] =	ssyncset.done $0x0  }
0x2c2: {  	[sflag:s12] =	ssyncadd.s32 $0xFFFFFC00  }
0x2c3: {  	_ =	swait.ge [sflag:s12], $0x400  }
0x2c4: {  	[sflag:s12] =	ssyncset.done $0x0  }
0x2c5: {  	[sflag:s12] =	ssyncadd.s32 $0xFFFFFC00  }
0x2c6: {  	_ =	swait.ge [sflag:s12], $0x400  }
0x2c7: {  	[sflag:s12] =	ssyncset.done $0x0  }
0x2c8: {  	s13 =	sadd.s32 $0x1, s13;
	[sflag:s12] =	ssyncadd.s32 $0xFFFFFC00  }
0x2c9: {  	p0 =	sne.s32 s13, $0x3;
	_ =	swait.ge [sflag:s12], $0x400  }
.Ltmp8:
0x2ca: {  	[sflag:s12] =	ssyncset.done $0x0;
	(pc) =	sbr.rel @p0 .LBB2_2-.Ltmp8, $4  }
0x2cb: {  	[sflag:s12] =	ssyncadd.s32 $0xFFFFFC00  }
0x2cc: {  	_ =	swait.ge [sflag:s12], $0x400  }
0x2cd: {  	[sflag:s12] =	ssyncset.done $0x0  }
0x2ce: {  	[sflag:s12] =	ssyncadd.s32 $0xFFFFFC00  }
0x2cf: {  	s2 =	rddreg [dreg:$0x5]  }
0x2d0: {  	s0 =	rddreg [dreg:$0x4];
	s2 =	sadd.s32 $0x1, s2  }
0x2d1: {  	p0 =	sne.s32 s2, s0  }
.Ltmp9:
0x2d2: {  	_ = 	snop;
	(pc) =	sbr.rel @p0 .LBB2_1-.Ltmp9, $1  }
0x2d3: {  	_ =	sdelay $0x3  }
0x2d4: {  	_ =	sfence.sel $0x180000  }
0x2d5: {  	[bflag:$0x0] =	sbarrier.arrive $0xFFFF  }
0x2d6: {  	_ =	strace $0x90000047  }
0x2d7: {  	s0 =	stileid.u32;
	[bflag:$0x2] =	sbarrier.arrive $0xFFFF  }
0x2d8: {  	p0 =	sne.s32 s0, $0x0;
	s0 =	rddreg [dreg:$0x2]  }
0x2d9: {  	s0 =	sadd.s32 @!p0 $0x100000, s0  }
0x2da: {  	[sflag:s0] =	ssyncadd.tile.s32 @!p0 $0x1;
	_ =	shalt  }
.Lfunc_end2:
_tile_overlayer_lowered:
.L_overlay_start_2:
0x2db: {  	(tag) =	ssettag $0x2  }
0x2dc: {  	s0 =	rddreg [dreg:$0x0];
	s2 =	stileid.u32  }
0x2dd: {  	s1 =	rddreg [dreg:$0x1];
	p0 =	sne.s32 s2, $0x0  }
0x2de: {  	s3 =	rddreg [dreg:$0x2];
	[bflag:$0x3] =	sbarrier.arrive $0xFFFF;
	s2 =	simm.s32 @!p0 $0x1C02  }
0x2df: {  	[timem:s3], [sflag:s2] =	dma.local @!p0 [hbm:s0], s1  }
0x2e0: {  	s0 =	simm.s32 @!p0 $0x2  }
0x2e1: {  	_ =	swait.ge @!p0 [sflag:s0], s1  }
0x2e2: {  	s1 =	ssub.s32 @!p0 $0x0, s1;
	[sflag:s0] =	ssyncset.done @!p0 $0x0  }
0x2e3: {  	[sflag:s0] =	ssyncadd.s32 @!p0 s1  }
0x2e4: {  	[bflag:$0x3] =	sbarrier.arrive $0xFFFF  }
0x2e5: {  	_ =	shalt  }

</sc_bundles>
